<compile_context>
chip_gen: v7x
topology: tpu7x:2x2x1
jax: 0.10.2.dev20260603
libtpu: 0.0.44.dev20260713+nightly
codegen_flags: <defaults>
</compile_context>

<pallas_src>
import jax
import jax.numpy as jnp
from jax import lax
from jax.experimental import pallas as pl
from jax.experimental.pallas import tpu as pltpu
from jax.experimental.pallas import tpu_sc as plsc

N = 10000
D = 128
H = 64
O = 2
E = 320000

NC = 2
NS = 16
NW = NC * NS
WIN = 128
NWIN = 80
EPAD = NW * NWIN * WIN
NPAD = 10240
RPT = NPAD // NS

_mesh = plsc.VectorSubcoreMesh(core_axis_name="c", subcore_axis_name="s")


def _unpack_edges(packed_v, src_v, dst_v, nrows):

    def row(j, carry):
        for l in range(WIN // 16):
            v = packed_v[j, pl.ds(16 * l, 16)]
            src_v[j, pl.ds(16 * l, 16)] = lax.bitwise_and(v, 0x3FFF)
            dst_v[j, pl.ds(16 * l, 16)] = lax.shift_right_logical(v, 14)
        return carry

    lax.fori_loop(0, nrows, row, 0)


def _deg_body(edg_hbm, ones_hbm, zeros_hbm, out_hbm,
              packed_v, dst_v, ones_v, z_v, deg_sh):
    c = lax.axis_index("c")
    s = lax.axis_index("s")
    wid = s * NC + c
    pltpu.sync_copy(zeros_hbm, z_v)
    pltpu.sync_copy(z_v, deg_sh.at[pl.ds(s * RPT, RPT)])
    pltpu.sync_copy(ones_hbm, ones_v)
    pltpu.sync_copy(edg_hbm.at[wid], packed_v)

    def row(j, carry):
        for l in range(WIN // 16):
            v = packed_v[j, pl.ds(16 * l, 16)]
            dst_v[j, pl.ds(16 * l, 16)] = lax.shift_right_logical(v, 14)
        return carry

    lax.fori_loop(0, NWIN, row, 0)
    plsc.subcore_barrier()

    def body(j, carry):
        pltpu.sync_copy(ones_v, deg_sh.at[dst_v.at[j]], add=True)
        return carry

    lax.fori_loop(0, NWIN, body, 0, unroll=4)
    plsc.subcore_barrier()
    pltpu.sync_copy(deg_sh.at[pl.ds(s * RPT, RPT)],
                    out_hbm.at[c, pl.ds(s * RPT, RPT)])


def _make_agg(sw, col_split):
    NBUF = 4
    CH = 2 if col_split else 1
    T = CH * NWIN

    def body(table_hbm, edg_hbm, zeros_hbm, out_hbm,
             packed_v, src_v, dst_v, bufs, z_v, table_sh, acc_sh, gsems, ssems):
        c = lax.axis_index("c")
        s = lax.axis_index("s")
        pltpu.sync_copy(zeros_hbm, z_v)
        for t in range(RPT // WIN):
            r = s * RPT + t * WIN
            pltpu.sync_copy(z_v, acc_sh.at[pl.ds(r, WIN)])
            if col_split:
                pltpu.sync_copy(table_hbm.at[c, pl.ds(r, WIN)], bufs.at[0])
            else:
                pltpu.sync_copy(table_hbm.at[pl.ds(r, WIN)], bufs.at[0])
            pltpu.sync_copy(bufs.at[0], table_sh.at[pl.ds(r, WIN)])
        for ch in range(CH):
            chunk = s * CH + ch if col_split else c * NS + s
            pltpu.sync_copy(edg_hbm.at[chunk],
                            packed_v.at[pl.ds(ch * NWIN, NWIN)])
        _unpack_edges(packed_v, src_v, dst_v, T)
        plsc.subcore_barrier()

        def gather(w, k):
            pltpu.async_copy(table_sh.at[src_v.at[w]], bufs.at[k], gsems.at[k])

        def gwait(w, k):
            pltpu.make_async_copy(table_sh.at[src_v.at[w]], bufs.at[k],
                                  gsems.at[k]).wait()

        def scat(w, k):
            pltpu.async_copy(bufs.at[k], acc_sh.at[dst_v.at[w]], ssems.at[k],
                             add=True)

        def swait(w, k):
            pltpu.make_async_copy(bufs.at[k], acc_sh.at[dst_v.at[w]],
                                  ssems.at[k]).wait()

        gather(0, 0)
        gather(1, 1)

        def loop_body(i, carry):
            for k in range(NBUF):
                w = NBUF * i + k
                gwait(w, k)
                scat(w, k)
                k2 = (k + 2) % NBUF
                w_prev = w + 2 - NBUF

                @pl.when(w_prev >= 0)
                def _():
                    swait(w_prev, k2)

                @pl.when(w + 2 < T)
                def _():
                    gather(w + 2, k2)
            return carry

        lax.fori_loop(0, T // NBUF, loop_body, 0)
        swait(T - 2, (T - 2) % NBUF)
        swait(T - 1, (T - 1) % NBUF)
        plsc.subcore_barrier()
        for t in range(RPT // WIN):
            r = s * RPT + t * WIN
            pltpu.sync_copy(acc_sh.at[pl.ds(r, WIN)],
                            out_hbm.at[c, pl.ds(r, WIN)])

    table_type = ((NC, NPAD, sw) if col_split else (NPAD, sw))
    return pl.kernel(
        body,
        out_type=jax.ShapeDtypeStruct((NC, NPAD, sw), jnp.float32),
        mesh=_mesh,
        compiler_params=pltpu.CompilerParams(use_tc_tiling_on_sc=False),
        scratch_types=[
            pltpu.VMEM((T, WIN), jnp.int32),
            pltpu.VMEM((T, WIN), jnp.int32),
            pltpu.VMEM((T, WIN), jnp.int32),
            pltpu.VMEM((NBUF, WIN, sw), jnp.float32),
            pltpu.VMEM((WIN, sw), jnp.float32),
            pltpu.VMEM_SHARED((NPAD, sw), jnp.float32),
            pltpu.VMEM_SHARED((NPAD, sw), jnp.float32),
            pltpu.SemaphoreType.DMA((NBUF,)),
            pltpu.SemaphoreType.DMA((NBUF,)),
        ],
    )


_deg_kernel = pl.kernel(
    _deg_body,
    out_type=jax.ShapeDtypeStruct((NC, NPAD), jnp.float32),
    mesh=_mesh,
    scratch_types=[
        pltpu.VMEM((NWIN, WIN), jnp.int32),
        pltpu.VMEM((NWIN, WIN), jnp.int32),
        pltpu.VMEM((WIN,), jnp.float32),
        pltpu.VMEM((RPT,), jnp.float32),
        pltpu.VMEM_SHARED((NPAD,), jnp.float32),
    ],
)

W2P = 16

_agg64 = _make_agg(H // NC, True)
_agg2 = _make_agg(W2P, False)


def _mm1_body(degp_ref, x_ref, w1_ref, xwsplit_ref, dis_ref):
    deg = degp_ref[0, :] + degp_ref[1, :] + 1.0
    dis = lax.rsqrt(deg)
    dis_ref[...] = dis
    xw = jnp.dot(x_ref[...], w1_ref[...], preferred_element_type=jnp.float32)
    xws = xw * dis[:, None]
    xwsplit_ref[0] = xws[:, : H // NC]
    xwsplit_ref[1] = xws[:, H // NC :]


def _mm2_body(aggp_ref, xs_ref, dis_ref, b1_ref, w2_ref, ps_ref):
    agg = jnp.concatenate([aggp_ref[0], aggp_ref[1]], axis=1)
    xws = jnp.concatenate([xs_ref[0], xs_ref[1]], axis=1)
    dis = dis_ref[...]
    h = jnp.maximum(dis[:, None] * (agg + xws) + b1_ref[...], 0.0)
    ps = dis[:, None] * jnp.dot(h, w2_ref[...], preferred_element_type=jnp.float32)
    rows = lax.broadcasted_iota(jnp.int32, ps.shape, 0)
    ps_ref[...] = jnp.where(rows < N, ps, 0.0)


def _fin_body(aggp_ref, ps_ref, dis_ref, b2_ref, out_ref):
    agg = aggp_ref[0] + aggp_ref[1] + ps_ref[...]
    out_ref[...] = dis_ref[...][:, None] * agg[:, :O] + b2_ref[...]


def kernel(x, edge_index, W1, b1, W2, b2):
    f32 = jnp.float32
    pad = jnp.full((EPAD - E,), N + (N << 14), dtype=jnp.int32)
    packed = edge_index[0] + (edge_index[1] << 14)
    edg = jnp.concatenate([packed, pad]).reshape(NW, NWIN, WIN)
    x_pad = jnp.pad(x, ((0, NPAD - N), (0, 0)))
    ones_w = jnp.ones((WIN,), f32)
    zeros_r = jnp.zeros((RPT,), f32)
    zeros_hs = jnp.zeros((WIN, H // NC), f32)
    zeros_o = jnp.zeros((WIN, W2P), f32)
    W2p = jnp.pad(W2, ((0, 0), (0, W2P - O)))

    degp = _deg_kernel(edg, ones_w, zeros_r)

    xwsplit, dis = pl.pallas_call(
        _mm1_body,
        out_shape=[jax.ShapeDtypeStruct((NC, NPAD, H // NC), f32),
                   jax.ShapeDtypeStruct((NPAD,), f32)],
    )(degp, x_pad, W1)

    agg1p = _agg64(xwsplit, edg, zeros_hs)

    ps = pl.pallas_call(
        _mm2_body,
        out_shape=jax.ShapeDtypeStruct((NPAD, W2P), f32),
    )(agg1p, xwsplit, dis, b1, W2p)

    agg2p = _agg2(ps, edg, zeros_o)

    out = pl.pallas_call(
        _fin_body,
        out_shape=jax.ShapeDtypeStruct((NPAD, O), f32),
    )(agg2p, ps, dis, b2)
    return out[:N]

# --- scband reference (transcript-rebuilt; emitter-appended) ---
"""Pipeline reference for scband-gcn2-41154376630906 (READ-ONLY COPY).

The authoritative reference and input builder live on the scoring server;
editing this copy changes nothing except your own understanding.
"""

import jax, jax.numpy as jnp
import numpy as np

N = 10000
E = 320000
D = 128
H = 64
O = 2


def setup_inputs(seed: int = 0) -> dict:
    key = jax.random.key(seed)
    k1, k2, k3, k4 = jax.random.split(key, 4)
    x = jax.random.normal(k1, (N, D), dtype=jnp.float32)
    edge_index = jax.random.randint(k2, (2, E), 0, N, dtype=jnp.int32)
    W1 = jax.random.normal(k3, (D, H), dtype=jnp.float32) * (1.0 / np.sqrt(D))
    b1 = jnp.zeros((H,), dtype=jnp.float32)
    W2 = jax.random.normal(k4, (H, O), dtype=jnp.float32) * (1.0 / np.sqrt(H))
    b2 = jnp.zeros((O,), dtype=jnp.float32)
    return {"x": x, "edge_index": edge_index, "W1": W1, "b1": b1, "W2": W2, "b2": b2}


def _gcn_layer(x, W, b, src, dst):
    # GCNConv: linear transform, symmetric-normalized aggregation, bias
    xw = x @ W
    ones = jnp.ones(src.shape[0], dtype=xw.dtype)
    deg = jax.ops.segment_sum(ones, dst, num_segments=N)
    dis = jnp.where(deg > 0, jax.lax.rsqrt(jnp.maximum(deg, 1e-12)), 0.0)
    norm = dis[src] * dis[dst]
    msgs = norm[:, None] * xw[src]
    out = jax.ops.segment_sum(msgs, dst, num_segments=N)
    return out + b


def reference(x, edge_index, W1, b1, W2, b2):
    # add self-loops (GCN normalize=True default, fill_value=1)
    loops = jnp.arange(N, dtype=edge_index.dtype)
    src = jnp.concatenate([edge_index[0], loops])
    dst = jnp.concatenate([edge_index[1], loops])
    h = _gcn_layer(x, W1, b1, src, dst)
    h = jax.nn.relu(h)
    # dropout p=0.3 is identity in eval mode
    out = _gcn_layer(h, W2, b2, src, dst)
    return out

if __name__ == "__main__":
    import jax
    _d = setup_inputs()
    print(jax.jit(kernel)(*tuple(_d.values())))

</pallas_src>

<mosaic_0001>
#map = affine_map<(d0, d1) -> (0, 0, 0)>
#map1 = affine_map<(d0, d1) -> (0)>
#map2 = affine_map<(d0, d1) -> (0, 0)>
module attributes {stable_mosaic.version = 14 : i64} {
  func.func @_deg_body(%arg0: i32, %arg1: i32, %arg2: memref<32x80x128xi32, #tpu.memory_space<hbm>>, %arg3: memref<128xf32, #tpu.memory_space<hbm>>, %arg4: memref<640xf32, #tpu.memory_space<hbm>>, %arg5: memref<2x10240xf32, #tpu.memory_space<hbm>>, %arg6: memref<80x128xi32, #tpu.memory_space<vmem>>, %arg7: memref<80x128xi32, #tpu.memory_space<vmem>>, %arg8: memref<128xf32, #tpu.memory_space<vmem>>, %arg9: memref<640xf32, #tpu.memory_space<vmem>>, %arg10: memref<10240xf32, #tpu.memory_space<vmem_shared>>) attributes {dimension_semantics = [#tpu.dimension_semantics<core_parallel>, #tpu.dimension_semantics<subcore_parallel>], iteration_bounds = array<i64: 2, 16>, scalar_prefetch = 0 : i64, scratch_operands = 5 : i64, tpu.core_type = #tpu.core_type<sc_vector_subcore>, window_params = [{transform_indices = #map}, {transform_indices = #map1}, {transform_indices = #map1}, {transform_indices = #map2}]} {
    %mul3A = arith.constant 2 : i32
    %mul3A_0 = arith.muli %arg1, %mul3A : i32
    %add3A = arith.addi %mul3A_0, %arg0 : i32
    "tpu.region"() ({
      %run_scoped3A = tpu.sem_alloc : memref<!tpu.dma_semaphore, #tpu.memory_space<semaphore_mem>>
      tpu.enqueue_dma source(%arg4 : memref<640xf32, #tpu.memory_space<hbm>>) target(%arg9 : memref<640xf32, #tpu.memory_space<vmem>>) target_semaphore(%run_scoped3A : memref<!tpu.dma_semaphore, #tpu.memory_space<semaphore_mem>>)
      tpu.wait_dma2 semaphore(%run_scoped3A : memref<!tpu.dma_semaphore, #tpu.memory_space<semaphore_mem>>) src(%arg4 : memref<640xf32, #tpu.memory_space<hbm>>) dst(%arg9 : memref<640xf32, #tpu.memory_space<vmem>>)
      tpu.yield
    }) : () -> ()
    %mul3A_1 = arith.constant 640 : i32
    %mul3A_2 = arith.muli %arg1, %mul3A_1 : i32
    "tpu.region"() ({
      %run_scoped3A = tpu.sem_alloc : memref<!tpu.dma_semaphore, #tpu.memory_space<semaphore_mem>>
      %dma_start3A = tpu.memref_slice %arg10[%mul3A_2] : memref<10240xf32, #tpu.memory_space<vmem_shared>> -> memref<640xf32, #tpu.memory_space<vmem_shared>>
      %dma_start3A_19 = tpu.memref_slice %arg10[%mul3A_2] : memref<10240xf32, #tpu.memory_space<vmem_shared>> -> memref<640xf32, #tpu.memory_space<vmem_shared>>
      tpu.enqueue_dma source(%arg9 : memref<640xf32, #tpu.memory_space<vmem>>) target(%dma_start3A_19 : memref<640xf32, #tpu.memory_space<vmem_shared>>) target_semaphore(%run_scoped3A : memref<!tpu.dma_semaphore, #tpu.memory_space<semaphore_mem>>)
      %dma_wait3A = tpu.memref_slice %arg10[%mul3A_2] : memref<10240xf32, #tpu.memory_space<vmem_shared>> -> memref<640xf32, #tpu.memory_space<vmem_shared>>
      %dma_wait3A_20 = tpu.memref_slice %arg10[%mul3A_2] : memref<10240xf32, #tpu.memory_space<vmem_shared>> -> memref<640xf32, #tpu.memory_space<vmem_shared>>
      tpu.wait_dma2 semaphore(%run_scoped3A : memref<!tpu.dma_semaphore, #tpu.memory_space<semaphore_mem>>) src(%arg9 : memref<640xf32, #tpu.memory_space<vmem>>) dst(%dma_wait3A_20 : memref<640xf32, #tpu.memory_space<vmem_shared>>)
      tpu.yield
    }) : () -> ()
    "tpu.region"() ({
      %run_scoped3A = tpu.sem_alloc : memref<!tpu.dma_semaphore, #tpu.memory_space<semaphore_mem>>
      tpu.enqueue_dma source(%arg3 : memref<128xf32, #tpu.memory_space<hbm>>) target(%arg8 : memref<128xf32, #tpu.memory_space<vmem>>) target_semaphore(%run_scoped3A : memref<!tpu.dma_semaphore, #tpu.memory_space<semaphore_mem>>)
      tpu.wait_dma2 semaphore(%run_scoped3A : memref<!tpu.dma_semaphore, #tpu.memory_space<semaphore_mem>>) src(%arg3 : memref<128xf32, #tpu.memory_space<hbm>>) dst(%arg8 : memref<128xf32, #tpu.memory_space<vmem>>)
      tpu.yield
    }) : () -> ()
    "tpu.region"() ({
      %run_scoped3A = tpu.sem_alloc : memref<!tpu.dma_semaphore, #tpu.memory_space<semaphore_mem>>
      %dma_start3A = arith.constant 0 : i32
      %dma_start3A_19 = arith.constant 0 : i32
      %dma_start3A_20 = tpu.memref_slice %arg2[%add3A, %dma_start3A, %dma_start3A_19] : memref<32x80x128xi32, #tpu.memory_space<hbm>> -> memref<1x80x128xi32, #tpu.memory_space<hbm>>
      %dma_start3A_21 = tpu.memref_squeeze %dma_start3A_20 : memref<1x80x128xi32, #tpu.memory_space<hbm>> -> memref<80x128xi32, #tpu.memory_space<hbm>>
      %dma_start3A_22 = arith.constant 0 : i32
      %dma_start3A_23 = arith.constant 0 : i32
      %dma_start3A_24 = tpu.memref_slice %arg2[%add3A, %dma_start3A_22, %dma_start3A_23] : memref<32x80x128xi32, #tpu.memory_space<hbm>> -> memref<1x80x128xi32, #tpu.memory_space<hbm>>
      %dma_start3A_25 = tpu.memref_squeeze %dma_start3A_24 : memref<1x80x128xi32, #tpu.memory_space<hbm>> -> memref<80x128xi32, #tpu.memory_space<hbm>>
      tpu.enqueue_dma source(%dma_start3A_25 : memref<80x128xi32, #tpu.memory_space<hbm>>) target(%arg6 : memref<80x128xi32, #tpu.memory_space<vmem>>) target_semaphore(%run_scoped3A : memref<!tpu.dma_semaphore, #tpu.memory_space<semaphore_mem>>)
      %dma_wait3A = arith.constant 0 : i32
      %dma_wait3A_26 = arith.constant 0 : i32
      %dma_wait3A_27 = tpu.memref_slice %arg2[%add3A, %dma_wait3A, %dma_wait3A_26] : memref<32x80x128xi32, #tpu.memory_space<hbm>> -> memref<1x80x128xi32, #tpu.memory_space<hbm>>
      %dma_wait3A_28 = tpu.memref_squeeze %dma_wait3A_27 : memref<1x80x128xi32, #tpu.memory_space<hbm>> -> memref<80x128xi32, #tpu.memory_space<hbm>>
      %dma_wait3A_29 = arith.constant 0 : i32
      %dma_wait3A_30 = arith.constant 0 : i32
      %dma_wait3A_31 = tpu.memref_slice %arg2[%add3A, %dma_wait3A_29, %dma_wait3A_30] : memref<32x80x128xi32, #tpu.memory_space<hbm>> -> memref<1x80x128xi32, #tpu.memory_space<hbm>>
      %dma_wait3A_32 = tpu.memref_squeeze %dma_wait3A_31 : memref<1x80x128xi32, #tpu.memory_space<hbm>> -> memref<80x128xi32, #tpu.memory_space<hbm>>
      tpu.wait_dma2 semaphore(%run_scoped3A : memref<!tpu.dma_semaphore, #tpu.memory_space<semaphore_mem>>) src(%dma_wait3A_32 : memref<80x128xi32, #tpu.memory_space<hbm>>) dst(%arg6 : memref<80x128xi32, #tpu.memory_space<vmem>>)
      tpu.yield
    }) : () -> ()
    %scan3A = arith.constant 0 : i32
    %scan3A_3 = arith.constant 0 : i32
    %scan3A_4 = arith.constant 80 : i32
    %scan3A_5 = arith.addi %scan3A_3, %scan3A_4 : i32
    %scan3A_6 = arith.constant 1 : i32
    scf.for %scan3A_19 = %scan3A_3 to %scan3A_5 step %scan3A_6  : i32 {
      %get3A = arith.index_cast %scan3A_19 : i32 to index
      %get3A_20 = arith.constant 0 : index
      %get3A_21 = tpu.vector_load %arg6[%get3A, %get3A_20] {strides = array<i32>} : memref<80x128xi32, #tpu.memory_space<vmem>>, vector<1x16xi32>,
      %get3A_22 = vector.shape_cast %get3A_21 : vector<1x16xi32> to vector<16xi32>
      %shift_right_logical3A = arith.constant 14 : i32
      %shift_right_logical3A_23 = vector.broadcast %shift_right_logical3A : i32 to vector<16xi32>
      %shift_right_logical3A_24 = arith.shrui %get3A_22, %shift_right_logical3A_23 : vector<16xi32>
      %swap3A = arith.index_cast %scan3A_19 : i32 to index
      %swap3A_25 = arith.constant 0 : index
      %swap3A_26 = tpu.vector_load %arg7[%swap3A, %swap3A_25] {strides = array<i32>} : memref<80x128xi32, #tpu.memory_space<vmem>>, vector<1x16xi32>,
      %swap3A_27 = vector.shape_cast %swap3A_26 : vector<1x16xi32> to vector<16xi32>
      %swap3A_28 = vector.shape_cast %shift_right_logical3A_24 : vector<16xi32> to vector<1x16xi32>
      tpu.vector_store %arg7[%swap3A, %swap3A_25], %swap3A_28 {strides = array<i32>} : memref<80x128xi32, #tpu.memory_space<vmem>>, vector<1x16xi32>,
      %get3A_29 = arith.index_cast %scan3A_19 : i32 to index
      %get3A_30 = arith.constant 16 : index
      %get3A_31 = tpu.vector_load %arg6[%get3A_29, %get3A_30] {strides = array<i32>} : memref<80x128xi32, #tpu.memory_space<vmem>>, vector<1x16xi32>,
      %get3A_32 = vector.shape_cast %get3A_31 : vector<1x16xi32> to vector<16xi32>
      %shift_right_logical3A_33 = arith.constant 14 : i32
      %shift_right_logical3A_34 = vector.broadcast %shift_right_logical3A_33 : i32 to vector<16xi32>
      %shift_right_logical3A_35 = arith.shrui %get3A_32, %shift_right_logical3A_34 : vector<16xi32>
      %swap3A_36 = arith.index_cast %scan3A_19 : i32 to index
      %swap3A_37 = arith.constant 16 : index
      %swap3A_38 = tpu.vector_load %arg7[%swap3A_36, %swap3A_37] {strides = array<i32>} : memref<80x128xi32, #tpu.memory_space<vmem>>, vector<1x16xi32>,
      %swap3A_39 = vector.shape_cast %swap3A_38 : vector<1x16xi32> to vector<16xi32>
      %swap3A_40 = vector.shape_cast %shift_right_logical3A_35 : vector<16xi32> to vector<1x16xi32>
      tpu.vector_store %arg7[%swap3A_36, %swap3A_37], %swap3A_40 {strides = array<i32>} : memref<80x128xi32, #tpu.memory_space<vmem>>, vector<1x16xi32>,
      %get3A_41 = arith.index_cast %scan3A_19 : i32 to index
      %get3A_42 = arith.constant 32 : index
      %get3A_43 = tpu.vector_load %arg6[%get3A_41, %get3A_42] {strides = array<i32>} : memref<80x128xi32, #tpu.memory_space<vmem>>, vector<1x16xi32>,
      %get3A_44 = vector.shape_cast %get3A_43 : vector<1x16xi32> to vector<16xi32>
      %shift_right_logical3A_45 = arith.constant 14 : i32
      %shift_right_logical3A_46 = vector.broadcast %shift_right_logical3A_45 : i32 to vector<16xi32>
      %shift_right_logical3A_47 = arith.shrui %get3A_44, %shift_right_logical3A_46 : vector<16xi32>
      %swap3A_48 = arith.index_cast %scan3A_19 : i32 to index
      %swap3A_49 = arith.constant 32 : index
      %swap3A_50 = tpu.vector_load %arg7[%swap3A_48, %swap3A_49] {strides = array<i32>} : memref<80x128xi32, #tpu.memory_space<vmem>>, vector<1x16xi32>,
      %swap3A_51 = vector.shape_cast %swap3A_50 : vector<1x16xi32> to vector<16xi32>
      %swap3A_52 = vector.shape_cast %shift_right_logical3A_47 : vector<16xi32> to vector<1x16xi32>
      tpu.vector_store %arg7[%swap3A_48, %swap3A_49], %swap3A_52 {strides = array<i32>} : memref<80x128xi32, #tpu.memory_space<vmem>>, vector<1x16xi32>,
      %get3A_53 = arith.index_cast %scan3A_19 : i32 to index
      %get3A_54 = arith.constant 48 : index
      %get3A_55 = tpu.vector_load %arg6[%get3A_53, %get3A_54] {strides = array<i32>} : memref<80x128xi32, #tpu.memory_space<vmem>>, vector<1x16xi32>,
      %get3A_56 = vector.shape_cast %get3A_55 : vector<1x16xi32> to vector<16xi32>
      %shift_right_logical3A_57 = arith.constant 14 : i32
      %shift_right_logical3A_58 = vector.broadcast %shift_right_logical3A_57 : i32 to vector<16xi32>
      %shift_right_logical3A_59 = arith.shrui %get3A_56, %shift_right_logical3A_58 : vector<16xi32>
      %swap3A_60 = arith.index_cast %scan3A_19 : i32 to index
      %swap3A_61 = arith.constant 48 : index
      %swap3A_62 = tpu.vector_load %arg7[%swap3A_60, %swap3A_61] {strides = array<i32>} : memref<80x128xi32, #tpu.memory_space<vmem>>, vector<1x16xi32>,
      %swap3A_63 = vector.shape_cast %swap3A_62 : vector<1x16xi32> to vector<16xi32>
      %swap3A_64 = vector.shape_cast %shift_right_logical3A_59 : vector<16xi32> to vector<1x16xi32>
      tpu.vector_store %arg7[%swap3A_60, %swap3A_61], %swap3A_64 {strides = array<i32>} : memref<80x128xi32, #tpu.memory_space<vmem>>, vector<1x16xi32>,
      %get3A_65 = arith.index_cast %scan3A_19 : i32 to index
      %get3A_66 = arith.constant 64 : index
      %get3A_67 = tpu.vector_load %arg6[%get3A_65, %get3A_66] {strides = array<i32>} : memref<80x128xi32, #tpu.memory_space<vmem>>, vector<1x16xi32>,
      %get3A_68 = vector.shape_cast %get3A_67 : vector<1x16xi32> to vector<16xi32>
      %shift_right_logical3A_69 = arith.constant 14 : i32
      %shift_right_logical3A_70 = vector.broadcast %shift_right_logical3A_69 : i32 to vector<16xi32>
      %shift_right_logical3A_71 = arith.shrui %get3A_68, %shift_right_logical3A_70 : vector<16xi32>
      %swap3A_72 = arith.index_cast %scan3A_19 : i32 to index
      %swap3A_73 = arith.constant 64 : index
      %swap3A_74 = tpu.vector_load %arg7[%swap3A_72, %swap3A_73] {strides = array<i32>} : memref<80x128xi32, #tpu.memory_space<vmem>>, vector<1x16xi32>,
      %swap3A_75 = vector.shape_cast %swap3A_74 : vector<1x16xi32> to vector<16xi32>
      %swap3A_76 = vector.shape_cast %shift_right_logical3A_71 : vector<16xi32> to vector<1x16xi32>
      tpu.vector_store %arg7[%swap3A_72, %swap3A_73], %swap3A_76 {strides = array<i32>} : memref<80x128xi32, #tpu.memory_space<vmem>>, vector<1x16xi32>,
      %get3A_77 = arith.index_cast %scan3A_19 : i32 to index
      %get3A_78 = arith.constant 80 : index
      %get3A_79 = tpu.vector_load %arg6[%get3A_77, %get3A_78] {strides = array<i32>} : memref<80x128xi32, #tpu.memory_space<vmem>>, vector<1x16xi32>,
      %get3A_80 = vector.shape_cast %get3A_79 : vector<1x16xi32> to vector<16xi32>
      %shift_right_logical3A_81 = arith.constant 14 : i32
      %shift_right_logical3A_82 = vector.broadcast %shift_right_logical3A_81 : i32 to vector<16xi32>
      %shift_right_logical3A_83 = arith.shrui %get3A_80, %shift_right_logical3A_82 : vector<16xi32>
      %swap3A_84 = arith.index_cast %scan3A_19 : i32 to index
      %swap3A_85 = arith.constant 80 : index
      %swap3A_86 = tpu.vector_load %arg7[%swap3A_84, %swap3A_85] {strides = array<i32>} : memref<80x128xi32, #tpu.memory_space<vmem>>, vector<1x16xi32>,
      %swap3A_87 = vector.shape_cast %swap3A_86 : vector<1x16xi32> to vector<16xi32>
      %swap3A_88 = vector.shape_cast %shift_right_logical3A_83 : vector<16xi32> to vector<1x16xi32>
      tpu.vector_store %arg7[%swap3A_84, %swap3A_85], %swap3A_88 {strides = array<i32>} : memref<80x128xi32, #tpu.memory_space<vmem>>, vector<1x16xi32>,
      %get3A_89 = arith.index_cast %scan3A_19 : i32 to index
      %get3A_90 = arith.constant 96 : index
      %get3A_91 = tpu.vector_load %arg6[%get3A_89, %get3A_90] {strides = array<i32>} : memref<80x128xi32, #tpu.memory_space<vmem>>, vector<1x16xi32>,
      %get3A_92 = vector.shape_cast %get3A_91 : vector<1x16xi32> to vector<16xi32>
      %shift_right_logical3A_93 = arith.constant 14 : i32
      %shift_right_logical3A_94 = vector.broadcast %shift_right_logical3A_93 : i32 to vector<16xi32>
      %shift_right_logical3A_95 = arith.shrui %get3A_92, %shift_right_logical3A_94 : vector<16xi32>
      %swap3A_96 = arith.index_cast %scan3A_19 : i32 to index
      %swap3A_97 = arith.constant 96 : index
      %swap3A_98 = tpu.vector_load %arg7[%swap3A_96, %swap3A_97] {strides = array<i32>} : memref<80x128xi32, #tpu.memory_space<vmem>>, vector<1x16xi32>,
      %swap3A_99 = vector.shape_cast %swap3A_98 : vector<1x16xi32> to vector<16xi32>
      %swap3A_100 = vector.shape_cast %shift_right_logical3A_95 : vector<16xi32> to vector<1x16xi32>
      tpu.vector_store %arg7[%swap3A_96, %swap3A_97], %swap3A_100 {strides = array<i32>} : memref<80x128xi32, #tpu.memory_space<vmem>>, vector<1x16xi32>,
      %get3A_101 = arith.index_cast %scan3A_19 : i32 to index
      %get3A_102 = arith.constant 112 : index
      %get3A_103 = tpu.vector_load %arg6[%get3A_101, %get3A_102] {strides = array<i32>} : memref<80x128xi32, #tpu.memory_space<vmem>>, vector<1x16xi32>,
      %get3A_104 = vector.shape_cast %get3A_103 : vector<1x16xi32> to vector<16xi32>
      %shift_right_logical3A_105 = arith.constant 14 : i32
      %shift_right_logical3A_106 = vector.broadcast %shift_right_logical3A_105 : i32 to vector<16xi32>
      %shift_right_logical3A_107 = arith.shrui %get3A_104, %shift_right_logical3A_106 : vector<16xi32>
      %swap3A_108 = arith.index_cast %scan3A_19 : i32 to index
      %swap3A_109 = arith.constant 112 : index
      %swap3A_110 = tpu.vector_load %arg7[%swap3A_108, %swap3A_109] {strides = array<i32>} : memref<80x128xi32, #tpu.memory_space<vmem>>, vector<1x16xi32>,
      %swap3A_111 = vector.shape_cast %swap3A_110 : vector<1x16xi32> to vector<16xi32>
      %swap3A_112 = vector.shape_cast %shift_right_logical3A_107 : vector<16xi32> to vector<1x16xi32>
      tpu.vector_store %arg7[%swap3A_108, %swap3A_109], %swap3A_112 {strides = array<i32>} : memref<80x128xi32, #tpu.memory_space<vmem>>, vector<1x16xi32>,
    }
    %scan3A_7 = arith.constant 80 : i32
    %barrier3A = arith.constant 0 : index
    tpu.barrier barrier_id(%barrier3A)
    %scan3A_8 = arith.constant 0 : i32
    %scan3A_9 = arith.constant 0 : i32
    %scan3A_10 = arith.constant 80 : i32
    %scan3A_11 = arith.addi %scan3A_9, %scan3A_10 : i32
    %scan3A_12 = arith.constant 4 : i32
    scf.for %scan3A_19 = %scan3A_9 to %scan3A_11 step %scan3A_12  : i32 {
      "tpu.region"() ({
        %run_scoped3A = tpu.sem_alloc : memref<!tpu.dma_semaphore, #tpu.memory_space<semaphore_mem>>
        %dma_start3A = arith.constant 0 : i32
        %dma_start3A_26 = tpu.memref_slice %arg7[%scan3A_19, %dma_start3A] : memref<80x128xi32, #tpu.memory_space<vmem>> -> memref<1x128xi32, #tpu.memory_space<vmem>>
        %dma_start3A_27 = tpu.memref_squeeze %dma_start3A_26 : memref<1x128xi32, #tpu.memory_space<vmem>> -> memref<128xi32, #tpu.memory_space<vmem>>
        %dma_start3A_28 = arith.constant 0 : i32
        %dma_start3A_29 = tpu.memref_slice %arg10[%dma_start3A_28] : memref<10240xf32, #tpu.memory_space<vmem_shared>> -> memref<10240xf32, #tpu.memory_space<vmem_shared>>
        tpu.enqueue_indirect_dma source(%arg8 : memref<128xf32, #tpu.memory_space<vmem>>) target(%dma_start3A_29 : memref<10240xf32, #tpu.memory_space<vmem_shared>>) offsets(%dma_start3A_27 : memref<128xi32, #tpu.memory_space<vmem>>) semaphore(%run_scoped3A : memref<!tpu.dma_semaphore, #tpu.memory_space<semaphore_mem>>) {add = true}
        %dma_wait3A = arith.constant 0 : i32
        %dma_wait3A_30 = tpu.memref_slice %arg7[%scan3A_19, %dma_wait3A] : memref<80x128xi32, #tpu.memory_space<vmem>> -> memref<1x128xi32, #tpu.memory_space<vmem>>
        %dma_wait3A_31 = tpu.memref_squeeze %dma_wait3A_30 : memref<1x128xi32, #tpu.memory_space<vmem>> -> memref<128xi32, #tpu.memory_space<vmem>>
        %dma_wait3A_32 = arith.constant 0 : i32
        %dma_wait3A_33 = tpu.memref_slice %arg10[%dma_wait3A_32] : memref<10240xf32, #tpu.memory_space<vmem_shared>> -> memref<10240xf32, #tpu.memory_space<vmem_shared>>
        tpu.wait_indirect_dma semaphore(%run_scoped3A : memref<!tpu.dma_semaphore, #tpu.memory_space<semaphore_mem>>) src(%arg8 : memref<128xf32, #tpu.memory_space<vmem>>) dst(%dma_wait3A_33 : memref<10240xf32, #tpu.memory_space<vmem_shared>>)
        tpu.yield
      }) : () -> ()
      %scan3A_20 = arith.constant 1 : i32
      %scan3A_21 = arith.addi %scan3A_19, %scan3A_20 : i32
      "tpu.region"() ({
        %run_scoped3A = tpu.sem_alloc : memref<!tpu.dma_semaphore, #tpu.memory_space<semaphore_mem>>
        %dma_start3A = arith.constant 0 : i32
        %dma_start3A_26 = tpu.memref_slice %arg7[%scan3A_21, %dma_start3A] : memref<80x128xi32, #tpu.memory_space<vmem>> -> memref<1x128xi32, #tpu.memory_space<vmem>>
        %dma_start3A_27 = tpu.memref_squeeze %dma_start3A_26 : memref<1x128xi32, #tpu.memory_space<vmem>> -> memref<128xi32, #tpu.memory_space<vmem>>
        %dma_start3A_28 = arith.constant 0 : i32
        %dma_start3A_29 = tpu.memref_slice %arg10[%dma_start3A_28] : memref<10240xf32, #tpu.memory_space<vmem_shared>> -> memref<10240xf32, #tpu.memory_space<vmem_shared>>
        tpu.enqueue_indirect_dma source(%arg8 : memref<128xf32, #tpu.memory_space<vmem>>) target(%dma_start3A_29 : memref<10240xf32, #tpu.memory_space<vmem_shared>>) offsets(%dma_start3A_27 : memref<128xi32, #tpu.memory_space<vmem>>) semaphore(%run_scoped3A : memref<!tpu.dma_semaphore, #tpu.memory_space<semaphore_mem>>) {add = true}
        %dma_wait3A = arith.constant 0 : i32
        %dma_wait3A_30 = tpu.memref_slice %arg7[%scan3A_21, %dma_wait3A] : memref<80x128xi32, #tpu.memory_space<vmem>> -> memref<1x128xi32, #tpu.memory_space<vmem>>
        %dma_wait3A_31 = tpu.memref_squeeze %dma_wait3A_30 : memref<1x128xi32, #tpu.memory_space<vmem>> -> memref<128xi32, #tpu.memory_space<vmem>>
        %dma_wait3A_32 = arith.constant 0 : i32
        %dma_wait3A_33 = tpu.memref_slice %arg10[%dma_wait3A_32] : memref<10240xf32, #tpu.memory_space<vmem_shared>> -> memref<10240xf32, #tpu.memory_space<vmem_shared>>
        tpu.wait_indirect_dma semaphore(%run_scoped3A : memref<!tpu.dma_semaphore, #tpu.memory_space<semaphore_mem>>) src(%arg8 : memref<128xf32, #tpu.memory_space<vmem>>) dst(%dma_wait3A_33 : memref<10240xf32, #tpu.memory_space<vmem_shared>>)
        tpu.yield
      }) : () -> ()
      %scan3A_22 = arith.constant 2 : i32
      %scan3A_23 = arith.addi %scan3A_19, %scan3A_22 : i32
      "tpu.region"() ({
        %run_scoped3A = tpu.sem_alloc : memref<!tpu.dma_semaphore, #tpu.memory_space<semaphore_mem>>
        %dma_start3A = arith.constant 0 : i32
        %dma_start3A_26 = tpu.memref_slice %arg7[%scan3A_23, %dma_start3A] : memref<80x128xi32, #tpu.memory_space<vmem>> -> memref<1x128xi32, #tpu.memory_space<vmem>>
        %dma_start3A_27 = tpu.memref_squeeze %dma_start3A_26 : memref<1x128xi32, #tpu.memory_space<vmem>> -> memref<128xi32, #tpu.memory_space<vmem>>
        %dma_start3A_28 = arith.constant 0 : i32
        %dma_start3A_29 = tpu.memref_slice %arg10[%dma_start3A_28] : memref<10240xf32, #tpu.memory_space<vmem_shared>> -> memref<10240xf32, #tpu.memory_space<vmem_shared>>
        tpu.enqueue_indirect_dma source(%arg8 : memref<128xf32, #tpu.memory_space<vmem>>) target(%dma_start3A_29 : memref<10240xf32, #tpu.memory_space<vmem_shared>>) offsets(%dma_start3A_27 : memref<128xi32, #tpu.memory_space<vmem>>) semaphore(%run_scoped3A : memref<!tpu.dma_semaphore, #tpu.memory_space<semaphore_mem>>) {add = true}
        %dma_wait3A = arith.constant 0 : i32
        %dma_wait3A_30 = tpu.memref_slice %arg7[%scan3A_23, %dma_wait3A] : memref<80x128xi32, #tpu.memory_space<vmem>> -> memref<1x128xi32, #tpu.memory_space<vmem>>
        %dma_wait3A_31 = tpu.memref_squeeze %dma_wait3A_30 : memref<1x128xi32, #tpu.memory_space<vmem>> -> memref<128xi32, #tpu.memory_space<vmem>>
        %dma_wait3A_32 = arith.constant 0 : i32
        %dma_wait3A_33 = tpu.memref_slice %arg10[%dma_wait3A_32] : memref<10240xf32, #tpu.memory_space<vmem_shared>> -> memref<10240xf32, #tpu.memory_space<vmem_shared>>
        tpu.wait_indirect_dma semaphore(%run_scoped3A : memref<!tpu.dma_semaphore, #tpu.memory_space<semaphore_mem>>) src(%arg8 : memref<128xf32, #tpu.memory_space<vmem>>) dst(%dma_wait3A_33 : memref<10240xf32, #tpu.memory_space<vmem_shared>>)
        tpu.yield
      }) : () -> ()
      %scan3A_24 = arith.constant 3 : i32
      %scan3A_25 = arith.addi %scan3A_19, %scan3A_24 : i32
      "tpu.region"() ({
        %run_scoped3A = tpu.sem_alloc : memref<!tpu.dma_semaphore, #tpu.memory_space<semaphore_mem>>
        %dma_start3A = arith.constant 0 : i32
        %dma_start3A_26 = tpu.memref_slice %arg7[%scan3A_25, %dma_start3A] : memref<80x128xi32, #tpu.memory_space<vmem>> -> memref<1x128xi32, #tpu.memory_space<vmem>>
        %dma_start3A_27 = tpu.memref_squeeze %dma_start3A_26 : memref<1x128xi32, #tpu.memory_space<vmem>> -> memref<128xi32, #tpu.memory_space<vmem>>
        %dma_start3A_28 = arith.constant 0 : i32
        %dma_start3A_29 = tpu.memref_slice %arg10[%dma_start3A_28] : memref<10240xf32, #tpu.memory_space<vmem_shared>> -> memref<10240xf32, #tpu.memory_space<vmem_shared>>
        tpu.enqueue_indirect_dma source(%arg8 : memref<128xf32, #tpu.memory_space<vmem>>) target(%dma_start3A_29 : memref<10240xf32, #tpu.memory_space<vmem_shared>>) offsets(%dma_start3A_27 : memref<128xi32, #tpu.memory_space<vmem>>) semaphore(%run_scoped3A : memref<!tpu.dma_semaphore, #tpu.memory_space<semaphore_mem>>) {add = true}
        %dma_wait3A = arith.constant 0 : i32
        %dma_wait3A_30 = tpu.memref_slice %arg7[%scan3A_25, %dma_wait3A] : memref<80x128xi32, #tpu.memory_space<vmem>> -> memref<1x128xi32, #tpu.memory_space<vmem>>
        %dma_wait3A_31 = tpu.memref_squeeze %dma_wait3A_30 : memref<1x128xi32, #tpu.memory_space<vmem>> -> memref<128xi32, #tpu.memory_space<vmem>>
        %dma_wait3A_32 = arith.constant 0 : i32
        %dma_wait3A_33 = tpu.memref_slice %arg10[%dma_wait3A_32] : memref<10240xf32, #tpu.memory_space<vmem_shared>> -> memref<10240xf32, #tpu.memory_space<vmem_shared>>
        tpu.wait_indirect_dma semaphore(%run_scoped3A : memref<!tpu.dma_semaphore, #tpu.memory_space<semaphore_mem>>) src(%arg8 : memref<128xf32, #tpu.memory_space<vmem>>) dst(%dma_wait3A_33 : memref<10240xf32, #tpu.memory_space<vmem_shared>>)
        tpu.yield
      }) : () -> ()
    }
    %scan3A_13 = arith.constant 80 : i32
    %barrier3A_14 = arith.constant 0 : index
    tpu.barrier barrier_id(%barrier3A_14)
    %mul3A_15 = arith.constant 640 : i32
    %mul3A_16 = arith.muli %arg1, %mul3A_15 : i32
    %mul3A_17 = arith.constant 640 : i32
    %mul3A_18 = arith.muli %arg1, %mul3A_17 : i32
    "tpu.region"() ({
      %run_scoped3A = tpu.sem_alloc : memref<!tpu.dma_semaphore, #tpu.memory_space<semaphore_mem>>
      %dma_start3A = tpu.memref_slice %arg5[%arg0, %mul3A_18] : memref<2x10240xf32, #tpu.memory_space<hbm>> -> memref<1x640xf32, #tpu.memory_space<hbm>>
      %dma_start3A_19 = tpu.memref_squeeze %dma_start3A : memref<1x640xf32, #tpu.memory_space<hbm>> -> memref<640xf32, #tpu.memory_space<hbm>>
      %dma_start3A_20 = tpu.memref_slice %arg10[%mul3A_16] : memref<10240xf32, #tpu.memory_space<vmem_shared>> -> memref<640xf32, #tpu.memory_space<vmem_shared>>
      tpu.enqueue_dma source(%dma_start3A_20 : memref<640xf32, #tpu.memory_space<vmem_shared>>) target(%dma_start3A_19 : memref<640xf32, #tpu.memory_space<hbm>>) target_semaphore(%run_scoped3A : memref<!tpu.dma_semaphore, #tpu.memory_space<semaphore_mem>>)
      %dma_wait3A = tpu.memref_slice %arg5[%arg0, %mul3A_18] : memref<2x10240xf32, #tpu.memory_space<hbm>> -> memref<1x640xf32, #tpu.memory_space<hbm>>
      %dma_wait3A_21 = tpu.memref_squeeze %dma_wait3A : memref<1x640xf32, #tpu.memory_space<hbm>> -> memref<640xf32, #tpu.memory_space<hbm>>
      %dma_wait3A_22 = tpu.memref_slice %arg10[%mul3A_16] : memref<10240xf32, #tpu.memory_space<vmem_shared>> -> memref<640xf32, #tpu.memory_space<vmem_shared>>
      tpu.wait_dma2 semaphore(%run_scoped3A : memref<!tpu.dma_semaphore, #tpu.memory_space<semaphore_mem>>) src(%dma_wait3A_22 : memref<640xf32, #tpu.memory_space<vmem_shared>>) dst(%dma_wait3A_21 : memref<640xf32, #tpu.memory_space<hbm>>)
      tpu.yield
    }) : () -> ()
    return
  }
}

#map = affine_map<(d0, d1) -> (0, 0)>
#map1 = affine_map<(d0, d1) -> (0, 0, 0)>
module attributes {stable_mosaic.version = 14 : i64} {
  func.func @body(%arg0: i32, %arg1: i32, %arg2: memref<10240x16xf32, #tpu.memory_space<hbm>>, %arg3: memref<32x80x128xi32, #tpu.memory_space<hbm>>, %arg4: memref<128x16xf32, #tpu.memory_space<hbm>>, %arg5: memref<2x10240x16xf32, #tpu.memory_space<hbm>>, %arg6: memref<80x128xi32, #tpu.memory_space<vmem>>, %arg7: memref<80x128xi32, #tpu.memory_space<vmem>>, %arg8: memref<80x128xi32, #tpu.memory_space<vmem>>, %arg9: memref<4x128x16xf32, #tpu.memory_space<vmem>>, %arg10: memref<128x16xf32, #tpu.memory_space<vmem>>, %arg11: memref<10240x16xf32, #tpu.memory_space<vmem_shared>>, %arg12: memref<10240x16xf32, #tpu.memory_space<vmem_shared>>, %arg13: memref<4x!tpu.dma_semaphore, #tpu.memory_space<semaphore_mem>>, %arg14: memref<4x!tpu.dma_semaphore, #tpu.memory_space<semaphore_mem>>) attributes {dimension_semantics = [#tpu.dimension_semantics<core_parallel>, #tpu.dimension_semantics<subcore_parallel>], iteration_bounds = array<i64: 2, 16>, scalar_prefetch = 0 : i64, scratch_operands = 9 : i64, tpu.core_type = #tpu.core_type<sc_vector_subcore>, window_params = [{transform_indices = #map}, {transform_indices = #map1}, {transform_indices = #map}, {transform_indices = #map1}]} {
    "tpu.region"() ({
      %run_scoped3A_120 = tpu.sem_alloc : memref<!tpu.dma_semaphore, #tpu.memory_space<semaphore_mem>>
      tpu.enqueue_dma source(%arg4 : memref<128x16xf32, #tpu.memory_space<hbm>>) target(%arg10 : memref<128x16xf32, #tpu.memory_space<vmem>>) target_semaphore(%run_scoped3A_120 : memref<!tpu.dma_semaphore, #tpu.memory_space<semaphore_mem>>)
      tpu.wait_dma2 semaphore(%run_scoped3A_120 : memref<!tpu.dma_semaphore, #tpu.memory_space<semaphore_mem>>) src(%arg4 : memref<128x16xf32, #tpu.memory_space<hbm>>) dst(%arg10 : memref<128x16xf32, #tpu.memory_space<vmem>>)
      tpu.yield
    }) : () -> ()
    %mul3A = arith.constant 640 : i32
    %mul3A_0 = arith.muli %arg1, %mul3A : i32
    %add3A = arith.constant 0 : i32
    %add3A_1 = arith.addi %mul3A_0, %add3A : i32
    "tpu.region"() ({
      %run_scoped3A_120 = tpu.sem_alloc : memref<!tpu.dma_semaphore, #tpu.memory_space<semaphore_mem>>
      %dma_start3A_121 = arith.constant 0 : i32
      %dma_start3A_122 = tpu.memref_slice %arg12[%add3A_1, %dma_start3A_121] : memref<10240x16xf32, #tpu.memory_space<vmem_shared>> -> memref<128x16xf32, #tpu.memory_space<vmem_shared>>
      %dma_start3A_123 = arith.constant 0 : i32
      %dma_start3A_124 = tpu.memref_slice %arg12[%add3A_1, %dma_start3A_123] : memref<10240x16xf32, #tpu.memory_space<vmem_shared>> -> memref<128x16xf32, #tpu.memory_space<vmem_shared>>
      tpu.enqueue_dma source(%arg10 : memref<128x16xf32, #tpu.memory_space<vmem>>) target(%dma_start3A_124 : memref<128x16xf32, #tpu.memory_space<vmem_shared>>) target_semaphore(%run_scoped3A_120 : memref<!tpu.dma_semaphore, #tpu.memory_space<semaphore_mem>>)
      %dma_wait3A_125 = arith.constant 0 : i32
      %dma_wait3A_126 = tpu.memref_slice %arg12[%add3A_1, %dma_wait3A_125] : memref<10240x16xf32, #tpu.memory_space<vmem_shared>> -> memref<128x16xf32, #tpu.memory_space<vmem_shared>>
      %dma_wait3A_127 = arith.constant 0 : i32
      %dma_wait3A_128 = tpu.memref_slice %arg12[%add3A_1, %dma_wait3A_127] : memref<10240x16xf32, #tpu.memory_space<vmem_shared>> -> memref<128x16xf32, #tpu.memory_space<vmem_shared>>
      tpu.wait_dma2 semaphore(%run_scoped3A_120 : memref<!tpu.dma_semaphore, #tpu.memory_space<semaphore_mem>>) src(%arg10 : memref<128x16xf32, #tpu.memory_space<vmem>>) dst(%dma_wait3A_128 : memref<128x16xf32, #tpu.memory_space<vmem_shared>>)
      tpu.yield
    }) : () -> ()
    %run_scoped3A = arith.constant 0 : i32
    "tpu.region"() ({
      %run_scoped3A_120 = tpu.sem_alloc : memref<!tpu.dma_semaphore, #tpu.memory_space<semaphore_mem>>
      %dma_start3A_121 = arith.constant 0 : i32
      %dma_start3A_122 = arith.constant 0 : i32
      %dma_start3A_123 = tpu.memref_slice %arg9[%run_scoped3A, %dma_start3A_121, %dma_start3A_122] : memref<4x128x16xf32, #tpu.memory_space<vmem>> -> memref<1x128x16xf32, #tpu.memory_space<vmem>>
      %dma_start3A_124 = tpu.memref_squeeze %dma_start3A_123 : memref<1x128x16xf32, #tpu.memory_space<vmem>> -> memref<128x16xf32, #tpu.memory_space<vmem>>
      %dma_start3A_125 = arith.constant 0 : i32
      %dma_start3A_126 = tpu.memref_slice %arg2[%add3A_1, %dma_start3A_125] : memref<10240x16xf32, #tpu.memory_space<hbm>> -> memref<128x16xf32, #tpu.memory_space<hbm>>
      %dma_start3A_127 = arith.constant 0 : i32
      %dma_start3A_128 = arith.constant 0 : i32
      %dma_start3A_129 = tpu.memref_slice %arg9[%run_scoped3A, %dma_start3A_127, %dma_start3A_128] : memref<4x128x16xf32, #tpu.memory_space<vmem>> -> memref<1x128x16xf32, #tpu.memory_space<vmem>>
      %dma_start3A_130 = tpu.memref_squeeze %dma_start3A_129 : memref<1x128x16xf32, #tpu.memory_space<vmem>> -> memref<128x16xf32, #tpu.memory_space<vmem>>
      %dma_start3A_131 = arith.constant 0 : i32
      %dma_start3A_132 = tpu.memref_slice %arg2[%add3A_1, %dma_start3A_131] : memref<10240x16xf32, #tpu.memory_space<hbm>> -> memref<128x16xf32, #tpu.memory_space<hbm>>
      tpu.enqueue_dma source(%dma_start3A_132 : memref<128x16xf32, #tpu.memory_space<hbm>>) target(%dma_start3A_130 : memref<128x16xf32, #tpu.memory_space<vmem>>) target_semaphore(%run_scoped3A_120 : memref<!tpu.dma_semaphore, #tpu.memory_space<semaphore_mem>>)
      %dma_wait3A_133 = arith.constant 0 : i32
      %dma_wait3A_134 = arith.constant 0 : i32
      %dma_wait3A_135 = tpu.memref_slice %arg9[%run_scoped3A, %dma_wait3A_133, %dma_wait3A_134] : memref<4x128x16xf32, #tpu.memory_space<vmem>> -> memref<1x128x16xf32, #tpu.memory_space<vmem>>
      %dma_wait3A_136 = tpu.memref_squeeze %dma_wait3A_135 : memref<1x128x16xf32, #tpu.memory_space<vmem>> -> memref<128x16xf32, #tpu.memory_space<vmem>>
      %dma_wait3A_137 = arith.constant 0 : i32
      %dma_wait3A_138 = tpu.memref_slice %arg2[%add3A_1, %dma_wait3A_137] : memref<10240x16xf32, #tpu.memory_space<hbm>> -> memref<128x16xf32, #tpu.memory_space<hbm>>
      %dma_wait3A_139 = arith.constant 0 : i32
      %dma_wait3A_140 = arith.constant 0 : i32
      %dma_wait3A_141 = tpu.memref_slice %arg9[%run_scoped3A, %dma_wait3A_139, %dma_wait3A_140] : memref<4x128x16xf32, #tpu.memory_space<vmem>> -> memref<1x128x16xf32, #tpu.memory_space<vmem>>
      %dma_wait3A_142 = tpu.memref_squeeze %dma_wait3A_141 : memref<1x128x16xf32, #tpu.memory_space<vmem>> -> memref<128x16xf32, #tpu.memory_space<vmem>>
      %dma_wait3A_143 = arith.constant 0 : i32
      %dma_wait3A_144 = tpu.memref_slice %arg2[%add3A_1, %dma_wait3A_143] : memref<10240x16xf32, #tpu.memory_space<hbm>> -> memref<128x16xf32, #tpu.memory_space<hbm>>
      tpu.wait_dma2 semaphore(%run_scoped3A_120 : memref<!tpu.dma_semaphore, #tpu.memory_space<semaphore_mem>>) src(%dma_wait3A_144 : memref<128x16xf32, #tpu.memory_space<hbm>>) dst(%dma_wait3A_142 : memref<128x16xf32, #tpu.memory_space<vmem>>)
      tpu.yield
    }) : () -> ()
    %run_scoped3A_2 = arith.constant 0 : i32
    "tpu.region"() ({
      %run_scoped3A_120 = tpu.sem_alloc : memref<!tpu.dma_semaphore, #tpu.memory_space<semaphore_mem>>
      %dma_start3A_121 = arith.constant 0 : i32
      %dma_start3A_122 = arith.constant 0 : i32
      %dma_start3A_123 = tpu.memref_slice %arg9[%run_scoped3A_2, %dma_start3A_121, %dma_start3A_122] : memref<4x128x16xf32, #tpu.memory_space<vmem>> -> memref<1x128x16xf32, #tpu.memory_space<vmem>>
      %dma_start3A_124 = tpu.memref_squeeze %dma_start3A_123 : memref<1x128x16xf32, #tpu.memory_space<vmem>> -> memref<128x16xf32, #tpu.memory_space<vmem>>
      %dma_start3A_125 = arith.constant 0 : i32
      %dma_start3A_126 = tpu.memref_slice %arg11[%add3A_1, %dma_start3A_125] : memref<10240x16xf32, #tpu.memory_space<vmem_shared>> -> memref<128x16xf32, #tpu.memory_space<vmem_shared>>
      %dma_start3A_127 = arith.constant 0 : i32
      %dma_start3A_128 = tpu.memref_slice %arg11[%add3A_1, %dma_start3A_127] : memref<10240x16xf32, #tpu.memory_space<vmem_shared>> -> memref<128x16xf32, #tpu.memory_space<vmem_shared>>
      %dma_start3A_129 = arith.constant 0 : i32
      %dma_start3A_130 = arith.constant 0 : i32
      %dma_start3A_131 = tpu.memref_slice %arg9[%run_scoped3A_2, %dma_start3A_129, %dma_start3A_130] : memref<4x128x16xf32, #tpu.memory_space<vmem>> -> memref<1x128x16xf32, #tpu.memory_space<vmem>>
      %dma_start3A_132 = tpu.memref_squeeze %dma_start3A_131 : memref<1x128x16xf32, #tpu.memory_space<vmem>> -> memref<128x16xf32, #tpu.memory_space<vmem>>
      tpu.enqueue_dma source(%dma_start3A_132 : memref<128x16xf32, #tpu.memory_space<vmem>>) target(%dma_start3A_128 : memref<128x16xf32, #tpu.memory_space<vmem_shared>>) target_semaphore(%run_scoped3A_120 : memref<!tpu.dma_semaphore, #tpu.memory_space<semaphore_mem>>)
      %dma_wait3A_133 = arith.constant 0 : i32
      %dma_wait3A_134 = arith.constant 0 : i32
      %dma_wait3A_135 = tpu.memref_slice %arg9[%run_scoped3A_2, %dma_wait3A_133, %dma_wait3A_134] : memref<4x128x16xf32, #tpu.memory_space<vmem>> -> memref<1x128x16xf32, #tpu.memory_space<vmem>>
      %dma_wait3A_136 = tpu.memref_squeeze %dma_wait3A_135 : memref<1x128x16xf32, #tpu.memory_space<vmem>> -> memref<128x16xf32, #tpu.memory_space<vmem>>
      %dma_wait3A_137 = arith.constant 0 : i32
      %dma_wait3A_138 = tpu.memref_slice %arg11[%add3A_1, %dma_wait3A_137] : memref<10240x16xf32, #tpu.memory_space<vmem_shared>> -> memref<128x16xf32, #tpu.memory_space<vmem_shared>>
      %dma_wait3A_139 = arith.constant 0 : i32
      %dma_wait3A_140 = tpu.memref_slice %arg11[%add3A_1, %dma_wait3A_139] : memref<10240x16xf32, #tpu.memory_space<vmem_shared>> -> memref<128x16xf32, #tpu.memory_space<vmem_shared>>
      %dma_wait3A_141 = arith.constant 0 : i32
      %dma_wait3A_142 = arith.constant 0 : i32
      %dma_wait3A_143 = tpu.memref_slice %arg9[%run_scoped3A_2, %dma_wait3A_141, %dma_wait3A_142] : memref<4x128x16xf32, #tpu.memory_space<vmem>> -> memref<1x128x16xf32, #tpu.memory_space<vmem>>
      %dma_wait3A_144 = tpu.memref_squeeze %dma_wait3A_143 : memref<1x128x16xf32, #tpu.memory_space<vmem>> -> memref<128x16xf32, #tpu.memory_space<vmem>>
      tpu.wait_dma2 semaphore(%run_scoped3A_120 : memref<!tpu.dma_semaphore, #tpu.memory_space<semaphore_mem>>) src(%dma_wait3A_144 : memref<128x16xf32, #tpu.memory_space<vmem>>) dst(%dma_wait3A_140 : memref<128x16xf32, #tpu.memory_space<vmem_shared>>)
      tpu.yield
    }) : () -> ()
    %mul3A_3 = arith.constant 640 : i32
    %mul3A_4 = arith.muli %arg1, %mul3A_3 : i32
    %add3A_5 = arith.constant 128 : i32
    %add3A_6 = arith.addi %mul3A_4, %add3A_5 : i32
    "tpu.region"() ({
      %run_scoped3A_120 = tpu.sem_alloc : memref<!tpu.dma_semaphore, #tpu.memory_space<semaphore_mem>>
      %dma_start3A_121 = arith.constant 0 : i32
      %dma_start3A_122 = tpu.memref_slice %arg12[%add3A_6, %dma_start3A_121] : memref<10240x16xf32, #tpu.memory_space<vmem_shared>> -> memref<128x16xf32, #tpu.memory_space<vmem_shared>>
      %dma_start3A_123 = arith.constant 0 : i32
      %dma_start3A_124 = tpu.memref_slice %arg12[%add3A_6, %dma_start3A_123] : memref<10240x16xf32, #tpu.memory_space<vmem_shared>> -> memref<128x16xf32, #tpu.memory_space<vmem_shared>>
      tpu.enqueue_dma source(%arg10 : memref<128x16xf32, #tpu.memory_space<vmem>>) target(%dma_start3A_124 : memref<128x16xf32, #tpu.memory_space<vmem_shared>>) target_semaphore(%run_scoped3A_120 : memref<!tpu.dma_semaphore, #tpu.memory_space<semaphore_mem>>)
      %dma_wait3A_125 = arith.constant 0 : i32
      %dma_wait3A_126 = tpu.memref_slice %arg12[%add3A_6, %dma_wait3A_125] : memref<10240x16xf32, #tpu.memory_space<vmem_shared>> -> memref<128x16xf32, #tpu.memory_space<vmem_shared>>
      %dma_wait3A_127 = arith.constant 0 : i32
      %dma_wait3A_128 = tpu.memref_slice %arg12[%add3A_6, %dma_wait3A_127] : memref<10240x16xf32, #tpu.memory_space<vmem_shared>> -> memref<128x16xf32, #tpu.memory_space<vmem_shared>>
      tpu.wait_dma2 semaphore(%run_scoped3A_120 : memref<!tpu.dma_semaphore, #tpu.memory_space<semaphore_mem>>) src(%arg10 : memref<128x16xf32, #tpu.memory_space<vmem>>) dst(%dma_wait3A_128 : memref<128x16xf32, #tpu.memory_space<vmem_shared>>)
      tpu.yield
    }) : () -> ()
    %run_scoped3A_7 = arith.constant 0 : i32
    "tpu.region"() ({
      %run_scoped3A_120 = tpu.sem_alloc : memref<!tpu.dma_semaphore, #tpu.memory_space<semaphore_mem>>
      %dma_start3A_121 = arith.constant 0 : i32
      %dma_start3A_122 = arith.constant 0 : i32
      %dma_start3A_123 = tpu.memref_slice %arg9[%run_scoped3A_7, %dma_start3A_121, %dma_start3A_122] : memref<4x128x16xf32, #tpu.memory_space<vmem>> -> memref<1x128x16xf32, #tpu.memory_space<vmem>>
      %dma_start3A_124 = tpu.memref_squeeze %dma_start3A_123 : memref<1x128x16xf32, #tpu.memory_space<vmem>> -> memref<128x16xf32, #tpu.memory_space<vmem>>
      %dma_start3A_125 = arith.constant 0 : i32
      %dma_start3A_126 = tpu.memref_slice %arg2[%add3A_6, %dma_start3A_125] : memref<10240x16xf32, #tpu.memory_space<hbm>> -> memref<128x16xf32, #tpu.memory_space<hbm>>
      %dma_start3A_127 = arith.constant 0 : i32
      %dma_start3A_128 = arith.constant 0 : i32
      %dma_start3A_129 = tpu.memref_slice %arg9[%run_scoped3A_7, %dma_start3A_127, %dma_start3A_128] : memref<4x128x16xf32, #tpu.memory_space<vmem>> -> memref<1x128x16xf32, #tpu.memory_space<vmem>>
      %dma_start3A_130 = tpu.memref_squeeze %dma_start3A_129 : memref<1x128x16xf32, #tpu.memory_space<vmem>> -> memref<128x16xf32, #tpu.memory_space<vmem>>
      %dma_start3A_131 = arith.constant 0 : i32
      %dma_start3A_132 = tpu.memref_slice %arg2[%add3A_6, %dma_start3A_131] : memref<10240x16xf32, #tpu.memory_space<hbm>> -> memref<128x16xf32, #tpu.memory_space<hbm>>
      tpu.enqueue_dma source(%dma_start3A_132 : memref<128x16xf32, #tpu.memory_space<hbm>>) target(%dma_start3A_130 : memref<128x16xf32, #tpu.memory_space<vmem>>) target_semaphore(%run_scoped3A_120 : memref<!tpu.dma_semaphore, #tpu.memory_space<semaphore_mem>>)
      %dma_wait3A_133 = arith.constant 0 : i32
      %dma_wait3A_134 = arith.constant 0 : i32
      %dma_wait3A_135 = tpu.memref_slice %arg9[%run_scoped3A_7, %dma_wait3A_133, %dma_wait3A_134] : memref<4x128x16xf32, #tpu.memory_space<vmem>> -> memref<1x128x16xf32, #tpu.memory_space<vmem>>
      %dma_wait3A_136 = tpu.memref_squeeze %dma_wait3A_135 : memref<1x128x16xf32, #tpu.memory_space<vmem>> -> memref<128x16xf32, #tpu.memory_space<vmem>>
      %dma_wait3A_137 = arith.constant 0 : i32
      %dma_wait3A_138 = tpu.memref_slice %arg2[%add3A_6, %dma_wait3A_137] : memref<10240x16xf32, #tpu.memory_space<hbm>> -> memref<128x16xf32, #tpu.memory_space<hbm>>
      %dma_wait3A_139 = arith.constant 0 : i32
      %dma_wait3A_140 = arith.constant 0 : i32
      %dma_wait3A_141 = tpu.memref_slice %arg9[%run_scoped3A_7, %dma_wait3A_139, %dma_wait3A_140] : memref<4x128x16xf32, #tpu.memory_space<vmem>> -> memref<1x128x16xf32, #tpu.memory_space<vmem>>
      %dma_wait3A_142 = tpu.memref_squeeze %dma_wait3A_141 : memref<1x128x16xf32, #tpu.memory_space<vmem>> -> memref<128x16xf32, #tpu.memory_space<vmem>>
      %dma_wait3A_143 = arith.constant 0 : i32
      %dma_wait3A_144 = tpu.memref_slice %arg2[%add3A_6, %dma_wait3A_143] : memref<10240x16xf32, #tpu.memory_space<hbm>> -> memref<128x16xf32, #tpu.memory_space<hbm>>
      tpu.wait_dma2 semaphore(%run_scoped3A_120 : memref<!tpu.dma_semaphore, #tpu.memory_space<semaphore_mem>>) src(%dma_wait3A_144 : memref<128x16xf32, #tpu.memory_space<hbm>>) dst(%dma_wait3A_142 : memref<128x16xf32, #tpu.memory_space<vmem>>)
      tpu.yield
    }) : () -> ()
    %run_scoped3A_8 = arith.constant 0 : i32
    "tpu.region"() ({
      %run_scoped3A_120 = tpu.sem_alloc : memref<!tpu.dma_semaphore, #tpu.memory_space<semaphore_mem>>
      %dma_start3A_121 = arith.constant 0 : i32
      %dma_start3A_122 = arith.constant 0 : i32
      %dma_start3A_123 = tpu.memref_slice %arg9[%run_scoped3A_8, %dma_start3A_121, %dma_start3A_122] : memref<4x128x16xf32, #tpu.memory_space<vmem>> -> memref<1x128x16xf32, #tpu.memory_space<vmem>>
      %dma_start3A_124 = tpu.memref_squeeze %dma_start3A_123 : memref<1x128x16xf32, #tpu.memory_space<vmem>> -> memref<128x16xf32, #tpu.memory_space<vmem>>
      %dma_start3A_125 = arith.constant 0 : i32
      %dma_start3A_126 = tpu.memref_slice %arg11[%add3A_6, %dma_start3A_125] : memref<10240x16xf32, #tpu.memory_space<vmem_shared>> -> memref<128x16xf32, #tpu.memory_space<vmem_shared>>
      %dma_start3A_127 = arith.constant 0 : i32
      %dma_start3A_128 = tpu.memref_slice %arg11[%add3A_6, %dma_start3A_127] : memref<10240x16xf32, #tpu.memory_space<vmem_shared>> -> memref<128x16xf32, #tpu.memory_space<vmem_shared>>
      %dma_start3A_129 = arith.constant 0 : i32
      %dma_start3A_130 = arith.constant 0 : i32
      %dma_start3A_131 = tpu.memref_slice %arg9[%run_scoped3A_8, %dma_start3A_129, %dma_start3A_130] : memref<4x128x16xf32, #tpu.memory_space<vmem>> -> memref<1x128x16xf32, #tpu.memory_space<vmem>>
      %dma_start3A_132 = tpu.memref_squeeze %dma_start3A_131 : memref<1x128x16xf32, #tpu.memory_space<vmem>> -> memref<128x16xf32, #tpu.memory_space<vmem>>
      tpu.enqueue_dma source(%dma_start3A_132 : memref<128x16xf32, #tpu.memory_space<vmem>>) target(%dma_start3A_128 : memref<128x16xf32, #tpu.memory_space<vmem_shared>>) target_semaphore(%run_scoped3A_120 : memref<!tpu.dma_semaphore, #tpu.memory_space<semaphore_mem>>)
      %dma_wait3A_133 = arith.constant 0 : i32
      %dma_wait3A_134 = arith.constant 0 : i32
      %dma_wait3A_135 = tpu.memref_slice %arg9[%run_scoped3A_8, %dma_wait3A_133, %dma_wait3A_134] : memref<4x128x16xf32, #tpu.memory_space<vmem>> -> memref<1x128x16xf32, #tpu.memory_space<vmem>>
      %dma_wait3A_136 = tpu.memref_squeeze %dma_wait3A_135 : memref<1x128x16xf32, #tpu.memory_space<vmem>> -> memref<128x16xf32, #tpu.memory_space<vmem>>
      %dma_wait3A_137 = arith.constant 0 : i32
      %dma_wait3A_138 = tpu.memref_slice %arg11[%add3A_6, %dma_wait3A_137] : memref<10240x16xf32, #tpu.memory_space<vmem_shared>> -> memref<128x16xf32, #tpu.memory_space<vmem_shared>>
      %dma_wait3A_139 = arith.constant 0 : i32
      %dma_wait3A_140 = tpu.memref_slice %arg11[%add3A_6, %dma_wait3A_139] : memref<10240x16xf32, #tpu.memory_space<vmem_shared>> -> memref<128x16xf32, #tpu.memory_space<vmem_shared>>
      %dma_wait3A_141 = arith.constant 0 : i32
      %dma_wait3A_142 = arith.constant 0 : i32
      %dma_wait3A_143 = tpu.memref_slice %arg9[%run_scoped3A_8, %dma_wait3A_141, %dma_wait3A_142] : memref<4x128x16xf32, #tpu.memory_space<vmem>> -> memref<1x128x16xf32, #tpu.memory_space<vmem>>
      %dma_wait3A_144 = tpu.memref_squeeze %dma_wait3A_143 : memref<1x128x16xf32, #tpu.memory_space<vmem>> -> memref<128x16xf32, #tpu.memory_space<vmem>>
      tpu.wait_dma2 semaphore(%run_scoped3A_120 : memref<!tpu.dma_semaphore, #tpu.memory_space<semaphore_mem>>) src(%dma_wait3A_144 : memref<128x16xf32, #tpu.memory_space<vmem>>) dst(%dma_wait3A_140 : memref<128x16xf32, #tpu.memory_space<vmem_shared>>)
      tpu.yield
    }) : () -> ()
    %mul3A_9 = arith.constant 640 : i32
    %mul3A_10 = arith.muli %arg1, %mul3A_9 : i32
    %add3A_11 = arith.constant 256 : i32
    %add3A_12 = arith.addi %mul3A_10, %add3A_11 : i32
    "tpu.region"() ({
      %run_scoped3A_120 = tpu.sem_alloc : memref<!tpu.dma_semaphore, #tpu.memory_space<semaphore_mem>>
      %dma_start3A_121 = arith.constant 0 : i32
      %dma_start3A_122 = tpu.memref_slice %arg12[%add3A_12, %dma_start3A_121] : memref<10240x16xf32, #tpu.memory_space<vmem_shared>> -> memref<128x16xf32, #tpu.memory_space<vmem_shared>>
      %dma_start3A_123 = arith.constant 0 : i32
      %dma_start3A_124 = tpu.memref_slice %arg12[%add3A_12, %dma_start3A_123] : memref<10240x16xf32, #tpu.memory_space<vmem_shared>> -> memref<128x16xf32, #tpu.memory_space<vmem_shared>>
      tpu.enqueue_dma source(%arg10 : memref<128x16xf32, #tpu.memory_space<vmem>>) target(%dma_start3A_124 : memref<128x16xf32, #tpu.memory_space<vmem_shared>>) target_semaphore(%run_scoped3A_120 : memref<!tpu.dma_semaphore, #tpu.memory_space<semaphore_mem>>)
      %dma_wait3A_125 = arith.constant 0 : i32
      %dma_wait3A_126 = tpu.memref_slice %arg12[%add3A_12, %dma_wait3A_125] : memref<10240x16xf32, #tpu.memory_space<vmem_shared>> -> memref<128x16xf32, #tpu.memory_space<vmem_shared>>
      %dma_wait3A_127 = arith.constant 0 : i32
      %dma_wait3A_128 = tpu.memref_slice %arg12[%add3A_12, %dma_wait3A_127] : memref<10240x16xf32, #tpu.memory_space<vmem_shared>> -> memref<128x16xf32, #tpu.memory_space<vmem_shared>>
      tpu.wait_dma2 semaphore(%run_scoped3A_120 : memref<!tpu.dma_semaphore, #tpu.memory_space<semaphore_mem>>) src(%arg10 : memref<128x16xf32, #tpu.memory_space<vmem>>) dst(%dma_wait3A_128 : memref<128x16xf32, #tpu.memory_space<vmem_shared>>)
      tpu.yield
    }) : () -> ()
    %run_scoped3A_13 = arith.constant 0 : i32
    "tpu.region"() ({
      %run_scoped3A_120 = tpu.sem_alloc : memref<!tpu.dma_semaphore, #tpu.memory_space<semaphore_mem>>
      %dma_start3A_121 = arith.constant 0 : i32
      %dma_start3A_122 = arith.constant 0 : i32
      %dma_start3A_123 = tpu.memref_slice %arg9[%run_scoped3A_13, %dma_start3A_121, %dma_start3A_122] : memref<4x128x16xf32, #tpu.memory_space<vmem>> -> memref<1x128x16xf32, #tpu.memory_space<vmem>>
      %dma_start3A_124 = tpu.memref_squeeze %dma_start3A_123 : memref<1x128x16xf32, #tpu.memory_space<vmem>> -> memref<128x16xf32, #tpu.memory_space<vmem>>
      %dma_start3A_125 = arith.constant 0 : i32
      %dma_start3A_126 = tpu.memref_slice %arg2[%add3A_12, %dma_start3A_125] : memref<10240x16xf32, #tpu.memory_space<hbm>> -> memref<128x16xf32, #tpu.memory_space<hbm>>
      %dma_start3A_127 = arith.constant 0 : i32
      %dma_start3A_128 = arith.constant 0 : i32
      %dma_start3A_129 = tpu.memref_slice %arg9[%run_scoped3A_13, %dma_start3A_127, %dma_start3A_128] : memref<4x128x16xf32, #tpu.memory_space<vmem>> -> memref<1x128x16xf32, #tpu.memory_space<vmem>>
      %dma_start3A_130 = tpu.memref_squeeze %dma_start3A_129 : memref<1x128x16xf32, #tpu.memory_space<vmem>> -> memref<128x16xf32, #tpu.memory_space<vmem>>
      %dma_start3A_131 = arith.constant 0 : i32
      %dma_start3A_132 = tpu.memref_slice %arg2[%add3A_12, %dma_start3A_131] : memref<10240x16xf32, #tpu.memory_space<hbm>> -> memref<128x16xf32, #tpu.memory_space<hbm>>
      tpu.enqueue_dma source(%dma_start3A_132 : memref<128x16xf32, #tpu.memory_space<hbm>>) target(%dma_start3A_130 : memref<128x16xf32, #tpu.memory_space<vmem>>) target_semaphore(%run_scoped3A_120 : memref<!tpu.dma_semaphore, #tpu.memory_space<semaphore_mem>>)
      %dma_wait3A_133 = arith.constant 0 : i32
      %dma_wait3A_134 = arith.constant 0 : i32
      %dma_wait3A_135 = tpu.memref_slice %arg9[%run_scoped3A_13, %dma_wait3A_133, %dma_wait3A_134] : memref<4x128x16xf32, #tpu.memory_space<vmem>> -> memref<1x128x16xf32, #tpu.memory_space<vmem>>
      %dma_wait3A_136 = tpu.memref_squeeze %dma_wait3A_135 : memref<1x128x16xf32, #tpu.memory_space<vmem>> -> memref<128x16xf32, #tpu.memory_space<vmem>>
      %dma_wait3A_137 = arith.constant 0 : i32
      %dma_wait3A_138 = tpu.memref_slice %arg2[%add3A_12, %dma_wait3A_137] : memref<10240x16xf32, #tpu.memory_space<hbm>> -> memref<128x16xf32, #tpu.memory_space<hbm>>
      %dma_wait3A_139 = arith.constant 0 : i32
      %dma_wait3A_140 = arith.constant 0 : i32
      %dma_wait3A_141 = tpu.memref_slice %arg9[%run_scoped3A_13, %dma_wait3A_139, %dma_wait3A_140] : memref<4x128x16xf32, #tpu.memory_space<vmem>> -> memref<1x128x16xf32, #tpu.memory_space<vmem>>
      %dma_wait3A_142 = tpu.memref_squeeze %dma_wait3A_141 : memref<1x128x16xf32, #tpu.memory_space<vmem>> -> memref<128x16xf32, #tpu.memory_space<vmem>>
      %dma_wait3A_143 = arith.constant 0 : i32
      %dma_wait3A_144 = tpu.memref_slice %arg2[%add3A_12, %dma_wait3A_143] : memref<10240x16xf32, #tpu.memory_space<hbm>> -> memref<128x16xf32, #tpu.memory_space<hbm>>
      tpu.wait_dma2 semaphore(%run_scoped3A_120 : memref<!tpu.dma_semaphore, #tpu.memory_space<semaphore_mem>>) src(%dma_wait3A_144 : memref<128x16xf32, #tpu.memory_space<hbm>>) dst(%dma_wait3A_142 : memref<128x16xf32, #tpu.memory_space<vmem>>)
      tpu.yield
    }) : () -> ()
    %run_scoped3A_14 = arith.constant 0 : i32
    "tpu.region"() ({
      %run_scoped3A_120 = tpu.sem_alloc : memref<!tpu.dma_semaphore, #tpu.memory_space<semaphore_mem>>
      %dma_start3A_121 = arith.constant 0 : i32
      %dma_start3A_122 = arith.constant 0 : i32
      %dma_start3A_123 = tpu.memref_slice %arg9[%run_scoped3A_14, %dma_start3A_121, %dma_start3A_122] : memref<4x128x16xf32, #tpu.memory_space<vmem>> -> memref<1x128x16xf32, #tpu.memory_space<vmem>>
      %dma_start3A_124 = tpu.memref_squeeze %dma_start3A_123 : memref<1x128x16xf32, #tpu.memory_space<vmem>> -> memref<128x16xf32, #tpu.memory_space<vmem>>
      %dma_start3A_125 = arith.constant 0 : i32
      %dma_start3A_126 = tpu.memref_slice %arg11[%add3A_12, %dma_start3A_125] : memref<10240x16xf32, #tpu.memory_space<vmem_shared>> -> memref<128x16xf32, #tpu.memory_space<vmem_shared>>
      %dma_start3A_127 = arith.constant 0 : i32
      %dma_start3A_128 = tpu.memref_slice %arg11[%add3A_12, %dma_start3A_127] : memref<10240x16xf32, #tpu.memory_space<vmem_shared>> -> memref<128x16xf32, #tpu.memory_space<vmem_shared>>
      %dma_start3A_129 = arith.constant 0 : i32
      %dma_start3A_130 = arith.constant 0 : i32
      %dma_start3A_131 = tpu.memref_slice %arg9[%run_scoped3A_14, %dma_start3A_129, %dma_start3A_130] : memref<4x128x16xf32, #tpu.memory_space<vmem>> -> memref<1x128x16xf32, #tpu.memory_space<vmem>>
      %dma_start3A_132 = tpu.memref_squeeze %dma_start3A_131 : memref<1x128x16xf32, #tpu.memory_space<vmem>> -> memref<128x16xf32, #tpu.memory_space<vmem>>
      tpu.enqueue_dma source(%dma_start3A_132 : memref<128x16xf32, #tpu.memory_space<vmem>>) target(%dma_start3A_128 : memref<128x16xf32, #tpu.memory_space<vmem_shared>>) target_semaphore(%run_scoped3A_120 : memref<!tpu.dma_semaphore, #tpu.memory_space<semaphore_mem>>)
      %dma_wait3A_133 = arith.constant 0 : i32
      %dma_wait3A_134 = arith.constant 0 : i32
      %dma_wait3A_135 = tpu.memref_slice %arg9[%run_scoped3A_14, %dma_wait3A_133, %dma_wait3A_134] : memref<4x128x16xf32, #tpu.memory_space<vmem>> -> memref<1x128x16xf32, #tpu.memory_space<vmem>>
      %dma_wait3A_136 = tpu.memref_squeeze %dma_wait3A_135 : memref<1x128x16xf32, #tpu.memory_space<vmem>> -> memref<128x16xf32, #tpu.memory_space<vmem>>
      %dma_wait3A_137 = arith.constant 0 : i32
      %dma_wait3A_138 = tpu.memref_slice %arg11[%add3A_12, %dma_wait3A_137] : memref<10240x16xf32, #tpu.memory_space<vmem_shared>> -> memref<128x16xf32, #tpu.memory_space<vmem_shared>>
      %dma_wait3A_139 = arith.constant 0 : i32
      %dma_wait3A_140 = tpu.memref_slice %arg11[%add3A_12, %dma_wait3A_139] : memref<10240x16xf32, #tpu.memory_space<vmem_shared>> -> memref<128x16xf32, #tpu.memory_space<vmem_shared>>
      %dma_wait3A_141 = arith.constant 0 : i32
      %dma_wait3A_142 = arith.constant 0 : i32
      %dma_wait3A_143 = tpu.memref_slice %arg9[%run_scoped3A_14, %dma_wait3A_141, %dma_wait3A_142] : memref<4x128x16xf32, #tpu.memory_space<vmem>> -> memref<1x128x16xf32, #tpu.memory_space<vmem>>
      %dma_wait3A_144 = tpu.memref_squeeze %dma_wait3A_143 : memref<1x128x16xf32, #tpu.memory_space<vmem>> -> memref<128x16xf32, #tpu.memory_space<vmem>>
      tpu.wait_dma2 semaphore(%run_scoped3A_120 : memref<!tpu.dma_semaphore, #tpu.memory_space<semaphore_mem>>) src(%dma_wait3A_144 : memref<128x16xf32, #tpu.memory_space<vmem>>) dst(%dma_wait3A_140 : memref<128x16xf32, #tpu.memory_space<vmem_shared>>)
      tpu.yield
    }) : () -> ()
    %mul3A_15 = arith.constant 640 : i32
    %mul3A_16 = arith.muli %arg1, %mul3A_15 : i32
    %add3A_17 = arith.constant 384 : i32
    %add3A_18 = arith.addi %mul3A_16, %add3A_17 : i32
    "tpu.region"() ({
      %run_scoped3A_120 = tpu.sem_alloc : memref<!tpu.dma_semaphore, #tpu.memory_space<semaphore_mem>>
      %dma_start3A_121 = arith.constant 0 : i32
      %dma_start3A_122 = tpu.memref_slice %arg12[%add3A_18, %dma_start3A_121] : memref<10240x16xf32, #tpu.memory_space<vmem_shared>> -> memref<128x16xf32, #tpu.memory_space<vmem_shared>>
      %dma_start3A_123 = arith.constant 0 : i32
      %dma_start3A_124 = tpu.memref_slice %arg12[%add3A_18, %dma_start3A_123] : memref<10240x16xf32, #tpu.memory_space<vmem_shared>> -> memref<128x16xf32, #tpu.memory_space<vmem_shared>>
      tpu.enqueue_dma source(%arg10 : memref<128x16xf32, #tpu.memory_space<vmem>>) target(%dma_start3A_124 : memref<128x16xf32, #tpu.memory_space<vmem_shared>>) target_semaphore(%run_scoped3A_120 : memref<!tpu.dma_semaphore, #tpu.memory_space<semaphore_mem>>)
      %dma_wait3A_125 = arith.constant 0 : i32
      %dma_wait3A_126 = tpu.memref_slice %arg12[%add3A_18, %dma_wait3A_125] : memref<10240x16xf32, #tpu.memory_space<vmem_shared>> -> memref<128x16xf32, #tpu.memory_space<vmem_shared>>
      %dma_wait3A_127 = arith.constant 0 : i32
      %dma_wait3A_128 = tpu.memref_slice %arg12[%add3A_18, %dma_wait3A_127] : memref<10240x16xf32, #tpu.memory_space<vmem_shared>> -> memref<128x16xf32, #tpu.memory_space<vmem_shared>>
      tpu.wait_dma2 semaphore(%run_scoped3A_120 : memref<!tpu.dma_semaphore, #tpu.memory_space<semaphore_mem>>) src(%arg10 : memref<128x16xf32, #tpu.memory_space<vmem>>) dst(%dma_wait3A_128 : memref<128x16xf32, #tpu.memory_space<vmem_shared>>)
      tpu.yield
    }) : () -> ()
    %run_scoped3A_19 = arith.constant 0 : i32
    "tpu.region"() ({
      %run_scoped3A_120 = tpu.sem_alloc : memref<!tpu.dma_semaphore, #tpu.memory_space<semaphore_mem>>
      %dma_start3A_121 = arith.constant 0 : i32
      %dma_start3A_122 = arith.constant 0 : i32
      %dma_start3A_123 = tpu.memref_slice %arg9[%run_scoped3A_19, %dma_start3A_121, %dma_start3A_122] : memref<4x128x16xf32, #tpu.memory_space<vmem>> -> memref<1x128x16xf32, #tpu.memory_space<vmem>>
      %dma_start3A_124 = tpu.memref_squeeze %dma_start3A_123 : memref<1x128x16xf32, #tpu.memory_space<vmem>> -> memref<128x16xf32, #tpu.memory_space<vmem>>
      %dma_start3A_125 = arith.constant 0 : i32
      %dma_start3A_126 = tpu.memref_slice %arg2[%add3A_18, %dma_start3A_125] : memref<10240x16xf32, #tpu.memory_space<hbm>> -> memref<128x16xf32, #tpu.memory_space<hbm>>
      %dma_start3A_127 = arith.constant 0 : i32
      %dma_start3A_128 = arith.constant 0 : i32
      %dma_start3A_129 = tpu.memref_slice %arg9[%run_scoped3A_19, %dma_start3A_127, %dma_start3A_128] : memref<4x128x16xf32, #tpu.memory_space<vmem>> -> memref<1x128x16xf32, #tpu.memory_space<vmem>>
      %dma_start3A_130 = tpu.memref_squeeze %dma_start3A_129 : memref<1x128x16xf32, #tpu.memory_space<vmem>> -> memref<128x16xf32, #tpu.memory_space<vmem>>
      %dma_start3A_131 = arith.constant 0 : i32
      %dma_start3A_132 = tpu.memref_slice %arg2[%add3A_18, %dma_start3A_131] : memref<10240x16xf32, #tpu.memory_space<hbm>> -> memref<128x16xf32, #tpu.memory_space<hbm>>
      tpu.enqueue_dma source(%dma_start3A_132 : memref<128x16xf32, #tpu.memory_space<hbm>>) target(%dma_start3A_130 : memref<128x16xf32, #tpu.memory_space<vmem>>) target_semaphore(%run_scoped3A_120 : memref<!tpu.dma_semaphore, #tpu.memory_space<semaphore_mem>>)
      %dma_wait3A_133 = arith.constant 0 : i32
      %dma_wait3A_134 = arith.constant 0 : i32
      %dma_wait3A_135 = tpu.memref_slice %arg9[%run_scoped3A_19, %dma_wait3A_133, %dma_wait3A_134] : memref<4x128x16xf32, #tpu.memory_space<vmem>> -> memref<1x128x16xf32, #tpu.memory_space<vmem>>
      %dma_wait3A_136 = tpu.memref_squeeze %dma_wait3A_135 : memref<1x128x16xf32, #tpu.memory_space<vmem>> -> memref<128x16xf32, #tpu.memory_space<vmem>>
      %dma_wait3A_137 = arith.constant 0 : i32
      %dma_wait3A_138 = tpu.memref_slice %arg2[%add3A_18, %dma_wait3A_137] : memref<10240x16xf32, #tpu.memory_space<hbm>> -> memref<128x16xf32, #tpu.memory_space<hbm>>
      %dma_wait3A_139 = arith.constant 0 : i32
      %dma_wait3A_140 = arith.constant 0 : i32
      %dma_wait3A_141 = tpu.memref_slice %arg9[%run_scoped3A_19, %dma_wait3A_139, %dma_wait3A_140] : memref<4x128x16xf32, #tpu.memory_space<vmem>> -> memref<1x128x16xf32, #tpu.memory_space<vmem>>
      %dma_wait3A_142 = tpu.memref_squeeze %dma_wait3A_141 : memref<1x128x16xf32, #tpu.memory_space<vmem>> -> memref<128x16xf32, #tpu.memory_space<vmem>>
      %dma_wait3A_143 = arith.constant 0 : i32
      %dma_wait3A_144 = tpu.memref_slice %arg2[%add3A_18, %dma_wait3A_143] : memref<10240x16xf32, #tpu.memory_space<hbm>> -> memref<128x16xf32, #tpu.memory_space<hbm>>
      tpu.wait_dma2 semaphore(%run_scoped3A_120 : memref<!tpu.dma_semaphore, #tpu.memory_space<semaphore_mem>>) src(%dma_wait3A_144 : memref<128x16xf32, #tpu.memory_space<hbm>>) dst(%dma_wait3A_142 : memref<128x16xf32, #tpu.memory_space<vmem>>)
      tpu.yield
    }) : () -> ()
    %run_scoped3A_20 = arith.constant 0 : i32
    "tpu.region"() ({
      %run_scoped3A_120 = tpu.sem_alloc : memref<!tpu.dma_semaphore, #tpu.memory_space<semaphore_mem>>
      %dma_start3A_121 = arith.constant 0 : i32
      %dma_start3A_122 = arith.constant 0 : i32
      %dma_start3A_123 = tpu.memref_slice %arg9[%run_scoped3A_20, %dma_start3A_121, %dma_start3A_122] : memref<4x128x16xf32, #tpu.memory_space<vmem>> -> memref<1x128x16xf32, #tpu.memory_space<vmem>>
      %dma_start3A_124 = tpu.memref_squeeze %dma_start3A_123 : memref<1x128x16xf32, #tpu.memory_space<vmem>> -> memref<128x16xf32, #tpu.memory_space<vmem>>
      %dma_start3A_125 = arith.constant 0 : i32
      %dma_start3A_126 = tpu.memref_slice %arg11[%add3A_18, %dma_start3A_125] : memref<10240x16xf32, #tpu.memory_space<vmem_shared>> -> memref<128x16xf32, #tpu.memory_space<vmem_shared>>
      %dma_start3A_127 = arith.constant 0 : i32
      %dma_start3A_128 = tpu.memref_slice %arg11[%add3A_18, %dma_start3A_127] : memref<10240x16xf32, #tpu.memory_space<vmem_shared>> -> memref<128x16xf32, #tpu.memory_space<vmem_shared>>
      %dma_start3A_129 = arith.constant 0 : i32
      %dma_start3A_130 = arith.constant 0 : i32
      %dma_start3A_131 = tpu.memref_slice %arg9[%run_scoped3A_20, %dma_start3A_129, %dma_start3A_130] : memref<4x128x16xf32, #tpu.memory_space<vmem>> -> memref<1x128x16xf32, #tpu.memory_space<vmem>>
      %dma_start3A_132 = tpu.memref_squeeze %dma_start3A_131 : memref<1x128x16xf32, #tpu.memory_space<vmem>> -> memref<128x16xf32, #tpu.memory_space<vmem>>
      tpu.enqueue_dma source(%dma_start3A_132 : memref<128x16xf32, #tpu.memory_space<vmem>>) target(%dma_start3A_128 : memref<128x16xf32, #tpu.memory_space<vmem_shared>>) target_semaphore(%run_scoped3A_120 : memref<!tpu.dma_semaphore, #tpu.memory_space<semaphore_mem>>)
      %dma_wait3A_133 = arith.constant 0 : i32
      %dma_wait3A_134 = arith.constant 0 : i32
      %dma_wait3A_135 = tpu.memref_slice %arg9[%run_scoped3A_20, %dma_wait3A_133, %dma_wait3A_134] : memref<4x128x16xf32, #tpu.memory_space<vmem>> -> memref<1x128x16xf32, #tpu.memory_space<vmem>>
      %dma_wait3A_136 = tpu.memref_squeeze %dma_wait3A_135 : memref<1x128x16xf32, #tpu.memory_space<vmem>> -> memref<128x16xf32, #tpu.memory_space<vmem>>
      %dma_wait3A_137 = arith.constant 0 : i32
      %dma_wait3A_138 = tpu.memref_slice %arg11[%add3A_18, %dma_wait3A_137] : memref<10240x16xf32, #tpu.memory_space<vmem_shared>> -> memref<128x16xf32, #tpu.memory_space<vmem_shared>>
      %dma_wait3A_139 = arith.constant 0 : i32
      %dma_wait3A_140 = tpu.memref_slice %arg11[%add3A_18, %dma_wait3A_139] : memref<10240x16xf32, #tpu.memory_space<vmem_shared>> -> memref<128x16xf32, #tpu.memory_space<vmem_shared>>
      %dma_wait3A_141 = arith.constant 0 : i32
      %dma_wait3A_142 = arith.constant 0 : i32
      %dma_wait3A_143 = tpu.memref_slice %arg9[%run_scoped3A_20, %dma_wait3A_141, %dma_wait3A_142] : memref<4x128x16xf32, #tpu.memory_space<vmem>> -> memref<1x128x16xf32, #tpu.memory_space<vmem>>
      %dma_wait3A_144 = tpu.memref_squeeze %dma_wait3A_143 : memref<1x128x16xf32, #tpu.memory_space<vmem>> -> memref<128x16xf32, #tpu.memory_space<vmem>>
      tpu.wait_dma2 semaphore(%run_scoped3A_120 : memref<!tpu.dma_semaphore, #tpu.memory_space<semaphore_mem>>) src(%dma_wait3A_144 : memref<128x16xf32, #tpu.memory_space<vmem>>) dst(%dma_wait3A_140 : memref<128x16xf32, #tpu.memory_space<vmem_shared>>)
      tpu.yield
    }) : () -> ()
    %mul3A_21 = arith.constant 640 : i32
    %mul3A_22 = arith.muli %arg1, %mul3A_21 : i32
    %add3A_23 = arith.constant 512 : i32
    %add3A_24 = arith.addi %mul3A_22, %add3A_23 : i32
    "tpu.region"() ({
      %run_scoped3A_120 = tpu.sem_alloc : memref<!tpu.dma_semaphore, #tpu.memory_space<semaphore_mem>>
      %dma_start3A_121 = arith.constant 0 : i32
      %dma_start3A_122 = tpu.memref_slice %arg12[%add3A_24, %dma_start3A_121] : memref<10240x16xf32, #tpu.memory_space<vmem_shared>> -> memref<128x16xf32, #tpu.memory_space<vmem_shared>>
      %dma_start3A_123 = arith.constant 0 : i32
      %dma_start3A_124 = tpu.memref_slice %arg12[%add3A_24, %dma_start3A_123] : memref<10240x16xf32, #tpu.memory_space<vmem_shared>> -> memref<128x16xf32, #tpu.memory_space<vmem_shared>>
      tpu.enqueue_dma source(%arg10 : memref<128x16xf32, #tpu.memory_space<vmem>>) target(%dma_start3A_124 : memref<128x16xf32, #tpu.memory_space<vmem_shared>>) target_semaphore(%run_scoped3A_120 : memref<!tpu.dma_semaphore, #tpu.memory_space<semaphore_mem>>)
      %dma_wait3A_125 = arith.constant 0 : i32
      %dma_wait3A_126 = tpu.memref_slice %arg12[%add3A_24, %dma_wait3A_125] : memref<10240x16xf32, #tpu.memory_space<vmem_shared>> -> memref<128x16xf32, #tpu.memory_space<vmem_shared>>
      %dma_wait3A_127 = arith.constant 0 : i32
      %dma_wait3A_128 = tpu.memref_slice %arg12[%add3A_24, %dma_wait3A_127] : memref<10240x16xf32, #tpu.memory_space<vmem_shared>> -> memref<128x16xf32, #tpu.memory_space<vmem_shared>>
      tpu.wait_dma2 semaphore(%run_scoped3A_120 : memref<!tpu.dma_semaphore, #tpu.memory_space<semaphore_mem>>) src(%arg10 : memref<128x16xf32, #tpu.memory_space<vmem>>) dst(%dma_wait3A_128 : memref<128x16xf32, #tpu.memory_space<vmem_shared>>)
      tpu.yield
    }) : () -> ()
    %run_scoped3A_25 = arith.constant 0 : i32
    "tpu.region"() ({
      %run_scoped3A_120 = tpu.sem_alloc : memref<!tpu.dma_semaphore, #tpu.memory_space<semaphore_mem>>
      %dma_start3A_121 = arith.constant 0 : i32
      %dma_start3A_122 = arith.constant 0 : i32
      %dma_start3A_123 = tpu.memref_slice %arg9[%run_scoped3A_25, %dma_start3A_121, %dma_start3A_122] : memref<4x128x16xf32, #tpu.memory_space<vmem>> -> memref<1x128x16xf32, #tpu.memory_space<vmem>>
      %dma_start3A_124 = tpu.memref_squeeze %dma_start3A_123 : memref<1x128x16xf32, #tpu.memory_space<vmem>> -> memref<128x16xf32, #tpu.memory_space<vmem>>
      %dma_start3A_125 = arith.constant 0 : i32
      %dma_start3A_126 = tpu.memref_slice %arg2[%add3A_24, %dma_start3A_125] : memref<10240x16xf32, #tpu.memory_space<hbm>> -> memref<128x16xf32, #tpu.memory_space<hbm>>
      %dma_start3A_127 = arith.constant 0 : i32
      %dma_start3A_128 = arith.constant 0 : i32
      %dma_start3A_129 = tpu.memref_slice %arg9[%run_scoped3A_25, %dma_start3A_127, %dma_start3A_128] : memref<4x128x16xf32, #tpu.memory_space<vmem>> -> memref<1x128x16xf32, #tpu.memory_space<vmem>>
      %dma_start3A_130 = tpu.memref_squeeze %dma_start3A_129 : memref<1x128x16xf32, #tpu.memory_space<vmem>> -> memref<128x16xf32, #tpu.memory_space<vmem>>
      %dma_start3A_131 = arith.constant 0 : i32
      %dma_start3A_132 = tpu.memref_slice %arg2[%add3A_24, %dma_start3A_131] : memref<10240x16xf32, #tpu.memory_space<hbm>> -> memref<128x16xf32, #tpu.memory_space<hbm>>
      tpu.enqueue_dma source(%dma_start3A_132 : memref<128x16xf32, #tpu.memory_space<hbm>>) target(%dma_start3A_130 : memref<128x16xf32, #tpu.memory_space<vmem>>) target_semaphore(%run_scoped3A_120 : memref<!tpu.dma_semaphore, #tpu.memory_space<semaphore_mem>>)
      %dma_wait3A_133 = arith.constant 0 : i32
      %dma_wait3A_134 = arith.constant 0 : i32
      %dma_wait3A_135 = tpu.memref_slice %arg9[%run_scoped3A_25, %dma_wait3A_133, %dma_wait3A_134] : memref<4x128x16xf32, #tpu.memory_space<vmem>> -> memref<1x128x16xf32, #tpu.memory_space<vmem>>
      %dma_wait3A_136 = tpu.memref_squeeze %dma_wait3A_135 : memref<1x128x16xf32, #tpu.memory_space<vmem>> -> memref<128x16xf32, #tpu.memory_space<vmem>>
      %dma_wait3A_137 = arith.constant 0 : i32
      %dma_wait3A_138 = tpu.memref_slice %arg2[%add3A_24, %dma_wait3A_137] : memref<10240x16xf32, #tpu.memory_space<hbm>> -> memref<128x16xf32, #tpu.memory_space<hbm>>
      %dma_wait3A_139 = arith.constant 0 : i32
      %dma_wait3A_140 = arith.constant 0 : i32
      %dma_wait3A_141 = tpu.memref_slice %arg9[%run_scoped3A_25, %dma_wait3A_139, %dma_wait3A_140] : memref<4x128x16xf32, #tpu.memory_space<vmem>> -> memref<1x128x16xf32, #tpu.memory_space<vmem>>
      %dma_wait3A_142 = tpu.memref_squeeze %dma_wait3A_141 : memref<1x128x16xf32, #tpu.memory_space<vmem>> -> memref<128x16xf32, #tpu.memory_space<vmem>>
      %dma_wait3A_143 = arith.constant 0 : i32
      %dma_wait3A_144 = tpu.memref_slice %arg2[%add3A_24, %dma_wait3A_143] : memref<10240x16xf32, #tpu.memory_space<hbm>> -> memref<128x16xf32, #tpu.memory_space<hbm>>
      tpu.wait_dma2 semaphore(%run_scoped3A_120 : memref<!tpu.dma_semaphore, #tpu.memory_space<semaphore_mem>>) src(%dma_wait3A_144 : memref<128x16xf32, #tpu.memory_space<hbm>>) dst(%dma_wait3A_142 : memref<128x16xf32, #tpu.memory_space<vmem>>)
      tpu.yield
    }) : () -> ()
    %run_scoped3A_26 = arith.constant 0 : i32
    "tpu.region"() ({
      %run_scoped3A_120 = tpu.sem_alloc : memref<!tpu.dma_semaphore, #tpu.memory_space<semaphore_mem>>
      %dma_start3A_121 = arith.constant 0 : i32
      %dma_start3A_122 = arith.constant 0 : i32
      %dma_start3A_123 = tpu.memref_slice %arg9[%run_scoped3A_26, %dma_start3A_121, %dma_start3A_122] : memref<4x128x16xf32, #tpu.memory_space<vmem>> -> memref<1x128x16xf32, #tpu.memory_space<vmem>>
      %dma_start3A_124 = tpu.memref_squeeze %dma_start3A_123 : memref<1x128x16xf32, #tpu.memory_space<vmem>> -> memref<128x16xf32, #tpu.memory_space<vmem>>
      %dma_start3A_125 = arith.constant 0 : i32
      %dma_start3A_126 = tpu.memref_slice %arg11[%add3A_24, %dma_start3A_125] : memref<10240x16xf32, #tpu.memory_space<vmem_shared>> -> memref<128x16xf32, #tpu.memory_space<vmem_shared>>
      %dma_start3A_127 = arith.constant 0 : i32
      %dma_start3A_128 = tpu.memref_slice %arg11[%add3A_24, %dma_start3A_127] : memref<10240x16xf32, #tpu.memory_space<vmem_shared>> -> memref<128x16xf32, #tpu.memory_space<vmem_shared>>
      %dma_start3A_129 = arith.constant 0 : i32
      %dma_start3A_130 = arith.constant 0 : i32
      %dma_start3A_131 = tpu.memref_slice %arg9[%run_scoped3A_26, %dma_start3A_129, %dma_start3A_130] : memref<4x128x16xf32, #tpu.memory_space<vmem>> -> memref<1x128x16xf32, #tpu.memory_space<vmem>>
      %dma_start3A_132 = tpu.memref_squeeze %dma_start3A_131 : memref<1x128x16xf32, #tpu.memory_space<vmem>> -> memref<128x16xf32, #tpu.memory_space<vmem>>
      tpu.enqueue_dma source(%dma_start3A_132 : memref<128x16xf32, #tpu.memory_space<vmem>>) target(%dma_start3A_128 : memref<128x16xf32, #tpu.memory_space<vmem_shared>>) target_semaphore(%run_scoped3A_120 : memref<!tpu.dma_semaphore, #tpu.memory_space<semaphore_mem>>)
      %dma_wait3A_133 = arith.constant 0 : i32
      %dma_wait3A_134 = arith.constant 0 : i32
      %dma_wait3A_135 = tpu.memref_slice %arg9[%run_scoped3A_26, %dma_wait3A_133, %dma_wait3A_134] : memref<4x128x16xf32, #tpu.memory_space<vmem>> -> memref<1x128x16xf32, #tpu.memory_space<vmem>>
      %dma_wait3A_136 = tpu.memref_squeeze %dma_wait3A_135 : memref<1x128x16xf32, #tpu.memory_space<vmem>> -> memref<128x16xf32, #tpu.memory_space<vmem>>
      %dma_wait3A_137 = arith.constant 0 : i32
      %dma_wait3A_138 = tpu.memref_slice %arg11[%add3A_24, %dma_wait3A_137] : memref<10240x16xf32, #tpu.memory_space<vmem_shared>> -> memref<128x16xf32, #tpu.memory_space<vmem_shared>>
      %dma_wait3A_139 = arith.constant 0 : i32
      %dma_wait3A_140 = tpu.memref_slice %arg11[%add3A_24, %dma_wait3A_139] : memref<10240x16xf32, #tpu.memory_space<vmem_shared>> -> memref<128x16xf32, #tpu.memory_space<vmem_shared>>
      %dma_wait3A_141 = arith.constant 0 : i32
      %dma_wait3A_142 = arith.constant 0 : i32
      %dma_wait3A_143 = tpu.memref_slice %arg9[%run_scoped3A_26, %dma_wait3A_141, %dma_wait3A_142] : memref<4x128x16xf32, #tpu.memory_space<vmem>> -> memref<1x128x16xf32, #tpu.memory_space<vmem>>
      %dma_wait3A_144 = tpu.memref_squeeze %dma_wait3A_143 : memref<1x128x16xf32, #tpu.memory_space<vmem>> -> memref<128x16xf32, #tpu.memory_space<vmem>>
      tpu.wait_dma2 semaphore(%run_scoped3A_120 : memref<!tpu.dma_semaphore, #tpu.memory_space<semaphore_mem>>) src(%dma_wait3A_144 : memref<128x16xf32, #tpu.memory_space<vmem>>) dst(%dma_wait3A_140 : memref<128x16xf32, #tpu.memory_space<vmem_shared>>)
      tpu.yield
    }) : () -> ()
    %mul3A_27 = arith.constant 16 : i32
    %mul3A_28 = arith.muli %arg0, %mul3A_27 : i32
    %add3A_29 = arith.addi %mul3A_28, %arg1 : i32
    "tpu.region"() ({
      %run_scoped3A_120 = tpu.sem_alloc : memref<!tpu.dma_semaphore, #tpu.memory_space<semaphore_mem>>
      %dma_start3A_121 = arith.constant 0 : i32
      %dma_start3A_122 = arith.constant 0 : i32
      %dma_start3A_123 = tpu.memref_slice %arg6[%dma_start3A_121, %dma_start3A_122] : memref<80x128xi32, #tpu.memory_space<vmem>> -> memref<80x128xi32, #tpu.memory_space<vmem>>
      %dma_start3A_124 = arith.constant 0 : i32
      %dma_start3A_125 = arith.constant 0 : i32
      %dma_start3A_126 = tpu.memref_slice %arg3[%add3A_29, %dma_start3A_124, %dma_start3A_125] : memref<32x80x128xi32, #tpu.memory_space<hbm>> -> memref<1x80x128xi32, #tpu.memory_space<hbm>>
      %dma_start3A_127 = tpu.memref_squeeze %dma_start3A_126 : memref<1x80x128xi32, #tpu.memory_space<hbm>> -> memref<80x128xi32, #tpu.memory_space<hbm>>
      %dma_start3A_128 = arith.constant 0 : i32
      %dma_start3A_129 = arith.constant 0 : i32
      %dma_start3A_130 = tpu.memref_slice %arg6[%dma_start3A_128, %dma_start3A_129] : memref<80x128xi32, #tpu.memory_space<vmem>> -> memref<80x128xi32, #tpu.memory_space<vmem>>
      %dma_start3A_131 = arith.constant 0 : i32
      %dma_start3A_132 = arith.constant 0 : i32
      %dma_start3A_133 = tpu.memref_slice %arg3[%add3A_29, %dma_start3A_131, %dma_start3A_132] : memref<32x80x128xi32, #tpu.memory_space<hbm>> -> memref<1x80x128xi32, #tpu.memory_space<hbm>>
      %dma_start3A_134 = tpu.memref_squeeze %dma_start3A_133 : memref<1x80x128xi32, #tpu.memory_space<hbm>> -> memref<80x128xi32, #tpu.memory_space<hbm>>
      tpu.enqueue_dma source(%dma_start3A_134 : memref<80x128xi32, #tpu.memory_space<hbm>>) target(%dma_start3A_130 : memref<80x128xi32, #tpu.memory_space<vmem>>) target_semaphore(%run_scoped3A_120 : memref<!tpu.dma_semaphore, #tpu.memory_space<semaphore_mem>>)
      %dma_wait3A_135 = arith.constant 0 : i32
      %dma_wait3A_136 = arith.constant 0 : i32
      %dma_wait3A_137 = tpu.memref_slice %arg6[%dma_wait3A_135, %dma_wait3A_136] : memref<80x128xi32, #tpu.memory_space<vmem>> -> memref<80x128xi32, #tpu.memory_space<vmem>>
      %dma_wait3A_138 = arith.constant 0 : i32
      %dma_wait3A_139 = arith.constant 0 : i32
      %dma_wait3A_140 = tpu.memref_slice %arg3[%add3A_29, %dma_wait3A_138, %dma_wait3A_139] : memref<32x80x128xi32, #tpu.memory_space<hbm>> -> memref<1x80x128xi32, #tpu.memory_space<hbm>>
      %dma_wait3A_141 = tpu.memref_squeeze %dma_wait3A_140 : memref<1x80x128xi32, #tpu.memory_space<hbm>> -> memref<80x128xi32, #tpu.memory_space<hbm>>
      %dma_wait3A_142 = arith.constant 0 : i32
      %dma_wait3A_143 = arith.constant 0 : i32
      %dma_wait3A_144 = tpu.memref_slice %arg6[%dma_wait3A_142, %dma_wait3A_143] : memref<80x128xi32, #tpu.memory_space<vmem>> -> memref<80x128xi32, #tpu.memory_space<vmem>>
      %dma_wait3A_145 = arith.constant 0 : i32
      %dma_wait3A_146 = arith.constant 0 : i32
      %dma_wait3A_147 = tpu.memref_slice %arg3[%add3A_29, %dma_wait3A_145, %dma_wait3A_146] : memref<32x80x128xi32, #tpu.memory_space<hbm>> -> memref<1x80x128xi32, #tpu.memory_space<hbm>>
      %dma_wait3A_148 = tpu.memref_squeeze %dma_wait3A_147 : memref<1x80x128xi32, #tpu.memory_space<hbm>> -> memref<80x128xi32, #tpu.memory_space<hbm>>
      tpu.wait_dma2 semaphore(%run_scoped3A_120 : memref<!tpu.dma_semaphore, #tpu.memory_space<semaphore_mem>>) src(%dma_wait3A_148 : memref<80x128xi32, #tpu.memory_space<hbm>>) dst(%dma_wait3A_144 : memref<80x128xi32, #tpu.memory_space<vmem>>)
      tpu.yield
    }) : () -> ()
    %scan3A = arith.constant 0 : i32
    %scan3A_30 = arith.constant 0 : i32
    %scan3A_31 = arith.constant 80 : i32
    %scan3A_32 = arith.addi %scan3A_30, %scan3A_31 : i32
    %scan3A_33 = arith.constant 1 : i32
    scf.for %scan3A_120 = %scan3A_30 to %scan3A_32 step %scan3A_33  : i32 {
      %get3A = arith.index_cast %scan3A_120 : i32 to index
      %get3A_121 = arith.constant 0 : index
      %get3A_122 = tpu.vector_load %arg6[%get3A, %get3A_121] {strides = array<i32>} : memref<80x128xi32, #tpu.memory_space<vmem>>, vector<1x16xi32>,
      %get3A_123 = vector.shape_cast %get3A_122 : vector<1x16xi32> to vector<16xi32>
      %and3A = arith.constant 16383 : i32
      %and3A_124 = vector.broadcast %and3A : i32 to vector<16xi32>
      %and3A_125 = arith.andi %get3A_123, %and3A_124 : vector<16xi32>
      %swap3A = arith.index_cast %scan3A_120 : i32 to index
      %swap3A_126 = arith.constant 0 : index
      %swap3A_127 = tpu.vector_load %arg7[%swap3A, %swap3A_126] {strides = array<i32>} : memref<80x128xi32, #tpu.memory_space<vmem>>, vector<1x16xi32>,
      %swap3A_128 = vector.shape_cast %swap3A_127 : vector<1x16xi32> to vector<16xi32>
      %swap3A_129 = vector.shape_cast %and3A_125 : vector<16xi32> to vector<1x16xi32>
      tpu.vector_store %arg7[%swap3A, %swap3A_126], %swap3A_129 {strides = array<i32>} : memref<80x128xi32, #tpu.memory_space<vmem>>, vector<1x16xi32>,
      %shift_right_logical3A = arith.constant 14 : i32
      %shift_right_logical3A_130 = vector.broadcast %shift_right_logical3A : i32 to vector<16xi32>
      %shift_right_logical3A_131 = arith.shrui %get3A_123, %shift_right_logical3A_130 : vector<16xi32>
      %swap3A_132 = arith.index_cast %scan3A_120 : i32 to index
      %swap3A_133 = arith.constant 0 : index
      %swap3A_134 = tpu.vector_load %arg8[%swap3A_132, %swap3A_133] {strides = array<i32>} : memref<80x128xi32, #tpu.memory_space<vmem>>, vector<1x16xi32>,
      %swap3A_135 = vector.shape_cast %swap3A_134 : vector<1x16xi32> to vector<16xi32>
      %swap3A_136 = vector.shape_cast %shift_right_logical3A_131 : vector<16xi32> to vector<1x16xi32>
      tpu.vector_store %arg8[%swap3A_132, %swap3A_133], %swap3A_136 {strides = array<i32>} : memref<80x128xi32, #tpu.memory_space<vmem>>, vector<1x16xi32>,
      %get3A_137 = arith.index_cast %scan3A_120 : i32 to index
      %get3A_138 = arith.constant 16 : index
      %get3A_139 = tpu.vector_load %arg6[%get3A_137, %get3A_138] {strides = array<i32>} : memref<80x128xi32, #tpu.memory_space<vmem>>, vector<1x16xi32>,
      %get3A_140 = vector.shape_cast %get3A_139 : vector<1x16xi32> to vector<16xi32>
      %and3A_141 = arith.constant 16383 : i32
      %and3A_142 = vector.broadcast %and3A_141 : i32 to vector<16xi32>
      %and3A_143 = arith.andi %get3A_140, %and3A_142 : vector<16xi32>
      %swap3A_144 = arith.index_cast %scan3A_120 : i32 to index
      %swap3A_145 = arith.constant 16 : index
      %swap3A_146 = tpu.vector_load %arg7[%swap3A_144, %swap3A_145] {strides = array<i32>} : memref<80x128xi32, #tpu.memory_space<vmem>>, vector<1x16xi32>,
      %swap3A_147 = vector.shape_cast %swap3A_146 : vector<1x16xi32> to vector<16xi32>
      %swap3A_148 = vector.shape_cast %and3A_143 : vector<16xi32> to vector<1x16xi32>
      tpu.vector_store %arg7[%swap3A_144, %swap3A_145], %swap3A_148 {strides = array<i32>} : memref<80x128xi32, #tpu.memory_space<vmem>>, vector<1x16xi32>,
      %shift_right_logical3A_149 = arith.constant 14 : i32
      %shift_right_logical3A_150 = vector.broadcast %shift_right_logical3A_149 : i32 to vector<16xi32>
      %shift_right_logical3A_151 = arith.shrui %get3A_140, %shift_right_logical3A_150 : vector<16xi32>
      %swap3A_152 = arith.index_cast %scan3A_120 : i32 to index
      %swap3A_153 = arith.constant 16 : index
      %swap3A_154 = tpu.vector_load %arg8[%swap3A_152, %swap3A_153] {strides = array<i32>} : memref<80x128xi32, #tpu.memory_space<vmem>>, vector<1x16xi32>,
      %swap3A_155 = vector.shape_cast %swap3A_154 : vector<1x16xi32> to vector<16xi32>
      %swap3A_156 = vector.shape_cast %shift_right_logical3A_151 : vector<16xi32> to vector<1x16xi32>
      tpu.vector_store %arg8[%swap3A_152, %swap3A_153], %swap3A_156 {strides = array<i32>} : memref<80x128xi32, #tpu.memory_space<vmem>>, vector<1x16xi32>,
      %get3A_157 = arith.index_cast %scan3A_120 : i32 to index
      %get3A_158 = arith.constant 32 : index
      %get3A_159 = tpu.vector_load %arg6[%get3A_157, %get3A_158] {strides = array<i32>} : memref<80x128xi32, #tpu.memory_space<vmem>>, vector<1x16xi32>,
      %get3A_160 = vector.shape_cast %get3A_159 : vector<1x16xi32> to vector<16xi32>
      %and3A_161 = arith.constant 16383 : i32
      %and3A_162 = vector.broadcast %and3A_161 : i32 to vector<16xi32>
      %and3A_163 = arith.andi %get3A_160, %and3A_162 : vector<16xi32>
      %swap3A_164 = arith.index_cast %scan3A_120 : i32 to index
      %swap3A_165 = arith.constant 32 : index
      %swap3A_166 = tpu.vector_load %arg7[%swap3A_164, %swap3A_165] {strides = array<i32>} : memref<80x128xi32, #tpu.memory_space<vmem>>, vector<1x16xi32>,
      %swap3A_167 = vector.shape_cast %swap3A_166 : vector<1x16xi32> to vector<16xi32>
      %swap3A_168 = vector.shape_cast %and3A_163 : vector<16xi32> to vector<1x16xi32>
      tpu.vector_store %arg7[%swap3A_164, %swap3A_165], %swap3A_168 {strides = array<i32>} : memref<80x128xi32, #tpu.memory_space<vmem>>, vector<1x16xi32>,
      %shift_right_logical3A_169 = arith.constant 14 : i32
      %shift_right_logical3A_170 = vector.broadcast %shift_right_logical3A_169 : i32 to vector<16xi32>
      %shift_right_logical3A_171 = arith.shrui %get3A_160, %shift_right_logical3A_170 : vector<16xi32>
      %swap3A_172 = arith.index_cast %scan3A_120 : i32 to index
      %swap3A_173 = arith.constant 32 : index
      %swap3A_174 = tpu.vector_load %arg8[%swap3A_172, %swap3A_173] {strides = array<i32>} : memref<80x128xi32, #tpu.memory_space<vmem>>, vector<1x16xi32>,
      %swap3A_175 = vector.shape_cast %swap3A_174 : vector<1x16xi32> to vector<16xi32>
      %swap3A_176 = vector.shape_cast %shift_right_logical3A_171 : vector<16xi32> to vector<1x16xi32>
      tpu.vector_store %arg8[%swap3A_172, %swap3A_173], %swap3A_176 {strides = array<i32>} : memref<80x128xi32, #tpu.memory_space<vmem>>, vector<1x16xi32>,
      %get3A_177 = arith.index_cast %scan3A_120 : i32 to index
      %get3A_178 = arith.constant 48 : index
      %get3A_179 = tpu.vector_load %arg6[%get3A_177, %get3A_178] {strides = array<i32>} : memref<80x128xi32, #tpu.memory_space<vmem>>, vector<1x16xi32>,
      %get3A_180 = vector.shape_cast %get3A_179 : vector<1x16xi32> to vector<16xi32>
      %and3A_181 = arith.constant 16383 : i32
      %and3A_182 = vector.broadcast %and3A_181 : i32 to vector<16xi32>
      %and3A_183 = arith.andi %get3A_180, %and3A_182 : vector<16xi32>
      %swap3A_184 = arith.index_cast %scan3A_120 : i32 to index
      %swap3A_185 = arith.constant 48 : index
      %swap3A_186 = tpu.vector_load %arg7[%swap3A_184, %swap3A_185] {strides = array<i32>} : memref<80x128xi32, #tpu.memory_space<vmem>>, vector<1x16xi32>,
      %swap3A_187 = vector.shape_cast %swap3A_186 : vector<1x16xi32> to vector<16xi32>
      %swap3A_188 = vector.shape_cast %and3A_183 : vector<16xi32> to vector<1x16xi32>
      tpu.vector_store %arg7[%swap3A_184, %swap3A_185], %swap3A_188 {strides = array<i32>} : memref<80x128xi32, #tpu.memory_space<vmem>>, vector<1x16xi32>,
      %shift_right_logical3A_189 = arith.constant 14 : i32
      %shift_right_logical3A_190 = vector.broadcast %shift_right_logical3A_189 : i32 to vector<16xi32>
      %shift_right_logical3A_191 = arith.shrui %get3A_180, %shift_right_logical3A_190 : vector<16xi32>
      %swap3A_192 = arith.index_cast %scan3A_120 : i32 to index
      %swap3A_193 = arith.constant 48 : index
      %swap3A_194 = tpu.vector_load %arg8[%swap3A_192, %swap3A_193] {strides = array<i32>} : memref<80x128xi32, #tpu.memory_space<vmem>>, vector<1x16xi32>,
      %swap3A_195 = vector.shape_cast %swap3A_194 : vector<1x16xi32> to vector<16xi32>
      %swap3A_196 = vector.shape_cast %shift_right_logical3A_191 : vector<16xi32> to vector<1x16xi32>
      tpu.vector_store %arg8[%swap3A_192, %swap3A_193], %swap3A_196 {strides = array<i32>} : memref<80x128xi32, #tpu.memory_space<vmem>>, vector<1x16xi32>,
      %get3A_197 = arith.index_cast %scan3A_120 : i32 to index
      %get3A_198 = arith.constant 64 : index
      %get3A_199 = tpu.vector_load %arg6[%get3A_197, %get3A_198] {strides = array<i32>} : memref<80x128xi32, #tpu.memory_space<vmem>>, vector<1x16xi32>,
      %get3A_200 = vector.shape_cast %get3A_199 : vector<1x16xi32> to vector<16xi32>
      %and3A_201 = arith.constant 16383 : i32
      %and3A_202 = vector.broadcast %and3A_201 : i32 to vector<16xi32>
      %and3A_203 = arith.andi %get3A_200, %and3A_202 : vector<16xi32>
      %swap3A_204 = arith.index_cast %scan3A_120 : i32 to index
      %swap3A_205 = arith.constant 64 : index
      %swap3A_206 = tpu.vector_load %arg7[%swap3A_204, %swap3A_205] {strides = array<i32>} : memref<80x128xi32, #tpu.memory_space<vmem>>, vector<1x16xi32>,
      %swap3A_207 = vector.shape_cast %swap3A_206 : vector<1x16xi32> to vector<16xi32>
      %swap3A_208 = vector.shape_cast %and3A_203 : vector<16xi32> to vector<1x16xi32>
      tpu.vector_store %arg7[%swap3A_204, %swap3A_205], %swap3A_208 {strides = array<i32>} : memref<80x128xi32, #tpu.memory_space<vmem>>, vector<1x16xi32>,
      %shift_right_logical3A_209 = arith.constant 14 : i32
      %shift_right_logical3A_210 = vector.broadcast %shift_right_logical3A_209 : i32 to vector<16xi32>
      %shift_right_logical3A_211 = arith.shrui %get3A_200, %shift_right_logical3A_210 : vector<16xi32>
      %swap3A_212 = arith.index_cast %scan3A_120 : i32 to index
      %swap3A_213 = arith.constant 64 : index
      %swap3A_214 = tpu.vector_load %arg8[%swap3A_212, %swap3A_213] {strides = array<i32>} : memref<80x128xi32, #tpu.memory_space<vmem>>, vector<1x16xi32>,
      %swap3A_215 = vector.shape_cast %swap3A_214 : vector<1x16xi32> to vector<16xi32>
      %swap3A_216 = vector.shape_cast %shift_right_logical3A_211 : vector<16xi32> to vector<1x16xi32>
      tpu.vector_store %arg8[%swap3A_212, %swap3A_213], %swap3A_216 {strides = array<i32>} : memref<80x128xi32, #tpu.memory_space<vmem>>, vector<1x16xi32>,
      %get3A_217 = arith.index_cast %scan3A_120 : i32 to index
      %get3A_218 = arith.constant 80 : index
      %get3A_219 = tpu.vector_load %arg6[%get3A_217, %get3A_218] {strides = array<i32>} : memref<80x128xi32, #tpu.memory_space<vmem>>, vector<1x16xi32>,
      %get3A_220 = vector.shape_cast %get3A_219 : vector<1x16xi32> to vector<16xi32>
      %and3A_221 = arith.constant 16383 : i32
      %and3A_222 = vector.broadcast %and3A_221 : i32 to vector<16xi32>
      %and3A_223 = arith.andi %get3A_220, %and3A_222 : vector<16xi32>
      %swap3A_224 = arith.index_cast %scan3A_120 : i32 to index
      %swap3A_225 = arith.constant 80 : index
      %swap3A_226 = tpu.vector_load %arg7[%swap3A_224, %swap3A_225] {strides = array<i32>} : memref<80x128xi32, #tpu.memory_space<vmem>>, vector<1x16xi32>,
      %swap3A_227 = vector.shape_cast %swap3A_226 : vector<1x16xi32> to vector<16xi32>
      %swap3A_228 = vector.shape_cast %and3A_223 : vector<16xi32> to vector<1x16xi32>
      tpu.vector_store %arg7[%swap3A_224, %swap3A_225], %swap3A_228 {strides = array<i32>} : memref<80x128xi32, #tpu.memory_space<vmem>>, vector<1x16xi32>,
      %shift_right_logical3A_229 = arith.constant 14 : i32
      %shift_right_logical3A_230 = vector.broadcast %shift_right_logical3A_229 : i32 to vector<16xi32>
      %shift_right_logical3A_231 = arith.shrui %get3A_220, %shift_right_logical3A_230 : vector<16xi32>
      %swap3A_232 = arith.index_cast %scan3A_120 : i32 to index
      %swap3A_233 = arith.constant 80 : index
      %swap3A_234 = tpu.vector_load %arg8[%swap3A_232, %swap3A_233] {strides = array<i32>} : memref<80x128xi32, #tpu.memory_space<vmem>>, vector<1x16xi32>,
      %swap3A_235 = vector.shape_cast %swap3A_234 : vector<1x16xi32> to vector<16xi32>
      %swap3A_236 = vector.shape_cast %shift_right_logical3A_231 : vector<16xi32> to vector<1x16xi32>
      tpu.vector_store %arg8[%swap3A_232, %swap3A_233], %swap3A_236 {strides = array<i32>} : memref<80x128xi32, #tpu.memory_space<vmem>>, vector<1x16xi32>,
      %get3A_237 = arith.index_cast %scan3A_120 : i32 to index
      %get3A_238 = arith.constant 96 : index
      %get3A_239 = tpu.vector_load %arg6[%get3A_237, %get3A_238] {strides = array<i32>} : memref<80x128xi32, #tpu.memory_space<vmem>>, vector<1x16xi32>,
      %get3A_240 = vector.shape_cast %get3A_239 : vector<1x16xi32> to vector<16xi32>
      %and3A_241 = arith.constant 16383 : i32
      %and3A_242 = vector.broadcast %and3A_241 : i32 to vector<16xi32>
      %and3A_243 = arith.andi %get3A_240, %and3A_242 : vector<16xi32>
      %swap3A_244 = arith.index_cast %scan3A_120 : i32 to index
      %swap3A_245 = arith.constant 96 : index
      %swap3A_246 = tpu.vector_load %arg7[%swap3A_244, %swap3A_245] {strides = array<i32>} : memref<80x128xi32, #tpu.memory_space<vmem>>, vector<1x16xi32>,
      %swap3A_247 = vector.shape_cast %swap3A_246 : vector<1x16xi32> to vector<16xi32>
      %swap3A_248 = vector.shape_cast %and3A_243 : vector<16xi32> to vector<1x16xi32>
      tpu.vector_store %arg7[%swap3A_244, %swap3A_245], %swap3A_248 {strides = array<i32>} : memref<80x128xi32, #tpu.memory_space<vmem>>, vector<1x16xi32>,
      %shift_right_logical3A_249 = arith.constant 14 : i32
      %shift_right_logical3A_250 = vector.broadcast %shift_right_logical3A_249 : i32 to vector<16xi32>
      %shift_right_logical3A_251 = arith.shrui %get3A_240, %shift_right_logical3A_250 : vector<16xi32>
      %swap3A_252 = arith.index_cast %scan3A_120 : i32 to index
      %swap3A_253 = arith.constant 96 : index
      %swap3A_254 = tpu.vector_load %arg8[%swap3A_252, %swap3A_253] {strides = array<i32>} : memref<80x128xi32, #tpu.memory_space<vmem>>, vector<1x16xi32>,
      %swap3A_255 = vector.shape_cast %swap3A_254 : vector<1x16xi32> to vector<16xi32>
      %swap3A_256 = vector.shape_cast %shift_right_logical3A_251 : vector<16xi32> to vector<1x16xi32>
      tpu.vector_store %arg8[%swap3A_252, %swap3A_253], %swap3A_256 {strides = array<i32>} : memref<80x128xi32, #tpu.memory_space<vmem>>, vector<1x16xi32>,
      %get3A_257 = arith.index_cast %scan3A_120 : i32 to index
      %get3A_258 = arith.constant 112 : index
      %get3A_259 = tpu.vector_load %arg6[%get3A_257, %get3A_258] {strides = array<i32>} : memref<80x128xi32, #tpu.memory_space<vmem>>, vector<1x16xi32>,
      %get3A_260 = vector.shape_cast %get3A_259 : vector<1x16xi32> to vector<16xi32>
      %and3A_261 = arith.constant 16383 : i32
      %and3A_262 = vector.broadcast %and3A_261 : i32 to vector<16xi32>
      %and3A_263 = arith.andi %get3A_260, %and3A_262 : vector<16xi32>
      %swap3A_264 = arith.index_cast %scan3A_120 : i32 to index
      %swap3A_265 = arith.constant 112 : index
      %swap3A_266 = tpu.vector_load %arg7[%swap3A_264, %swap3A_265] {strides = array<i32>} : memref<80x128xi32, #tpu.memory_space<vmem>>, vector<1x16xi32>,
      %swap3A_267 = vector.shape_cast %swap3A_266 : vector<1x16xi32> to vector<16xi32>
      %swap3A_268 = vector.shape_cast %and3A_263 : vector<16xi32> to vector<1x16xi32>
      tpu.vector_store %arg7[%swap3A_264, %swap3A_265], %swap3A_268 {strides = array<i32>} : memref<80x128xi32, #tpu.memory_space<vmem>>, vector<1x16xi32>,
      %shift_right_logical3A_269 = arith.constant 14 : i32
      %shift_right_logical3A_270 = vector.broadcast %shift_right_logical3A_269 : i32 to vector<16xi32>
      %shift_right_logical3A_271 = arith.shrui %get3A_260, %shift_right_logical3A_270 : vector<16xi32>
      %swap3A_272 = arith.index_cast %scan3A_120 : i32 to index
      %swap3A_273 = arith.constant 112 : index
      %swap3A_274 = tpu.vector_load %arg8[%swap3A_272, %swap3A_273] {strides = array<i32>} : memref<80x128xi32, #tpu.memory_space<vmem>>, vector<1x16xi32>,
      %swap3A_275 = vector.shape_cast %swap3A_274 : vector<1x16xi32> to vector<16xi32>
      %swap3A_276 = vector.shape_cast %shift_right_logical3A_271 : vector<16xi32> to vector<1x16xi32>
      tpu.vector_store %arg8[%swap3A_272, %swap3A_273], %swap3A_276 {strides = array<i32>} : memref<80x128xi32, #tpu.memory_space<vmem>>, vector<1x16xi32>,
    }
    %scan3A_34 = arith.constant 80 : i32
    %barrier3A = arith.constant 0 : index
    tpu.barrier barrier_id(%barrier3A)
    %dma_start3A = arith.constant 0 : i32
    %dma_start3A_35 = arith.constant 0 : i32
    %dma_start3A_36 = arith.constant 0 : i32
    %dma_start3A_37 = arith.constant 0 : i32
    %dma_start3A_38 = arith.constant 0 : i32
    %dma_start3A_39 = tpu.memref_slice %arg9[%dma_start3A_35, %dma_start3A_37, %dma_start3A_38] : memref<4x128x16xf32, #tpu.memory_space<vmem>> -> memref<1x128x16xf32, #tpu.memory_space<vmem>>
    %dma_start3A_40 = tpu.memref_squeeze %dma_start3A_39 : memref<1x128x16xf32, #tpu.memory_space<vmem>> -> memref<128x16xf32, #tpu.memory_space<vmem>>
    %dma_start3A_41 = arith.constant 0 : i32
    %dma_start3A_42 = tpu.memref_slice %arg7[%dma_start3A, %dma_start3A_41] : memref<80x128xi32, #tpu.memory_space<vmem>> -> memref<1x128xi32, #tpu.memory_space<vmem>>
    %dma_start3A_43 = tpu.memref_squeeze %dma_start3A_42 : memref<1x128xi32, #tpu.memory_space<vmem>> -> memref<128xi32, #tpu.memory_space<vmem>>
    %dma_start3A_44 = arith.constant 0 : i32
    %dma_start3A_45 = arith.constant 0 : i32
    %dma_start3A_46 = tpu.memref_slice %arg11[%dma_start3A_44, %dma_start3A_45] : memref<10240x16xf32, #tpu.memory_space<vmem_shared>> -> memref<10240x16xf32, #tpu.memory_space<vmem_shared>>
    %dma_start3A_47 = tpu.memref_slice %arg13[%dma_start3A_36] : memref<4x!tpu.dma_semaphore, #tpu.memory_space<semaphore_mem>> -> memref<1x!tpu.dma_semaphore, #tpu.memory_space<semaphore_mem>>
    %dma_start3A_48 = tpu.memref_squeeze %dma_start3A_47 : memref<1x!tpu.dma_semaphore, #tpu.memory_space<semaphore_mem>> -> memref<!tpu.dma_semaphore, #tpu.memory_space<semaphore_mem>>
    tpu.enqueue_indirect_dma source(%dma_start3A_46 : memref<10240x16xf32, #tpu.memory_space<vmem_shared>>) target(%dma_start3A_40 : memref<128x16xf32, #tpu.memory_space<vmem>>) offsets(%dma_start3A_43 : memref<128xi32, #tpu.memory_space<vmem>>) semaphore(%dma_start3A_48 : memref<!tpu.dma_semaphore, #tpu.memory_space<semaphore_mem>>)
    %dma_start3A_49 = arith.constant 1 : i32
    %dma_start3A_50 = arith.constant 1 : i32
    %dma_start3A_51 = arith.constant 1 : i32
    %dma_start3A_52 = arith.constant 0 : i32
    %dma_start3A_53 = arith.constant 0 : i32
    %dma_start3A_54 = tpu.memref_slice %arg9[%dma_start3A_50, %dma_start3A_52, %dma_start3A_53] : memref<4x128x16xf32, #tpu.memory_space<vmem>> -> memref<1x128x16xf32, #tpu.memory_space<vmem>>
    %dma_start3A_55 = tpu.memref_squeeze %dma_start3A_54 : memref<1x128x16xf32, #tpu.memory_space<vmem>> -> memref<128x16xf32, #tpu.memory_space<vmem>>
    %dma_start3A_56 = arith.constant 0 : i32
    %dma_start3A_57 = tpu.memref_slice %arg7[%dma_start3A_49, %dma_start3A_56] : memref<80x128xi32, #tpu.memory_space<vmem>> -> memref<1x128xi32, #tpu.memory_space<vmem>>
    %dma_start3A_58 = tpu.memref_squeeze %dma_start3A_57 : memref<1x128xi32, #tpu.memory_space<vmem>> -> memref<128xi32, #tpu.memory_space<vmem>>
    %dma_start3A_59 = arith.constant 0 : i32
    %dma_start3A_60 = arith.constant 0 : i32
    %dma_start3A_61 = tpu.memref_slice %arg11[%dma_start3A_59, %dma_start3A_60] : memref<10240x16xf32, #tpu.memory_space<vmem_shared>> -> memref<10240x16xf32, #tpu.memory_space<vmem_shared>>
    %dma_start3A_62 = tpu.memref_slice %arg13[%dma_start3A_51] : memref<4x!tpu.dma_semaphore, #tpu.memory_space<semaphore_mem>> -> memref<1x!tpu.dma_semaphore, #tpu.memory_space<semaphore_mem>>
    %dma_start3A_63 = tpu.memref_squeeze %dma_start3A_62 : memref<1x!tpu.dma_semaphore, #tpu.memory_space<semaphore_mem>> -> memref<!tpu.dma_semaphore, #tpu.memory_space<semaphore_mem>>
    tpu.enqueue_indirect_dma source(%dma_start3A_61 : memref<10240x16xf32, #tpu.memory_space<vmem_shared>>) target(%dma_start3A_55 : memref<128x16xf32, #tpu.memory_space<vmem>>) offsets(%dma_start3A_58 : memref<128xi32, #tpu.memory_space<vmem>>) semaphore(%dma_start3A_63 : memref<!tpu.dma_semaphore, #tpu.memory_space<semaphore_mem>>)
    %scan3A_64 = arith.constant 0 : i32
    %scan3A_65 = arith.constant 0 : i32
    %scan3A_66 = arith.constant 20 : i32
    %scan3A_67 = arith.addi %scan3A_65, %scan3A_66 : i32
    %scan3A_68 = arith.constant 1 : i32
    scf.for %scan3A_120 = %scan3A_65 to %scan3A_67 step %scan3A_68  : i32 {
      %mul3A_121 = arith.constant 4 : i32
      %mul3A_122 = arith.muli %mul3A_121, %scan3A_120 : i32
      %add3A_123 = arith.constant 0 : i32
      %add3A_124 = arith.addi %mul3A_122, %add3A_123 : i32
      %dma_wait3A_125 = arith.constant 0 : i32
      %dma_wait3A_126 = arith.constant 0 : i32
      %dma_wait3A_127 = arith.constant 0 : i32
      %dma_wait3A_128 = arith.constant 0 : i32
      %dma_wait3A_129 = tpu.memref_slice %arg9[%dma_wait3A_125, %dma_wait3A_127, %dma_wait3A_128] : memref<4x128x16xf32, #tpu.memory_space<vmem>> -> memref<1x128x16xf32, #tpu.memory_space<vmem>>
      %dma_wait3A_130 = tpu.memref_squeeze %dma_wait3A_129 : memref<1x128x16xf32, #tpu.memory_space<vmem>> -> memref<128x16xf32, #tpu.memory_space<vmem>>
      %dma_wait3A_131 = arith.constant 0 : i32
      %dma_wait3A_132 = tpu.memref_slice %arg7[%add3A_124, %dma_wait3A_131] : memref<80x128xi32, #tpu.memory_space<vmem>> -> memref<1x128xi32, #tpu.memory_space<vmem>>
      %dma_wait3A_133 = tpu.memref_squeeze %dma_wait3A_132 : memref<1x128xi32, #tpu.memory_space<vmem>> -> memref<128xi32, #tpu.memory_space<vmem>>
      %dma_wait3A_134 = arith.constant 0 : i32
      %dma_wait3A_135 = arith.constant 0 : i32
      %dma_wait3A_136 = tpu.memref_slice %arg11[%dma_wait3A_134, %dma_wait3A_135] : memref<10240x16xf32, #tpu.memory_space<vmem_shared>> -> memref<10240x16xf32, #tpu.memory_space<vmem_shared>>
      %dma_wait3A_137 = tpu.memref_slice %arg13[%dma_wait3A_126] : memref<4x!tpu.dma_semaphore, #tpu.memory_space<semaphore_mem>> -> memref<1x!tpu.dma_semaphore, #tpu.memory_space<semaphore_mem>>
      %dma_wait3A_138 = tpu.memref_squeeze %dma_wait3A_137 : memref<1x!tpu.dma_semaphore, #tpu.memory_space<semaphore_mem>> -> memref<!tpu.dma_semaphore, #tpu.memory_space<semaphore_mem>>
      tpu.wait_indirect_dma semaphore(%dma_wait3A_138 : memref<!tpu.dma_semaphore, #tpu.memory_space<semaphore_mem>>) src(%dma_wait3A_136 : memref<10240x16xf32, #tpu.memory_space<vmem_shared>>) dst(%dma_wait3A_130 : memref<128x16xf32, #tpu.memory_space<vmem>>)
      %dma_start3A_139 = arith.constant 0 : i32
      %dma_start3A_140 = arith.constant 0 : i32
      %dma_start3A_141 = arith.constant 0 : i32
      %dma_start3A_142 = arith.constant 0 : i32
      %dma_start3A_143 = tpu.memref_slice %arg9[%dma_start3A_139, %dma_start3A_141, %dma_start3A_142] : memref<4x128x16xf32, #tpu.memory_space<vmem>> -> memref<1x128x16xf32, #tpu.memory_space<vmem>>
      %dma_start3A_144 = tpu.memref_squeeze %dma_start3A_143 : memref<1x128x16xf32, #tpu.memory_space<vmem>> -> memref<128x16xf32, #tpu.memory_space<vmem>>
      %dma_start3A_145 = arith.constant 0 : i32
      %dma_start3A_146 = tpu.memref_slice %arg8[%add3A_124, %dma_start3A_145] : memref<80x128xi32, #tpu.memory_space<vmem>> -> memref<1x128xi32, #tpu.memory_space<vmem>>
      %dma_start3A_147 = tpu.memref_squeeze %dma_start3A_146 : memref<1x128xi32, #tpu.memory_space<vmem>> -> memref<128xi32, #tpu.memory_space<vmem>>
      %dma_start3A_148 = arith.constant 0 : i32
      %dma_start3A_149 = arith.constant 0 : i32
      %dma_start3A_150 = tpu.memref_slice %arg12[%dma_start3A_148, %dma_start3A_149] : memref<10240x16xf32, #tpu.memory_space<vmem_shared>> -> memref<10240x16xf32, #tpu.memory_space<vmem_shared>>
      %dma_start3A_151 = tpu.memref_slice %arg14[%dma_start3A_140] : memref<4x!tpu.dma_semaphore, #tpu.memory_space<semaphore_mem>> -> memref<1x!tpu.dma_semaphore, #tpu.memory_space<semaphore_mem>>
      %dma_start3A_152 = tpu.memref_squeeze %dma_start3A_151 : memref<1x!tpu.dma_semaphore, #tpu.memory_space<semaphore_mem>> -> memref<!tpu.dma_semaphore, #tpu.memory_space<semaphore_mem>>
      tpu.enqueue_indirect_dma source(%dma_start3A_144 : memref<128x16xf32, #tpu.memory_space<vmem>>) target(%dma_start3A_150 : memref<10240x16xf32, #tpu.memory_space<vmem_shared>>) offsets(%dma_start3A_147 : memref<128xi32, #tpu.memory_space<vmem>>) semaphore(%dma_start3A_152 : memref<!tpu.dma_semaphore, #tpu.memory_space<semaphore_mem>>) {add = true}
      %add3A_153 = arith.constant 2 : i32
      %add3A_154 = arith.addi %add3A_124, %add3A_153 : i32
      %sub3A = arith.constant 4 : i32
      %sub3A_155 = arith.subi %add3A_154, %sub3A : i32
      %ge3A = arith.constant 0 : i32
      %ge3A_156 = arith.cmpi sge, %sub3A_155, %ge3A : i32
      %convert_element_type3A = arith.extui %ge3A_156 : i1 to i32
      %cond3A = arith.constant 0 : i32
      %cond3A_157 = arith.cmpi ne, %convert_element_type3A, %cond3A : i32
      scf.if %cond3A_157 {
        %dma_wait3A_308 = arith.constant 2 : i32
        %dma_wait3A_309 = arith.constant 2 : i32
        %dma_wait3A_310 = arith.constant 0 : i32
        %dma_wait3A_311 = arith.constant 0 : i32
        %dma_wait3A_312 = tpu.memref_slice %arg9[%dma_wait3A_308, %dma_wait3A_310, %dma_wait3A_311] : memref<4x128x16xf32, #tpu.memory_space<vmem>> -> memref<1x128x16xf32, #tpu.memory_space<vmem>>
        %dma_wait3A_313 = tpu.memref_squeeze %dma_wait3A_312 : memref<1x128x16xf32, #tpu.memory_space<vmem>> -> memref<128x16xf32, #tpu.memory_space<vmem>>
        %dma_wait3A_314 = arith.constant 0 : i32
        %dma_wait3A_315 = tpu.memref_slice %arg8[%sub3A_155, %dma_wait3A_314] : memref<80x128xi32, #tpu.memory_space<vmem>> -> memref<1x128xi32, #tpu.memory_space<vmem>>
        %dma_wait3A_316 = tpu.memref_squeeze %dma_wait3A_315 : memref<1x128xi32, #tpu.memory_space<vmem>> -> memref<128xi32, #tpu.memory_space<vmem>>
        %dma_wait3A_317 = arith.constant 0 : i32
        %dma_wait3A_318 = arith.constant 0 : i32
        %dma_wait3A_319 = tpu.memref_slice %arg12[%dma_wait3A_317, %dma_wait3A_318] : memref<10240x16xf32, #tpu.memory_space<vmem_shared>> -> memref<10240x16xf32, #tpu.memory_space<vmem_shared>>
        %dma_wait3A_320 = tpu.memref_slice %arg14[%dma_wait3A_309] : memref<4x!tpu.dma_semaphore, #tpu.memory_space<semaphore_mem>> -> memref<1x!tpu.dma_semaphore, #tpu.memory_space<semaphore_mem>>
        %dma_wait3A_321 = tpu.memref_squeeze %dma_wait3A_320 : memref<1x!tpu.dma_semaphore, #tpu.memory_space<semaphore_mem>> -> memref<!tpu.dma_semaphore, #tpu.memory_space<semaphore_mem>>
        tpu.wait_indirect_dma semaphore(%dma_wait3A_321 : memref<!tpu.dma_semaphore, #tpu.memory_space<semaphore_mem>>) src(%dma_wait3A_313 : memref<128x16xf32, #tpu.memory_space<vmem>>) dst(%dma_wait3A_319 : memref<10240x16xf32, #tpu.memory_space<vmem_shared>>)
      } else {
      }
      %add3A_158 = arith.constant 2 : i32
      %add3A_159 = arith.addi %add3A_124, %add3A_158 : i32
      %lt3A = arith.constant 80 : i32
      %lt3A_160 = arith.cmpi slt, %add3A_159, %lt3A : i32
      %convert_element_type3A_161 = arith.extui %lt3A_160 : i1 to i32
      %cond3A_162 = arith.constant 0 : i32
      %cond3A_163 = arith.cmpi ne, %convert_element_type3A_161, %cond3A_162 : i32
      scf.if %cond3A_163 {
        %add3A_308 = arith.constant 2 : i32
        %add3A_309 = arith.addi %add3A_124, %add3A_308 : i32
        %dma_start3A_310 = arith.constant 2 : i32
        %dma_start3A_311 = arith.constant 2 : i32
        %dma_start3A_312 = arith.constant 0 : i32
        %dma_start3A_313 = arith.constant 0 : i32
        %dma_start3A_314 = tpu.memref_slice %arg9[%dma_start3A_310, %dma_start3A_312, %dma_start3A_313] : memref<4x128x16xf32, #tpu.memory_space<vmem>> -> memref<1x128x16xf32, #tpu.memory_space<vmem>>
        %dma_start3A_315 = tpu.memref_squeeze %dma_start3A_314 : memref<1x128x16xf32, #tpu.memory_space<vmem>> -> memref<128x16xf32, #tpu.memory_space<vmem>>
        %dma_start3A_316 = arith.constant 0 : i32
        %dma_start3A_317 = tpu.memref_slice %arg7[%add3A_309, %dma_start3A_316] : memref<80x128xi32, #tpu.memory_space<vmem>> -> memref<1x128xi32, #tpu.memory_space<vmem>>
        %dma_start3A_318 = tpu.memref_squeeze %dma_start3A_317 : memref<1x128xi32, #tpu.memory_space<vmem>> -> memref<128xi32, #tpu.memory_space<vmem>>
        %dma_start3A_319 = arith.constant 0 : i32
        %dma_start3A_320 = arith.constant 0 : i32
        %dma_start3A_321 = tpu.memref_slice %arg11[%dma_start3A_319, %dma_start3A_320] : memref<10240x16xf32, #tpu.memory_space<vmem_shared>> -> memref<10240x16xf32, #tpu.memory_space<vmem_shared>>
        %dma_start3A_322 = tpu.memref_slice %arg13[%dma_start3A_311] : memref<4x!tpu.dma_semaphore, #tpu.memory_space<semaphore_mem>> -> memref<1x!tpu.dma_semaphore, #tpu.memory_space<semaphore_mem>>
        %dma_start3A_323 = tpu.memref_squeeze %dma_start3A_322 : memref<1x!tpu.dma_semaphore, #tpu.memory_space<semaphore_mem>> -> memref<!tpu.dma_semaphore, #tpu.memory_space<semaphore_mem>>
        tpu.enqueue_indirect_dma source(%dma_start3A_321 : memref<10240x16xf32, #tpu.memory_space<vmem_shared>>) target(%dma_start3A_315 : memref<128x16xf32, #tpu.memory_space<vmem>>) offsets(%dma_start3A_318 : memref<128xi32, #tpu.memory_space<vmem>>) semaphore(%dma_start3A_323 : memref<!tpu.dma_semaphore, #tpu.memory_space<semaphore_mem>>)
      } else {
      }
      %mul3A_164 = arith.constant 4 : i32
      %mul3A_165 = arith.muli %mul3A_164, %scan3A_120 : i32
      %add3A_166 = arith.constant 1 : i32
      %add3A_167 = arith.addi %mul3A_165, %add3A_166 : i32
      %dma_wait3A_168 = arith.constant 1 : i32
      %dma_wait3A_169 = arith.constant 1 : i32
      %dma_wait3A_170 = arith.constant 0 : i32
      %dma_wait3A_171 = arith.constant 0 : i32
      %dma_wait3A_172 = tpu.memref_slice %arg9[%dma_wait3A_168, %dma_wait3A_170, %dma_wait3A_171] : memref<4x128x16xf32, #tpu.memory_space<vmem>> -> memref<1x128x16xf32, #tpu.memory_space<vmem>>
      %dma_wait3A_173 = tpu.memref_squeeze %dma_wait3A_172 : memref<1x128x16xf32, #tpu.memory_space<vmem>> -> memref<128x16xf32, #tpu.memory_space<vmem>>
      %dma_wait3A_174 = arith.constant 0 : i32
      %dma_wait3A_175 = tpu.memref_slice %arg7[%add3A_167, %dma_wait3A_174] : memref<80x128xi32, #tpu.memory_space<vmem>> -> memref<1x128xi32, #tpu.memory_space<vmem>>
      %dma_wait3A_176 = tpu.memref_squeeze %dma_wait3A_175 : memref<1x128xi32, #tpu.memory_space<vmem>> -> memref<128xi32, #tpu.memory_space<vmem>>
      %dma_wait3A_177 = arith.constant 0 : i32
      %dma_wait3A_178 = arith.constant 0 : i32
      %dma_wait3A_179 = tpu.memref_slice %arg11[%dma_wait3A_177, %dma_wait3A_178] : memref<10240x16xf32, #tpu.memory_space<vmem_shared>> -> memref<10240x16xf32, #tpu.memory_space<vmem_shared>>
      %dma_wait3A_180 = tpu.memref_slice %arg13[%dma_wait3A_169] : memref<4x!tpu.dma_semaphore, #tpu.memory_space<semaphore_mem>> -> memref<1x!tpu.dma_semaphore, #tpu.memory_space<semaphore_mem>>
      %dma_wait3A_181 = tpu.memref_squeeze %dma_wait3A_180 : memref<1x!tpu.dma_semaphore, #tpu.memory_space<semaphore_mem>> -> memref<!tpu.dma_semaphore, #tpu.memory_space<semaphore_mem>>
      tpu.wait_indirect_dma semaphore(%dma_wait3A_181 : memref<!tpu.dma_semaphore, #tpu.memory_space<semaphore_mem>>) src(%dma_wait3A_179 : memref<10240x16xf32, #tpu.memory_space<vmem_shared>>) dst(%dma_wait3A_173 : memref<128x16xf32, #tpu.memory_space<vmem>>)
      %dma_start3A_182 = arith.constant 1 : i32
      %dma_start3A_183 = arith.constant 1 : i32
      %dma_start3A_184 = arith.constant 0 : i32
      %dma_start3A_185 = arith.constant 0 : i32
      %dma_start3A_186 = tpu.memref_slice %arg9[%dma_start3A_182, %dma_start3A_184, %dma_start3A_185] : memref<4x128x16xf32, #tpu.memory_space<vmem>> -> memref<1x128x16xf32, #tpu.memory_space<vmem>>
      %dma_start3A_187 = tpu.memref_squeeze %dma_start3A_186 : memref<1x128x16xf32, #tpu.memory_space<vmem>> -> memref<128x16xf32, #tpu.memory_space<vmem>>
      %dma_start3A_188 = arith.constant 0 : i32
      %dma_start3A_189 = tpu.memref_slice %arg8[%add3A_167, %dma_start3A_188] : memref<80x128xi32, #tpu.memory_space<vmem>> -> memref<1x128xi32, #tpu.memory_space<vmem>>
      %dma_start3A_190 = tpu.memref_squeeze %dma_start3A_189 : memref<1x128xi32, #tpu.memory_space<vmem>> -> memref<128xi32, #tpu.memory_space<vmem>>
      %dma_start3A_191 = arith.constant 0 : i32
      %dma_start3A_192 = arith.constant 0 : i32
      %dma_start3A_193 = tpu.memref_slice %arg12[%dma_start3A_191, %dma_start3A_192] : memref<10240x16xf32, #tpu.memory_space<vmem_shared>> -> memref<10240x16xf32, #tpu.memory_space<vmem_shared>>
      %dma_start3A_194 = tpu.memref_slice %arg14[%dma_start3A_183] : memref<4x!tpu.dma_semaphore, #tpu.memory_space<semaphore_mem>> -> memref<1x!tpu.dma_semaphore, #tpu.memory_space<semaphore_mem>>
      %dma_start3A_195 = tpu.memref_squeeze %dma_start3A_194 : memref<1x!tpu.dma_semaphore, #tpu.memory_space<semaphore_mem>> -> memref<!tpu.dma_semaphore, #tpu.memory_space<semaphore_mem>>
      tpu.enqueue_indirect_dma source(%dma_start3A_187 : memref<128x16xf32, #tpu.memory_space<vmem>>) target(%dma_start3A_193 : memref<10240x16xf32, #tpu.memory_space<vmem_shared>>) offsets(%dma_start3A_190 : memref<128xi32, #tpu.memory_space<vmem>>) semaphore(%dma_start3A_195 : memref<!tpu.dma_semaphore, #tpu.memory_space<semaphore_mem>>) {add = true}
      %add3A_196 = arith.constant 2 : i32
      %add3A_197 = arith.addi %add3A_167, %add3A_196 : i32
      %sub3A_198 = arith.constant 4 : i32
      %sub3A_199 = arith.subi %add3A_197, %sub3A_198 : i32
      %ge3A_200 = arith.constant 0 : i32
      %ge3A_201 = arith.cmpi sge, %sub3A_199, %ge3A_200 : i32
      %convert_element_type3A_202 = arith.extui %ge3A_201 : i1 to i32
      %cond3A_203 = arith.constant 0 : i32
      %cond3A_204 = arith.cmpi ne, %convert_element_type3A_202, %cond3A_203 : i32
      scf.if %cond3A_204 {
        %dma_wait3A_308 = arith.constant 3 : i32
        %dma_wait3A_309 = arith.constant 3 : i32
        %dma_wait3A_310 = arith.constant 0 : i32
        %dma_wait3A_311 = arith.constant 0 : i32
        %dma_wait3A_312 = tpu.memref_slice %arg9[%dma_wait3A_308, %dma_wait3A_310, %dma_wait3A_311] : memref<4x128x16xf32, #tpu.memory_space<vmem>> -> memref<1x128x16xf32, #tpu.memory_space<vmem>>
        %dma_wait3A_313 = tpu.memref_squeeze %dma_wait3A_312 : memref<1x128x16xf32, #tpu.memory_space<vmem>> -> memref<128x16xf32, #tpu.memory_space<vmem>>
        %dma_wait3A_314 = arith.constant 0 : i32
        %dma_wait3A_315 = tpu.memref_slice %arg8[%sub3A_199, %dma_wait3A_314] : memref<80x128xi32, #tpu.memory_space<vmem>> -> memref<1x128xi32, #tpu.memory_space<vmem>>
        %dma_wait3A_316 = tpu.memref_squeeze %dma_wait3A_315 : memref<1x128xi32, #tpu.memory_space<vmem>> -> memref<128xi32, #tpu.memory_space<vmem>>
        %dma_wait3A_317 = arith.constant 0 : i32
        %dma_wait3A_318 = arith.constant 0 : i32
        %dma_wait3A_319 = tpu.memref_slice %arg12[%dma_wait3A_317, %dma_wait3A_318] : memref<10240x16xf32, #tpu.memory_space<vmem_shared>> -> memref<10240x16xf32, #tpu.memory_space<vmem_shared>>
        %dma_wait3A_320 = tpu.memref_slice %arg14[%dma_wait3A_309] : memref<4x!tpu.dma_semaphore, #tpu.memory_space<semaphore_mem>> -> memref<1x!tpu.dma_semaphore, #tpu.memory_space<semaphore_mem>>
        %dma_wait3A_321 = tpu.memref_squeeze %dma_wait3A_320 : memref<1x!tpu.dma_semaphore, #tpu.memory_space<semaphore_mem>> -> memref<!tpu.dma_semaphore, #tpu.memory_space<semaphore_mem>>
        tpu.wait_indirect_dma semaphore(%dma_wait3A_321 : memref<!tpu.dma_semaphore, #tpu.memory_space<semaphore_mem>>) src(%dma_wait3A_313 : memref<128x16xf32, #tpu.memory_space<vmem>>) dst(%dma_wait3A_319 : memref<10240x16xf32, #tpu.memory_space<vmem_shared>>)
      } else {
      }
      %add3A_205 = arith.constant 2 : i32
      %add3A_206 = arith.addi %add3A_167, %add3A_205 : i32
      %lt3A_207 = arith.constant 80 : i32
      %lt3A_208 = arith.cmpi slt, %add3A_206, %lt3A_207 : i32
      %convert_element_type3A_209 = arith.extui %lt3A_208 : i1 to i32
      %cond3A_210 = arith.constant 0 : i32
      %cond3A_211 = arith.cmpi ne, %convert_element_type3A_209, %cond3A_210 : i32
      scf.if %cond3A_211 {
        %add3A_308 = arith.constant 2 : i32
        %add3A_309 = arith.addi %add3A_167, %add3A_308 : i32
        %dma_start3A_310 = arith.constant 3 : i32
        %dma_start3A_311 = arith.constant 3 : i32
        %dma_start3A_312 = arith.constant 0 : i32
        %dma_start3A_313 = arith.constant 0 : i32
        %dma_start3A_314 = tpu.memref_slice %arg9[%dma_start3A_310, %dma_start3A_312, %dma_start3A_313] : memref<4x128x16xf32, #tpu.memory_space<vmem>> -> memref<1x128x16xf32, #tpu.memory_space<vmem>>
        %dma_start3A_315 = tpu.memref_squeeze %dma_start3A_314 : memref<1x128x16xf32, #tpu.memory_space<vmem>> -> memref<128x16xf32, #tpu.memory_space<vmem>>
        %dma_start3A_316 = arith.constant 0 : i32
        %dma_start3A_317 = tpu.memref_slice %arg7[%add3A_309, %dma_start3A_316] : memref<80x128xi32, #tpu.memory_space<vmem>> -> memref<1x128xi32, #tpu.memory_space<vmem>>
        %dma_start3A_318 = tpu.memref_squeeze %dma_start3A_317 : memref<1x128xi32, #tpu.memory_space<vmem>> -> memref<128xi32, #tpu.memory_space<vmem>>
        %dma_start3A_319 = arith.constant 0 : i32
        %dma_start3A_320 = arith.constant 0 : i32
        %dma_start3A_321 = tpu.memref_slice %arg11[%dma_start3A_319, %dma_start3A_320] : memref<10240x16xf32, #tpu.memory_space<vmem_shared>> -> memref<10240x16xf32, #tpu.memory_space<vmem_shared>>
        %dma_start3A_322 = tpu.memref_slice %arg13[%dma_start3A_311] : memref<4x!tpu.dma_semaphore, #tpu.memory_space<semaphore_mem>> -> memref<1x!tpu.dma_semaphore, #tpu.memory_space<semaphore_mem>>
        %dma_start3A_323 = tpu.memref_squeeze %dma_start3A_322 : memref<1x!tpu.dma_semaphore, #tpu.memory_space<semaphore_mem>> -> memref<!tpu.dma_semaphore, #tpu.memory_space<semaphore_mem>>
        tpu.enqueue_indirect_dma source(%dma_start3A_321 : memref<10240x16xf32, #tpu.memory_space<vmem_shared>>) target(%dma_start3A_315 : memref<128x16xf32, #tpu.memory_space<vmem>>) offsets(%dma_start3A_318 : memref<128xi32, #tpu.memory_space<vmem>>) semaphore(%dma_start3A_323 : memref<!tpu.dma_semaphore, #tpu.memory_space<semaphore_mem>>)
      } else {
      }
      %mul3A_212 = arith.constant 4 : i32
      %mul3A_213 = arith.muli %mul3A_212, %scan3A_120 : i32
      %add3A_214 = arith.constant 2 : i32
      %add3A_215 = arith.addi %mul3A_213, %add3A_214 : i32
      %dma_wait3A_216 = arith.constant 2 : i32
      %dma_wait3A_217 = arith.constant 2 : i32
      %dma_wait3A_218 = arith.constant 0 : i32
      %dma_wait3A_219 = arith.constant 0 : i32
      %dma_wait3A_220 = tpu.memref_slice %arg9[%dma_wait3A_216, %dma_wait3A_218, %dma_wait3A_219] : memref<4x128x16xf32, #tpu.memory_space<vmem>> -> memref<1x128x16xf32, #tpu.memory_space<vmem>>
      %dma_wait3A_221 = tpu.memref_squeeze %dma_wait3A_220 : memref<1x128x16xf32, #tpu.memory_space<vmem>> -> memref<128x16xf32, #tpu.memory_space<vmem>>
      %dma_wait3A_222 = arith.constant 0 : i32
      %dma_wait3A_223 = tpu.memref_slice %arg7[%add3A_215, %dma_wait3A_222] : memref<80x128xi32, #tpu.memory_space<vmem>> -> memref<1x128xi32, #tpu.memory_space<vmem>>
      %dma_wait3A_224 = tpu.memref_squeeze %dma_wait3A_223 : memref<1x128xi32, #tpu.memory_space<vmem>> -> memref<128xi32, #tpu.memory_space<vmem>>
      %dma_wait3A_225 = arith.constant 0 : i32
      %dma_wait3A_226 = arith.constant 0 : i32
      %dma_wait3A_227 = tpu.memref_slice %arg11[%dma_wait3A_225, %dma_wait3A_226] : memref<10240x16xf32, #tpu.memory_space<vmem_shared>> -> memref<10240x16xf32, #tpu.memory_space<vmem_shared>>
      %dma_wait3A_228 = tpu.memref_slice %arg13[%dma_wait3A_217] : memref<4x!tpu.dma_semaphore, #tpu.memory_space<semaphore_mem>> -> memref<1x!tpu.dma_semaphore, #tpu.memory_space<semaphore_mem>>
      %dma_wait3A_229 = tpu.memref_squeeze %dma_wait3A_228 : memref<1x!tpu.dma_semaphore, #tpu.memory_space<semaphore_mem>> -> memref<!tpu.dma_semaphore, #tpu.memory_space<semaphore_mem>>
      tpu.wait_indirect_dma semaphore(%dma_wait3A_229 : memref<!tpu.dma_semaphore, #tpu.memory_space<semaphore_mem>>) src(%dma_wait3A_227 : memref<10240x16xf32, #tpu.memory_space<vmem_shared>>) dst(%dma_wait3A_221 : memref<128x16xf32, #tpu.memory_space<vmem>>)
      %dma_start3A_230 = arith.constant 2 : i32
      %dma_start3A_231 = arith.constant 2 : i32
      %dma_start3A_232 = arith.constant 0 : i32
      %dma_start3A_233 = arith.constant 0 : i32
      %dma_start3A_234 = tpu.memref_slice %arg9[%dma_start3A_230, %dma_start3A_232, %dma_start3A_233] : memref<4x128x16xf32, #tpu.memory_space<vmem>> -> memref<1x128x16xf32, #tpu.memory_space<vmem>>
      %dma_start3A_235 = tpu.memref_squeeze %dma_start3A_234 : memref<1x128x16xf32, #tpu.memory_space<vmem>> -> memref<128x16xf32, #tpu.memory_space<vmem>>
      %dma_start3A_236 = arith.constant 0 : i32
      %dma_start3A_237 = tpu.memref_slice %arg8[%add3A_215, %dma_start3A_236] : memref<80x128xi32, #tpu.memory_space<vmem>> -> memref<1x128xi32, #tpu.memory_space<vmem>>
      %dma_start3A_238 = tpu.memref_squeeze %dma_start3A_237 : memref<1x128xi32, #tpu.memory_space<vmem>> -> memref<128xi32, #tpu.memory_space<vmem>>
      %dma_start3A_239 = arith.constant 0 : i32
      %dma_start3A_240 = arith.constant 0 : i32
      %dma_start3A_241 = tpu.memref_slice %arg12[%dma_start3A_239, %dma_start3A_240] : memref<10240x16xf32, #tpu.memory_space<vmem_shared>> -> memref<10240x16xf32, #tpu.memory_space<vmem_shared>>
      %dma_start3A_242 = tpu.memref_slice %arg14[%dma_start3A_231] : memref<4x!tpu.dma_semaphore, #tpu.memory_space<semaphore_mem>> -> memref<1x!tpu.dma_semaphore, #tpu.memory_space<semaphore_mem>>
      %dma_start3A_243 = tpu.memref_squeeze %dma_start3A_242 : memref<1x!tpu.dma_semaphore, #tpu.memory_space<semaphore_mem>> -> memref<!tpu.dma_semaphore, #tpu.memory_space<semaphore_mem>>
      tpu.enqueue_indirect_dma source(%dma_start3A_235 : memref<128x16xf32, #tpu.memory_space<vmem>>) target(%dma_start3A_241 : memref<10240x16xf32, #tpu.memory_space<vmem_shared>>) offsets(%dma_start3A_238 : memref<128xi32, #tpu.memory_space<vmem>>) semaphore(%dma_start3A_243 : memref<!tpu.dma_semaphore, #tpu.memory_space<semaphore_mem>>) {add = true}
      %add3A_244 = arith.constant 2 : i32
      %add3A_245 = arith.addi %add3A_215, %add3A_244 : i32
      %sub3A_246 = arith.constant 4 : i32
      %sub3A_247 = arith.subi %add3A_245, %sub3A_246 : i32
      %ge3A_248 = arith.constant 0 : i32
      %ge3A_249 = arith.cmpi sge, %sub3A_247, %ge3A_248 : i32
      %convert_element_type3A_250 = arith.extui %ge3A_249 : i1 to i32
      %cond3A_251 = arith.constant 0 : i32
      %cond3A_252 = arith.cmpi ne, %convert_element_type3A_250, %cond3A_251 : i32
      scf.if %cond3A_252 {
        %dma_wait3A_308 = arith.constant 0 : i32
        %dma_wait3A_309 = arith.constant 0 : i32
        %dma_wait3A_310 = arith.constant 0 : i32
        %dma_wait3A_311 = arith.constant 0 : i32
        %dma_wait3A_312 = tpu.memref_slice %arg9[%dma_wait3A_308, %dma_wait3A_310, %dma_wait3A_311] : memref<4x128x16xf32, #tpu.memory_space<vmem>> -> memref<1x128x16xf32, #tpu.memory_space<vmem>>
        %dma_wait3A_313 = tpu.memref_squeeze %dma_wait3A_312 : memref<1x128x16xf32, #tpu.memory_space<vmem>> -> memref<128x16xf32, #tpu.memory_space<vmem>>
        %dma_wait3A_314 = arith.constant 0 : i32
        %dma_wait3A_315 = tpu.memref_slice %arg8[%sub3A_247, %dma_wait3A_314] : memref<80x128xi32, #tpu.memory_space<vmem>> -> memref<1x128xi32, #tpu.memory_space<vmem>>
        %dma_wait3A_316 = tpu.memref_squeeze %dma_wait3A_315 : memref<1x128xi32, #tpu.memory_space<vmem>> -> memref<128xi32, #tpu.memory_space<vmem>>
        %dma_wait3A_317 = arith.constant 0 : i32
        %dma_wait3A_318 = arith.constant 0 : i32
        %dma_wait3A_319 = tpu.memref_slice %arg12[%dma_wait3A_317, %dma_wait3A_318] : memref<10240x16xf32, #tpu.memory_space<vmem_shared>> -> memref<10240x16xf32, #tpu.memory_space<vmem_shared>>
        %dma_wait3A_320 = tpu.memref_slice %arg14[%dma_wait3A_309] : memref<4x!tpu.dma_semaphore, #tpu.memory_space<semaphore_mem>> -> memref<1x!tpu.dma_semaphore, #tpu.memory_space<semaphore_mem>>
        %dma_wait3A_321 = tpu.memref_squeeze %dma_wait3A_320 : memref<1x!tpu.dma_semaphore, #tpu.memory_space<semaphore_mem>> -> memref<!tpu.dma_semaphore, #tpu.memory_space<semaphore_mem>>
        tpu.wait_indirect_dma semaphore(%dma_wait3A_321 : memref<!tpu.dma_semaphore, #tpu.memory_space<semaphore_mem>>) src(%dma_wait3A_313 : memref<128x16xf32, #tpu.memory_space<vmem>>) dst(%dma_wait3A_319 : memref<10240x16xf32, #tpu.memory_space<vmem_shared>>)
      } else {
      }
      %add3A_253 = arith.constant 2 : i32
      %add3A_254 = arith.addi %add3A_215, %add3A_253 : i32
      %lt3A_255 = arith.constant 80 : i32
      %lt3A_256 = arith.cmpi slt, %add3A_254, %lt3A_255 : i32
      %convert_element_type3A_257 = arith.extui %lt3A_256 : i1 to i32
      %cond3A_258 = arith.constant 0 : i32
      %cond3A_259 = arith.cmpi ne, %convert_element_type3A_257, %cond3A_258 : i32
      scf.if %cond3A_259 {
        %add3A_308 = arith.constant 2 : i32
        %add3A_309 = arith.addi %add3A_215, %add3A_308 : i32
        %dma_start3A_310 = arith.constant 0 : i32
        %dma_start3A_311 = arith.constant 0 : i32
        %dma_start3A_312 = arith.constant 0 : i32
        %dma_start3A_313 = arith.constant 0 : i32
        %dma_start3A_314 = tpu.memref_slice %arg9[%dma_start3A_310, %dma_start3A_312, %dma_start3A_313] : memref<4x128x16xf32, #tpu.memory_space<vmem>> -> memref<1x128x16xf32, #tpu.memory_space<vmem>>
        %dma_start3A_315 = tpu.memref_squeeze %dma_start3A_314 : memref<1x128x16xf32, #tpu.memory_space<vmem>> -> memref<128x16xf32, #tpu.memory_space<vmem>>
        %dma_start3A_316 = arith.constant 0 : i32
        %dma_start3A_317 = tpu.memref_slice %arg7[%add3A_309, %dma_start3A_316] : memref<80x128xi32, #tpu.memory_space<vmem>> -> memref<1x128xi32, #tpu.memory_space<vmem>>
        %dma_start3A_318 = tpu.memref_squeeze %dma_start3A_317 : memref<1x128xi32, #tpu.memory_space<vmem>> -> memref<128xi32, #tpu.memory_space<vmem>>
        %dma_start3A_319 = arith.constant 0 : i32
        %dma_start3A_320 = arith.constant 0 : i32
        %dma_start3A_321 = tpu.memref_slice %arg11[%dma_start3A_319, %dma_start3A_320] : memref<10240x16xf32, #tpu.memory_space<vmem_shared>> -> memref<10240x16xf32, #tpu.memory_space<vmem_shared>>
        %dma_start3A_322 = tpu.memref_slice %arg13[%dma_start3A_311] : memref<4x!tpu.dma_semaphore, #tpu.memory_space<semaphore_mem>> -> memref<1x!tpu.dma_semaphore, #tpu.memory_space<semaphore_mem>>
        %dma_start3A_323 = tpu.memref_squeeze %dma_start3A_322 : memref<1x!tpu.dma_semaphore, #tpu.memory_space<semaphore_mem>> -> memref<!tpu.dma_semaphore, #tpu.memory_space<semaphore_mem>>
        tpu.enqueue_indirect_dma source(%dma_start3A_321 : memref<10240x16xf32, #tpu.memory_space<vmem_shared>>) target(%dma_start3A_315 : memref<128x16xf32, #tpu.memory_space<vmem>>) offsets(%dma_start3A_318 : memref<128xi32, #tpu.memory_space<vmem>>) semaphore(%dma_start3A_323 : memref<!tpu.dma_semaphore, #tpu.memory_space<semaphore_mem>>)
      } else {
      }
      %mul3A_260 = arith.constant 4 : i32
      %mul3A_261 = arith.muli %mul3A_260, %scan3A_120 : i32
      %add3A_262 = arith.constant 3 : i32
      %add3A_263 = arith.addi %mul3A_261, %add3A_262 : i32
      %dma_wait3A_264 = arith.constant 3 : i32
      %dma_wait3A_265 = arith.constant 3 : i32
      %dma_wait3A_266 = arith.constant 0 : i32
      %dma_wait3A_267 = arith.constant 0 : i32
      %dma_wait3A_268 = tpu.memref_slice %arg9[%dma_wait3A_264, %dma_wait3A_266, %dma_wait3A_267] : memref<4x128x16xf32, #tpu.memory_space<vmem>> -> memref<1x128x16xf32, #tpu.memory_space<vmem>>
      %dma_wait3A_269 = tpu.memref_squeeze %dma_wait3A_268 : memref<1x128x16xf32, #tpu.memory_space<vmem>> -> memref<128x16xf32, #tpu.memory_space<vmem>>
      %dma_wait3A_270 = arith.constant 0 : i32
      %dma_wait3A_271 = tpu.memref_slice %arg7[%add3A_263, %dma_wait3A_270] : memref<80x128xi32, #tpu.memory_space<vmem>> -> memref<1x128xi32, #tpu.memory_space<vmem>>
      %dma_wait3A_272 = tpu.memref_squeeze %dma_wait3A_271 : memref<1x128xi32, #tpu.memory_space<vmem>> -> memref<128xi32, #tpu.memory_space<vmem>>
      %dma_wait3A_273 = arith.constant 0 : i32
      %dma_wait3A_274 = arith.constant 0 : i32
      %dma_wait3A_275 = tpu.memref_slice %arg11[%dma_wait3A_273, %dma_wait3A_274] : memref<10240x16xf32, #tpu.memory_space<vmem_shared>> -> memref<10240x16xf32, #tpu.memory_space<vmem_shared>>
      %dma_wait3A_276 = tpu.memref_slice %arg13[%dma_wait3A_265] : memref<4x!tpu.dma_semaphore, #tpu.memory_space<semaphore_mem>> -> memref<1x!tpu.dma_semaphore, #tpu.memory_space<semaphore_mem>>
      %dma_wait3A_277 = tpu.memref_squeeze %dma_wait3A_276 : memref<1x!tpu.dma_semaphore, #tpu.memory_space<semaphore_mem>> -> memref<!tpu.dma_semaphore, #tpu.memory_space<semaphore_mem>>
      tpu.wait_indirect_dma semaphore(%dma_wait3A_277 : memref<!tpu.dma_semaphore, #tpu.memory_space<semaphore_mem>>) src(%dma_wait3A_275 : memref<10240x16xf32, #tpu.memory_space<vmem_shared>>) dst(%dma_wait3A_269 : memref<128x16xf32, #tpu.memory_space<vmem>>)
      %dma_start3A_278 = arith.constant 3 : i32
      %dma_start3A_279 = arith.constant 3 : i32
      %dma_start3A_280 = arith.constant 0 : i32
      %dma_start3A_281 = arith.constant 0 : i32
      %dma_start3A_282 = tpu.memref_slice %arg9[%dma_start3A_278, %dma_start3A_280, %dma_start3A_281] : memref<4x128x16xf32, #tpu.memory_space<vmem>> -> memref<1x128x16xf32, #tpu.memory_space<vmem>>
      %dma_start3A_283 = tpu.memref_squeeze %dma_start3A_282 : memref<1x128x16xf32, #tpu.memory_space<vmem>> -> memref<128x16xf32, #tpu.memory_space<vmem>>
      %dma_start3A_284 = arith.constant 0 : i32
      %dma_start3A_285 = tpu.memref_slice %arg8[%add3A_263, %dma_start3A_284] : memref<80x128xi32, #tpu.memory_space<vmem>> -> memref<1x128xi32, #tpu.memory_space<vmem>>
      %dma_start3A_286 = tpu.memref_squeeze %dma_start3A_285 : memref<1x128xi32, #tpu.memory_space<vmem>> -> memref<128xi32, #tpu.memory_space<vmem>>
      %dma_start3A_287 = arith.constant 0 : i32
      %dma_start3A_288 = arith.constant 0 : i32
      %dma_start3A_289 = tpu.memref_slice %arg12[%dma_start3A_287, %dma_start3A_288] : memref<10240x16xf32, #tpu.memory_space<vmem_shared>> -> memref<10240x16xf32, #tpu.memory_space<vmem_shared>>
      %dma_start3A_290 = tpu.memref_slice %arg14[%dma_start3A_279] : memref<4x!tpu.dma_semaphore, #tpu.memory_space<semaphore_mem>> -> memref<1x!tpu.dma_semaphore, #tpu.memory_space<semaphore_mem>>
      %dma_start3A_291 = tpu.memref_squeeze %dma_start3A_290 : memref<1x!tpu.dma_semaphore, #tpu.memory_space<semaphore_mem>> -> memref<!tpu.dma_semaphore, #tpu.memory_space<semaphore_mem>>
      tpu.enqueue_indirect_dma source(%dma_start3A_283 : memref<128x16xf32, #tpu.memory_space<vmem>>) target(%dma_start3A_289 : memref<10240x16xf32, #tpu.memory_space<vmem_shared>>) offsets(%dma_start3A_286 : memref<128xi32, #tpu.memory_space<vmem>>) semaphore(%dma_start3A_291 : memref<!tpu.dma_semaphore, #tpu.memory_space<semaphore_mem>>) {add = true}
      %add3A_292 = arith.constant 2 : i32
      %add3A_293 = arith.addi %add3A_263, %add3A_292 : i32
      %sub3A_294 = arith.constant 4 : i32
      %sub3A_295 = arith.subi %add3A_293, %sub3A_294 : i32
      %ge3A_296 = arith.constant 0 : i32
      %ge3A_297 = arith.cmpi sge, %sub3A_295, %ge3A_296 : i32
      %convert_element_type3A_298 = arith.extui %ge3A_297 : i1 to i32
      %cond3A_299 = arith.constant 0 : i32
      %cond3A_300 = arith.cmpi ne, %convert_element_type3A_298, %cond3A_299 : i32
      scf.if %cond3A_300 {
        %dma_wait3A_308 = arith.constant 1 : i32
        %dma_wait3A_309 = arith.constant 1 : i32
        %dma_wait3A_310 = arith.constant 0 : i32
        %dma_wait3A_311 = arith.constant 0 : i32
        %dma_wait3A_312 = tpu.memref_slice %arg9[%dma_wait3A_308, %dma_wait3A_310, %dma_wait3A_311] : memref<4x128x16xf32, #tpu.memory_space<vmem>> -> memref<1x128x16xf32, #tpu.memory_space<vmem>>
        %dma_wait3A_313 = tpu.memref_squeeze %dma_wait3A_312 : memref<1x128x16xf32, #tpu.memory_space<vmem>> -> memref<128x16xf32, #tpu.memory_space<vmem>>
        %dma_wait3A_314 = arith.constant 0 : i32
        %dma_wait3A_315 = tpu.memref_slice %arg8[%sub3A_295, %dma_wait3A_314] : memref<80x128xi32, #tpu.memory_space<vmem>> -> memref<1x128xi32, #tpu.memory_space<vmem>>
        %dma_wait3A_316 = tpu.memref_squeeze %dma_wait3A_315 : memref<1x128xi32, #tpu.memory_space<vmem>> -> memref<128xi32, #tpu.memory_space<vmem>>
        %dma_wait3A_317 = arith.constant 0 : i32
        %dma_wait3A_318 = arith.constant 0 : i32
        %dma_wait3A_319 = tpu.memref_slice %arg12[%dma_wait3A_317, %dma_wait3A_318] : memref<10240x16xf32, #tpu.memory_space<vmem_shared>> -> memref<10240x16xf32, #tpu.memory_space<vmem_shared>>
        %dma_wait3A_320 = tpu.memref_slice %arg14[%dma_wait3A_309] : memref<4x!tpu.dma_semaphore, #tpu.memory_space<semaphore_mem>> -> memref<1x!tpu.dma_semaphore, #tpu.memory_space<semaphore_mem>>
        %dma_wait3A_321 = tpu.memref_squeeze %dma_wait3A_320 : memref<1x!tpu.dma_semaphore, #tpu.memory_space<semaphore_mem>> -> memref<!tpu.dma_semaphore, #tpu.memory_space<semaphore_mem>>
        tpu.wait_indirect_dma semaphore(%dma_wait3A_321 : memref<!tpu.dma_semaphore, #tpu.memory_space<semaphore_mem>>) src(%dma_wait3A_313 : memref<128x16xf32, #tpu.memory_space<vmem>>) dst(%dma_wait3A_319 : memref<10240x16xf32, #tpu.memory_space<vmem_shared>>)
      } else {
      }
      %add3A_301 = arith.constant 2 : i32
      %add3A_302 = arith.addi %add3A_263, %add3A_301 : i32
      %lt3A_303 = arith.constant 80 : i32
      %lt3A_304 = arith.cmpi slt, %add3A_302, %lt3A_303 : i32
      %convert_element_type3A_305 = arith.extui %lt3A_304 : i1 to i32
      %cond3A_306 = arith.constant 0 : i32
      %cond3A_307 = arith.cmpi ne, %convert_element_type3A_305, %cond3A_306 : i32
      scf.if %cond3A_307 {
        %add3A_308 = arith.constant 2 : i32
        %add3A_309 = arith.addi %add3A_263, %add3A_308 : i32
        %dma_start3A_310 = arith.constant 1 : i32
        %dma_start3A_311 = arith.constant 1 : i32
        %dma_start3A_312 = arith.constant 0 : i32
        %dma_start3A_313 = arith.constant 0 : i32
        %dma_start3A_314 = tpu.memref_slice %arg9[%dma_start3A_310, %dma_start3A_312, %dma_start3A_313] : memref<4x128x16xf32, #tpu.memory_space<vmem>> -> memref<1x128x16xf32, #tpu.memory_space<vmem>>
        %dma_start3A_315 = tpu.memref_squeeze %dma_start3A_314 : memref<1x128x16xf32, #tpu.memory_space<vmem>> -> memref<128x16xf32, #tpu.memory_space<vmem>>
        %dma_start3A_316 = arith.constant 0 : i32
        %dma_start3A_317 = tpu.memref_slice %arg7[%add3A_309, %dma_start3A_316] : memref<80x128xi32, #tpu.memory_space<vmem>> -> memref<1x128xi32, #tpu.memory_space<vmem>>
        %dma_start3A_318 = tpu.memref_squeeze %dma_start3A_317 : memref<1x128xi32, #tpu.memory_space<vmem>> -> memref<128xi32, #tpu.memory_space<vmem>>
        %dma_start3A_319 = arith.constant 0 : i32
        %dma_start3A_320 = arith.constant 0 : i32
        %dma_start3A_321 = tpu.memref_slice %arg11[%dma_start3A_319, %dma_start3A_320] : memref<10240x16xf32, #tpu.memory_space<vmem_shared>> -> memref<10240x16xf32, #tpu.memory_space<vmem_shared>>
        %dma_start3A_322 = tpu.memref_slice %arg13[%dma_start3A_311] : memref<4x!tpu.dma_semaphore, #tpu.memory_space<semaphore_mem>> -> memref<1x!tpu.dma_semaphore, #tpu.memory_space<semaphore_mem>>
        %dma_start3A_323 = tpu.memref_squeeze %dma_start3A_322 : memref<1x!tpu.dma_semaphore, #tpu.memory_space<semaphore_mem>> -> memref<!tpu.dma_semaphore, #tpu.memory_space<semaphore_mem>>
        tpu.enqueue_indirect_dma source(%dma_start3A_321 : memref<10240x16xf32, #tpu.memory_space<vmem_shared>>) target(%dma_start3A_315 : memref<128x16xf32, #tpu.memory_space<vmem>>) offsets(%dma_start3A_318 : memref<128xi32, #tpu.memory_space<vmem>>) semaphore(%dma_start3A_323 : memref<!tpu.dma_semaphore, #tpu.memory_space<semaphore_mem>>)
      } else {
      }
    }
    %scan3A_69 = arith.constant 20 : i32
    %dma_wait3A = arith.constant 2 : i32
    %dma_wait3A_70 = arith.constant 78 : i32
    %dma_wait3A_71 = arith.constant 2 : i32
    %dma_wait3A_72 = arith.constant 0 : i32
    %dma_wait3A_73 = arith.constant 0 : i32
    %dma_wait3A_74 = tpu.memref_slice %arg9[%dma_wait3A, %dma_wait3A_72, %dma_wait3A_73] : memref<4x128x16xf32, #tpu.memory_space<vmem>> -> memref<1x128x16xf32, #tpu.memory_space<vmem>>
    %dma_wait3A_75 = tpu.memref_squeeze %dma_wait3A_74 : memref<1x128x16xf32, #tpu.memory_space<vmem>> -> memref<128x16xf32, #tpu.memory_space<vmem>>
    %dma_wait3A_76 = arith.constant 0 : i32
    %dma_wait3A_77 = tpu.memref_slice %arg8[%dma_wait3A_70, %dma_wait3A_76] : memref<80x128xi32, #tpu.memory_space<vmem>> -> memref<1x128xi32, #tpu.memory_space<vmem>>
    %dma_wait3A_78 = tpu.memref_squeeze %dma_wait3A_77 : memref<1x128xi32, #tpu.memory_space<vmem>> -> memref<128xi32, #tpu.memory_space<vmem>>
    %dma_wait3A_79 = arith.constant 0 : i32
    %dma_wait3A_80 = arith.constant 0 : i32
    %dma_wait3A_81 = tpu.memref_slice %arg12[%dma_wait3A_79, %dma_wait3A_80] : memref<10240x16xf32, #tpu.memory_space<vmem_shared>> -> memref<10240x16xf32, #tpu.memory_space<vmem_shared>>
    %dma_wait3A_82 = tpu.memref_slice %arg14[%dma_wait3A_71] : memref<4x!tpu.dma_semaphore, #tpu.memory_space<semaphore_mem>> -> memref<1x!tpu.dma_semaphore, #tpu.memory_space<semaphore_mem>>
    %dma_wait3A_83 = tpu.memref_squeeze %dma_wait3A_82 : memref<1x!tpu.dma_semaphore, #tpu.memory_space<semaphore_mem>> -> memref<!tpu.dma_semaphore, #tpu.memory_space<semaphore_mem>>
    tpu.wait_indirect_dma semaphore(%dma_wait3A_83 : memref<!tpu.dma_semaphore, #tpu.memory_space<semaphore_mem>>) src(%dma_wait3A_75 : memref<128x16xf32, #tpu.memory_space<vmem>>) dst(%dma_wait3A_81 : memref<10240x16xf32, #tpu.memory_space<vmem_shared>>)
    %dma_wait3A_84 = arith.constant 3 : i32
    %dma_wait3A_85 = arith.constant 79 : i32
    %dma_wait3A_86 = arith.constant 3 : i32
    %dma_wait3A_87 = arith.constant 0 : i32
    %dma_wait3A_88 = arith.constant 0 : i32
    %dma_wait3A_89 = tpu.memref_slice %arg9[%dma_wait3A_84, %dma_wait3A_87, %dma_wait3A_88] : memref<4x128x16xf32, #tpu.memory_space<vmem>> -> memref<1x128x16xf32, #tpu.memory_space<vmem>>
    %dma_wait3A_90 = tpu.memref_squeeze %dma_wait3A_89 : memref<1x128x16xf32, #tpu.memory_space<vmem>> -> memref<128x16xf32, #tpu.memory_space<vmem>>
    %dma_wait3A_91 = arith.constant 0 : i32
    %dma_wait3A_92 = tpu.memref_slice %arg8[%dma_wait3A_85, %dma_wait3A_91] : memref<80x128xi32, #tpu.memory_space<vmem>> -> memref<1x128xi32, #tpu.memory_space<vmem>>
    %dma_wait3A_93 = tpu.memref_squeeze %dma_wait3A_92 : memref<1x128xi32, #tpu.memory_space<vmem>> -> memref<128xi32, #tpu.memory_space<vmem>>
    %dma_wait3A_94 = arith.constant 0 : i32
    %dma_wait3A_95 = arith.constant 0 : i32
    %dma_wait3A_96 = tpu.memref_slice %arg12[%dma_wait3A_94, %dma_wait3A_95] : memref<10240x16xf32, #tpu.memory_space<vmem_shared>> -> memref<10240x16xf32, #tpu.memory_space<vmem_shared>>
    %dma_wait3A_97 = tpu.memref_slice %arg14[%dma_wait3A_86] : memref<4x!tpu.dma_semaphore, #tpu.memory_space<semaphore_mem>> -> memref<1x!tpu.dma_semaphore, #tpu.memory_space<semaphore_mem>>
    %dma_wait3A_98 = tpu.memref_squeeze %dma_wait3A_97 : memref<1x!tpu.dma_semaphore, #tpu.memory_space<semaphore_mem>> -> memref<!tpu.dma_semaphore, #tpu.memory_space<semaphore_mem>>
    tpu.wait_indirect_dma semaphore(%dma_wait3A_98 : memref<!tpu.dma_semaphore, #tpu.memory_space<semaphore_mem>>) src(%dma_wait3A_90 : memref<128x16xf32, #tpu.memory_space<vmem>>) dst(%dma_wait3A_96 : memref<10240x16xf32, #tpu.memory_space<vmem_shared>>)
    %barrier3A_99 = arith.constant 0 : index
    tpu.barrier barrier_id(%barrier3A_99)
    %mul3A_100 = arith.constant 640 : i32
    %mul3A_101 = arith.muli %arg1, %mul3A_100 : i32
    %add3A_102 = arith.constant 0 : i32
    %add3A_103 = arith.addi %mul3A_101, %add3A_102 : i32
    "tpu.region"() ({
      %run_scoped3A_120 = tpu.sem_alloc : memref<!tpu.dma_semaphore, #tpu.memory_space<semaphore_mem>>
      %dma_start3A_121 = arith.constant 0 : i32
      %dma_start3A_122 = tpu.memref_slice %arg5[%arg0, %add3A_103, %dma_start3A_121] : memref<2x10240x16xf32, #tpu.memory_space<hbm>> -> memref<1x128x16xf32, #tpu.memory_space<hbm>>
      %dma_start3A_123 = tpu.memref_squeeze %dma_start3A_122 : memref<1x128x16xf32, #tpu.memory_space<hbm>> -> memref<128x16xf32, #tpu.memory_space<hbm>>
      %dma_start3A_124 = arith.constant 0 : i32
      %dma_start3A_125 = tpu.memref_slice %arg12[%add3A_103, %dma_start3A_124] : memref<10240x16xf32, #tpu.memory_space<vmem_shared>> -> memref<128x16xf32, #tpu.memory_space<vmem_shared>>
      tpu.enqueue_dma source(%dma_start3A_125 : memref<128x16xf32, #tpu.memory_space<vmem_shared>>) target(%dma_start3A_123 : memref<128x16xf32, #tpu.memory_space<hbm>>) target_semaphore(%run_scoped3A_120 : memref<!tpu.dma_semaphore, #tpu.memory_space<semaphore_mem>>)
      %dma_wait3A_126 = arith.constant 0 : i32
      %dma_wait3A_127 = tpu.memref_slice %arg5[%arg0, %add3A_103, %dma_wait3A_126] : memref<2x10240x16xf32, #tpu.memory_space<hbm>> -> memref<1x128x16xf32, #tpu.memory_space<hbm>>
      %dma_wait3A_128 = tpu.memref_squeeze %dma_wait3A_127 : memref<1x128x16xf32, #tpu.memory_space<hbm>> -> memref<128x16xf32, #tpu.memory_space<hbm>>
      %dma_wait3A_129 = arith.constant 0 : i32
      %dma_wait3A_130 = tpu.memref_slice %arg12[%add3A_103, %dma_wait3A_129] : memref<10240x16xf32, #tpu.memory_space<vmem_shared>> -> memref<128x16xf32, #tpu.memory_space<vmem_shared>>
      tpu.wait_dma2 semaphore(%run_scoped3A_120 : memref<!tpu.dma_semaphore, #tpu.memory_space<semaphore_mem>>) src(%dma_wait3A_130 : memref<128x16xf32, #tpu.memory_space<vmem_shared>>) dst(%dma_wait3A_128 : memref<128x16xf32, #tpu.memory_space<hbm>>)
      tpu.yield
    }) : () -> ()
    %mul3A_104 = arith.constant 640 : i32
    %mul3A_105 = arith.muli %arg1, %mul3A_104 : i32
    %add3A_106 = arith.constant 128 : i32
    %add3A_107 = arith.addi %mul3A_105, %add3A_106 : i32
    "tpu.region"() ({
      %run_scoped3A_120 = tpu.sem_alloc : memref<!tpu.dma_semaphore, #tpu.memory_space<semaphore_mem>>
      %dma_start3A_121 = arith.constant 0 : i32
      %dma_start3A_122 = tpu.memref_slice %arg5[%arg0, %add3A_107, %dma_start3A_121] : memref<2x10240x16xf32, #tpu.memory_space<hbm>> -> memref<1x128x16xf32, #tpu.memory_space<hbm>>
      %dma_start3A_123 = tpu.memref_squeeze %dma_start3A_122 : memref<1x128x16xf32, #tpu.memory_space<hbm>> -> memref<128x16xf32, #tpu.memory_space<hbm>>
      %dma_start3A_124 = arith.constant 0 : i32
      %dma_start3A_125 = tpu.memref_slice %arg12[%add3A_107, %dma_start3A_124] : memref<10240x16xf32, #tpu.memory_space<vmem_shared>> -> memref<128x16xf32, #tpu.memory_space<vmem_shared>>
      tpu.enqueue_dma source(%dma_start3A_125 : memref<128x16xf32, #tpu.memory_space<vmem_shared>>) target(%dma_start3A_123 : memref<128x16xf32, #tpu.memory_space<hbm>>) target_semaphore(%run_scoped3A_120 : memref<!tpu.dma_semaphore, #tpu.memory_space<semaphore_mem>>)
      %dma_wait3A_126 = arith.constant 0 : i32
      %dma_wait3A_127 = tpu.memref_slice %arg5[%arg0, %add3A_107, %dma_wait3A_126] : memref<2x10240x16xf32, #tpu.memory_space<hbm>> -> memref<1x128x16xf32, #tpu.memory_space<hbm>>
      %dma_wait3A_128 = tpu.memref_squeeze %dma_wait3A_127 : memref<1x128x16xf32, #tpu.memory_space<hbm>> -> memref<128x16xf32, #tpu.memory_space<hbm>>
      %dma_wait3A_129 = arith.constant 0 : i32
      %dma_wait3A_130 = tpu.memref_slice %arg12[%add3A_107, %dma_wait3A_129] : memref<10240x16xf32, #tpu.memory_space<vmem_shared>> -> memref<128x16xf32, #tpu.memory_space<vmem_shared>>
      tpu.wait_dma2 semaphore(%run_scoped3A_120 : memref<!tpu.dma_semaphore, #tpu.memory_space<semaphore_mem>>) src(%dma_wait3A_130 : memref<128x16xf32, #tpu.memory_space<vmem_shared>>) dst(%dma_wait3A_128 : memref<128x16xf32, #tpu.memory_space<hbm>>)
      tpu.yield
    }) : () -> ()
    %mul3A_108 = arith.constant 640 : i32
    %mul3A_109 = arith.muli %arg1, %mul3A_108 : i32
    %add3A_110 = arith.constant 256 : i32
    %add3A_111 = arith.addi %mul3A_109, %add3A_110 : i32
    "tpu.region"() ({
      %run_scoped3A_120 = tpu.sem_alloc : memref<!tpu.dma_semaphore, #tpu.memory_space<semaphore_mem>>
      %dma_start3A_121 = arith.constant 0 : i32
      %dma_start3A_122 = tpu.memref_slice %arg5[%arg0, %add3A_111, %dma_start3A_121] : memref<2x10240x16xf32, #tpu.memory_space<hbm>> -> memref<1x128x16xf32, #tpu.memory_space<hbm>>
      %dma_start3A_123 = tpu.memref_squeeze %dma_start3A_122 : memref<1x128x16xf32, #tpu.memory_space<hbm>> -> memref<128x16xf32, #tpu.memory_space<hbm>>
      %dma_start3A_124 = arith.constant 0 : i32
      %dma_start3A_125 = tpu.memref_slice %arg12[%add3A_111, %dma_start3A_124] : memref<10240x16xf32, #tpu.memory_space<vmem_shared>> -> memref<128x16xf32, #tpu.memory_space<vmem_shared>>
      tpu.enqueue_dma source(%dma_start3A_125 : memref<128x16xf32, #tpu.memory_space<vmem_shared>>) target(%dma_start3A_123 : memref<128x16xf32, #tpu.memory_space<hbm>>) target_semaphore(%run_scoped3A_120 : memref<!tpu.dma_semaphore, #tpu.memory_space<semaphore_mem>>)
      %dma_wait3A_126 = arith.constant 0 : i32
      %dma_wait3A_127 = tpu.memref_slice %arg5[%arg0, %add3A_111, %dma_wait3A_126] : memref<2x10240x16xf32, #tpu.memory_space<hbm>> -> memref<1x128x16xf32, #tpu.memory_space<hbm>>
      %dma_wait3A_128 = tpu.memref_squeeze %dma_wait3A_127 : memref<1x128x16xf32, #tpu.memory_space<hbm>> -> memref<128x16xf32, #tpu.memory_space<hbm>>
      %dma_wait3A_129 = arith.constant 0 : i32
      %dma_wait3A_130 = tpu.memref_slice %arg12[%add3A_111, %dma_wait3A_129] : memref<10240x16xf32, #tpu.memory_space<vmem_shared>> -> memref<128x16xf32, #tpu.memory_space<vmem_shared>>
      tpu.wait_dma2 semaphore(%run_scoped3A_120 : memref<!tpu.dma_semaphore, #tpu.memory_space<semaphore_mem>>) src(%dma_wait3A_130 : memref<128x16xf32, #tpu.memory_space<vmem_shared>>) dst(%dma_wait3A_128 : memref<128x16xf32, #tpu.memory_space<hbm>>)
      tpu.yield
    }) : () -> ()
    %mul3A_112 = arith.constant 640 : i32
    %mul3A_113 = arith.muli %arg1, %mul3A_112 : i32
    %add3A_114 = arith.constant 384 : i32
    %add3A_115 = arith.addi %mul3A_113, %add3A_114 : i32
    "tpu.region"() ({
      %run_scoped3A_120 = tpu.sem_alloc : memref<!tpu.dma_semaphore, #tpu.memory_space<semaphore_mem>>
      %dma_start3A_121 = arith.constant 0 : i32
      %dma_start3A_122 = tpu.memref_slice %arg5[%arg0, %add3A_115, %dma_start3A_121] : memref<2x10240x16xf32, #tpu.memory_space<hbm>> -> memref<1x128x16xf32, #tpu.memory_space<hbm>>
      %dma_start3A_123 = tpu.memref_squeeze %dma_start3A_122 : memref<1x128x16xf32, #tpu.memory_space<hbm>> -> memref<128x16xf32, #tpu.memory_space<hbm>>
      %dma_start3A_124 = arith.constant 0 : i32
      %dma_start3A_125 = tpu.memref_slice %arg12[%add3A_115, %dma_start3A_124] : memref<10240x16xf32, #tpu.memory_space<vmem_shared>> -> memref<128x16xf32, #tpu.memory_space<vmem_shared>>
      tpu.enqueue_dma source(%dma_start3A_125 : memref<128x16xf32, #tpu.memory_space<vmem_shared>>) target(%dma_start3A_123 : memref<128x16xf32, #tpu.memory_space<hbm>>) target_semaphore(%run_scoped3A_120 : memref<!tpu.dma_semaphore, #tpu.memory_space<semaphore_mem>>)
      %dma_wait3A_126 = arith.constant 0 : i32
      %dma_wait3A_127 = tpu.memref_slice %arg5[%arg0, %add3A_115, %dma_wait3A_126] : memref<2x10240x16xf32, #tpu.memory_space<hbm>> -> memref<1x128x16xf32, #tpu.memory_space<hbm>>
      %dma_wait3A_128 = tpu.memref_squeeze %dma_wait3A_127 : memref<1x128x16xf32, #tpu.memory_space<hbm>> -> memref<128x16xf32, #tpu.memory_space<hbm>>
      %dma_wait3A_129 = arith.constant 0 : i32
      %dma_wait3A_130 = tpu.memref_slice %arg12[%add3A_115, %dma_wait3A_129] : memref<10240x16xf32, #tpu.memory_space<vmem_shared>> -> memref<128x16xf32, #tpu.memory_space<vmem_shared>>
      tpu.wait_dma2 semaphore(%run_scoped3A_120 : memref<!tpu.dma_semaphore, #tpu.memory_space<semaphore_mem>>) src(%dma_wait3A_130 : memref<128x16xf32, #tpu.memory_space<vmem_shared>>) dst(%dma_wait3A_128 : memref<128x16xf32, #tpu.memory_space<hbm>>)
      tpu.yield
    }) : () -> ()
    %mul3A_116 = arith.constant 640 : i32
    %mul3A_117 = arith.muli %arg1, %mul3A_116 : i32
    %add3A_118 = arith.constant 512 : i32
    %add3A_119 = arith.addi %mul3A_117, %add3A_118 : i32
    "tpu.region"() ({
      %run_scoped3A_120 = tpu.sem_alloc : memref<!tpu.dma_semaphore, #tpu.memory_space<semaphore_mem>>
      %dma_start3A_121 = arith.constant 0 : i32
      %dma_start3A_122 = tpu.memref_slice %arg5[%arg0, %add3A_119, %dma_start3A_121] : memref<2x10240x16xf32, #tpu.memory_space<hbm>> -> memref<1x128x16xf32, #tpu.memory_space<hbm>>
      %dma_start3A_123 = tpu.memref_squeeze %dma_start3A_122 : memref<1x128x16xf32, #tpu.memory_space<hbm>> -> memref<128x16xf32, #tpu.memory_space<hbm>>
      %dma_start3A_124 = arith.constant 0 : i32
      %dma_start3A_125 = tpu.memref_slice %arg12[%add3A_119, %dma_start3A_124] : memref<10240x16xf32, #tpu.memory_space<vmem_shared>> -> memref<128x16xf32, #tpu.memory_space<vmem_shared>>
      tpu.enqueue_dma source(%dma_start3A_125 : memref<128x16xf32, #tpu.memory_space<vmem_shared>>) target(%dma_start3A_123 : memref<128x16xf32, #tpu.memory_space<hbm>>) target_semaphore(%run_scoped3A_120 : memref<!tpu.dma_semaphore, #tpu.memory_space<semaphore_mem>>)
      %dma_wait3A_126 = arith.constant 0 : i32
      %dma_wait3A_127 = tpu.memref_slice %arg5[%arg0, %add3A_119, %dma_wait3A_126] : memref<2x10240x16xf32, #tpu.memory_space<hbm>> -> memref<1x128x16xf32, #tpu.memory_space<hbm>>
      %dma_wait3A_128 = tpu.memref_squeeze %dma_wait3A_127 : memref<1x128x16xf32, #tpu.memory_space<hbm>> -> memref<128x16xf32, #tpu.memory_space<hbm>>
      %dma_wait3A_129 = arith.constant 0 : i32
      %dma_wait3A_130 = tpu.memref_slice %arg12[%add3A_119, %dma_wait3A_129] : memref<10240x16xf32, #tpu.memory_space<vmem_shared>> -> memref<128x16xf32, #tpu.memory_space<vmem_shared>>
      tpu.wait_dma2 semaphore(%run_scoped3A_120 : memref<!tpu.dma_semaphore, #tpu.memory_space<semaphore_mem>>) src(%dma_wait3A_130 : memref<128x16xf32, #tpu.memory_space<vmem_shared>>) dst(%dma_wait3A_128 : memref<128x16xf32, #tpu.memory_space<hbm>>)
      tpu.yield
    }) : () -> ()
    return
  }
}

#map = affine_map<(d0, d1) -> (0, 0, 0)>
#map1 = affine_map<(d0, d1) -> (0, 0)>
module attributes {stable_mosaic.version = 14 : i64} {
  func.func @body(%arg0: i32, %arg1: i32, %arg2: memref<2x10240x32xf32, #tpu.memory_space<hbm>>, %arg3: memref<32x80x128xi32, #tpu.memory_space<hbm>>, %arg4: memref<128x32xf32, #tpu.memory_space<hbm>>, %arg5: memref<2x10240x32xf32, #tpu.memory_space<hbm>>, %arg6: memref<160x128xi32, #tpu.memory_space<vmem>>, %arg7: memref<160x128xi32, #tpu.memory_space<vmem>>, %arg8: memref<160x128xi32, #tpu.memory_space<vmem>>, %arg9: memref<4x128x32xf32, #tpu.memory_space<vmem>>, %arg10: memref<128x32xf32, #tpu.memory_space<vmem>>, %arg11: memref<10240x32xf32, #tpu.memory_space<vmem_shared>>, %arg12: memref<10240x32xf32, #tpu.memory_space<vmem_shared>>, %arg13: memref<4x!tpu.dma_semaphore, #tpu.memory_space<semaphore_mem>>, %arg14: memref<4x!tpu.dma_semaphore, #tpu.memory_space<semaphore_mem>>) attributes {dimension_semantics = [#tpu.dimension_semantics<core_parallel>, #tpu.dimension_semantics<subcore_parallel>], iteration_bounds = array<i64: 2, 16>, scalar_prefetch = 0 : i64, scratch_operands = 9 : i64, tpu.core_type = #tpu.core_type<sc_vector_subcore>, window_params = [{transform_indices = #map}, {transform_indices = #map}, {transform_indices = #map1}, {transform_indices = #map}]} {
    "tpu.region"() ({
      %run_scoped3A_125 = tpu.sem_alloc : memref<!tpu.dma_semaphore, #tpu.memory_space<semaphore_mem>>
      tpu.enqueue_dma source(%arg4 : memref<128x32xf32, #tpu.memory_space<hbm>>) target(%arg10 : memref<128x32xf32, #tpu.memory_space<vmem>>) target_semaphore(%run_scoped3A_125 : memref<!tpu.dma_semaphore, #tpu.memory_space<semaphore_mem>>)
      tpu.wait_dma2 semaphore(%run_scoped3A_125 : memref<!tpu.dma_semaphore, #tpu.memory_space<semaphore_mem>>) src(%arg4 : memref<128x32xf32, #tpu.memory_space<hbm>>) dst(%arg10 : memref<128x32xf32, #tpu.memory_space<vmem>>)
      tpu.yield
    }) : () -> ()
    %mul3A = arith.constant 640 : i32
    %mul3A_0 = arith.muli %arg1, %mul3A : i32
    %add3A = arith.constant 0 : i32
    %add3A_1 = arith.addi %mul3A_0, %add3A : i32
    "tpu.region"() ({
      %run_scoped3A_125 = tpu.sem_alloc : memref<!tpu.dma_semaphore, #tpu.memory_space<semaphore_mem>>
      %dma_start3A_126 = arith.constant 0 : i32
      %dma_start3A_127 = tpu.memref_slice %arg12[%add3A_1, %dma_start3A_126] : memref<10240x32xf32, #tpu.memory_space<vmem_shared>> -> memref<128x32xf32, #tpu.memory_space<vmem_shared>>
      %dma_start3A_128 = arith.constant 0 : i32
      %dma_start3A_129 = tpu.memref_slice %arg12[%add3A_1, %dma_start3A_128] : memref<10240x32xf32, #tpu.memory_space<vmem_shared>> -> memref<128x32xf32, #tpu.memory_space<vmem_shared>>
      tpu.enqueue_dma source(%arg10 : memref<128x32xf32, #tpu.memory_space<vmem>>) target(%dma_start3A_129 : memref<128x32xf32, #tpu.memory_space<vmem_shared>>) target_semaphore(%run_scoped3A_125 : memref<!tpu.dma_semaphore, #tpu.memory_space<semaphore_mem>>)
      %dma_wait3A_130 = arith.constant 0 : i32
      %dma_wait3A_131 = tpu.memref_slice %arg12[%add3A_1, %dma_wait3A_130] : memref<10240x32xf32, #tpu.memory_space<vmem_shared>> -> memref<128x32xf32, #tpu.memory_space<vmem_shared>>
      %dma_wait3A_132 = arith.constant 0 : i32
      %dma_wait3A_133 = tpu.memref_slice %arg12[%add3A_1, %dma_wait3A_132] : memref<10240x32xf32, #tpu.memory_space<vmem_shared>> -> memref<128x32xf32, #tpu.memory_space<vmem_shared>>
      tpu.wait_dma2 semaphore(%run_scoped3A_125 : memref<!tpu.dma_semaphore, #tpu.memory_space<semaphore_mem>>) src(%arg10 : memref<128x32xf32, #tpu.memory_space<vmem>>) dst(%dma_wait3A_133 : memref<128x32xf32, #tpu.memory_space<vmem_shared>>)
      tpu.yield
    }) : () -> ()
    %run_scoped3A = arith.constant 0 : i32
    "tpu.region"() ({
      %run_scoped3A_125 = tpu.sem_alloc : memref<!tpu.dma_semaphore, #tpu.memory_space<semaphore_mem>>
      %dma_start3A_126 = arith.constant 0 : i32
      %dma_start3A_127 = arith.constant 0 : i32
      %dma_start3A_128 = tpu.memref_slice %arg9[%run_scoped3A, %dma_start3A_126, %dma_start3A_127] : memref<4x128x32xf32, #tpu.memory_space<vmem>> -> memref<1x128x32xf32, #tpu.memory_space<vmem>>
      %dma_start3A_129 = tpu.memref_squeeze %dma_start3A_128 : memref<1x128x32xf32, #tpu.memory_space<vmem>> -> memref<128x32xf32, #tpu.memory_space<vmem>>
      %dma_start3A_130 = arith.constant 0 : i32
      %dma_start3A_131 = tpu.memref_slice %arg2[%arg0, %add3A_1, %dma_start3A_130] : memref<2x10240x32xf32, #tpu.memory_space<hbm>> -> memref<1x128x32xf32, #tpu.memory_space<hbm>>
      %dma_start3A_132 = tpu.memref_squeeze %dma_start3A_131 : memref<1x128x32xf32, #tpu.memory_space<hbm>> -> memref<128x32xf32, #tpu.memory_space<hbm>>
      %dma_start3A_133 = arith.constant 0 : i32
      %dma_start3A_134 = arith.constant 0 : i32
      %dma_start3A_135 = tpu.memref_slice %arg9[%run_scoped3A, %dma_start3A_133, %dma_start3A_134] : memref<4x128x32xf32, #tpu.memory_space<vmem>> -> memref<1x128x32xf32, #tpu.memory_space<vmem>>
      %dma_start3A_136 = tpu.memref_squeeze %dma_start3A_135 : memref<1x128x32xf32, #tpu.memory_space<vmem>> -> memref<128x32xf32, #tpu.memory_space<vmem>>
      %dma_start3A_137 = arith.constant 0 : i32
      %dma_start3A_138 = tpu.memref_slice %arg2[%arg0, %add3A_1, %dma_start3A_137] : memref<2x10240x32xf32, #tpu.memory_space<hbm>> -> memref<1x128x32xf32, #tpu.memory_space<hbm>>
      %dma_start3A_139 = tpu.memref_squeeze %dma_start3A_138 : memref<1x128x32xf32, #tpu.memory_space<hbm>> -> memref<128x32xf32, #tpu.memory_space<hbm>>
      tpu.enqueue_dma source(%dma_start3A_139 : memref<128x32xf32, #tpu.memory_space<hbm>>) target(%dma_start3A_136 : memref<128x32xf32, #tpu.memory_space<vmem>>) target_semaphore(%run_scoped3A_125 : memref<!tpu.dma_semaphore, #tpu.memory_space<semaphore_mem>>)
      %dma_wait3A_140 = arith.constant 0 : i32
      %dma_wait3A_141 = arith.constant 0 : i32
      %dma_wait3A_142 = tpu.memref_slice %arg9[%run_scoped3A, %dma_wait3A_140, %dma_wait3A_141] : memref<4x128x32xf32, #tpu.memory_space<vmem>> -> memref<1x128x32xf32, #tpu.memory_space<vmem>>
      %dma_wait3A_143 = tpu.memref_squeeze %dma_wait3A_142 : memref<1x128x32xf32, #tpu.memory_space<vmem>> -> memref<128x32xf32, #tpu.memory_space<vmem>>
      %dma_wait3A_144 = arith.constant 0 : i32
      %dma_wait3A_145 = tpu.memref_slice %arg2[%arg0, %add3A_1, %dma_wait3A_144] : memref<2x10240x32xf32, #tpu.memory_space<hbm>> -> memref<1x128x32xf32, #tpu.memory_space<hbm>>
      %dma_wait3A_146 = tpu.memref_squeeze %dma_wait3A_145 : memref<1x128x32xf32, #tpu.memory_space<hbm>> -> memref<128x32xf32, #tpu.memory_space<hbm>>
      %dma_wait3A_147 = arith.constant 0 : i32
      %dma_wait3A_148 = arith.constant 0 : i32
      %dma_wait3A_149 = tpu.memref_slice %arg9[%run_scoped3A, %dma_wait3A_147, %dma_wait3A_148] : memref<4x128x32xf32, #tpu.memory_space<vmem>> -> memref<1x128x32xf32, #tpu.memory_space<vmem>>
      %dma_wait3A_150 = tpu.memref_squeeze %dma_wait3A_149 : memref<1x128x32xf32, #tpu.memory_space<vmem>> -> memref<128x32xf32, #tpu.memory_space<vmem>>
      %dma_wait3A_151 = arith.constant 0 : i32
      %dma_wait3A_152 = tpu.memref_slice %arg2[%arg0, %add3A_1, %dma_wait3A_151] : memref<2x10240x32xf32, #tpu.memory_space<hbm>> -> memref<1x128x32xf32, #tpu.memory_space<hbm>>
      %dma_wait3A_153 = tpu.memref_squeeze %dma_wait3A_152 : memref<1x128x32xf32, #tpu.memory_space<hbm>> -> memref<128x32xf32, #tpu.memory_space<hbm>>
      tpu.wait_dma2 semaphore(%run_scoped3A_125 : memref<!tpu.dma_semaphore, #tpu.memory_space<semaphore_mem>>) src(%dma_wait3A_153 : memref<128x32xf32, #tpu.memory_space<hbm>>) dst(%dma_wait3A_150 : memref<128x32xf32, #tpu.memory_space<vmem>>)
      tpu.yield
    }) : () -> ()
    %run_scoped3A_2 = arith.constant 0 : i32
    "tpu.region"() ({
      %run_scoped3A_125 = tpu.sem_alloc : memref<!tpu.dma_semaphore, #tpu.memory_space<semaphore_mem>>
      %dma_start3A_126 = arith.constant 0 : i32
      %dma_start3A_127 = arith.constant 0 : i32
      %dma_start3A_128 = tpu.memref_slice %arg9[%run_scoped3A_2, %dma_start3A_126, %dma_start3A_127] : memref<4x128x32xf32, #tpu.memory_space<vmem>> -> memref<1x128x32xf32, #tpu.memory_space<vmem>>
      %dma_start3A_129 = tpu.memref_squeeze %dma_start3A_128 : memref<1x128x32xf32, #tpu.memory_space<vmem>> -> memref<128x32xf32, #tpu.memory_space<vmem>>
      %dma_start3A_130 = arith.constant 0 : i32
      %dma_start3A_131 = tpu.memref_slice %arg11[%add3A_1, %dma_start3A_130] : memref<10240x32xf32, #tpu.memory_space<vmem_shared>> -> memref<128x32xf32, #tpu.memory_space<vmem_shared>>
      %dma_start3A_132 = arith.constant 0 : i32
      %dma_start3A_133 = tpu.memref_slice %arg11[%add3A_1, %dma_start3A_132] : memref<10240x32xf32, #tpu.memory_space<vmem_shared>> -> memref<128x32xf32, #tpu.memory_space<vmem_shared>>
      %dma_start3A_134 = arith.constant 0 : i32
      %dma_start3A_135 = arith.constant 0 : i32
      %dma_start3A_136 = tpu.memref_slice %arg9[%run_scoped3A_2, %dma_start3A_134, %dma_start3A_135] : memref<4x128x32xf32, #tpu.memory_space<vmem>> -> memref<1x128x32xf32, #tpu.memory_space<vmem>>
      %dma_start3A_137 = tpu.memref_squeeze %dma_start3A_136 : memref<1x128x32xf32, #tpu.memory_space<vmem>> -> memref<128x32xf32, #tpu.memory_space<vmem>>
      tpu.enqueue_dma source(%dma_start3A_137 : memref<128x32xf32, #tpu.memory_space<vmem>>) target(%dma_start3A_133 : memref<128x32xf32, #tpu.memory_space<vmem_shared>>) target_semaphore(%run_scoped3A_125 : memref<!tpu.dma_semaphore, #tpu.memory_space<semaphore_mem>>)
      %dma_wait3A_138 = arith.constant 0 : i32
      %dma_wait3A_139 = arith.constant 0 : i32
      %dma_wait3A_140 = tpu.memref_slice %arg9[%run_scoped3A_2, %dma_wait3A_138, %dma_wait3A_139] : memref<4x128x32xf32, #tpu.memory_space<vmem>> -> memref<1x128x32xf32, #tpu.memory_space<vmem>>
      %dma_wait3A_141 = tpu.memref_squeeze %dma_wait3A_140 : memref<1x128x32xf32, #tpu.memory_space<vmem>> -> memref<128x32xf32, #tpu.memory_space<vmem>>
      %dma_wait3A_142 = arith.constant 0 : i32
      %dma_wait3A_143 = tpu.memref_slice %arg11[%add3A_1, %dma_wait3A_142] : memref<10240x32xf32, #tpu.memory_space<vmem_shared>> -> memref<128x32xf32, #tpu.memory_space<vmem_shared>>
      %dma_wait3A_144 = arith.constant 0 : i32
      %dma_wait3A_145 = tpu.memref_slice %arg11[%add3A_1, %dma_wait3A_144] : memref<10240x32xf32, #tpu.memory_space<vmem_shared>> -> memref<128x32xf32, #tpu.memory_space<vmem_shared>>
      %dma_wait3A_146 = arith.constant 0 : i32
      %dma_wait3A_147 = arith.constant 0 : i32
      %dma_wait3A_148 = tpu.memref_slice %arg9[%run_scoped3A_2, %dma_wait3A_146, %dma_wait3A_147] : memref<4x128x32xf32, #tpu.memory_space<vmem>> -> memref<1x128x32xf32, #tpu.memory_space<vmem>>
      %dma_wait3A_149 = tpu.memref_squeeze %dma_wait3A_148 : memref<1x128x32xf32, #tpu.memory_space<vmem>> -> memref<128x32xf32, #tpu.memory_space<vmem>>
      tpu.wait_dma2 semaphore(%run_scoped3A_125 : memref<!tpu.dma_semaphore, #tpu.memory_space<semaphore_mem>>) src(%dma_wait3A_149 : memref<128x32xf32, #tpu.memory_space<vmem>>) dst(%dma_wait3A_145 : memref<128x32xf32, #tpu.memory_space<vmem_shared>>)
      tpu.yield
    }) : () -> ()
    %mul3A_3 = arith.constant 640 : i32
    %mul3A_4 = arith.muli %arg1, %mul3A_3 : i32
    %add3A_5 = arith.constant 128 : i32
    %add3A_6 = arith.addi %mul3A_4, %add3A_5 : i32
    "tpu.region"() ({
      %run_scoped3A_125 = tpu.sem_alloc : memref<!tpu.dma_semaphore, #tpu.memory_space<semaphore_mem>>
      %dma_start3A_126 = arith.constant 0 : i32
      %dma_start3A_127 = tpu.memref_slice %arg12[%add3A_6, %dma_start3A_126] : memref<10240x32xf32, #tpu.memory_space<vmem_shared>> -> memref<128x32xf32, #tpu.memory_space<vmem_shared>>
      %dma_start3A_128 = arith.constant 0 : i32
      %dma_start3A_129 = tpu.memref_slice %arg12[%add3A_6, %dma_start3A_128] : memref<10240x32xf32, #tpu.memory_space<vmem_shared>> -> memref<128x32xf32, #tpu.memory_space<vmem_shared>>
      tpu.enqueue_dma source(%arg10 : memref<128x32xf32, #tpu.memory_space<vmem>>) target(%dma_start3A_129 : memref<128x32xf32, #tpu.memory_space<vmem_shared>>) target_semaphore(%run_scoped3A_125 : memref<!tpu.dma_semaphore, #tpu.memory_space<semaphore_mem>>)
      %dma_wait3A_130 = arith.constant 0 : i32
      %dma_wait3A_131 = tpu.memref_slice %arg12[%add3A_6, %dma_wait3A_130] : memref<10240x32xf32, #tpu.memory_space<vmem_shared>> -> memref<128x32xf32, #tpu.memory_space<vmem_shared>>
      %dma_wait3A_132 = arith.constant 0 : i32
      %dma_wait3A_133 = tpu.memref_slice %arg12[%add3A_6, %dma_wait3A_132] : memref<10240x32xf32, #tpu.memory_space<vmem_shared>> -> memref<128x32xf32, #tpu.memory_space<vmem_shared>>
      tpu.wait_dma2 semaphore(%run_scoped3A_125 : memref<!tpu.dma_semaphore, #tpu.memory_space<semaphore_mem>>) src(%arg10 : memref<128x32xf32, #tpu.memory_space<vmem>>) dst(%dma_wait3A_133 : memref<128x32xf32, #tpu.memory_space<vmem_shared>>)
      tpu.yield
    }) : () -> ()
    %run_scoped3A_7 = arith.constant 0 : i32
    "tpu.region"() ({
      %run_scoped3A_125 = tpu.sem_alloc : memref<!tpu.dma_semaphore, #tpu.memory_space<semaphore_mem>>
      %dma_start3A_126 = arith.constant 0 : i32
      %dma_start3A_127 = arith.constant 0 : i32
      %dma_start3A_128 = tpu.memref_slice %arg9[%run_scoped3A_7, %dma_start3A_126, %dma_start3A_127] : memref<4x128x32xf32, #tpu.memory_space<vmem>> -> memref<1x128x32xf32, #tpu.memory_space<vmem>>
      %dma_start3A_129 = tpu.memref_squeeze %dma_start3A_128 : memref<1x128x32xf32, #tpu.memory_space<vmem>> -> memref<128x32xf32, #tpu.memory_space<vmem>>
      %dma_start3A_130 = arith.constant 0 : i32
      %dma_start3A_131 = tpu.memref_slice %arg2[%arg0, %add3A_6, %dma_start3A_130] : memref<2x10240x32xf32, #tpu.memory_space<hbm>> -> memref<1x128x32xf32, #tpu.memory_space<hbm>>
      %dma_start3A_132 = tpu.memref_squeeze %dma_start3A_131 : memref<1x128x32xf32, #tpu.memory_space<hbm>> -> memref<128x32xf32, #tpu.memory_space<hbm>>
      %dma_start3A_133 = arith.constant 0 : i32
      %dma_start3A_134 = arith.constant 0 : i32
      %dma_start3A_135 = tpu.memref_slice %arg9[%run_scoped3A_7, %dma_start3A_133, %dma_start3A_134] : memref<4x128x32xf32, #tpu.memory_space<vmem>> -> memref<1x128x32xf32, #tpu.memory_space<vmem>>
      %dma_start3A_136 = tpu.memref_squeeze %dma_start3A_135 : memref<1x128x32xf32, #tpu.memory_space<vmem>> -> memref<128x32xf32, #tpu.memory_space<vmem>>
      %dma_start3A_137 = arith.constant 0 : i32
      %dma_start3A_138 = tpu.memref_slice %arg2[%arg0, %add3A_6, %dma_start3A_137] : memref<2x10240x32xf32, #tpu.memory_space<hbm>> -> memref<1x128x32xf32, #tpu.memory_space<hbm>>
      %dma_start3A_139 = tpu.memref_squeeze %dma_start3A_138 : memref<1x128x32xf32, #tpu.memory_space<hbm>> -> memref<128x32xf32, #tpu.memory_space<hbm>>
      tpu.enqueue_dma source(%dma_start3A_139 : memref<128x32xf32, #tpu.memory_space<hbm>>) target(%dma_start3A_136 : memref<128x32xf32, #tpu.memory_space<vmem>>) target_semaphore(%run_scoped3A_125 : memref<!tpu.dma_semaphore, #tpu.memory_space<semaphore_mem>>)
      %dma_wait3A_140 = arith.constant 0 : i32
      %dma_wait3A_141 = arith.constant 0 : i32
      %dma_wait3A_142 = tpu.memref_slice %arg9[%run_scoped3A_7, %dma_wait3A_140, %dma_wait3A_141] : memref<4x128x32xf32, #tpu.memory_space<vmem>> -> memref<1x128x32xf32, #tpu.memory_space<vmem>>
      %dma_wait3A_143 = tpu.memref_squeeze %dma_wait3A_142 : memref<1x128x32xf32, #tpu.memory_space<vmem>> -> memref<128x32xf32, #tpu.memory_space<vmem>>
      %dma_wait3A_144 = arith.constant 0 : i32
      %dma_wait3A_145 = tpu.memref_slice %arg2[%arg0, %add3A_6, %dma_wait3A_144] : memref<2x10240x32xf32, #tpu.memory_space<hbm>> -> memref<1x128x32xf32, #tpu.memory_space<hbm>>
      %dma_wait3A_146 = tpu.memref_squeeze %dma_wait3A_145 : memref<1x128x32xf32, #tpu.memory_space<hbm>> -> memref<128x32xf32, #tpu.memory_space<hbm>>
      %dma_wait3A_147 = arith.constant 0 : i32
      %dma_wait3A_148 = arith.constant 0 : i32
      %dma_wait3A_149 = tpu.memref_slice %arg9[%run_scoped3A_7, %dma_wait3A_147, %dma_wait3A_148] : memref<4x128x32xf32, #tpu.memory_space<vmem>> -> memref<1x128x32xf32, #tpu.memory_space<vmem>>
      %dma_wait3A_150 = tpu.memref_squeeze %dma_wait3A_149 : memref<1x128x32xf32, #tpu.memory_space<vmem>> -> memref<128x32xf32, #tpu.memory_space<vmem>>
      %dma_wait3A_151 = arith.constant 0 : i32
      %dma_wait3A_152 = tpu.memref_slice %arg2[%arg0, %add3A_6, %dma_wait3A_151] : memref<2x10240x32xf32, #tpu.memory_space<hbm>> -> memref<1x128x32xf32, #tpu.memory_space<hbm>>
      %dma_wait3A_153 = tpu.memref_squeeze %dma_wait3A_152 : memref<1x128x32xf32, #tpu.memory_space<hbm>> -> memref<128x32xf32, #tpu.memory_space<hbm>>
      tpu.wait_dma2 semaphore(%run_scoped3A_125 : memref<!tpu.dma_semaphore, #tpu.memory_space<semaphore_mem>>) src(%dma_wait3A_153 : memref<128x32xf32, #tpu.memory_space<hbm>>) dst(%dma_wait3A_150 : memref<128x32xf32, #tpu.memory_space<vmem>>)
      tpu.yield
    }) : () -> ()
    %run_scoped3A_8 = arith.constant 0 : i32
    "tpu.region"() ({
      %run_scoped3A_125 = tpu.sem_alloc : memref<!tpu.dma_semaphore, #tpu.memory_space<semaphore_mem>>
      %dma_start3A_126 = arith.constant 0 : i32
      %dma_start3A_127 = arith.constant 0 : i32
      %dma_start3A_128 = tpu.memref_slice %arg9[%run_scoped3A_8, %dma_start3A_126, %dma_start3A_127] : memref<4x128x32xf32, #tpu.memory_space<vmem>> -> memref<1x128x32xf32, #tpu.memory_space<vmem>>
      %dma_start3A_129 = tpu.memref_squeeze %dma_start3A_128 : memref<1x128x32xf32, #tpu.memory_space<vmem>> -> memref<128x32xf32, #tpu.memory_space<vmem>>
      %dma_start3A_130 = arith.constant 0 : i32
      %dma_start3A_131 = tpu.memref_slice %arg11[%add3A_6, %dma_start3A_130] : memref<10240x32xf32, #tpu.memory_space<vmem_shared>> -> memref<128x32xf32, #tpu.memory_space<vmem_shared>>
      %dma_start3A_132 = arith.constant 0 : i32
      %dma_start3A_133 = tpu.memref_slice %arg11[%add3A_6, %dma_start3A_132] : memref<10240x32xf32, #tpu.memory_space<vmem_shared>> -> memref<128x32xf32, #tpu.memory_space<vmem_shared>>
      %dma_start3A_134 = arith.constant 0 : i32
      %dma_start3A_135 = arith.constant 0 : i32
      %dma_start3A_136 = tpu.memref_slice %arg9[%run_scoped3A_8, %dma_start3A_134, %dma_start3A_135] : memref<4x128x32xf32, #tpu.memory_space<vmem>> -> memref<1x128x32xf32, #tpu.memory_space<vmem>>
      %dma_start3A_137 = tpu.memref_squeeze %dma_start3A_136 : memref<1x128x32xf32, #tpu.memory_space<vmem>> -> memref<128x32xf32, #tpu.memory_space<vmem>>
      tpu.enqueue_dma source(%dma_start3A_137 : memref<128x32xf32, #tpu.memory_space<vmem>>) target(%dma_start3A_133 : memref<128x32xf32, #tpu.memory_space<vmem_shared>>) target_semaphore(%run_scoped3A_125 : memref<!tpu.dma_semaphore, #tpu.memory_space<semaphore_mem>>)
      %dma_wait3A_138 = arith.constant 0 : i32
      %dma_wait3A_139 = arith.constant 0 : i32
      %dma_wait3A_140 = tpu.memref_slice %arg9[%run_scoped3A_8, %dma_wait3A_138, %dma_wait3A_139] : memref<4x128x32xf32, #tpu.memory_space<vmem>> -> memref<1x128x32xf32, #tpu.memory_space<vmem>>
      %dma_wait3A_141 = tpu.memref_squeeze %dma_wait3A_140 : memref<1x128x32xf32, #tpu.memory_space<vmem>> -> memref<128x32xf32, #tpu.memory_space<vmem>>
      %dma_wait3A_142 = arith.constant 0 : i32
      %dma_wait3A_143 = tpu.memref_slice %arg11[%add3A_6, %dma_wait3A_142] : memref<10240x32xf32, #tpu.memory_space<vmem_shared>> -> memref<128x32xf32, #tpu.memory_space<vmem_shared>>
      %dma_wait3A_144 = arith.constant 0 : i32
      %dma_wait3A_145 = tpu.memref_slice %arg11[%add3A_6, %dma_wait3A_144] : memref<10240x32xf32, #tpu.memory_space<vmem_shared>> -> memref<128x32xf32, #tpu.memory_space<vmem_shared>>
      %dma_wait3A_146 = arith.constant 0 : i32
      %dma_wait3A_147 = arith.constant 0 : i32
      %dma_wait3A_148 = tpu.memref_slice %arg9[%run_scoped3A_8, %dma_wait3A_146, %dma_wait3A_147] : memref<4x128x32xf32, #tpu.memory_space<vmem>> -> memref<1x128x32xf32, #tpu.memory_space<vmem>>
      %dma_wait3A_149 = tpu.memref_squeeze %dma_wait3A_148 : memref<1x128x32xf32, #tpu.memory_space<vmem>> -> memref<128x32xf32, #tpu.memory_space<vmem>>
      tpu.wait_dma2 semaphore(%run_scoped3A_125 : memref<!tpu.dma_semaphore, #tpu.memory_space<semaphore_mem>>) src(%dma_wait3A_149 : memref<128x32xf32, #tpu.memory_space<vmem>>) dst(%dma_wait3A_145 : memref<128x32xf32, #tpu.memory_space<vmem_shared>>)
      tpu.yield
    }) : () -> ()
    %mul3A_9 = arith.constant 640 : i32
    %mul3A_10 = arith.muli %arg1, %mul3A_9 : i32
    %add3A_11 = arith.constant 256 : i32
    %add3A_12 = arith.addi %mul3A_10, %add3A_11 : i32
    "tpu.region"() ({
      %run_scoped3A_125 = tpu.sem_alloc : memref<!tpu.dma_semaphore, #tpu.memory_space<semaphore_mem>>
      %dma_start3A_126 = arith.constant 0 : i32
      %dma_start3A_127 = tpu.memref_slice %arg12[%add3A_12, %dma_start3A_126] : memref<10240x32xf32, #tpu.memory_space<vmem_shared>> -> memref<128x32xf32, #tpu.memory_space<vmem_shared>>
      %dma_start3A_128 = arith.constant 0 : i32
      %dma_start3A_129 = tpu.memref_slice %arg12[%add3A_12, %dma_start3A_128] : memref<10240x32xf32, #tpu.memory_space<vmem_shared>> -> memref<128x32xf32, #tpu.memory_space<vmem_shared>>
      tpu.enqueue_dma source(%arg10 : memref<128x32xf32, #tpu.memory_space<vmem>>) target(%dma_start3A_129 : memref<128x32xf32, #tpu.memory_space<vmem_shared>>) target_semaphore(%run_scoped3A_125 : memref<!tpu.dma_semaphore, #tpu.memory_space<semaphore_mem>>)
      %dma_wait3A_130 = arith.constant 0 : i32
      %dma_wait3A_131 = tpu.memref_slice %arg12[%add3A_12, %dma_wait3A_130] : memref<10240x32xf32, #tpu.memory_space<vmem_shared>> -> memref<128x32xf32, #tpu.memory_space<vmem_shared>>
      %dma_wait3A_132 = arith.constant 0 : i32
      %dma_wait3A_133 = tpu.memref_slice %arg12[%add3A_12, %dma_wait3A_132] : memref<10240x32xf32, #tpu.memory_space<vmem_shared>> -> memref<128x32xf32, #tpu.memory_space<vmem_shared>>
      tpu.wait_dma2 semaphore(%run_scoped3A_125 : memref<!tpu.dma_semaphore, #tpu.memory_space<semaphore_mem>>) src(%arg10 : memref<128x32xf32, #tpu.memory_space<vmem>>) dst(%dma_wait3A_133 : memref<128x32xf32, #tpu.memory_space<vmem_shared>>)
      tpu.yield
    }) : () -> ()
    %run_scoped3A_13 = arith.constant 0 : i32
    "tpu.region"() ({
      %run_scoped3A_125 = tpu.sem_alloc : memref<!tpu.dma_semaphore, #tpu.memory_space<semaphore_mem>>
      %dma_start3A_126 = arith.constant 0 : i32
      %dma_start3A_127 = arith.constant 0 : i32
      %dma_start3A_128 = tpu.memref_slice %arg9[%run_scoped3A_13, %dma_start3A_126, %dma_start3A_127] : memref<4x128x32xf32, #tpu.memory_space<vmem>> -> memref<1x128x32xf32, #tpu.memory_space<vmem>>
      %dma_start3A_129 = tpu.memref_squeeze %dma_start3A_128 : memref<1x128x32xf32, #tpu.memory_space<vmem>> -> memref<128x32xf32, #tpu.memory_space<vmem>>
      %dma_start3A_130 = arith.constant 0 : i32
      %dma_start3A_131 = tpu.memref_slice %arg2[%arg0, %add3A_12, %dma_start3A_130] : memref<2x10240x32xf32, #tpu.memory_space<hbm>> -> memref<1x128x32xf32, #tpu.memory_space<hbm>>
      %dma_start3A_132 = tpu.memref_squeeze %dma_start3A_131 : memref<1x128x32xf32, #tpu.memory_space<hbm>> -> memref<128x32xf32, #tpu.memory_space<hbm>>
      %dma_start3A_133 = arith.constant 0 : i32
      %dma_start3A_134 = arith.constant 0 : i32
      %dma_start3A_135 = tpu.memref_slice %arg9[%run_scoped3A_13, %dma_start3A_133, %dma_start3A_134] : memref<4x128x32xf32, #tpu.memory_space<vmem>> -> memref<1x128x32xf32, #tpu.memory_space<vmem>>
      %dma_start3A_136 = tpu.memref_squeeze %dma_start3A_135 : memref<1x128x32xf32, #tpu.memory_space<vmem>> -> memref<128x32xf32, #tpu.memory_space<vmem>>
      %dma_start3A_137 = arith.constant 0 : i32
      %dma_start3A_138 = tpu.memref_slice %arg2[%arg0, %add3A_12, %dma_start3A_137] : memref<2x10240x32xf32, #tpu.memory_space<hbm>> -> memref<1x128x32xf32, #tpu.memory_space<hbm>>
      %dma_start3A_139 = tpu.memref_squeeze %dma_start3A_138 : memref<1x128x32xf32, #tpu.memory_space<hbm>> -> memref<128x32xf32, #tpu.memory_space<hbm>>
      tpu.enqueue_dma source(%dma_start3A_139 : memref<128x32xf32, #tpu.memory_space<hbm>>) target(%dma_start3A_136 : memref<128x32xf32, #tpu.memory_space<vmem>>) target_semaphore(%run_scoped3A_125 : memref<!tpu.dma_semaphore, #tpu.memory_space<semaphore_mem>>)
      %dma_wait3A_140 = arith.constant 0 : i32
      %dma_wait3A_141 = arith.constant 0 : i32
      %dma_wait3A_142 = tpu.memref_slice %arg9[%run_scoped3A_13, %dma_wait3A_140, %dma_wait3A_141] : memref<4x128x32xf32, #tpu.memory_space<vmem>> -> memref<1x128x32xf32, #tpu.memory_space<vmem>>
      %dma_wait3A_143 = tpu.memref_squeeze %dma_wait3A_142 : memref<1x128x32xf32, #tpu.memory_space<vmem>> -> memref<128x32xf32, #tpu.memory_space<vmem>>
      %dma_wait3A_144 = arith.constant 0 : i32
      %dma_wait3A_145 = tpu.memref_slice %arg2[%arg0, %add3A_12, %dma_wait3A_144] : memref<2x10240x32xf32, #tpu.memory_space<hbm>> -> memref<1x128x32xf32, #tpu.memory_space<hbm>>
      %dma_wait3A_146 = tpu.memref_squeeze %dma_wait3A_145 : memref<1x128x32xf32, #tpu.memory_space<hbm>> -> memref<128x32xf32, #tpu.memory_space<hbm>>
      %dma_wait3A_147 = arith.constant 0 : i32
      %dma_wait3A_148 = arith.constant 0 : i32
      %dma_wait3A_149 = tpu.memref_slice %arg9[%run_scoped3A_13, %dma_wait3A_147, %dma_wait3A_148] : memref<4x128x32xf32, #tpu.memory_space<vmem>> -> memref<1x128x32xf32, #tpu.memory_space<vmem>>
      %dma_wait3A_150 = tpu.memref_squeeze %dma_wait3A_149 : memref<1x128x32xf32, #tpu.memory_space<vmem>> -> memref<128x32xf32, #tpu.memory_space<vmem>>
      %dma_wait3A_151 = arith.constant 0 : i32
      %dma_wait3A_152 = tpu.memref_slice %arg2[%arg0, %add3A_12, %dma_wait3A_151] : memref<2x10240x32xf32, #tpu.memory_space<hbm>> -> memref<1x128x32xf32, #tpu.memory_space<hbm>>
      %dma_wait3A_153 = tpu.memref_squeeze %dma_wait3A_152 : memref<1x128x32xf32, #tpu.memory_space<hbm>> -> memref<128x32xf32, #tpu.memory_space<hbm>>
      tpu.wait_dma2 semaphore(%run_scoped3A_125 : memref<!tpu.dma_semaphore, #tpu.memory_space<semaphore_mem>>) src(%dma_wait3A_153 : memref<128x32xf32, #tpu.memory_space<hbm>>) dst(%dma_wait3A_150 : memref<128x32xf32, #tpu.memory_space<vmem>>)
      tpu.yield
    }) : () -> ()
    %run_scoped3A_14 = arith.constant 0 : i32
    "tpu.region"() ({
      %run_scoped3A_125 = tpu.sem_alloc : memref<!tpu.dma_semaphore, #tpu.memory_space<semaphore_mem>>
      %dma_start3A_126 = arith.constant 0 : i32
      %dma_start3A_127 = arith.constant 0 : i32
      %dma_start3A_128 = tpu.memref_slice %arg9[%run_scoped3A_14, %dma_start3A_126, %dma_start3A_127] : memref<4x128x32xf32, #tpu.memory_space<vmem>> -> memref<1x128x32xf32, #tpu.memory_space<vmem>>
      %dma_start3A_129 = tpu.memref_squeeze %dma_start3A_128 : memref<1x128x32xf32, #tpu.memory_space<vmem>> -> memref<128x32xf32, #tpu.memory_space<vmem>>
      %dma_start3A_130 = arith.constant 0 : i32
      %dma_start3A_131 = tpu.memref_slice %arg11[%add3A_12, %dma_start3A_130] : memref<10240x32xf32, #tpu.memory_space<vmem_shared>> -> memref<128x32xf32, #tpu.memory_space<vmem_shared>>
      %dma_start3A_132 = arith.constant 0 : i32
      %dma_start3A_133 = tpu.memref_slice %arg11[%add3A_12, %dma_start3A_132] : memref<10240x32xf32, #tpu.memory_space<vmem_shared>> -> memref<128x32xf32, #tpu.memory_space<vmem_shared>>
      %dma_start3A_134 = arith.constant 0 : i32
      %dma_start3A_135 = arith.constant 0 : i32
      %dma_start3A_136 = tpu.memref_slice %arg9[%run_scoped3A_14, %dma_start3A_134, %dma_start3A_135] : memref<4x128x32xf32, #tpu.memory_space<vmem>> -> memref<1x128x32xf32, #tpu.memory_space<vmem>>
      %dma_start3A_137 = tpu.memref_squeeze %dma_start3A_136 : memref<1x128x32xf32, #tpu.memory_space<vmem>> -> memref<128x32xf32, #tpu.memory_space<vmem>>
      tpu.enqueue_dma source(%dma_start3A_137 : memref<128x32xf32, #tpu.memory_space<vmem>>) target(%dma_start3A_133 : memref<128x32xf32, #tpu.memory_space<vmem_shared>>) target_semaphore(%run_scoped3A_125 : memref<!tpu.dma_semaphore, #tpu.memory_space<semaphore_mem>>)
      %dma_wait3A_138 = arith.constant 0 : i32
      %dma_wait3A_139 = arith.constant 0 : i32
      %dma_wait3A_140 = tpu.memref_slice %arg9[%run_scoped3A_14, %dma_wait3A_138, %dma_wait3A_139] : memref<4x128x32xf32, #tpu.memory_space<vmem>> -> memref<1x128x32xf32, #tpu.memory_space<vmem>>
      %dma_wait3A_141 = tpu.memref_squeeze %dma_wait3A_140 : memref<1x128x32xf32, #tpu.memory_space<vmem>> -> memref<128x32xf32, #tpu.memory_space<vmem>>
      %dma_wait3A_142 = arith.constant 0 : i32
      %dma_wait3A_143 = tpu.memref_slice %arg11[%add3A_12, %dma_wait3A_142] : memref<10240x32xf32, #tpu.memory_space<vmem_shared>> -> memref<128x32xf32, #tpu.memory_space<vmem_shared>>
      %dma_wait3A_144 = arith.constant 0 : i32
      %dma_wait3A_145 = tpu.memref_slice %arg11[%add3A_12, %dma_wait3A_144] : memref<10240x32xf32, #tpu.memory_space<vmem_shared>> -> memref<128x32xf32, #tpu.memory_space<vmem_shared>>
      %dma_wait3A_146 = arith.constant 0 : i32
      %dma_wait3A_147 = arith.constant 0 : i32
      %dma_wait3A_148 = tpu.memref_slice %arg9[%run_scoped3A_14, %dma_wait3A_146, %dma_wait3A_147] : memref<4x128x32xf32, #tpu.memory_space<vmem>> -> memref<1x128x32xf32, #tpu.memory_space<vmem>>
      %dma_wait3A_149 = tpu.memref_squeeze %dma_wait3A_148 : memref<1x128x32xf32, #tpu.memory_space<vmem>> -> memref<128x32xf32, #tpu.memory_space<vmem>>
      tpu.wait_dma2 semaphore(%run_scoped3A_125 : memref<!tpu.dma_semaphore, #tpu.memory_space<semaphore_mem>>) src(%dma_wait3A_149 : memref<128x32xf32, #tpu.memory_space<vmem>>) dst(%dma_wait3A_145 : memref<128x32xf32, #tpu.memory_space<vmem_shared>>)
      tpu.yield
    }) : () -> ()
    %mul3A_15 = arith.constant 640 : i32
    %mul3A_16 = arith.muli %arg1, %mul3A_15 : i32
    %add3A_17 = arith.constant 384 : i32
    %add3A_18 = arith.addi %mul3A_16, %add3A_17 : i32
    "tpu.region"() ({
      %run_scoped3A_125 = tpu.sem_alloc : memref<!tpu.dma_semaphore, #tpu.memory_space<semaphore_mem>>
      %dma_start3A_126 = arith.constant 0 : i32
      %dma_start3A_127 = tpu.memref_slice %arg12[%add3A_18, %dma_start3A_126] : memref<10240x32xf32, #tpu.memory_space<vmem_shared>> -> memref<128x32xf32, #tpu.memory_space<vmem_shared>>
      %dma_start3A_128 = arith.constant 0 : i32
      %dma_start3A_129 = tpu.memref_slice %arg12[%add3A_18, %dma_start3A_128] : memref<10240x32xf32, #tpu.memory_space<vmem_shared>> -> memref<128x32xf32, #tpu.memory_space<vmem_shared>>
      tpu.enqueue_dma source(%arg10 : memref<128x32xf32, #tpu.memory_space<vmem>>) target(%dma_start3A_129 : memref<128x32xf32, #tpu.memory_space<vmem_shared>>) target_semaphore(%run_scoped3A_125 : memref<!tpu.dma_semaphore, #tpu.memory_space<semaphore_mem>>)
      %dma_wait3A_130 = arith.constant 0 : i32
      %dma_wait3A_131 = tpu.memref_slice %arg12[%add3A_18, %dma_wait3A_130] : memref<10240x32xf32, #tpu.memory_space<vmem_shared>> -> memref<128x32xf32, #tpu.memory_space<vmem_shared>>
      %dma_wait3A_132 = arith.constant 0 : i32
      %dma_wait3A_133 = tpu.memref_slice %arg12[%add3A_18, %dma_wait3A_132] : memref<10240x32xf32, #tpu.memory_space<vmem_shared>> -> memref<128x32xf32, #tpu.memory_space<vmem_shared>>
      tpu.wait_dma2 semaphore(%run_scoped3A_125 : memref<!tpu.dma_semaphore, #tpu.memory_space<semaphore_mem>>) src(%arg10 : memref<128x32xf32, #tpu.memory_space<vmem>>) dst(%dma_wait3A_133 : memref<128x32xf32, #tpu.memory_space<vmem_shared>>)
      tpu.yield
    }) : () -> ()
    %run_scoped3A_19 = arith.constant 0 : i32
    "tpu.region"() ({
      %run_scoped3A_125 = tpu.sem_alloc : memref<!tpu.dma_semaphore, #tpu.memory_space<semaphore_mem>>
      %dma_start3A_126 = arith.constant 0 : i32
      %dma_start3A_127 = arith.constant 0 : i32
      %dma_start3A_128 = tpu.memref_slice %arg9[%run_scoped3A_19, %dma_start3A_126, %dma_start3A_127] : memref<4x128x32xf32, #tpu.memory_space<vmem>> -> memref<1x128x32xf32, #tpu.memory_space<vmem>>
      %dma_start3A_129 = tpu.memref_squeeze %dma_start3A_128 : memref<1x128x32xf32, #tpu.memory_space<vmem>> -> memref<128x32xf32, #tpu.memory_space<vmem>>
      %dma_start3A_130 = arith.constant 0 : i32
      %dma_start3A_131 = tpu.memref_slice %arg2[%arg0, %add3A_18, %dma_start3A_130] : memref<2x10240x32xf32, #tpu.memory_space<hbm>> -> memref<1x128x32xf32, #tpu.memory_space<hbm>>
      %dma_start3A_132 = tpu.memref_squeeze %dma_start3A_131 : memref<1x128x32xf32, #tpu.memory_space<hbm>> -> memref<128x32xf32, #tpu.memory_space<hbm>>
      %dma_start3A_133 = arith.constant 0 : i32
      %dma_start3A_134 = arith.constant 0 : i32
      %dma_start3A_135 = tpu.memref_slice %arg9[%run_scoped3A_19, %dma_start3A_133, %dma_start3A_134] : memref<4x128x32xf32, #tpu.memory_space<vmem>> -> memref<1x128x32xf32, #tpu.memory_space<vmem>>
      %dma_start3A_136 = tpu.memref_squeeze %dma_start3A_135 : memref<1x128x32xf32, #tpu.memory_space<vmem>> -> memref<128x32xf32, #tpu.memory_space<vmem>>
      %dma_start3A_137 = arith.constant 0 : i32
      %dma_start3A_138 = tpu.memref_slice %arg2[%arg0, %add3A_18, %dma_start3A_137] : memref<2x10240x32xf32, #tpu.memory_space<hbm>> -> memref<1x128x32xf32, #tpu.memory_space<hbm>>
      %dma_start3A_139 = tpu.memref_squeeze %dma_start3A_138 : memref<1x128x32xf32, #tpu.memory_space<hbm>> -> memref<128x32xf32, #tpu.memory_space<hbm>>
      tpu.enqueue_dma source(%dma_start3A_139 : memref<128x32xf32, #tpu.memory_space<hbm>>) target(%dma_start3A_136 : memref<128x32xf32, #tpu.memory_space<vmem>>) target_semaphore(%run_scoped3A_125 : memref<!tpu.dma_semaphore, #tpu.memory_space<semaphore_mem>>)
      %dma_wait3A_140 = arith.constant 0 : i32
      %dma_wait3A_141 = arith.constant 0 : i32
      %dma_wait3A_142 = tpu.memref_slice %arg9[%run_scoped3A_19, %dma_wait3A_140, %dma_wait3A_141] : memref<4x128x32xf32, #tpu.memory_space<vmem>> -> memref<1x128x32xf32, #tpu.memory_space<vmem>>
      %dma_wait3A_143 = tpu.memref_squeeze %dma_wait3A_142 : memref<1x128x32xf32, #tpu.memory_space<vmem>> -> memref<128x32xf32, #tpu.memory_space<vmem>>
      %dma_wait3A_144 = arith.constant 0 : i32
      %dma_wait3A_145 = tpu.memref_slice %arg2[%arg0, %add3A_18, %dma_wait3A_144] : memref<2x10240x32xf32, #tpu.memory_space<hbm>> -> memref<1x128x32xf32, #tpu.memory_space<hbm>>
      %dma_wait3A_146 = tpu.memref_squeeze %dma_wait3A_145 : memref<1x128x32xf32, #tpu.memory_space<hbm>> -> memref<128x32xf32, #tpu.memory_space<hbm>>
      %dma_wait3A_147 = arith.constant 0 : i32
      %dma_wait3A_148 = arith.constant 0 : i32
      %dma_wait3A_149 = tpu.memref_slice %arg9[%run_scoped3A_19, %dma_wait3A_147, %dma_wait3A_148] : memref<4x128x32xf32, #tpu.memory_space<vmem>> -> memref<1x128x32xf32, #tpu.memory_space<vmem>>
      %dma_wait3A_150 = tpu.memref_squeeze %dma_wait3A_149 : memref<1x128x32xf32, #tpu.memory_space<vmem>> -> memref<128x32xf32, #tpu.memory_space<vmem>>
      %dma_wait3A_151 = arith.constant 0 : i32
      %dma_wait3A_152 = tpu.memref_slice %arg2[%arg0, %add3A_18, %dma_wait3A_151] : memref<2x10240x32xf32, #tpu.memory_space<hbm>> -> memref<1x128x32xf32, #tpu.memory_space<hbm>>
      %dma_wait3A_153 = tpu.memref_squeeze %dma_wait3A_152 : memref<1x128x32xf32, #tpu.memory_space<hbm>> -> memref<128x32xf32, #tpu.memory_space<hbm>>
      tpu.wait_dma2 semaphore(%run_scoped3A_125 : memref<!tpu.dma_semaphore, #tpu.memory_space<semaphore_mem>>) src(%dma_wait3A_153 : memref<128x32xf32, #tpu.memory_space<hbm>>) dst(%dma_wait3A_150 : memref<128x32xf32, #tpu.memory_space<vmem>>)
      tpu.yield
    }) : () -> ()
    %run_scoped3A_20 = arith.constant 0 : i32
    "tpu.region"() ({
      %run_scoped3A_125 = tpu.sem_alloc : memref<!tpu.dma_semaphore, #tpu.memory_space<semaphore_mem>>
      %dma_start3A_126 = arith.constant 0 : i32
      %dma_start3A_127 = arith.constant 0 : i32
      %dma_start3A_128 = tpu.memref_slice %arg9[%run_scoped3A_20, %dma_start3A_126, %dma_start3A_127] : memref<4x128x32xf32, #tpu.memory_space<vmem>> -> memref<1x128x32xf32, #tpu.memory_space<vmem>>
      %dma_start3A_129 = tpu.memref_squeeze %dma_start3A_128 : memref<1x128x32xf32, #tpu.memory_space<vmem>> -> memref<128x32xf32, #tpu.memory_space<vmem>>
      %dma_start3A_130 = arith.constant 0 : i32
      %dma_start3A_131 = tpu.memref_slice %arg11[%add3A_18, %dma_start3A_130] : memref<10240x32xf32, #tpu.memory_space<vmem_shared>> -> memref<128x32xf32, #tpu.memory_space<vmem_shared>>
      %dma_start3A_132 = arith.constant 0 : i32
      %dma_start3A_133 = tpu.memref_slice %arg11[%add3A_18, %dma_start3A_132] : memref<10240x32xf32, #tpu.memory_space<vmem_shared>> -> memref<128x32xf32, #tpu.memory_space<vmem_shared>>
      %dma_start3A_134 = arith.constant 0 : i32
      %dma_start3A_135 = arith.constant 0 : i32
      %dma_start3A_136 = tpu.memref_slice %arg9[%run_scoped3A_20, %dma_start3A_134, %dma_start3A_135] : memref<4x128x32xf32, #tpu.memory_space<vmem>> -> memref<1x128x32xf32, #tpu.memory_space<vmem>>
      %dma_start3A_137 = tpu.memref_squeeze %dma_start3A_136 : memref<1x128x32xf32, #tpu.memory_space<vmem>> -> memref<128x32xf32, #tpu.memory_space<vmem>>
      tpu.enqueue_dma source(%dma_start3A_137 : memref<128x32xf32, #tpu.memory_space<vmem>>) target(%dma_start3A_133 : memref<128x32xf32, #tpu.memory_space<vmem_shared>>) target_semaphore(%run_scoped3A_125 : memref<!tpu.dma_semaphore, #tpu.memory_space<semaphore_mem>>)
      %dma_wait3A_138 = arith.constant 0 : i32
      %dma_wait3A_139 = arith.constant 0 : i32
      %dma_wait3A_140 = tpu.memref_slice %arg9[%run_scoped3A_20, %dma_wait3A_138, %dma_wait3A_139] : memref<4x128x32xf32, #tpu.memory_space<vmem>> -> memref<1x128x32xf32, #tpu.memory_space<vmem>>
      %dma_wait3A_141 = tpu.memref_squeeze %dma_wait3A_140 : memref<1x128x32xf32, #tpu.memory_space<vmem>> -> memref<128x32xf32, #tpu.memory_space<vmem>>
      %dma_wait3A_142 = arith.constant 0 : i32
      %dma_wait3A_143 = tpu.memref_slice %arg11[%add3A_18, %dma_wait3A_142] : memref<10240x32xf32, #tpu.memory_space<vmem_shared>> -> memref<128x32xf32, #tpu.memory_space<vmem_shared>>
      %dma_wait3A_144 = arith.constant 0 : i32
      %dma_wait3A_145 = tpu.memref_slice %arg11[%add3A_18, %dma_wait3A_144] : memref<10240x32xf32, #tpu.memory_space<vmem_shared>> -> memref<128x32xf32, #tpu.memory_space<vmem_shared>>
      %dma_wait3A_146 = arith.constant 0 : i32
      %dma_wait3A_147 = arith.constant 0 : i32
      %dma_wait3A_148 = tpu.memref_slice %arg9[%run_scoped3A_20, %dma_wait3A_146, %dma_wait3A_147] : memref<4x128x32xf32, #tpu.memory_space<vmem>> -> memref<1x128x32xf32, #tpu.memory_space<vmem>>
      %dma_wait3A_149 = tpu.memref_squeeze %dma_wait3A_148 : memref<1x128x32xf32, #tpu.memory_space<vmem>> -> memref<128x32xf32, #tpu.memory_space<vmem>>
      tpu.wait_dma2 semaphore(%run_scoped3A_125 : memref<!tpu.dma_semaphore, #tpu.memory_space<semaphore_mem>>) src(%dma_wait3A_149 : memref<128x32xf32, #tpu.memory_space<vmem>>) dst(%dma_wait3A_145 : memref<128x32xf32, #tpu.memory_space<vmem_shared>>)
      tpu.yield
    }) : () -> ()
    %mul3A_21 = arith.constant 640 : i32
    %mul3A_22 = arith.muli %arg1, %mul3A_21 : i32
    %add3A_23 = arith.constant 512 : i32
    %add3A_24 = arith.addi %mul3A_22, %add3A_23 : i32
    "tpu.region"() ({
      %run_scoped3A_125 = tpu.sem_alloc : memref<!tpu.dma_semaphore, #tpu.memory_space<semaphore_mem>>
      %dma_start3A_126 = arith.constant 0 : i32
      %dma_start3A_127 = tpu.memref_slice %arg12[%add3A_24, %dma_start3A_126] : memref<10240x32xf32, #tpu.memory_space<vmem_shared>> -> memref<128x32xf32, #tpu.memory_space<vmem_shared>>
      %dma_start3A_128 = arith.constant 0 : i32
      %dma_start3A_129 = tpu.memref_slice %arg12[%add3A_24, %dma_start3A_128] : memref<10240x32xf32, #tpu.memory_space<vmem_shared>> -> memref<128x32xf32, #tpu.memory_space<vmem_shared>>
      tpu.enqueue_dma source(%arg10 : memref<128x32xf32, #tpu.memory_space<vmem>>) target(%dma_start3A_129 : memref<128x32xf32, #tpu.memory_space<vmem_shared>>) target_semaphore(%run_scoped3A_125 : memref<!tpu.dma_semaphore, #tpu.memory_space<semaphore_mem>>)
      %dma_wait3A_130 = arith.constant 0 : i32
      %dma_wait3A_131 = tpu.memref_slice %arg12[%add3A_24, %dma_wait3A_130] : memref<10240x32xf32, #tpu.memory_space<vmem_shared>> -> memref<128x32xf32, #tpu.memory_space<vmem_shared>>
      %dma_wait3A_132 = arith.constant 0 : i32
      %dma_wait3A_133 = tpu.memref_slice %arg12[%add3A_24, %dma_wait3A_132] : memref<10240x32xf32, #tpu.memory_space<vmem_shared>> -> memref<128x32xf32, #tpu.memory_space<vmem_shared>>
      tpu.wait_dma2 semaphore(%run_scoped3A_125 : memref<!tpu.dma_semaphore, #tpu.memory_space<semaphore_mem>>) src(%arg10 : memref<128x32xf32, #tpu.memory_space<vmem>>) dst(%dma_wait3A_133 : memref<128x32xf32, #tpu.memory_space<vmem_shared>>)
      tpu.yield
    }) : () -> ()
    %run_scoped3A_25 = arith.constant 0 : i32
    "tpu.region"() ({
      %run_scoped3A_125 = tpu.sem_alloc : memref<!tpu.dma_semaphore, #tpu.memory_space<semaphore_mem>>
      %dma_start3A_126 = arith.constant 0 : i32
      %dma_start3A_127 = arith.constant 0 : i32
      %dma_start3A_128 = tpu.memref_slice %arg9[%run_scoped3A_25, %dma_start3A_126, %dma_start3A_127] : memref<4x128x32xf32, #tpu.memory_space<vmem>> -> memref<1x128x32xf32, #tpu.memory_space<vmem>>
      %dma_start3A_129 = tpu.memref_squeeze %dma_start3A_128 : memref<1x128x32xf32, #tpu.memory_space<vmem>> -> memref<128x32xf32, #tpu.memory_space<vmem>>
      %dma_start3A_130 = arith.constant 0 : i32
      %dma_start3A_131 = tpu.memref_slice %arg2[%arg0, %add3A_24, %dma_start3A_130] : memref<2x10240x32xf32, #tpu.memory_space<hbm>> -> memref<1x128x32xf32, #tpu.memory_space<hbm>>
      %dma_start3A_132 = tpu.memref_squeeze %dma_start3A_131 : memref<1x128x32xf32, #tpu.memory_space<hbm>> -> memref<128x32xf32, #tpu.memory_space<hbm>>
      %dma_start3A_133 = arith.constant 0 : i32
      %dma_start3A_134 = arith.constant 0 : i32
      %dma_start3A_135 = tpu.memref_slice %arg9[%run_scoped3A_25, %dma_start3A_133, %dma_start3A_134] : memref<4x128x32xf32, #tpu.memory_space<vmem>> -> memref<1x128x32xf32, #tpu.memory_space<vmem>>
      %dma_start3A_136 = tpu.memref_squeeze %dma_start3A_135 : memref<1x128x32xf32, #tpu.memory_space<vmem>> -> memref<128x32xf32, #tpu.memory_space<vmem>>
      %dma_start3A_137 = arith.constant 0 : i32
      %dma_start3A_138 = tpu.memref_slice %arg2[%arg0, %add3A_24, %dma_start3A_137] : memref<2x10240x32xf32, #tpu.memory_space<hbm>> -> memref<1x128x32xf32, #tpu.memory_space<hbm>>
      %dma_start3A_139 = tpu.memref_squeeze %dma_start3A_138 : memref<1x128x32xf32, #tpu.memory_space<hbm>> -> memref<128x32xf32, #tpu.memory_space<hbm>>
      tpu.enqueue_dma source(%dma_start3A_139 : memref<128x32xf32, #tpu.memory_space<hbm>>) target(%dma_start3A_136 : memref<128x32xf32, #tpu.memory_space<vmem>>) target_semaphore(%run_scoped3A_125 : memref<!tpu.dma_semaphore, #tpu.memory_space<semaphore_mem>>)
      %dma_wait3A_140 = arith.constant 0 : i32
      %dma_wait3A_141 = arith.constant 0 : i32
      %dma_wait3A_142 = tpu.memref_slice %arg9[%run_scoped3A_25, %dma_wait3A_140, %dma_wait3A_141] : memref<4x128x32xf32, #tpu.memory_space<vmem>> -> memref<1x128x32xf32, #tpu.memory_space<vmem>>
      %dma_wait3A_143 = tpu.memref_squeeze %dma_wait3A_142 : memref<1x128x32xf32, #tpu.memory_space<vmem>> -> memref<128x32xf32, #tpu.memory_space<vmem>>
      %dma_wait3A_144 = arith.constant 0 : i32
      %dma_wait3A_145 = tpu.memref_slice %arg2[%arg0, %add3A_24, %dma_wait3A_144] : memref<2x10240x32xf32, #tpu.memory_space<hbm>> -> memref<1x128x32xf32, #tpu.memory_space<hbm>>
      %dma_wait3A_146 = tpu.memref_squeeze %dma_wait3A_145 : memref<1x128x32xf32, #tpu.memory_space<hbm>> -> memref<128x32xf32, #tpu.memory_space<hbm>>
      %dma_wait3A_147 = arith.constant 0 : i32
      %dma_wait3A_148 = arith.constant 0 : i32
      %dma_wait3A_149 = tpu.memref_slice %arg9[%run_scoped3A_25, %dma_wait3A_147, %dma_wait3A_148] : memref<4x128x32xf32, #tpu.memory_space<vmem>> -> memref<1x128x32xf32, #tpu.memory_space<vmem>>
      %dma_wait3A_150 = tpu.memref_squeeze %dma_wait3A_149 : memref<1x128x32xf32, #tpu.memory_space<vmem>> -> memref<128x32xf32, #tpu.memory_space<vmem>>
      %dma_wait3A_151 = arith.constant 0 : i32
      %dma_wait3A_152 = tpu.memref_slice %arg2[%arg0, %add3A_24, %dma_wait3A_151] : memref<2x10240x32xf32, #tpu.memory_space<hbm>> -> memref<1x128x32xf32, #tpu.memory_space<hbm>>
      %dma_wait3A_153 = tpu.memref_squeeze %dma_wait3A_152 : memref<1x128x32xf32, #tpu.memory_space<hbm>> -> memref<128x32xf32, #tpu.memory_space<hbm>>
      tpu.wait_dma2 semaphore(%run_scoped3A_125 : memref<!tpu.dma_semaphore, #tpu.memory_space<semaphore_mem>>) src(%dma_wait3A_153 : memref<128x32xf32, #tpu.memory_space<hbm>>) dst(%dma_wait3A_150 : memref<128x32xf32, #tpu.memory_space<vmem>>)
      tpu.yield
    }) : () -> ()
    %run_scoped3A_26 = arith.constant 0 : i32
    "tpu.region"() ({
      %run_scoped3A_125 = tpu.sem_alloc : memref<!tpu.dma_semaphore, #tpu.memory_space<semaphore_mem>>
      %dma_start3A_126 = arith.constant 0 : i32
      %dma_start3A_127 = arith.constant 0 : i32
      %dma_start3A_128 = tpu.memref_slice %arg9[%run_scoped3A_26, %dma_start3A_126, %dma_start3A_127] : memref<4x128x32xf32, #tpu.memory_space<vmem>> -> memref<1x128x32xf32, #tpu.memory_space<vmem>>
      %dma_start3A_129 = tpu.memref_squeeze %dma_start3A_128 : memref<1x128x32xf32, #tpu.memory_space<vmem>> -> memref<128x32xf32, #tpu.memory_space<vmem>>
      %dma_start3A_130 = arith.constant 0 : i32
      %dma_start3A_131 = tpu.memref_slice %arg11[%add3A_24, %dma_start3A_130] : memref<10240x32xf32, #tpu.memory_space<vmem_shared>> -> memref<128x32xf32, #tpu.memory_space<vmem_shared>>
      %dma_start3A_132 = arith.constant 0 : i32
      %dma_start3A_133 = tpu.memref_slice %arg11[%add3A_24, %dma_start3A_132] : memref<10240x32xf32, #tpu.memory_space<vmem_shared>> -> memref<128x32xf32, #tpu.memory_space<vmem_shared>>
      %dma_start3A_134 = arith.constant 0 : i32
      %dma_start3A_135 = arith.constant 0 : i32
      %dma_start3A_136 = tpu.memref_slice %arg9[%run_scoped3A_26, %dma_start3A_134, %dma_start3A_135] : memref<4x128x32xf32, #tpu.memory_space<vmem>> -> memref<1x128x32xf32, #tpu.memory_space<vmem>>
      %dma_start3A_137 = tpu.memref_squeeze %dma_start3A_136 : memref<1x128x32xf32, #tpu.memory_space<vmem>> -> memref<128x32xf32, #tpu.memory_space<vmem>>
      tpu.enqueue_dma source(%dma_start3A_137 : memref<128x32xf32, #tpu.memory_space<vmem>>) target(%dma_start3A_133 : memref<128x32xf32, #tpu.memory_space<vmem_shared>>) target_semaphore(%run_scoped3A_125 : memref<!tpu.dma_semaphore, #tpu.memory_space<semaphore_mem>>)
      %dma_wait3A_138 = arith.constant 0 : i32
      %dma_wait3A_139 = arith.constant 0 : i32
      %dma_wait3A_140 = tpu.memref_slice %arg9[%run_scoped3A_26, %dma_wait3A_138, %dma_wait3A_139] : memref<4x128x32xf32, #tpu.memory_space<vmem>> -> memref<1x128x32xf32, #tpu.memory_space<vmem>>
      %dma_wait3A_141 = tpu.memref_squeeze %dma_wait3A_140 : memref<1x128x32xf32, #tpu.memory_space<vmem>> -> memref<128x32xf32, #tpu.memory_space<vmem>>
      %dma_wait3A_142 = arith.constant 0 : i32
      %dma_wait3A_143 = tpu.memref_slice %arg11[%add3A_24, %dma_wait3A_142] : memref<10240x32xf32, #tpu.memory_space<vmem_shared>> -> memref<128x32xf32, #tpu.memory_space<vmem_shared>>
      %dma_wait3A_144 = arith.constant 0 : i32
      %dma_wait3A_145 = tpu.memref_slice %arg11[%add3A_24, %dma_wait3A_144] : memref<10240x32xf32, #tpu.memory_space<vmem_shared>> -> memref<128x32xf32, #tpu.memory_space<vmem_shared>>
      %dma_wait3A_146 = arith.constant 0 : i32
      %dma_wait3A_147 = arith.constant 0 : i32
      %dma_wait3A_148 = tpu.memref_slice %arg9[%run_scoped3A_26, %dma_wait3A_146, %dma_wait3A_147] : memref<4x128x32xf32, #tpu.memory_space<vmem>> -> memref<1x128x32xf32, #tpu.memory_space<vmem>>
      %dma_wait3A_149 = tpu.memref_squeeze %dma_wait3A_148 : memref<1x128x32xf32, #tpu.memory_space<vmem>> -> memref<128x32xf32, #tpu.memory_space<vmem>>
      tpu.wait_dma2 semaphore(%run_scoped3A_125 : memref<!tpu.dma_semaphore, #tpu.memory_space<semaphore_mem>>) src(%dma_wait3A_149 : memref<128x32xf32, #tpu.memory_space<vmem>>) dst(%dma_wait3A_145 : memref<128x32xf32, #tpu.memory_space<vmem_shared>>)
      tpu.yield
    }) : () -> ()
    %mul3A_27 = arith.constant 2 : i32
    %mul3A_28 = arith.muli %arg1, %mul3A_27 : i32
    %add3A_29 = arith.constant 0 : i32
    %add3A_30 = arith.addi %mul3A_28, %add3A_29 : i32
    "tpu.region"() ({
      %run_scoped3A_125 = tpu.sem_alloc : memref<!tpu.dma_semaphore, #tpu.memory_space<semaphore_mem>>
      %dma_start3A_126 = arith.constant 0 : i32
      %dma_start3A_127 = arith.constant 0 : i32
      %dma_start3A_128 = tpu.memref_slice %arg6[%dma_start3A_126, %dma_start3A_127] : memref<160x128xi32, #tpu.memory_space<vmem>> -> memref<80x128xi32, #tpu.memory_space<vmem>>
      %dma_start3A_129 = arith.constant 0 : i32
      %dma_start3A_130 = arith.constant 0 : i32
      %dma_start3A_131 = tpu.memref_slice %arg3[%add3A_30, %dma_start3A_129, %dma_start3A_130] : memref<32x80x128xi32, #tpu.memory_space<hbm>> -> memref<1x80x128xi32, #tpu.memory_space<hbm>>
      %dma_start3A_132 = tpu.memref_squeeze %dma_start3A_131 : memref<1x80x128xi32, #tpu.memory_space<hbm>> -> memref<80x128xi32, #tpu.memory_space<hbm>>
      %dma_start3A_133 = arith.constant 0 : i32
      %dma_start3A_134 = arith.constant 0 : i32
      %dma_start3A_135 = tpu.memref_slice %arg6[%dma_start3A_133, %dma_start3A_134] : memref<160x128xi32, #tpu.memory_space<vmem>> -> memref<80x128xi32, #tpu.memory_space<vmem>>
      %dma_start3A_136 = arith.constant 0 : i32
      %dma_start3A_137 = arith.constant 0 : i32
      %dma_start3A_138 = tpu.memref_slice %arg3[%add3A_30, %dma_start3A_136, %dma_start3A_137] : memref<32x80x128xi32, #tpu.memory_space<hbm>> -> memref<1x80x128xi32, #tpu.memory_space<hbm>>
      %dma_start3A_139 = tpu.memref_squeeze %dma_start3A_138 : memref<1x80x128xi32, #tpu.memory_space<hbm>> -> memref<80x128xi32, #tpu.memory_space<hbm>>
      tpu.enqueue_dma source(%dma_start3A_139 : memref<80x128xi32, #tpu.memory_space<hbm>>) target(%dma_start3A_135 : memref<80x128xi32, #tpu.memory_space<vmem>>) target_semaphore(%run_scoped3A_125 : memref<!tpu.dma_semaphore, #tpu.memory_space<semaphore_mem>>)
      %dma_wait3A_140 = arith.constant 0 : i32
      %dma_wait3A_141 = arith.constant 0 : i32
      %dma_wait3A_142 = tpu.memref_slice %arg6[%dma_wait3A_140, %dma_wait3A_141] : memref<160x128xi32, #tpu.memory_space<vmem>> -> memref<80x128xi32, #tpu.memory_space<vmem>>
      %dma_wait3A_143 = arith.constant 0 : i32
      %dma_wait3A_144 = arith.constant 0 : i32
      %dma_wait3A_145 = tpu.memref_slice %arg3[%add3A_30, %dma_wait3A_143, %dma_wait3A_144] : memref<32x80x128xi32, #tpu.memory_space<hbm>> -> memref<1x80x128xi32, #tpu.memory_space<hbm>>
      %dma_wait3A_146 = tpu.memref_squeeze %dma_wait3A_145 : memref<1x80x128xi32, #tpu.memory_space<hbm>> -> memref<80x128xi32, #tpu.memory_space<hbm>>
      %dma_wait3A_147 = arith.constant 0 : i32
      %dma_wait3A_148 = arith.constant 0 : i32
      %dma_wait3A_149 = tpu.memref_slice %arg6[%dma_wait3A_147, %dma_wait3A_148] : memref<160x128xi32, #tpu.memory_space<vmem>> -> memref<80x128xi32, #tpu.memory_space<vmem>>
      %dma_wait3A_150 = arith.constant 0 : i32
      %dma_wait3A_151 = arith.constant 0 : i32
      %dma_wait3A_152 = tpu.memref_slice %arg3[%add3A_30, %dma_wait3A_150, %dma_wait3A_151] : memref<32x80x128xi32, #tpu.memory_space<hbm>> -> memref<1x80x128xi32, #tpu.memory_space<hbm>>
      %dma_wait3A_153 = tpu.memref_squeeze %dma_wait3A_152 : memref<1x80x128xi32, #tpu.memory_space<hbm>> -> memref<80x128xi32, #tpu.memory_space<hbm>>
      tpu.wait_dma2 semaphore(%run_scoped3A_125 : memref<!tpu.dma_semaphore, #tpu.memory_space<semaphore_mem>>) src(%dma_wait3A_153 : memref<80x128xi32, #tpu.memory_space<hbm>>) dst(%dma_wait3A_149 : memref<80x128xi32, #tpu.memory_space<vmem>>)
      tpu.yield
    }) : () -> ()
    %mul3A_31 = arith.constant 2 : i32
    %mul3A_32 = arith.muli %arg1, %mul3A_31 : i32
    %add3A_33 = arith.constant 1 : i32
    %add3A_34 = arith.addi %mul3A_32, %add3A_33 : i32
    "tpu.region"() ({
      %run_scoped3A_125 = tpu.sem_alloc : memref<!tpu.dma_semaphore, #tpu.memory_space<semaphore_mem>>
      %dma_start3A_126 = arith.constant 80 : i32
      %dma_start3A_127 = arith.constant 0 : i32
      %dma_start3A_128 = tpu.memref_slice %arg6[%dma_start3A_126, %dma_start3A_127] : memref<160x128xi32, #tpu.memory_space<vmem>> -> memref<80x128xi32, #tpu.memory_space<vmem>>
      %dma_start3A_129 = arith.constant 0 : i32
      %dma_start3A_130 = arith.constant 0 : i32
      %dma_start3A_131 = tpu.memref_slice %arg3[%add3A_34, %dma_start3A_129, %dma_start3A_130] : memref<32x80x128xi32, #tpu.memory_space<hbm>> -> memref<1x80x128xi32, #tpu.memory_space<hbm>>
      %dma_start3A_132 = tpu.memref_squeeze %dma_start3A_131 : memref<1x80x128xi32, #tpu.memory_space<hbm>> -> memref<80x128xi32, #tpu.memory_space<hbm>>
      %dma_start3A_133 = arith.constant 80 : i32
      %dma_start3A_134 = arith.constant 0 : i32
      %dma_start3A_135 = tpu.memref_slice %arg6[%dma_start3A_133, %dma_start3A_134] : memref<160x128xi32, #tpu.memory_space<vmem>> -> memref<80x128xi32, #tpu.memory_space<vmem>>
      %dma_start3A_136 = arith.constant 0 : i32
      %dma_start3A_137 = arith.constant 0 : i32
      %dma_start3A_138 = tpu.memref_slice %arg3[%add3A_34, %dma_start3A_136, %dma_start3A_137] : memref<32x80x128xi32, #tpu.memory_space<hbm>> -> memref<1x80x128xi32, #tpu.memory_space<hbm>>
      %dma_start3A_139 = tpu.memref_squeeze %dma_start3A_138 : memref<1x80x128xi32, #tpu.memory_space<hbm>> -> memref<80x128xi32, #tpu.memory_space<hbm>>
      tpu.enqueue_dma source(%dma_start3A_139 : memref<80x128xi32, #tpu.memory_space<hbm>>) target(%dma_start3A_135 : memref<80x128xi32, #tpu.memory_space<vmem>>) target_semaphore(%run_scoped3A_125 : memref<!tpu.dma_semaphore, #tpu.memory_space<semaphore_mem>>)
      %dma_wait3A_140 = arith.constant 80 : i32
      %dma_wait3A_141 = arith.constant 0 : i32
      %dma_wait3A_142 = tpu.memref_slice %arg6[%dma_wait3A_140, %dma_wait3A_141] : memref<160x128xi32, #tpu.memory_space<vmem>> -> memref<80x128xi32, #tpu.memory_space<vmem>>
      %dma_wait3A_143 = arith.constant 0 : i32
      %dma_wait3A_144 = arith.constant 0 : i32
      %dma_wait3A_145 = tpu.memref_slice %arg3[%add3A_34, %dma_wait3A_143, %dma_wait3A_144] : memref<32x80x128xi32, #tpu.memory_space<hbm>> -> memref<1x80x128xi32, #tpu.memory_space<hbm>>
      %dma_wait3A_146 = tpu.memref_squeeze %dma_wait3A_145 : memref<1x80x128xi32, #tpu.memory_space<hbm>> -> memref<80x128xi32, #tpu.memory_space<hbm>>
      %dma_wait3A_147 = arith.constant 80 : i32
      %dma_wait3A_148 = arith.constant 0 : i32
      %dma_wait3A_149 = tpu.memref_slice %arg6[%dma_wait3A_147, %dma_wait3A_148] : memref<160x128xi32, #tpu.memory_space<vmem>> -> memref<80x128xi32, #tpu.memory_space<vmem>>
      %dma_wait3A_150 = arith.constant 0 : i32
      %dma_wait3A_151 = arith.constant 0 : i32
      %dma_wait3A_152 = tpu.memref_slice %arg3[%add3A_34, %dma_wait3A_150, %dma_wait3A_151] : memref<32x80x128xi32, #tpu.memory_space<hbm>> -> memref<1x80x128xi32, #tpu.memory_space<hbm>>
      %dma_wait3A_153 = tpu.memref_squeeze %dma_wait3A_152 : memref<1x80x128xi32, #tpu.memory_space<hbm>> -> memref<80x128xi32, #tpu.memory_space<hbm>>
      tpu.wait_dma2 semaphore(%run_scoped3A_125 : memref<!tpu.dma_semaphore, #tpu.memory_space<semaphore_mem>>) src(%dma_wait3A_153 : memref<80x128xi32, #tpu.memory_space<hbm>>) dst(%dma_wait3A_149 : memref<80x128xi32, #tpu.memory_space<vmem>>)
      tpu.yield
    }) : () -> ()
    %scan3A = arith.constant 0 : i32
    %scan3A_35 = arith.constant 0 : i32
    %scan3A_36 = arith.constant 160 : i32
    %scan3A_37 = arith.addi %scan3A_35, %scan3A_36 : i32
    %scan3A_38 = arith.constant 1 : i32
    scf.for %scan3A_125 = %scan3A_35 to %scan3A_37 step %scan3A_38  : i32 {
      %get3A = arith.index_cast %scan3A_125 : i32 to index
      %get3A_126 = arith.constant 0 : index
      %get3A_127 = tpu.vector_load %arg6[%get3A, %get3A_126] {strides = array<i32>} : memref<160x128xi32, #tpu.memory_space<vmem>>, vector<1x16xi32>,
      %get3A_128 = vector.shape_cast %get3A_127 : vector<1x16xi32> to vector<16xi32>
      %and3A = arith.constant 16383 : i32
      %and3A_129 = vector.broadcast %and3A : i32 to vector<16xi32>
      %and3A_130 = arith.andi %get3A_128, %and3A_129 : vector<16xi32>
      %swap3A = arith.index_cast %scan3A_125 : i32 to index
      %swap3A_131 = arith.constant 0 : index
      %swap3A_132 = tpu.vector_load %arg7[%swap3A, %swap3A_131] {strides = array<i32>} : memref<160x128xi32, #tpu.memory_space<vmem>>, vector<1x16xi32>,
      %swap3A_133 = vector.shape_cast %swap3A_132 : vector<1x16xi32> to vector<16xi32>
      %swap3A_134 = vector.shape_cast %and3A_130 : vector<16xi32> to vector<1x16xi32>
      tpu.vector_store %arg7[%swap3A, %swap3A_131], %swap3A_134 {strides = array<i32>} : memref<160x128xi32, #tpu.memory_space<vmem>>, vector<1x16xi32>,
      %shift_right_logical3A = arith.constant 14 : i32
      %shift_right_logical3A_135 = vector.broadcast %shift_right_logical3A : i32 to vector<16xi32>
      %shift_right_logical3A_136 = arith.shrui %get3A_128, %shift_right_logical3A_135 : vector<16xi32>
      %swap3A_137 = arith.index_cast %scan3A_125 : i32 to index
      %swap3A_138 = arith.constant 0 : index
      %swap3A_139 = tpu.vector_load %arg8[%swap3A_137, %swap3A_138] {strides = array<i32>} : memref<160x128xi32, #tpu.memory_space<vmem>>, vector<1x16xi32>,
      %swap3A_140 = vector.shape_cast %swap3A_139 : vector<1x16xi32> to vector<16xi32>
      %swap3A_141 = vector.shape_cast %shift_right_logical3A_136 : vector<16xi32> to vector<1x16xi32>
      tpu.vector_store %arg8[%swap3A_137, %swap3A_138], %swap3A_141 {strides = array<i32>} : memref<160x128xi32, #tpu.memory_space<vmem>>, vector<1x16xi32>,
      %get3A_142 = arith.index_cast %scan3A_125 : i32 to index
      %get3A_143 = arith.constant 16 : index
      %get3A_144 = tpu.vector_load %arg6[%get3A_142, %get3A_143] {strides = array<i32>} : memref<160x128xi32, #tpu.memory_space<vmem>>, vector<1x16xi32>,
      %get3A_145 = vector.shape_cast %get3A_144 : vector<1x16xi32> to vector<16xi32>
      %and3A_146 = arith.constant 16383 : i32
      %and3A_147 = vector.broadcast %and3A_146 : i32 to vector<16xi32>
      %and3A_148 = arith.andi %get3A_145, %and3A_147 : vector<16xi32>
      %swap3A_149 = arith.index_cast %scan3A_125 : i32 to index
      %swap3A_150 = arith.constant 16 : index
      %swap3A_151 = tpu.vector_load %arg7[%swap3A_149, %swap3A_150] {strides = array<i32>} : memref<160x128xi32, #tpu.memory_space<vmem>>, vector<1x16xi32>,
      %swap3A_152 = vector.shape_cast %swap3A_151 : vector<1x16xi32> to vector<16xi32>
      %swap3A_153 = vector.shape_cast %and3A_148 : vector<16xi32> to vector<1x16xi32>
      tpu.vector_store %arg7[%swap3A_149, %swap3A_150], %swap3A_153 {strides = array<i32>} : memref<160x128xi32, #tpu.memory_space<vmem>>, vector<1x16xi32>,
      %shift_right_logical3A_154 = arith.constant 14 : i32
      %shift_right_logical3A_155 = vector.broadcast %shift_right_logical3A_154 : i32 to vector<16xi32>
      %shift_right_logical3A_156 = arith.shrui %get3A_145, %shift_right_logical3A_155 : vector<16xi32>
      %swap3A_157 = arith.index_cast %scan3A_125 : i32 to index
      %swap3A_158 = arith.constant 16 : index
      %swap3A_159 = tpu.vector_load %arg8[%swap3A_157, %swap3A_158] {strides = array<i32>} : memref<160x128xi32, #tpu.memory_space<vmem>>, vector<1x16xi32>,
      %swap3A_160 = vector.shape_cast %swap3A_159 : vector<1x16xi32> to vector<16xi32>
      %swap3A_161 = vector.shape_cast %shift_right_logical3A_156 : vector<16xi32> to vector<1x16xi32>
      tpu.vector_store %arg8[%swap3A_157, %swap3A_158], %swap3A_161 {strides = array<i32>} : memref<160x128xi32, #tpu.memory_space<vmem>>, vector<1x16xi32>,
      %get3A_162 = arith.index_cast %scan3A_125 : i32 to index
      %get3A_163 = arith.constant 32 : index
      %get3A_164 = tpu.vector_load %arg6[%get3A_162, %get3A_163] {strides = array<i32>} : memref<160x128xi32, #tpu.memory_space<vmem>>, vector<1x16xi32>,
      %get3A_165 = vector.shape_cast %get3A_164 : vector<1x16xi32> to vector<16xi32>
      %and3A_166 = arith.constant 16383 : i32
      %and3A_167 = vector.broadcast %and3A_166 : i32 to vector<16xi32>
      %and3A_168 = arith.andi %get3A_165, %and3A_167 : vector<16xi32>
      %swap3A_169 = arith.index_cast %scan3A_125 : i32 to index
      %swap3A_170 = arith.constant 32 : index
      %swap3A_171 = tpu.vector_load %arg7[%swap3A_169, %swap3A_170] {strides = array<i32>} : memref<160x128xi32, #tpu.memory_space<vmem>>, vector<1x16xi32>,
      %swap3A_172 = vector.shape_cast %swap3A_171 : vector<1x16xi32> to vector<16xi32>
      %swap3A_173 = vector.shape_cast %and3A_168 : vector<16xi32> to vector<1x16xi32>
      tpu.vector_store %arg7[%swap3A_169, %swap3A_170], %swap3A_173 {strides = array<i32>} : memref<160x128xi32, #tpu.memory_space<vmem>>, vector<1x16xi32>,
      %shift_right_logical3A_174 = arith.constant 14 : i32
      %shift_right_logical3A_175 = vector.broadcast %shift_right_logical3A_174 : i32 to vector<16xi32>
      %shift_right_logical3A_176 = arith.shrui %get3A_165, %shift_right_logical3A_175 : vector<16xi32>
      %swap3A_177 = arith.index_cast %scan3A_125 : i32 to index
      %swap3A_178 = arith.constant 32 : index
      %swap3A_179 = tpu.vector_load %arg8[%swap3A_177, %swap3A_178] {strides = array<i32>} : memref<160x128xi32, #tpu.memory_space<vmem>>, vector<1x16xi32>,
      %swap3A_180 = vector.shape_cast %swap3A_179 : vector<1x16xi32> to vector<16xi32>
      %swap3A_181 = vector.shape_cast %shift_right_logical3A_176 : vector<16xi32> to vector<1x16xi32>
      tpu.vector_store %arg8[%swap3A_177, %swap3A_178], %swap3A_181 {strides = array<i32>} : memref<160x128xi32, #tpu.memory_space<vmem>>, vector<1x16xi32>,
      %get3A_182 = arith.index_cast %scan3A_125 : i32 to index
      %get3A_183 = arith.constant 48 : index
      %get3A_184 = tpu.vector_load %arg6[%get3A_182, %get3A_183] {strides = array<i32>} : memref<160x128xi32, #tpu.memory_space<vmem>>, vector<1x16xi32>,
      %get3A_185 = vector.shape_cast %get3A_184 : vector<1x16xi32> to vector<16xi32>
      %and3A_186 = arith.constant 16383 : i32
      %and3A_187 = vector.broadcast %and3A_186 : i32 to vector<16xi32>
      %and3A_188 = arith.andi %get3A_185, %and3A_187 : vector<16xi32>
      %swap3A_189 = arith.index_cast %scan3A_125 : i32 to index
      %swap3A_190 = arith.constant 48 : index
      %swap3A_191 = tpu.vector_load %arg7[%swap3A_189, %swap3A_190] {strides = array<i32>} : memref<160x128xi32, #tpu.memory_space<vmem>>, vector<1x16xi32>,
      %swap3A_192 = vector.shape_cast %swap3A_191 : vector<1x16xi32> to vector<16xi32>
      %swap3A_193 = vector.shape_cast %and3A_188 : vector<16xi32> to vector<1x16xi32>
      tpu.vector_store %arg7[%swap3A_189, %swap3A_190], %swap3A_193 {strides = array<i32>} : memref<160x128xi32, #tpu.memory_space<vmem>>, vector<1x16xi32>,
      %shift_right_logical3A_194 = arith.constant 14 : i32
      %shift_right_logical3A_195 = vector.broadcast %shift_right_logical3A_194 : i32 to vector<16xi32>
      %shift_right_logical3A_196 = arith.shrui %get3A_185, %shift_right_logical3A_195 : vector<16xi32>
      %swap3A_197 = arith.index_cast %scan3A_125 : i32 to index
      %swap3A_198 = arith.constant 48 : index
      %swap3A_199 = tpu.vector_load %arg8[%swap3A_197, %swap3A_198] {strides = array<i32>} : memref<160x128xi32, #tpu.memory_space<vmem>>, vector<1x16xi32>,
      %swap3A_200 = vector.shape_cast %swap3A_199 : vector<1x16xi32> to vector<16xi32>
      %swap3A_201 = vector.shape_cast %shift_right_logical3A_196 : vector<16xi32> to vector<1x16xi32>
      tpu.vector_store %arg8[%swap3A_197, %swap3A_198], %swap3A_201 {strides = array<i32>} : memref<160x128xi32, #tpu.memory_space<vmem>>, vector<1x16xi32>,
      %get3A_202 = arith.index_cast %scan3A_125 : i32 to index
      %get3A_203 = arith.constant 64 : index
      %get3A_204 = tpu.vector_load %arg6[%get3A_202, %get3A_203] {strides = array<i32>} : memref<160x128xi32, #tpu.memory_space<vmem>>, vector<1x16xi32>,
      %get3A_205 = vector.shape_cast %get3A_204 : vector<1x16xi32> to vector<16xi32>
      %and3A_206 = arith.constant 16383 : i32
      %and3A_207 = vector.broadcast %and3A_206 : i32 to vector<16xi32>
      %and3A_208 = arith.andi %get3A_205, %and3A_207 : vector<16xi32>
      %swap3A_209 = arith.index_cast %scan3A_125 : i32 to index
      %swap3A_210 = arith.constant 64 : index
      %swap3A_211 = tpu.vector_load %arg7[%swap3A_209, %swap3A_210] {strides = array<i32>} : memref<160x128xi32, #tpu.memory_space<vmem>>, vector<1x16xi32>,
      %swap3A_212 = vector.shape_cast %swap3A_211 : vector<1x16xi32> to vector<16xi32>
      %swap3A_213 = vector.shape_cast %and3A_208 : vector<16xi32> to vector<1x16xi32>
      tpu.vector_store %arg7[%swap3A_209, %swap3A_210], %swap3A_213 {strides = array<i32>} : memref<160x128xi32, #tpu.memory_space<vmem>>, vector<1x16xi32>,
      %shift_right_logical3A_214 = arith.constant 14 : i32
      %shift_right_logical3A_215 = vector.broadcast %shift_right_logical3A_214 : i32 to vector<16xi32>
      %shift_right_logical3A_216 = arith.shrui %get3A_205, %shift_right_logical3A_215 : vector<16xi32>
      %swap3A_217 = arith.index_cast %scan3A_125 : i32 to index
      %swap3A_218 = arith.constant 64 : index
      %swap3A_219 = tpu.vector_load %arg8[%swap3A_217, %swap3A_218] {strides = array<i32>} : memref<160x128xi32, #tpu.memory_space<vmem>>, vector<1x16xi32>,
      %swap3A_220 = vector.shape_cast %swap3A_219 : vector<1x16xi32> to vector<16xi32>
      %swap3A_221 = vector.shape_cast %shift_right_logical3A_216 : vector<16xi32> to vector<1x16xi32>
      tpu.vector_store %arg8[%swap3A_217, %swap3A_218], %swap3A_221 {strides = array<i32>} : memref<160x128xi32, #tpu.memory_space<vmem>>, vector<1x16xi32>,
      %get3A_222 = arith.index_cast %scan3A_125 : i32 to index
      %get3A_223 = arith.constant 80 : index
      %get3A_224 = tpu.vector_load %arg6[%get3A_222, %get3A_223] {strides = array<i32>} : memref<160x128xi32, #tpu.memory_space<vmem>>, vector<1x16xi32>,
      %get3A_225 = vector.shape_cast %get3A_224 : vector<1x16xi32> to vector<16xi32>
      %and3A_226 = arith.constant 16383 : i32
      %and3A_227 = vector.broadcast %and3A_226 : i32 to vector<16xi32>
      %and3A_228 = arith.andi %get3A_225, %and3A_227 : vector<16xi32>
      %swap3A_229 = arith.index_cast %scan3A_125 : i32 to index
      %swap3A_230 = arith.constant 80 : index
      %swap3A_231 = tpu.vector_load %arg7[%swap3A_229, %swap3A_230] {strides = array<i32>} : memref<160x128xi32, #tpu.memory_space<vmem>>, vector<1x16xi32>,
      %swap3A_232 = vector.shape_cast %swap3A_231 : vector<1x16xi32> to vector<16xi32>
      %swap3A_233 = vector.shape_cast %and3A_228 : vector<16xi32> to vector<1x16xi32>
      tpu.vector_store %arg7[%swap3A_229, %swap3A_230], %swap3A_233 {strides = array<i32>} : memref<160x128xi32, #tpu.memory_space<vmem>>, vector<1x16xi32>,
      %shift_right_logical3A_234 = arith.constant 14 : i32
      %shift_right_logical3A_235 = vector.broadcast %shift_right_logical3A_234 : i32 to vector<16xi32>
      %shift_right_logical3A_236 = arith.shrui %get3A_225, %shift_right_logical3A_235 : vector<16xi32>
      %swap3A_237 = arith.index_cast %scan3A_125 : i32 to index
      %swap3A_238 = arith.constant 80 : index
      %swap3A_239 = tpu.vector_load %arg8[%swap3A_237, %swap3A_238] {strides = array<i32>} : memref<160x128xi32, #tpu.memory_space<vmem>>, vector<1x16xi32>,
      %swap3A_240 = vector.shape_cast %swap3A_239 : vector<1x16xi32> to vector<16xi32>
      %swap3A_241 = vector.shape_cast %shift_right_logical3A_236 : vector<16xi32> to vector<1x16xi32>
      tpu.vector_store %arg8[%swap3A_237, %swap3A_238], %swap3A_241 {strides = array<i32>} : memref<160x128xi32, #tpu.memory_space<vmem>>, vector<1x16xi32>,
      %get3A_242 = arith.index_cast %scan3A_125 : i32 to index
      %get3A_243 = arith.constant 96 : index
      %get3A_244 = tpu.vector_load %arg6[%get3A_242, %get3A_243] {strides = array<i32>} : memref<160x128xi32, #tpu.memory_space<vmem>>, vector<1x16xi32>,
      %get3A_245 = vector.shape_cast %get3A_244 : vector<1x16xi32> to vector<16xi32>
      %and3A_246 = arith.constant 16383 : i32
      %and3A_247 = vector.broadcast %and3A_246 : i32 to vector<16xi32>
      %and3A_248 = arith.andi %get3A_245, %and3A_247 : vector<16xi32>
      %swap3A_249 = arith.index_cast %scan3A_125 : i32 to index
      %swap3A_250 = arith.constant 96 : index
      %swap3A_251 = tpu.vector_load %arg7[%swap3A_249, %swap3A_250] {strides = array<i32>} : memref<160x128xi32, #tpu.memory_space<vmem>>, vector<1x16xi32>,
      %swap3A_252 = vector.shape_cast %swap3A_251 : vector<1x16xi32> to vector<16xi32>
      %swap3A_253 = vector.shape_cast %and3A_248 : vector<16xi32> to vector<1x16xi32>
      tpu.vector_store %arg7[%swap3A_249, %swap3A_250], %swap3A_253 {strides = array<i32>} : memref<160x128xi32, #tpu.memory_space<vmem>>, vector<1x16xi32>,
      %shift_right_logical3A_254 = arith.constant 14 : i32
      %shift_right_logical3A_255 = vector.broadcast %shift_right_logical3A_254 : i32 to vector<16xi32>
      %shift_right_logical3A_256 = arith.shrui %get3A_245, %shift_right_logical3A_255 : vector<16xi32>
      %swap3A_257 = arith.index_cast %scan3A_125 : i32 to index
      %swap3A_258 = arith.constant 96 : index
      %swap3A_259 = tpu.vector_load %arg8[%swap3A_257, %swap3A_258] {strides = array<i32>} : memref<160x128xi32, #tpu.memory_space<vmem>>, vector<1x16xi32>,
      %swap3A_260 = vector.shape_cast %swap3A_259 : vector<1x16xi32> to vector<16xi32>
      %swap3A_261 = vector.shape_cast %shift_right_logical3A_256 : vector<16xi32> to vector<1x16xi32>
      tpu.vector_store %arg8[%swap3A_257, %swap3A_258], %swap3A_261 {strides = array<i32>} : memref<160x128xi32, #tpu.memory_space<vmem>>, vector<1x16xi32>,
      %get3A_262 = arith.index_cast %scan3A_125 : i32 to index
      %get3A_263 = arith.constant 112 : index
      %get3A_264 = tpu.vector_load %arg6[%get3A_262, %get3A_263] {strides = array<i32>} : memref<160x128xi32, #tpu.memory_space<vmem>>, vector<1x16xi32>,
      %get3A_265 = vector.shape_cast %get3A_264 : vector<1x16xi32> to vector<16xi32>
      %and3A_266 = arith.constant 16383 : i32
      %and3A_267 = vector.broadcast %and3A_266 : i32 to vector<16xi32>
      %and3A_268 = arith.andi %get3A_265, %and3A_267 : vector<16xi32>
      %swap3A_269 = arith.index_cast %scan3A_125 : i32 to index
      %swap3A_270 = arith.constant 112 : index
      %swap3A_271 = tpu.vector_load %arg7[%swap3A_269, %swap3A_270] {strides = array<i32>} : memref<160x128xi32, #tpu.memory_space<vmem>>, vector<1x16xi32>,
      %swap3A_272 = vector.shape_cast %swap3A_271 : vector<1x16xi32> to vector<16xi32>
      %swap3A_273 = vector.shape_cast %and3A_268 : vector<16xi32> to vector<1x16xi32>
      tpu.vector_store %arg7[%swap3A_269, %swap3A_270], %swap3A_273 {strides = array<i32>} : memref<160x128xi32, #tpu.memory_space<vmem>>, vector<1x16xi32>,
      %shift_right_logical3A_274 = arith.constant 14 : i32
      %shift_right_logical3A_275 = vector.broadcast %shift_right_logical3A_274 : i32 to vector<16xi32>
      %shift_right_logical3A_276 = arith.shrui %get3A_265, %shift_right_logical3A_275 : vector<16xi32>
      %swap3A_277 = arith.index_cast %scan3A_125 : i32 to index
      %swap3A_278 = arith.constant 112 : index
      %swap3A_279 = tpu.vector_load %arg8[%swap3A_277, %swap3A_278] {strides = array<i32>} : memref<160x128xi32, #tpu.memory_space<vmem>>, vector<1x16xi32>,
      %swap3A_280 = vector.shape_cast %swap3A_279 : vector<1x16xi32> to vector<16xi32>
      %swap3A_281 = vector.shape_cast %shift_right_logical3A_276 : vector<16xi32> to vector<1x16xi32>
      tpu.vector_store %arg8[%swap3A_277, %swap3A_278], %swap3A_281 {strides = array<i32>} : memref<160x128xi32, #tpu.memory_space<vmem>>, vector<1x16xi32>,
    }
    %scan3A_39 = arith.constant 160 : i32
    %barrier3A = arith.constant 0 : index
    tpu.barrier barrier_id(%barrier3A)
    %dma_start3A = arith.constant 0 : i32
    %dma_start3A_40 = arith.constant 0 : i32
    %dma_start3A_41 = arith.constant 0 : i32
    %dma_start3A_42 = arith.constant 0 : i32
    %dma_start3A_43 = arith.constant 0 : i32
    %dma_start3A_44 = tpu.memref_slice %arg9[%dma_start3A_40, %dma_start3A_42, %dma_start3A_43] : memref<4x128x32xf32, #tpu.memory_space<vmem>> -> memref<1x128x32xf32, #tpu.memory_space<vmem>>
    %dma_start3A_45 = tpu.memref_squeeze %dma_start3A_44 : memref<1x128x32xf32, #tpu.memory_space<vmem>> -> memref<128x32xf32, #tpu.memory_space<vmem>>
    %dma_start3A_46 = arith.constant 0 : i32
    %dma_start3A_47 = tpu.memref_slice %arg7[%dma_start3A, %dma_start3A_46] : memref<160x128xi32, #tpu.memory_space<vmem>> -> memref<1x128xi32, #tpu.memory_space<vmem>>
    %dma_start3A_48 = tpu.memref_squeeze %dma_start3A_47 : memref<1x128xi32, #tpu.memory_space<vmem>> -> memref<128xi32, #tpu.memory_space<vmem>>
    %dma_start3A_49 = arith.constant 0 : i32
    %dma_start3A_50 = arith.constant 0 : i32
    %dma_start3A_51 = tpu.memref_slice %arg11[%dma_start3A_49, %dma_start3A_50] : memref<10240x32xf32, #tpu.memory_space<vmem_shared>> -> memref<10240x32xf32, #tpu.memory_space<vmem_shared>>
    %dma_start3A_52 = tpu.memref_slice %arg13[%dma_start3A_41] : memref<4x!tpu.dma_semaphore, #tpu.memory_space<semaphore_mem>> -> memref<1x!tpu.dma_semaphore, #tpu.memory_space<semaphore_mem>>
    %dma_start3A_53 = tpu.memref_squeeze %dma_start3A_52 : memref<1x!tpu.dma_semaphore, #tpu.memory_space<semaphore_mem>> -> memref<!tpu.dma_semaphore, #tpu.memory_space<semaphore_mem>>
    tpu.enqueue_indirect_dma source(%dma_start3A_51 : memref<10240x32xf32, #tpu.memory_space<vmem_shared>>) target(%dma_start3A_45 : memref<128x32xf32, #tpu.memory_space<vmem>>) offsets(%dma_start3A_48 : memref<128xi32, #tpu.memory_space<vmem>>) semaphore(%dma_start3A_53 : memref<!tpu.dma_semaphore, #tpu.memory_space<semaphore_mem>>)
    %dma_start3A_54 = arith.constant 1 : i32
    %dma_start3A_55 = arith.constant 1 : i32
    %dma_start3A_56 = arith.constant 1 : i32
    %dma_start3A_57 = arith.constant 0 : i32
    %dma_start3A_58 = arith.constant 0 : i32
    %dma_start3A_59 = tpu.memref_slice %arg9[%dma_start3A_55, %dma_start3A_57, %dma_start3A_58] : memref<4x128x32xf32, #tpu.memory_space<vmem>> -> memref<1x128x32xf32, #tpu.memory_space<vmem>>
    %dma_start3A_60 = tpu.memref_squeeze %dma_start3A_59 : memref<1x128x32xf32, #tpu.memory_space<vmem>> -> memref<128x32xf32, #tpu.memory_space<vmem>>
    %dma_start3A_61 = arith.constant 0 : i32
    %dma_start3A_62 = tpu.memref_slice %arg7[%dma_start3A_54, %dma_start3A_61] : memref<160x128xi32, #tpu.memory_space<vmem>> -> memref<1x128xi32, #tpu.memory_space<vmem>>
    %dma_start3A_63 = tpu.memref_squeeze %dma_start3A_62 : memref<1x128xi32, #tpu.memory_space<vmem>> -> memref<128xi32, #tpu.memory_space<vmem>>
    %dma_start3A_64 = arith.constant 0 : i32
    %dma_start3A_65 = arith.constant 0 : i32
    %dma_start3A_66 = tpu.memref_slice %arg11[%dma_start3A_64, %dma_start3A_65] : memref<10240x32xf32, #tpu.memory_space<vmem_shared>> -> memref<10240x32xf32, #tpu.memory_space<vmem_shared>>
    %dma_start3A_67 = tpu.memref_slice %arg13[%dma_start3A_56] : memref<4x!tpu.dma_semaphore, #tpu.memory_space<semaphore_mem>> -> memref<1x!tpu.dma_semaphore, #tpu.memory_space<semaphore_mem>>
    %dma_start3A_68 = tpu.memref_squeeze %dma_start3A_67 : memref<1x!tpu.dma_semaphore, #tpu.memory_space<semaphore_mem>> -> memref<!tpu.dma_semaphore, #tpu.memory_space<semaphore_mem>>
    tpu.enqueue_indirect_dma source(%dma_start3A_66 : memref<10240x32xf32, #tpu.memory_space<vmem_shared>>) target(%dma_start3A_60 : memref<128x32xf32, #tpu.memory_space<vmem>>) offsets(%dma_start3A_63 : memref<128xi32, #tpu.memory_space<vmem>>) semaphore(%dma_start3A_68 : memref<!tpu.dma_semaphore, #tpu.memory_space<semaphore_mem>>)
    %scan3A_69 = arith.constant 0 : i32
    %scan3A_70 = arith.constant 0 : i32
    %scan3A_71 = arith.constant 40 : i32
    %scan3A_72 = arith.addi %scan3A_70, %scan3A_71 : i32
    %scan3A_73 = arith.constant 1 : i32
    scf.for %scan3A_125 = %scan3A_70 to %scan3A_72 step %scan3A_73  : i32 {
      %mul3A_126 = arith.constant 4 : i32
      %mul3A_127 = arith.muli %mul3A_126, %scan3A_125 : i32
      %add3A_128 = arith.constant 0 : i32
      %add3A_129 = arith.addi %mul3A_127, %add3A_128 : i32
      %dma_wait3A_130 = arith.constant 0 : i32
      %dma_wait3A_131 = arith.constant 0 : i32
      %dma_wait3A_132 = arith.constant 0 : i32
      %dma_wait3A_133 = arith.constant 0 : i32
      %dma_wait3A_134 = tpu.memref_slice %arg9[%dma_wait3A_130, %dma_wait3A_132, %dma_wait3A_133] : memref<4x128x32xf32, #tpu.memory_space<vmem>> -> memref<1x128x32xf32, #tpu.memory_space<vmem>>
      %dma_wait3A_135 = tpu.memref_squeeze %dma_wait3A_134 : memref<1x128x32xf32, #tpu.memory_space<vmem>> -> memref<128x32xf32, #tpu.memory_space<vmem>>
      %dma_wait3A_136 = arith.constant 0 : i32
      %dma_wait3A_137 = tpu.memref_slice %arg7[%add3A_129, %dma_wait3A_136] : memref<160x128xi32, #tpu.memory_space<vmem>> -> memref<1x128xi32, #tpu.memory_space<vmem>>
      %dma_wait3A_138 = tpu.memref_squeeze %dma_wait3A_137 : memref<1x128xi32, #tpu.memory_space<vmem>> -> memref<128xi32, #tpu.memory_space<vmem>>
      %dma_wait3A_139 = arith.constant 0 : i32
      %dma_wait3A_140 = arith.constant 0 : i32
      %dma_wait3A_141 = tpu.memref_slice %arg11[%dma_wait3A_139, %dma_wait3A_140] : memref<10240x32xf32, #tpu.memory_space<vmem_shared>> -> memref<10240x32xf32, #tpu.memory_space<vmem_shared>>
      %dma_wait3A_142 = tpu.memref_slice %arg13[%dma_wait3A_131] : memref<4x!tpu.dma_semaphore, #tpu.memory_space<semaphore_mem>> -> memref<1x!tpu.dma_semaphore, #tpu.memory_space<semaphore_mem>>
      %dma_wait3A_143 = tpu.memref_squeeze %dma_wait3A_142 : memref<1x!tpu.dma_semaphore, #tpu.memory_space<semaphore_mem>> -> memref<!tpu.dma_semaphore, #tpu.memory_space<semaphore_mem>>
      tpu.wait_indirect_dma semaphore(%dma_wait3A_143 : memref<!tpu.dma_semaphore, #tpu.memory_space<semaphore_mem>>) src(%dma_wait3A_141 : memref<10240x32xf32, #tpu.memory_space<vmem_shared>>) dst(%dma_wait3A_135 : memref<128x32xf32, #tpu.memory_space<vmem>>)
      %dma_start3A_144 = arith.constant 0 : i32
      %dma_start3A_145 = arith.constant 0 : i32
      %dma_start3A_146 = arith.constant 0 : i32
      %dma_start3A_147 = arith.constant 0 : i32
      %dma_start3A_148 = tpu.memref_slice %arg9[%dma_start3A_144, %dma_start3A_146, %dma_start3A_147] : memref<4x128x32xf32, #tpu.memory_space<vmem>> -> memref<1x128x32xf32, #tpu.memory_space<vmem>>
      %dma_start3A_149 = tpu.memref_squeeze %dma_start3A_148 : memref<1x128x32xf32, #tpu.memory_space<vmem>> -> memref<128x32xf32, #tpu.memory_space<vmem>>
      %dma_start3A_150 = arith.constant 0 : i32
      %dma_start3A_151 = tpu.memref_slice %arg8[%add3A_129, %dma_start3A_150] : memref<160x128xi32, #tpu.memory_space<vmem>> -> memref<1x128xi32, #tpu.memory_space<vmem>>
      %dma_start3A_152 = tpu.memref_squeeze %dma_start3A_151 : memref<1x128xi32, #tpu.memory_space<vmem>> -> memref<128xi32, #tpu.memory_space<vmem>>
      %dma_start3A_153 = arith.constant 0 : i32
      %dma_start3A_154 = arith.constant 0 : i32
      %dma_start3A_155 = tpu.memref_slice %arg12[%dma_start3A_153, %dma_start3A_154] : memref<10240x32xf32, #tpu.memory_space<vmem_shared>> -> memref<10240x32xf32, #tpu.memory_space<vmem_shared>>
      %dma_start3A_156 = tpu.memref_slice %arg14[%dma_start3A_145] : memref<4x!tpu.dma_semaphore, #tpu.memory_space<semaphore_mem>> -> memref<1x!tpu.dma_semaphore, #tpu.memory_space<semaphore_mem>>
      %dma_start3A_157 = tpu.memref_squeeze %dma_start3A_156 : memref<1x!tpu.dma_semaphore, #tpu.memory_space<semaphore_mem>> -> memref<!tpu.dma_semaphore, #tpu.memory_space<semaphore_mem>>
      tpu.enqueue_indirect_dma source(%dma_start3A_149 : memref<128x32xf32, #tpu.memory_space<vmem>>) target(%dma_start3A_155 : memref<10240x32xf32, #tpu.memory_space<vmem_shared>>) offsets(%dma_start3A_152 : memref<128xi32, #tpu.memory_space<vmem>>) semaphore(%dma_start3A_157 : memref<!tpu.dma_semaphore, #tpu.memory_space<semaphore_mem>>) {add = true}
      %add3A_158 = arith.constant 2 : i32
      %add3A_159 = arith.addi %add3A_129, %add3A_158 : i32
      %sub3A = arith.constant 4 : i32
      %sub3A_160 = arith.subi %add3A_159, %sub3A : i32
      %ge3A = arith.constant 0 : i32
      %ge3A_161 = arith.cmpi sge, %sub3A_160, %ge3A : i32
      %convert_element_type3A = arith.extui %ge3A_161 : i1 to i32
      %cond3A = arith.constant 0 : i32
      %cond3A_162 = arith.cmpi ne, %convert_element_type3A, %cond3A : i32
      scf.if %cond3A_162 {
        %dma_wait3A_313 = arith.constant 2 : i32
        %dma_wait3A_314 = arith.constant 2 : i32
        %dma_wait3A_315 = arith.constant 0 : i32
        %dma_wait3A_316 = arith.constant 0 : i32
        %dma_wait3A_317 = tpu.memref_slice %arg9[%dma_wait3A_313, %dma_wait3A_315, %dma_wait3A_316] : memref<4x128x32xf32, #tpu.memory_space<vmem>> -> memref<1x128x32xf32, #tpu.memory_space<vmem>>
        %dma_wait3A_318 = tpu.memref_squeeze %dma_wait3A_317 : memref<1x128x32xf32, #tpu.memory_space<vmem>> -> memref<128x32xf32, #tpu.memory_space<vmem>>
        %dma_wait3A_319 = arith.constant 0 : i32
        %dma_wait3A_320 = tpu.memref_slice %arg8[%sub3A_160, %dma_wait3A_319] : memref<160x128xi32, #tpu.memory_space<vmem>> -> memref<1x128xi32, #tpu.memory_space<vmem>>
        %dma_wait3A_321 = tpu.memref_squeeze %dma_wait3A_320 : memref<1x128xi32, #tpu.memory_space<vmem>> -> memref<128xi32, #tpu.memory_space<vmem>>
        %dma_wait3A_322 = arith.constant 0 : i32
        %dma_wait3A_323 = arith.constant 0 : i32
        %dma_wait3A_324 = tpu.memref_slice %arg12[%dma_wait3A_322, %dma_wait3A_323] : memref<10240x32xf32, #tpu.memory_space<vmem_shared>> -> memref<10240x32xf32, #tpu.memory_space<vmem_shared>>
        %dma_wait3A_325 = tpu.memref_slice %arg14[%dma_wait3A_314] : memref<4x!tpu.dma_semaphore, #tpu.memory_space<semaphore_mem>> -> memref<1x!tpu.dma_semaphore, #tpu.memory_space<semaphore_mem>>
        %dma_wait3A_326 = tpu.memref_squeeze %dma_wait3A_325 : memref<1x!tpu.dma_semaphore, #tpu.memory_space<semaphore_mem>> -> memref<!tpu.dma_semaphore, #tpu.memory_space<semaphore_mem>>
        tpu.wait_indirect_dma semaphore(%dma_wait3A_326 : memref<!tpu.dma_semaphore, #tpu.memory_space<semaphore_mem>>) src(%dma_wait3A_318 : memref<128x32xf32, #tpu.memory_space<vmem>>) dst(%dma_wait3A_324 : memref<10240x32xf32, #tpu.memory_space<vmem_shared>>)
      } else {
      }
      %add3A_163 = arith.constant 2 : i32
      %add3A_164 = arith.addi %add3A_129, %add3A_163 : i32
      %lt3A = arith.constant 160 : i32
      %lt3A_165 = arith.cmpi slt, %add3A_164, %lt3A : i32
      %convert_element_type3A_166 = arith.extui %lt3A_165 : i1 to i32
      %cond3A_167 = arith.constant 0 : i32
      %cond3A_168 = arith.cmpi ne, %convert_element_type3A_166, %cond3A_167 : i32
      scf.if %cond3A_168 {
        %add3A_313 = arith.constant 2 : i32
        %add3A_314 = arith.addi %add3A_129, %add3A_313 : i32
        %dma_start3A_315 = arith.constant 2 : i32
        %dma_start3A_316 = arith.constant 2 : i32
        %dma_start3A_317 = arith.constant 0 : i32
        %dma_start3A_318 = arith.constant 0 : i32
        %dma_start3A_319 = tpu.memref_slice %arg9[%dma_start3A_315, %dma_start3A_317, %dma_start3A_318] : memref<4x128x32xf32, #tpu.memory_space<vmem>> -> memref<1x128x32xf32, #tpu.memory_space<vmem>>
        %dma_start3A_320 = tpu.memref_squeeze %dma_start3A_319 : memref<1x128x32xf32, #tpu.memory_space<vmem>> -> memref<128x32xf32, #tpu.memory_space<vmem>>
        %dma_start3A_321 = arith.constant 0 : i32
        %dma_start3A_322 = tpu.memref_slice %arg7[%add3A_314, %dma_start3A_321] : memref<160x128xi32, #tpu.memory_space<vmem>> -> memref<1x128xi32, #tpu.memory_space<vmem>>
        %dma_start3A_323 = tpu.memref_squeeze %dma_start3A_322 : memref<1x128xi32, #tpu.memory_space<vmem>> -> memref<128xi32, #tpu.memory_space<vmem>>
        %dma_start3A_324 = arith.constant 0 : i32
        %dma_start3A_325 = arith.constant 0 : i32
        %dma_start3A_326 = tpu.memref_slice %arg11[%dma_start3A_324, %dma_start3A_325] : memref<10240x32xf32, #tpu.memory_space<vmem_shared>> -> memref<10240x32xf32, #tpu.memory_space<vmem_shared>>
        %dma_start3A_327 = tpu.memref_slice %arg13[%dma_start3A_316] : memref<4x!tpu.dma_semaphore, #tpu.memory_space<semaphore_mem>> -> memref<1x!tpu.dma_semaphore, #tpu.memory_space<semaphore_mem>>
        %dma_start3A_328 = tpu.memref_squeeze %dma_start3A_327 : memref<1x!tpu.dma_semaphore, #tpu.memory_space<semaphore_mem>> -> memref<!tpu.dma_semaphore, #tpu.memory_space<semaphore_mem>>
        tpu.enqueue_indirect_dma source(%dma_start3A_326 : memref<10240x32xf32, #tpu.memory_space<vmem_shared>>) target(%dma_start3A_320 : memref<128x32xf32, #tpu.memory_space<vmem>>) offsets(%dma_start3A_323 : memref<128xi32, #tpu.memory_space<vmem>>) semaphore(%dma_start3A_328 : memref<!tpu.dma_semaphore, #tpu.memory_space<semaphore_mem>>)
      } else {
      }
      %mul3A_169 = arith.constant 4 : i32
      %mul3A_170 = arith.muli %mul3A_169, %scan3A_125 : i32
      %add3A_171 = arith.constant 1 : i32
      %add3A_172 = arith.addi %mul3A_170, %add3A_171 : i32
      %dma_wait3A_173 = arith.constant 1 : i32
      %dma_wait3A_174 = arith.constant 1 : i32
      %dma_wait3A_175 = arith.constant 0 : i32
      %dma_wait3A_176 = arith.constant 0 : i32
      %dma_wait3A_177 = tpu.memref_slice %arg9[%dma_wait3A_173, %dma_wait3A_175, %dma_wait3A_176] : memref<4x128x32xf32, #tpu.memory_space<vmem>> -> memref<1x128x32xf32, #tpu.memory_space<vmem>>
      %dma_wait3A_178 = tpu.memref_squeeze %dma_wait3A_177 : memref<1x128x32xf32, #tpu.memory_space<vmem>> -> memref<128x32xf32, #tpu.memory_space<vmem>>
      %dma_wait3A_179 = arith.constant 0 : i32
      %dma_wait3A_180 = tpu.memref_slice %arg7[%add3A_172, %dma_wait3A_179] : memref<160x128xi32, #tpu.memory_space<vmem>> -> memref<1x128xi32, #tpu.memory_space<vmem>>
      %dma_wait3A_181 = tpu.memref_squeeze %dma_wait3A_180 : memref<1x128xi32, #tpu.memory_space<vmem>> -> memref<128xi32, #tpu.memory_space<vmem>>
      %dma_wait3A_182 = arith.constant 0 : i32
      %dma_wait3A_183 = arith.constant 0 : i32
      %dma_wait3A_184 = tpu.memref_slice %arg11[%dma_wait3A_182, %dma_wait3A_183] : memref<10240x32xf32, #tpu.memory_space<vmem_shared>> -> memref<10240x32xf32, #tpu.memory_space<vmem_shared>>
      %dma_wait3A_185 = tpu.memref_slice %arg13[%dma_wait3A_174] : memref<4x!tpu.dma_semaphore, #tpu.memory_space<semaphore_mem>> -> memref<1x!tpu.dma_semaphore, #tpu.memory_space<semaphore_mem>>
      %dma_wait3A_186 = tpu.memref_squeeze %dma_wait3A_185 : memref<1x!tpu.dma_semaphore, #tpu.memory_space<semaphore_mem>> -> memref<!tpu.dma_semaphore, #tpu.memory_space<semaphore_mem>>
      tpu.wait_indirect_dma semaphore(%dma_wait3A_186 : memref<!tpu.dma_semaphore, #tpu.memory_space<semaphore_mem>>) src(%dma_wait3A_184 : memref<10240x32xf32, #tpu.memory_space<vmem_shared>>) dst(%dma_wait3A_178 : memref<128x32xf32, #tpu.memory_space<vmem>>)
      %dma_start3A_187 = arith.constant 1 : i32
      %dma_start3A_188 = arith.constant 1 : i32
      %dma_start3A_189 = arith.constant 0 : i32
      %dma_start3A_190 = arith.constant 0 : i32
      %dma_start3A_191 = tpu.memref_slice %arg9[%dma_start3A_187, %dma_start3A_189, %dma_start3A_190] : memref<4x128x32xf32, #tpu.memory_space<vmem>> -> memref<1x128x32xf32, #tpu.memory_space<vmem>>
      %dma_start3A_192 = tpu.memref_squeeze %dma_start3A_191 : memref<1x128x32xf32, #tpu.memory_space<vmem>> -> memref<128x32xf32, #tpu.memory_space<vmem>>
      %dma_start3A_193 = arith.constant 0 : i32
      %dma_start3A_194 = tpu.memref_slice %arg8[%add3A_172, %dma_start3A_193] : memref<160x128xi32, #tpu.memory_space<vmem>> -> memref<1x128xi32, #tpu.memory_space<vmem>>
      %dma_start3A_195 = tpu.memref_squeeze %dma_start3A_194 : memref<1x128xi32, #tpu.memory_space<vmem>> -> memref<128xi32, #tpu.memory_space<vmem>>
      %dma_start3A_196 = arith.constant 0 : i32
      %dma_start3A_197 = arith.constant 0 : i32
      %dma_start3A_198 = tpu.memref_slice %arg12[%dma_start3A_196, %dma_start3A_197] : memref<10240x32xf32, #tpu.memory_space<vmem_shared>> -> memref<10240x32xf32, #tpu.memory_space<vmem_shared>>
      %dma_start3A_199 = tpu.memref_slice %arg14[%dma_start3A_188] : memref<4x!tpu.dma_semaphore, #tpu.memory_space<semaphore_mem>> -> memref<1x!tpu.dma_semaphore, #tpu.memory_space<semaphore_mem>>
      %dma_start3A_200 = tpu.memref_squeeze %dma_start3A_199 : memref<1x!tpu.dma_semaphore, #tpu.memory_space<semaphore_mem>> -> memref<!tpu.dma_semaphore, #tpu.memory_space<semaphore_mem>>
      tpu.enqueue_indirect_dma source(%dma_start3A_192 : memref<128x32xf32, #tpu.memory_space<vmem>>) target(%dma_start3A_198 : memref<10240x32xf32, #tpu.memory_space<vmem_shared>>) offsets(%dma_start3A_195 : memref<128xi32, #tpu.memory_space<vmem>>) semaphore(%dma_start3A_200 : memref<!tpu.dma_semaphore, #tpu.memory_space<semaphore_mem>>) {add = true}
      %add3A_201 = arith.constant 2 : i32
      %add3A_202 = arith.addi %add3A_172, %add3A_201 : i32
      %sub3A_203 = arith.constant 4 : i32
      %sub3A_204 = arith.subi %add3A_202, %sub3A_203 : i32
      %ge3A_205 = arith.constant 0 : i32
      %ge3A_206 = arith.cmpi sge, %sub3A_204, %ge3A_205 : i32
      %convert_element_type3A_207 = arith.extui %ge3A_206 : i1 to i32
      %cond3A_208 = arith.constant 0 : i32
      %cond3A_209 = arith.cmpi ne, %convert_element_type3A_207, %cond3A_208 : i32
      scf.if %cond3A_209 {
        %dma_wait3A_313 = arith.constant 3 : i32
        %dma_wait3A_314 = arith.constant 3 : i32
        %dma_wait3A_315 = arith.constant 0 : i32
        %dma_wait3A_316 = arith.constant 0 : i32
        %dma_wait3A_317 = tpu.memref_slice %arg9[%dma_wait3A_313, %dma_wait3A_315, %dma_wait3A_316] : memref<4x128x32xf32, #tpu.memory_space<vmem>> -> memref<1x128x32xf32, #tpu.memory_space<vmem>>
        %dma_wait3A_318 = tpu.memref_squeeze %dma_wait3A_317 : memref<1x128x32xf32, #tpu.memory_space<vmem>> -> memref<128x32xf32, #tpu.memory_space<vmem>>
        %dma_wait3A_319 = arith.constant 0 : i32
        %dma_wait3A_320 = tpu.memref_slice %arg8[%sub3A_204, %dma_wait3A_319] : memref<160x128xi32, #tpu.memory_space<vmem>> -> memref<1x128xi32, #tpu.memory_space<vmem>>
        %dma_wait3A_321 = tpu.memref_squeeze %dma_wait3A_320 : memref<1x128xi32, #tpu.memory_space<vmem>> -> memref<128xi32, #tpu.memory_space<vmem>>
        %dma_wait3A_322 = arith.constant 0 : i32
        %dma_wait3A_323 = arith.constant 0 : i32
        %dma_wait3A_324 = tpu.memref_slice %arg12[%dma_wait3A_322, %dma_wait3A_323] : memref<10240x32xf32, #tpu.memory_space<vmem_shared>> -> memref<10240x32xf32, #tpu.memory_space<vmem_shared>>
        %dma_wait3A_325 = tpu.memref_slice %arg14[%dma_wait3A_314] : memref<4x!tpu.dma_semaphore, #tpu.memory_space<semaphore_mem>> -> memref<1x!tpu.dma_semaphore, #tpu.memory_space<semaphore_mem>>
        %dma_wait3A_326 = tpu.memref_squeeze %dma_wait3A_325 : memref<1x!tpu.dma_semaphore, #tpu.memory_space<semaphore_mem>> -> memref<!tpu.dma_semaphore, #tpu.memory_space<semaphore_mem>>
        tpu.wait_indirect_dma semaphore(%dma_wait3A_326 : memref<!tpu.dma_semaphore, #tpu.memory_space<semaphore_mem>>) src(%dma_wait3A_318 : memref<128x32xf32, #tpu.memory_space<vmem>>) dst(%dma_wait3A_324 : memref<10240x32xf32, #tpu.memory_space<vmem_shared>>)
      } else {
      }
      %add3A_210 = arith.constant 2 : i32
      %add3A_211 = arith.addi %add3A_172, %add3A_210 : i32
      %lt3A_212 = arith.constant 160 : i32
      %lt3A_213 = arith.cmpi slt, %add3A_211, %lt3A_212 : i32
      %convert_element_type3A_214 = arith.extui %lt3A_213 : i1 to i32
      %cond3A_215 = arith.constant 0 : i32
      %cond3A_216 = arith.cmpi ne, %convert_element_type3A_214, %cond3A_215 : i32
      scf.if %cond3A_216 {
        %add3A_313 = arith.constant 2 : i32
        %add3A_314 = arith.addi %add3A_172, %add3A_313 : i32
        %dma_start3A_315 = arith.constant 3 : i32
        %dma_start3A_316 = arith.constant 3 : i32
        %dma_start3A_317 = arith.constant 0 : i32
        %dma_start3A_318 = arith.constant 0 : i32
        %dma_start3A_319 = tpu.memref_slice %arg9[%dma_start3A_315, %dma_start3A_317, %dma_start3A_318] : memref<4x128x32xf32, #tpu.memory_space<vmem>> -> memref<1x128x32xf32, #tpu.memory_space<vmem>>
        %dma_start3A_320 = tpu.memref_squeeze %dma_start3A_319 : memref<1x128x32xf32, #tpu.memory_space<vmem>> -> memref<128x32xf32, #tpu.memory_space<vmem>>
        %dma_start3A_321 = arith.constant 0 : i32
        %dma_start3A_322 = tpu.memref_slice %arg7[%add3A_314, %dma_start3A_321] : memref<160x128xi32, #tpu.memory_space<vmem>> -> memref<1x128xi32, #tpu.memory_space<vmem>>
        %dma_start3A_323 = tpu.memref_squeeze %dma_start3A_322 : memref<1x128xi32, #tpu.memory_space<vmem>> -> memref<128xi32, #tpu.memory_space<vmem>>
        %dma_start3A_324 = arith.constant 0 : i32
        %dma_start3A_325 = arith.constant 0 : i32
        %dma_start3A_326 = tpu.memref_slice %arg11[%dma_start3A_324, %dma_start3A_325] : memref<10240x32xf32, #tpu.memory_space<vmem_shared>> -> memref<10240x32xf32, #tpu.memory_space<vmem_shared>>
        %dma_start3A_327 = tpu.memref_slice %arg13[%dma_start3A_316] : memref<4x!tpu.dma_semaphore, #tpu.memory_space<semaphore_mem>> -> memref<1x!tpu.dma_semaphore, #tpu.memory_space<semaphore_mem>>
        %dma_start3A_328 = tpu.memref_squeeze %dma_start3A_327 : memref<1x!tpu.dma_semaphore, #tpu.memory_space<semaphore_mem>> -> memref<!tpu.dma_semaphore, #tpu.memory_space<semaphore_mem>>
        tpu.enqueue_indirect_dma source(%dma_start3A_326 : memref<10240x32xf32, #tpu.memory_space<vmem_shared>>) target(%dma_start3A_320 : memref<128x32xf32, #tpu.memory_space<vmem>>) offsets(%dma_start3A_323 : memref<128xi32, #tpu.memory_space<vmem>>) semaphore(%dma_start3A_328 : memref<!tpu.dma_semaphore, #tpu.memory_space<semaphore_mem>>)
      } else {
      }
      %mul3A_217 = arith.constant 4 : i32
      %mul3A_218 = arith.muli %mul3A_217, %scan3A_125 : i32
      %add3A_219 = arith.constant 2 : i32
      %add3A_220 = arith.addi %mul3A_218, %add3A_219 : i32
      %dma_wait3A_221 = arith.constant 2 : i32
      %dma_wait3A_222 = arith.constant 2 : i32
      %dma_wait3A_223 = arith.constant 0 : i32
      %dma_wait3A_224 = arith.constant 0 : i32
      %dma_wait3A_225 = tpu.memref_slice %arg9[%dma_wait3A_221, %dma_wait3A_223, %dma_wait3A_224] : memref<4x128x32xf32, #tpu.memory_space<vmem>> -> memref<1x128x32xf32, #tpu.memory_space<vmem>>
      %dma_wait3A_226 = tpu.memref_squeeze %dma_wait3A_225 : memref<1x128x32xf32, #tpu.memory_space<vmem>> -> memref<128x32xf32, #tpu.memory_space<vmem>>
      %dma_wait3A_227 = arith.constant 0 : i32
      %dma_wait3A_228 = tpu.memref_slice %arg7[%add3A_220, %dma_wait3A_227] : memref<160x128xi32, #tpu.memory_space<vmem>> -> memref<1x128xi32, #tpu.memory_space<vmem>>
      %dma_wait3A_229 = tpu.memref_squeeze %dma_wait3A_228 : memref<1x128xi32, #tpu.memory_space<vmem>> -> memref<128xi32, #tpu.memory_space<vmem>>
      %dma_wait3A_230 = arith.constant 0 : i32
      %dma_wait3A_231 = arith.constant 0 : i32
      %dma_wait3A_232 = tpu.memref_slice %arg11[%dma_wait3A_230, %dma_wait3A_231] : memref<10240x32xf32, #tpu.memory_space<vmem_shared>> -> memref<10240x32xf32, #tpu.memory_space<vmem_shared>>
      %dma_wait3A_233 = tpu.memref_slice %arg13[%dma_wait3A_222] : memref<4x!tpu.dma_semaphore, #tpu.memory_space<semaphore_mem>> -> memref<1x!tpu.dma_semaphore, #tpu.memory_space<semaphore_mem>>
      %dma_wait3A_234 = tpu.memref_squeeze %dma_wait3A_233 : memref<1x!tpu.dma_semaphore, #tpu.memory_space<semaphore_mem>> -> memref<!tpu.dma_semaphore, #tpu.memory_space<semaphore_mem>>
      tpu.wait_indirect_dma semaphore(%dma_wait3A_234 : memref<!tpu.dma_semaphore, #tpu.memory_space<semaphore_mem>>) src(%dma_wait3A_232 : memref<10240x32xf32, #tpu.memory_space<vmem_shared>>) dst(%dma_wait3A_226 : memref<128x32xf32, #tpu.memory_space<vmem>>)
      %dma_start3A_235 = arith.constant 2 : i32
      %dma_start3A_236 = arith.constant 2 : i32
      %dma_start3A_237 = arith.constant 0 : i32
      %dma_start3A_238 = arith.constant 0 : i32
      %dma_start3A_239 = tpu.memref_slice %arg9[%dma_start3A_235, %dma_start3A_237, %dma_start3A_238] : memref<4x128x32xf32, #tpu.memory_space<vmem>> -> memref<1x128x32xf32, #tpu.memory_space<vmem>>
      %dma_start3A_240 = tpu.memref_squeeze %dma_start3A_239 : memref<1x128x32xf32, #tpu.memory_space<vmem>> -> memref<128x32xf32, #tpu.memory_space<vmem>>
      %dma_start3A_241 = arith.constant 0 : i32
      %dma_start3A_242 = tpu.memref_slice %arg8[%add3A_220, %dma_start3A_241] : memref<160x128xi32, #tpu.memory_space<vmem>> -> memref<1x128xi32, #tpu.memory_space<vmem>>
      %dma_start3A_243 = tpu.memref_squeeze %dma_start3A_242 : memref<1x128xi32, #tpu.memory_space<vmem>> -> memref<128xi32, #tpu.memory_space<vmem>>
      %dma_start3A_244 = arith.constant 0 : i32
      %dma_start3A_245 = arith.constant 0 : i32
      %dma_start3A_246 = tpu.memref_slice %arg12[%dma_start3A_244, %dma_start3A_245] : memref<10240x32xf32, #tpu.memory_space<vmem_shared>> -> memref<10240x32xf32, #tpu.memory_space<vmem_shared>>
      %dma_start3A_247 = tpu.memref_slice %arg14[%dma_start3A_236] : memref<4x!tpu.dma_semaphore, #tpu.memory_space<semaphore_mem>> -> memref<1x!tpu.dma_semaphore, #tpu.memory_space<semaphore_mem>>
      %dma_start3A_248 = tpu.memref_squeeze %dma_start3A_247 : memref<1x!tpu.dma_semaphore, #tpu.memory_space<semaphore_mem>> -> memref<!tpu.dma_semaphore, #tpu.memory_space<semaphore_mem>>
      tpu.enqueue_indirect_dma source(%dma_start3A_240 : memref<128x32xf32, #tpu.memory_space<vmem>>) target(%dma_start3A_246 : memref<10240x32xf32, #tpu.memory_space<vmem_shared>>) offsets(%dma_start3A_243 : memref<128xi32, #tpu.memory_space<vmem>>) semaphore(%dma_start3A_248 : memref<!tpu.dma_semaphore, #tpu.memory_space<semaphore_mem>>) {add = true}
      %add3A_249 = arith.constant 2 : i32
      %add3A_250 = arith.addi %add3A_220, %add3A_249 : i32
      %sub3A_251 = arith.constant 4 : i32
      %sub3A_252 = arith.subi %add3A_250, %sub3A_251 : i32
      %ge3A_253 = arith.constant 0 : i32
      %ge3A_254 = arith.cmpi sge, %sub3A_252, %ge3A_253 : i32
      %convert_element_type3A_255 = arith.extui %ge3A_254 : i1 to i32
      %cond3A_256 = arith.constant 0 : i32
      %cond3A_257 = arith.cmpi ne, %convert_element_type3A_255, %cond3A_256 : i32
      scf.if %cond3A_257 {
        %dma_wait3A_313 = arith.constant 0 : i32
        %dma_wait3A_314 = arith.constant 0 : i32
        %dma_wait3A_315 = arith.constant 0 : i32
        %dma_wait3A_316 = arith.constant 0 : i32
        %dma_wait3A_317 = tpu.memref_slice %arg9[%dma_wait3A_313, %dma_wait3A_315, %dma_wait3A_316] : memref<4x128x32xf32, #tpu.memory_space<vmem>> -> memref<1x128x32xf32, #tpu.memory_space<vmem>>
        %dma_wait3A_318 = tpu.memref_squeeze %dma_wait3A_317 : memref<1x128x32xf32, #tpu.memory_space<vmem>> -> memref<128x32xf32, #tpu.memory_space<vmem>>
        %dma_wait3A_319 = arith.constant 0 : i32
        %dma_wait3A_320 = tpu.memref_slice %arg8[%sub3A_252, %dma_wait3A_319] : memref<160x128xi32, #tpu.memory_space<vmem>> -> memref<1x128xi32, #tpu.memory_space<vmem>>
        %dma_wait3A_321 = tpu.memref_squeeze %dma_wait3A_320 : memref<1x128xi32, #tpu.memory_space<vmem>> -> memref<128xi32, #tpu.memory_space<vmem>>
        %dma_wait3A_322 = arith.constant 0 : i32
        %dma_wait3A_323 = arith.constant 0 : i32
        %dma_wait3A_324 = tpu.memref_slice %arg12[%dma_wait3A_322, %dma_wait3A_323] : memref<10240x32xf32, #tpu.memory_space<vmem_shared>> -> memref<10240x32xf32, #tpu.memory_space<vmem_shared>>
        %dma_wait3A_325 = tpu.memref_slice %arg14[%dma_wait3A_314] : memref<4x!tpu.dma_semaphore, #tpu.memory_space<semaphore_mem>> -> memref<1x!tpu.dma_semaphore, #tpu.memory_space<semaphore_mem>>
        %dma_wait3A_326 = tpu.memref_squeeze %dma_wait3A_325 : memref<1x!tpu.dma_semaphore, #tpu.memory_space<semaphore_mem>> -> memref<!tpu.dma_semaphore, #tpu.memory_space<semaphore_mem>>
        tpu.wait_indirect_dma semaphore(%dma_wait3A_326 : memref<!tpu.dma_semaphore, #tpu.memory_space<semaphore_mem>>) src(%dma_wait3A_318 : memref<128x32xf32, #tpu.memory_space<vmem>>) dst(%dma_wait3A_324 : memref<10240x32xf32, #tpu.memory_space<vmem_shared>>)
      } else {
      }
      %add3A_258 = arith.constant 2 : i32
      %add3A_259 = arith.addi %add3A_220, %add3A_258 : i32
      %lt3A_260 = arith.constant 160 : i32
      %lt3A_261 = arith.cmpi slt, %add3A_259, %lt3A_260 : i32
      %convert_element_type3A_262 = arith.extui %lt3A_261 : i1 to i32
      %cond3A_263 = arith.constant 0 : i32
      %cond3A_264 = arith.cmpi ne, %convert_element_type3A_262, %cond3A_263 : i32
      scf.if %cond3A_264 {
        %add3A_313 = arith.constant 2 : i32
        %add3A_314 = arith.addi %add3A_220, %add3A_313 : i32
        %dma_start3A_315 = arith.constant 0 : i32
        %dma_start3A_316 = arith.constant 0 : i32
        %dma_start3A_317 = arith.constant 0 : i32
        %dma_start3A_318 = arith.constant 0 : i32
        %dma_start3A_319 = tpu.memref_slice %arg9[%dma_start3A_315, %dma_start3A_317, %dma_start3A_318] : memref<4x128x32xf32, #tpu.memory_space<vmem>> -> memref<1x128x32xf32, #tpu.memory_space<vmem>>
        %dma_start3A_320 = tpu.memref_squeeze %dma_start3A_319 : memref<1x128x32xf32, #tpu.memory_space<vmem>> -> memref<128x32xf32, #tpu.memory_space<vmem>>
        %dma_start3A_321 = arith.constant 0 : i32
        %dma_start3A_322 = tpu.memref_slice %arg7[%add3A_314, %dma_start3A_321] : memref<160x128xi32, #tpu.memory_space<vmem>> -> memref<1x128xi32, #tpu.memory_space<vmem>>
        %dma_start3A_323 = tpu.memref_squeeze %dma_start3A_322 : memref<1x128xi32, #tpu.memory_space<vmem>> -> memref<128xi32, #tpu.memory_space<vmem>>
        %dma_start3A_324 = arith.constant 0 : i32
        %dma_start3A_325 = arith.constant 0 : i32
        %dma_start3A_326 = tpu.memref_slice %arg11[%dma_start3A_324, %dma_start3A_325] : memref<10240x32xf32, #tpu.memory_space<vmem_shared>> -> memref<10240x32xf32, #tpu.memory_space<vmem_shared>>
        %dma_start3A_327 = tpu.memref_slice %arg13[%dma_start3A_316] : memref<4x!tpu.dma_semaphore, #tpu.memory_space<semaphore_mem>> -> memref<1x!tpu.dma_semaphore, #tpu.memory_space<semaphore_mem>>
        %dma_start3A_328 = tpu.memref_squeeze %dma_start3A_327 : memref<1x!tpu.dma_semaphore, #tpu.memory_space<semaphore_mem>> -> memref<!tpu.dma_semaphore, #tpu.memory_space<semaphore_mem>>
        tpu.enqueue_indirect_dma source(%dma_start3A_326 : memref<10240x32xf32, #tpu.memory_space<vmem_shared>>) target(%dma_start3A_320 : memref<128x32xf32, #tpu.memory_space<vmem>>) offsets(%dma_start3A_323 : memref<128xi32, #tpu.memory_space<vmem>>) semaphore(%dma_start3A_328 : memref<!tpu.dma_semaphore, #tpu.memory_space<semaphore_mem>>)
      } else {
      }
      %mul3A_265 = arith.constant 4 : i32
      %mul3A_266 = arith.muli %mul3A_265, %scan3A_125 : i32
      %add3A_267 = arith.constant 3 : i32
      %add3A_268 = arith.addi %mul3A_266, %add3A_267 : i32
      %dma_wait3A_269 = arith.constant 3 : i32
      %dma_wait3A_270 = arith.constant 3 : i32
      %dma_wait3A_271 = arith.constant 0 : i32
      %dma_wait3A_272 = arith.constant 0 : i32
      %dma_wait3A_273 = tpu.memref_slice %arg9[%dma_wait3A_269, %dma_wait3A_271, %dma_wait3A_272] : memref<4x128x32xf32, #tpu.memory_space<vmem>> -> memref<1x128x32xf32, #tpu.memory_space<vmem>>
      %dma_wait3A_274 = tpu.memref_squeeze %dma_wait3A_273 : memref<1x128x32xf32, #tpu.memory_space<vmem>> -> memref<128x32xf32, #tpu.memory_space<vmem>>
      %dma_wait3A_275 = arith.constant 0 : i32
      %dma_wait3A_276 = tpu.memref_slice %arg7[%add3A_268, %dma_wait3A_275] : memref<160x128xi32, #tpu.memory_space<vmem>> -> memref<1x128xi32, #tpu.memory_space<vmem>>
      %dma_wait3A_277 = tpu.memref_squeeze %dma_wait3A_276 : memref<1x128xi32, #tpu.memory_space<vmem>> -> memref<128xi32, #tpu.memory_space<vmem>>
      %dma_wait3A_278 = arith.constant 0 : i32
      %dma_wait3A_279 = arith.constant 0 : i32
      %dma_wait3A_280 = tpu.memref_slice %arg11[%dma_wait3A_278, %dma_wait3A_279] : memref<10240x32xf32, #tpu.memory_space<vmem_shared>> -> memref<10240x32xf32, #tpu.memory_space<vmem_shared>>
      %dma_wait3A_281 = tpu.memref_slice %arg13[%dma_wait3A_270] : memref<4x!tpu.dma_semaphore, #tpu.memory_space<semaphore_mem>> -> memref<1x!tpu.dma_semaphore, #tpu.memory_space<semaphore_mem>>
      %dma_wait3A_282 = tpu.memref_squeeze %dma_wait3A_281 : memref<1x!tpu.dma_semaphore, #tpu.memory_space<semaphore_mem>> -> memref<!tpu.dma_semaphore, #tpu.memory_space<semaphore_mem>>
      tpu.wait_indirect_dma semaphore(%dma_wait3A_282 : memref<!tpu.dma_semaphore, #tpu.memory_space<semaphore_mem>>) src(%dma_wait3A_280 : memref<10240x32xf32, #tpu.memory_space<vmem_shared>>) dst(%dma_wait3A_274 : memref<128x32xf32, #tpu.memory_space<vmem>>)
      %dma_start3A_283 = arith.constant 3 : i32
      %dma_start3A_284 = arith.constant 3 : i32
      %dma_start3A_285 = arith.constant 0 : i32
      %dma_start3A_286 = arith.constant 0 : i32
      %dma_start3A_287 = tpu.memref_slice %arg9[%dma_start3A_283, %dma_start3A_285, %dma_start3A_286] : memref<4x128x32xf32, #tpu.memory_space<vmem>> -> memref<1x128x32xf32, #tpu.memory_space<vmem>>
      %dma_start3A_288 = tpu.memref_squeeze %dma_start3A_287 : memref<1x128x32xf32, #tpu.memory_space<vmem>> -> memref<128x32xf32, #tpu.memory_space<vmem>>
      %dma_start3A_289 = arith.constant 0 : i32
      %dma_start3A_290 = tpu.memref_slice %arg8[%add3A_268, %dma_start3A_289] : memref<160x128xi32, #tpu.memory_space<vmem>> -> memref<1x128xi32, #tpu.memory_space<vmem>>
      %dma_start3A_291 = tpu.memref_squeeze %dma_start3A_290 : memref<1x128xi32, #tpu.memory_space<vmem>> -> memref<128xi32, #tpu.memory_space<vmem>>
      %dma_start3A_292 = arith.constant 0 : i32
      %dma_start3A_293 = arith.constant 0 : i32
      %dma_start3A_294 = tpu.memref_slice %arg12[%dma_start3A_292, %dma_start3A_293] : memref<10240x32xf32, #tpu.memory_space<vmem_shared>> -> memref<10240x32xf32, #tpu.memory_space<vmem_shared>>
      %dma_start3A_295 = tpu.memref_slice %arg14[%dma_start3A_284] : memref<4x!tpu.dma_semaphore, #tpu.memory_space<semaphore_mem>> -> memref<1x!tpu.dma_semaphore, #tpu.memory_space<semaphore_mem>>
      %dma_start3A_296 = tpu.memref_squeeze %dma_start3A_295 : memref<1x!tpu.dma_semaphore, #tpu.memory_space<semaphore_mem>> -> memref<!tpu.dma_semaphore, #tpu.memory_space<semaphore_mem>>
      tpu.enqueue_indirect_dma source(%dma_start3A_288 : memref<128x32xf32, #tpu.memory_space<vmem>>) target(%dma_start3A_294 : memref<10240x32xf32, #tpu.memory_space<vmem_shared>>) offsets(%dma_start3A_291 : memref<128xi32, #tpu.memory_space<vmem>>) semaphore(%dma_start3A_296 : memref<!tpu.dma_semaphore, #tpu.memory_space<semaphore_mem>>) {add = true}
      %add3A_297 = arith.constant 2 : i32
      %add3A_298 = arith.addi %add3A_268, %add3A_297 : i32
      %sub3A_299 = arith.constant 4 : i32
      %sub3A_300 = arith.subi %add3A_298, %sub3A_299 : i32
      %ge3A_301 = arith.constant 0 : i32
      %ge3A_302 = arith.cmpi sge, %sub3A_300, %ge3A_301 : i32
      %convert_element_type3A_303 = arith.extui %ge3A_302 : i1 to i32
      %cond3A_304 = arith.constant 0 : i32
      %cond3A_305 = arith.cmpi ne, %convert_element_type3A_303, %cond3A_304 : i32
      scf.if %cond3A_305 {
        %dma_wait3A_313 = arith.constant 1 : i32
        %dma_wait3A_314 = arith.constant 1 : i32
        %dma_wait3A_315 = arith.constant 0 : i32
        %dma_wait3A_316 = arith.constant 0 : i32
        %dma_wait3A_317 = tpu.memref_slice %arg9[%dma_wait3A_313, %dma_wait3A_315, %dma_wait3A_316] : memref<4x128x32xf32, #tpu.memory_space<vmem>> -> memref<1x128x32xf32, #tpu.memory_space<vmem>>
        %dma_wait3A_318 = tpu.memref_squeeze %dma_wait3A_317 : memref<1x128x32xf32, #tpu.memory_space<vmem>> -> memref<128x32xf32, #tpu.memory_space<vmem>>
        %dma_wait3A_319 = arith.constant 0 : i32
        %dma_wait3A_320 = tpu.memref_slice %arg8[%sub3A_300, %dma_wait3A_319] : memref<160x128xi32, #tpu.memory_space<vmem>> -> memref<1x128xi32, #tpu.memory_space<vmem>>
        %dma_wait3A_321 = tpu.memref_squeeze %dma_wait3A_320 : memref<1x128xi32, #tpu.memory_space<vmem>> -> memref<128xi32, #tpu.memory_space<vmem>>
        %dma_wait3A_322 = arith.constant 0 : i32
        %dma_wait3A_323 = arith.constant 0 : i32
        %dma_wait3A_324 = tpu.memref_slice %arg12[%dma_wait3A_322, %dma_wait3A_323] : memref<10240x32xf32, #tpu.memory_space<vmem_shared>> -> memref<10240x32xf32, #tpu.memory_space<vmem_shared>>
        %dma_wait3A_325 = tpu.memref_slice %arg14[%dma_wait3A_314] : memref<4x!tpu.dma_semaphore, #tpu.memory_space<semaphore_mem>> -> memref<1x!tpu.dma_semaphore, #tpu.memory_space<semaphore_mem>>
        %dma_wait3A_326 = tpu.memref_squeeze %dma_wait3A_325 : memref<1x!tpu.dma_semaphore, #tpu.memory_space<semaphore_mem>> -> memref<!tpu.dma_semaphore, #tpu.memory_space<semaphore_mem>>
        tpu.wait_indirect_dma semaphore(%dma_wait3A_326 : memref<!tpu.dma_semaphore, #tpu.memory_space<semaphore_mem>>) src(%dma_wait3A_318 : memref<128x32xf32, #tpu.memory_space<vmem>>) dst(%dma_wait3A_324 : memref<10240x32xf32, #tpu.memory_space<vmem_shared>>)
      } else {
      }
      %add3A_306 = arith.constant 2 : i32
      %add3A_307 = arith.addi %add3A_268, %add3A_306 : i32
      %lt3A_308 = arith.constant 160 : i32
      %lt3A_309 = arith.cmpi slt, %add3A_307, %lt3A_308 : i32
      %convert_element_type3A_310 = arith.extui %lt3A_309 : i1 to i32
      %cond3A_311 = arith.constant 0 : i32
      %cond3A_312 = arith.cmpi ne, %convert_element_type3A_310, %cond3A_311 : i32
      scf.if %cond3A_312 {
        %add3A_313 = arith.constant 2 : i32
        %add3A_314 = arith.addi %add3A_268, %add3A_313 : i32
        %dma_start3A_315 = arith.constant 1 : i32
        %dma_start3A_316 = arith.constant 1 : i32
        %dma_start3A_317 = arith.constant 0 : i32
        %dma_start3A_318 = arith.constant 0 : i32
        %dma_start3A_319 = tpu.memref_slice %arg9[%dma_start3A_315, %dma_start3A_317, %dma_start3A_318] : memref<4x128x32xf32, #tpu.memory_space<vmem>> -> memref<1x128x32xf32, #tpu.memory_space<vmem>>
        %dma_start3A_320 = tpu.memref_squeeze %dma_start3A_319 : memref<1x128x32xf32, #tpu.memory_space<vmem>> -> memref<128x32xf32, #tpu.memory_space<vmem>>
        %dma_start3A_321 = arith.constant 0 : i32
        %dma_start3A_322 = tpu.memref_slice %arg7[%add3A_314, %dma_start3A_321] : memref<160x128xi32, #tpu.memory_space<vmem>> -> memref<1x128xi32, #tpu.memory_space<vmem>>
        %dma_start3A_323 = tpu.memref_squeeze %dma_start3A_322 : memref<1x128xi32, #tpu.memory_space<vmem>> -> memref<128xi32, #tpu.memory_space<vmem>>
        %dma_start3A_324 = arith.constant 0 : i32
        %dma_start3A_325 = arith.constant 0 : i32
        %dma_start3A_326 = tpu.memref_slice %arg11[%dma_start3A_324, %dma_start3A_325] : memref<10240x32xf32, #tpu.memory_space<vmem_shared>> -> memref<10240x32xf32, #tpu.memory_space<vmem_shared>>
        %dma_start3A_327 = tpu.memref_slice %arg13[%dma_start3A_316] : memref<4x!tpu.dma_semaphore, #tpu.memory_space<semaphore_mem>> -> memref<1x!tpu.dma_semaphore, #tpu.memory_space<semaphore_mem>>
        %dma_start3A_328 = tpu.memref_squeeze %dma_start3A_327 : memref<1x!tpu.dma_semaphore, #tpu.memory_space<semaphore_mem>> -> memref<!tpu.dma_semaphore, #tpu.memory_space<semaphore_mem>>
        tpu.enqueue_indirect_dma source(%dma_start3A_326 : memref<10240x32xf32, #tpu.memory_space<vmem_shared>>) target(%dma_start3A_320 : memref<128x32xf32, #tpu.memory_space<vmem>>) offsets(%dma_start3A_323 : memref<128xi32, #tpu.memory_space<vmem>>) semaphore(%dma_start3A_328 : memref<!tpu.dma_semaphore, #tpu.memory_space<semaphore_mem>>)
      } else {
      }
    }
    %scan3A_74 = arith.constant 40 : i32
    %dma_wait3A = arith.constant 2 : i32
    %dma_wait3A_75 = arith.constant 158 : i32
    %dma_wait3A_76 = arith.constant 2 : i32
    %dma_wait3A_77 = arith.constant 0 : i32
    %dma_wait3A_78 = arith.constant 0 : i32
    %dma_wait3A_79 = tpu.memref_slice %arg9[%dma_wait3A, %dma_wait3A_77, %dma_wait3A_78] : memref<4x128x32xf32, #tpu.memory_space<vmem>> -> memref<1x128x32xf32, #tpu.memory_space<vmem>>
    %dma_wait3A_80 = tpu.memref_squeeze %dma_wait3A_79 : memref<1x128x32xf32, #tpu.memory_space<vmem>> -> memref<128x32xf32, #tpu.memory_space<vmem>>
    %dma_wait3A_81 = arith.constant 0 : i32
    %dma_wait3A_82 = tpu.memref_slice %arg8[%dma_wait3A_75, %dma_wait3A_81] : memref<160x128xi32, #tpu.memory_space<vmem>> -> memref<1x128xi32, #tpu.memory_space<vmem>>
    %dma_wait3A_83 = tpu.memref_squeeze %dma_wait3A_82 : memref<1x128xi32, #tpu.memory_space<vmem>> -> memref<128xi32, #tpu.memory_space<vmem>>
    %dma_wait3A_84 = arith.constant 0 : i32
    %dma_wait3A_85 = arith.constant 0 : i32
    %dma_wait3A_86 = tpu.memref_slice %arg12[%dma_wait3A_84, %dma_wait3A_85] : memref<10240x32xf32, #tpu.memory_space<vmem_shared>> -> memref<10240x32xf32, #tpu.memory_space<vmem_shared>>
    %dma_wait3A_87 = tpu.memref_slice %arg14[%dma_wait3A_76] : memref<4x!tpu.dma_semaphore, #tpu.memory_space<semaphore_mem>> -> memref<1x!tpu.dma_semaphore, #tpu.memory_space<semaphore_mem>>
    %dma_wait3A_88 = tpu.memref_squeeze %dma_wait3A_87 : memref<1x!tpu.dma_semaphore, #tpu.memory_space<semaphore_mem>> -> memref<!tpu.dma_semaphore, #tpu.memory_space<semaphore_mem>>
    tpu.wait_indirect_dma semaphore(%dma_wait3A_88 : memref<!tpu.dma_semaphore, #tpu.memory_space<semaphore_mem>>) src(%dma_wait3A_80 : memref<128x32xf32, #tpu.memory_space<vmem>>) dst(%dma_wait3A_86 : memref<10240x32xf32, #tpu.memory_space<vmem_shared>>)
    %dma_wait3A_89 = arith.constant 3 : i32
    %dma_wait3A_90 = arith.constant 159 : i32
    %dma_wait3A_91 = arith.constant 3 : i32
    %dma_wait3A_92 = arith.constant 0 : i32
    %dma_wait3A_93 = arith.constant 0 : i32
    %dma_wait3A_94 = tpu.memref_slice %arg9[%dma_wait3A_89, %dma_wait3A_92, %dma_wait3A_93] : memref<4x128x32xf32, #tpu.memory_space<vmem>> -> memref<1x128x32xf32, #tpu.memory_space<vmem>>
    %dma_wait3A_95 = tpu.memref_squeeze %dma_wait3A_94 : memref<1x128x32xf32, #tpu.memory_space<vmem>> -> memref<128x32xf32, #tpu.memory_space<vmem>>
    %dma_wait3A_96 = arith.constant 0 : i32
    %dma_wait3A_97 = tpu.memref_slice %arg8[%dma_wait3A_90, %dma_wait3A_96] : memref<160x128xi32, #tpu.memory_space<vmem>> -> memref<1x128xi32, #tpu.memory_space<vmem>>
    %dma_wait3A_98 = tpu.memref_squeeze %dma_wait3A_97 : memref<1x128xi32, #tpu.memory_space<vmem>> -> memref<128xi32, #tpu.memory_space<vmem>>
    %dma_wait3A_99 = arith.constant 0 : i32
    %dma_wait3A_100 = arith.constant 0 : i32
    %dma_wait3A_101 = tpu.memref_slice %arg12[%dma_wait3A_99, %dma_wait3A_100] : memref<10240x32xf32, #tpu.memory_space<vmem_shared>> -> memref<10240x32xf32, #tpu.memory_space<vmem_shared>>
    %dma_wait3A_102 = tpu.memref_slice %arg14[%dma_wait3A_91] : memref<4x!tpu.dma_semaphore, #tpu.memory_space<semaphore_mem>> -> memref<1x!tpu.dma_semaphore, #tpu.memory_space<semaphore_mem>>
    %dma_wait3A_103 = tpu.memref_squeeze %dma_wait3A_102 : memref<1x!tpu.dma_semaphore, #tpu.memory_space<semaphore_mem>> -> memref<!tpu.dma_semaphore, #tpu.memory_space<semaphore_mem>>
    tpu.wait_indirect_dma semaphore(%dma_wait3A_103 : memref<!tpu.dma_semaphore, #tpu.memory_space<semaphore_mem>>) src(%dma_wait3A_95 : memref<128x32xf32, #tpu.memory_space<vmem>>) dst(%dma_wait3A_101 : memref<10240x32xf32, #tpu.memory_space<vmem_shared>>)
    %barrier3A_104 = arith.constant 0 : index
    tpu.barrier barrier_id(%barrier3A_104)
    %mul3A_105 = arith.constant 640 : i32
    %mul3A_106 = arith.muli %arg1, %mul3A_105 : i32
    %add3A_107 = arith.constant 0 : i32
    %add3A_108 = arith.addi %mul3A_106, %add3A_107 : i32
    "tpu.region"() ({
      %run_scoped3A_125 = tpu.sem_alloc : memref<!tpu.dma_semaphore, #tpu.memory_space<semaphore_mem>>
      %dma_start3A_126 = arith.constant 0 : i32
      %dma_start3A_127 = tpu.memref_slice %arg5[%arg0, %add3A_108, %dma_start3A_126] : memref<2x10240x32xf32, #tpu.memory_space<hbm>> -> memref<1x128x32xf32, #tpu.memory_space<hbm>>
      %dma_start3A_128 = tpu.memref_squeeze %dma_start3A_127 : memref<1x128x32xf32, #tpu.memory_space<hbm>> -> memref<128x32xf32, #tpu.memory_space<hbm>>
      %dma_start3A_129 = arith.constant 0 : i32
      %dma_start3A_130 = tpu.memref_slice %arg12[%add3A_108, %dma_start3A_129] : memref<10240x32xf32, #tpu.memory_space<vmem_shared>> -> memref<128x32xf32, #tpu.memory_space<vmem_shared>>
      tpu.enqueue_dma source(%dma_start3A_130 : memref<128x32xf32, #tpu.memory_space<vmem_shared>>) target(%dma_start3A_128 : memref<128x32xf32, #tpu.memory_space<hbm>>) target_semaphore(%run_scoped3A_125 : memref<!tpu.dma_semaphore, #tpu.memory_space<semaphore_mem>>)
      %dma_wait3A_131 = arith.constant 0 : i32
      %dma_wait3A_132 = tpu.memref_slice %arg5[%arg0, %add3A_108, %dma_wait3A_131] : memref<2x10240x32xf32, #tpu.memory_space<hbm>> -> memref<1x128x32xf32, #tpu.memory_space<hbm>>
      %dma_wait3A_133 = tpu.memref_squeeze %dma_wait3A_132 : memref<1x128x32xf32, #tpu.memory_space<hbm>> -> memref<128x32xf32, #tpu.memory_space<hbm>>
      %dma_wait3A_134 = arith.constant 0 : i32
      %dma_wait3A_135 = tpu.memref_slice %arg12[%add3A_108, %dma_wait3A_134] : memref<10240x32xf32, #tpu.memory_space<vmem_shared>> -> memref<128x32xf32, #tpu.memory_space<vmem_shared>>
      tpu.wait_dma2 semaphore(%run_scoped3A_125 : memref<!tpu.dma_semaphore, #tpu.memory_space<semaphore_mem>>) src(%dma_wait3A_135 : memref<128x32xf32, #tpu.memory_space<vmem_shared>>) dst(%dma_wait3A_133 : memref<128x32xf32, #tpu.memory_space<hbm>>)
      tpu.yield
    }) : () -> ()
    %mul3A_109 = arith.constant 640 : i32
    %mul3A_110 = arith.muli %arg1, %mul3A_109 : i32
    %add3A_111 = arith.constant 128 : i32
    %add3A_112 = arith.addi %mul3A_110, %add3A_111 : i32
    "tpu.region"() ({
      %run_scoped3A_125 = tpu.sem_alloc : memref<!tpu.dma_semaphore, #tpu.memory_space<semaphore_mem>>
      %dma_start3A_126 = arith.constant 0 : i32
      %dma_start3A_127 = tpu.memref_slice %arg5[%arg0, %add3A_112, %dma_start3A_126] : memref<2x10240x32xf32, #tpu.memory_space<hbm>> -> memref<1x128x32xf32, #tpu.memory_space<hbm>>
      %dma_start3A_128 = tpu.memref_squeeze %dma_start3A_127 : memref<1x128x32xf32, #tpu.memory_space<hbm>> -> memref<128x32xf32, #tpu.memory_space<hbm>>
      %dma_start3A_129 = arith.constant 0 : i32
      %dma_start3A_130 = tpu.memref_slice %arg12[%add3A_112, %dma_start3A_129] : memref<10240x32xf32, #tpu.memory_space<vmem_shared>> -> memref<128x32xf32, #tpu.memory_space<vmem_shared>>
      tpu.enqueue_dma source(%dma_start3A_130 : memref<128x32xf32, #tpu.memory_space<vmem_shared>>) target(%dma_start3A_128 : memref<128x32xf32, #tpu.memory_space<hbm>>) target_semaphore(%run_scoped3A_125 : memref<!tpu.dma_semaphore, #tpu.memory_space<semaphore_mem>>)
      %dma_wait3A_131 = arith.constant 0 : i32
      %dma_wait3A_132 = tpu.memref_slice %arg5[%arg0, %add3A_112, %dma_wait3A_131] : memref<2x10240x32xf32, #tpu.memory_space<hbm>> -> memref<1x128x32xf32, #tpu.memory_space<hbm>>
      %dma_wait3A_133 = tpu.memref_squeeze %dma_wait3A_132 : memref<1x128x32xf32, #tpu.memory_space<hbm>> -> memref<128x32xf32, #tpu.memory_space<hbm>>
      %dma_wait3A_134 = arith.constant 0 : i32
      %dma_wait3A_135 = tpu.memref_slice %arg12[%add3A_112, %dma_wait3A_134] : memref<10240x32xf32, #tpu.memory_space<vmem_shared>> -> memref<128x32xf32, #tpu.memory_space<vmem_shared>>
      tpu.wait_dma2 semaphore(%run_scoped3A_125 : memref<!tpu.dma_semaphore, #tpu.memory_space<semaphore_mem>>) src(%dma_wait3A_135 : memref<128x32xf32, #tpu.memory_space<vmem_shared>>) dst(%dma_wait3A_133 : memref<128x32xf32, #tpu.memory_space<hbm>>)
      tpu.yield
    }) : () -> ()
    %mul3A_113 = arith.constant 640 : i32
    %mul3A_114 = arith.muli %arg1, %mul3A_113 : i32
    %add3A_115 = arith.constant 256 : i32
    %add3A_116 = arith.addi %mul3A_114, %add3A_115 : i32
    "tpu.region"() ({
      %run_scoped3A_125 = tpu.sem_alloc : memref<!tpu.dma_semaphore, #tpu.memory_space<semaphore_mem>>
      %dma_start3A_126 = arith.constant 0 : i32
      %dma_start3A_127 = tpu.memref_slice %arg5[%arg0, %add3A_116, %dma_start3A_126] : memref<2x10240x32xf32, #tpu.memory_space<hbm>> -> memref<1x128x32xf32, #tpu.memory_space<hbm>>
      %dma_start3A_128 = tpu.memref_squeeze %dma_start3A_127 : memref<1x128x32xf32, #tpu.memory_space<hbm>> -> memref<128x32xf32, #tpu.memory_space<hbm>>
      %dma_start3A_129 = arith.constant 0 : i32
      %dma_start3A_130 = tpu.memref_slice %arg12[%add3A_116, %dma_start3A_129] : memref<10240x32xf32, #tpu.memory_space<vmem_shared>> -> memref<128x32xf32, #tpu.memory_space<vmem_shared>>
      tpu.enqueue_dma source(%dma_start3A_130 : memref<128x32xf32, #tpu.memory_space<vmem_shared>>) target(%dma_start3A_128 : memref<128x32xf32, #tpu.memory_space<hbm>>) target_semaphore(%run_scoped3A_125 : memref<!tpu.dma_semaphore, #tpu.memory_space<semaphore_mem>>)
      %dma_wait3A_131 = arith.constant 0 : i32
      %dma_wait3A_132 = tpu.memref_slice %arg5[%arg0, %add3A_116, %dma_wait3A_131] : memref<2x10240x32xf32, #tpu.memory_space<hbm>> -> memref<1x128x32xf32, #tpu.memory_space<hbm>>
      %dma_wait3A_133 = tpu.memref_squeeze %dma_wait3A_132 : memref<1x128x32xf32, #tpu.memory_space<hbm>> -> memref<128x32xf32, #tpu.memory_space<hbm>>
      %dma_wait3A_134 = arith.constant 0 : i32
      %dma_wait3A_135 = tpu.memref_slice %arg12[%add3A_116, %dma_wait3A_134] : memref<10240x32xf32, #tpu.memory_space<vmem_shared>> -> memref<128x32xf32, #tpu.memory_space<vmem_shared>>
      tpu.wait_dma2 semaphore(%run_scoped3A_125 : memref<!tpu.dma_semaphore, #tpu.memory_space<semaphore_mem>>) src(%dma_wait3A_135 : memref<128x32xf32, #tpu.memory_space<vmem_shared>>) dst(%dma_wait3A_133 : memref<128x32xf32, #tpu.memory_space<hbm>>)
      tpu.yield
    }) : () -> ()
    %mul3A_117 = arith.constant 640 : i32
    %mul3A_118 = arith.muli %arg1, %mul3A_117 : i32
    %add3A_119 = arith.constant 384 : i32
    %add3A_120 = arith.addi %mul3A_118, %add3A_119 : i32
    "tpu.region"() ({
      %run_scoped3A_125 = tpu.sem_alloc : memref<!tpu.dma_semaphore, #tpu.memory_space<semaphore_mem>>
      %dma_start3A_126 = arith.constant 0 : i32
      %dma_start3A_127 = tpu.memref_slice %arg5[%arg0, %add3A_120, %dma_start3A_126] : memref<2x10240x32xf32, #tpu.memory_space<hbm>> -> memref<1x128x32xf32, #tpu.memory_space<hbm>>
      %dma_start3A_128 = tpu.memref_squeeze %dma_start3A_127 : memref<1x128x32xf32, #tpu.memory_space<hbm>> -> memref<128x32xf32, #tpu.memory_space<hbm>>
      %dma_start3A_129 = arith.constant 0 : i32
      %dma_start3A_130 = tpu.memref_slice %arg12[%add3A_120, %dma_start3A_129] : memref<10240x32xf32, #tpu.memory_space<vmem_shared>> -> memref<128x32xf32, #tpu.memory_space<vmem_shared>>
      tpu.enqueue_dma source(%dma_start3A_130 : memref<128x32xf32, #tpu.memory_space<vmem_shared>>) target(%dma_start3A_128 : memref<128x32xf32, #tpu.memory_space<hbm>>) target_semaphore(%run_scoped3A_125 : memref<!tpu.dma_semaphore, #tpu.memory_space<semaphore_mem>>)
      %dma_wait3A_131 = arith.constant 0 : i32
      %dma_wait3A_132 = tpu.memref_slice %arg5[%arg0, %add3A_120, %dma_wait3A_131] : memref<2x10240x32xf32, #tpu.memory_space<hbm>> -> memref<1x128x32xf32, #tpu.memory_space<hbm>>
      %dma_wait3A_133 = tpu.memref_squeeze %dma_wait3A_132 : memref<1x128x32xf32, #tpu.memory_space<hbm>> -> memref<128x32xf32, #tpu.memory_space<hbm>>
      %dma_wait3A_134 = arith.constant 0 : i32
      %dma_wait3A_135 = tpu.memref_slice %arg12[%add3A_120, %dma_wait3A_134] : memref<10240x32xf32, #tpu.memory_space<vmem_shared>> -> memref<128x32xf32, #tpu.memory_space<vmem_shared>>
      tpu.wait_dma2 semaphore(%run_scoped3A_125 : memref<!tpu.dma_semaphore, #tpu.memory_space<semaphore_mem>>) src(%dma_wait3A_135 : memref<128x32xf32, #tpu.memory_space<vmem_shared>>) dst(%dma_wait3A_133 : memref<128x32xf32, #tpu.memory_space<hbm>>)
      tpu.yield
    }) : () -> ()
    %mul3A_121 = arith.constant 640 : i32
    %mul3A_122 = arith.muli %arg1, %mul3A_121 : i32
    %add3A_123 = arith.constant 512 : i32
    %add3A_124 = arith.addi %mul3A_122, %add3A_123 : i32
    "tpu.region"() ({
      %run_scoped3A_125 = tpu.sem_alloc : memref<!tpu.dma_semaphore, #tpu.memory_space<semaphore_mem>>
      %dma_start3A_126 = arith.constant 0 : i32
      %dma_start3A_127 = tpu.memref_slice %arg5[%arg0, %add3A_124, %dma_start3A_126] : memref<2x10240x32xf32, #tpu.memory_space<hbm>> -> memref<1x128x32xf32, #tpu.memory_space<hbm>>
      %dma_start3A_128 = tpu.memref_squeeze %dma_start3A_127 : memref<1x128x32xf32, #tpu.memory_space<hbm>> -> memref<128x32xf32, #tpu.memory_space<hbm>>
      %dma_start3A_129 = arith.constant 0 : i32
      %dma_start3A_130 = tpu.memref_slice %arg12[%add3A_124, %dma_start3A_129] : memref<10240x32xf32, #tpu.memory_space<vmem_shared>> -> memref<128x32xf32, #tpu.memory_space<vmem_shared>>
      tpu.enqueue_dma source(%dma_start3A_130 : memref<128x32xf32, #tpu.memory_space<vmem_shared>>) target(%dma_start3A_128 : memref<128x32xf32, #tpu.memory_space<hbm>>) target_semaphore(%run_scoped3A_125 : memref<!tpu.dma_semaphore, #tpu.memory_space<semaphore_mem>>)
      %dma_wait3A_131 = arith.constant 0 : i32
      %dma_wait3A_132 = tpu.memref_slice %arg5[%arg0, %add3A_124, %dma_wait3A_131] : memref<2x10240x32xf32, #tpu.memory_space<hbm>> -> memref<1x128x32xf32, #tpu.memory_space<hbm>>
      %dma_wait3A_133 = tpu.memref_squeeze %dma_wait3A_132 : memref<1x128x32xf32, #tpu.memory_space<hbm>> -> memref<128x32xf32, #tpu.memory_space<hbm>>
      %dma_wait3A_134 = arith.constant 0 : i32
      %dma_wait3A_135 = tpu.memref_slice %arg12[%add3A_124, %dma_wait3A_134] : memref<10240x32xf32, #tpu.memory_space<vmem_shared>> -> memref<128x32xf32, #tpu.memory_space<vmem_shared>>
      tpu.wait_dma2 semaphore(%run_scoped3A_125 : memref<!tpu.dma_semaphore, #tpu.memory_space<semaphore_mem>>) src(%dma_wait3A_135 : memref<128x32xf32, #tpu.memory_space<vmem_shared>>) dst(%dma_wait3A_133 : memref<128x32xf32, #tpu.memory_space<hbm>>)
      tpu.yield
    }) : () -> ()
    return
  }
}

module attributes {stable_mosaic.version = 14 : i64} {
  func.func @_mm1_body(%arg0: memref<2x10240xf32, #tpu.memory_space<vmem>>, %arg1: memref<10240x128xf32, #tpu.memory_space<vmem>>, %arg2: memref<128x64xf32, #tpu.memory_space<vmem>>, %arg3: memref<2x10240x32xf32, #tpu.memory_space<vmem>>, %arg4: memref<10240xf32, #tpu.memory_space<vmem>>) attributes {dimension_semantics = [], scalar_prefetch = 0 : i64, scratch_operands = 0 : i64, tpu.core_type = #tpu.core_type<tc>} {
    %get3A = arith.constant 0 : index
    %get3A_0 = arith.constant 0 : index
    %get3A_1 = vector.load %arg0[%get3A, %get3A_0] : memref<2x10240xf32, #tpu.memory_space<vmem>>, vector<1x10240xf32>
    %get3A_2 = vector.shape_cast %get3A_1 : vector<1x10240xf32> to vector<10240xf32>
    %get3A_3 = arith.constant 1 : index
    %get3A_4 = arith.constant 0 : index
    %get3A_5 = vector.load %arg0[%get3A_3, %get3A_4] : memref<2x10240xf32, #tpu.memory_space<vmem>>, vector<1x10240xf32>
    %get3A_6 = vector.shape_cast %get3A_5 : vector<1x10240xf32> to vector<10240xf32>
    %add3A = arith.addf %get3A_2, %get3A_6 : vector<10240xf32>
    %add3A_7 = arith.constant 1.000000e+00 : f32
    %add3A_8 = vector.broadcast %add3A_7 : f32 to vector<10240xf32>
    %add3A_9 = arith.addf %add3A, %add3A_8 : vector<10240xf32>
    %rsqrt3A = math.rsqrt %add3A_9 : vector<10240xf32>
    %swap3A = arith.constant 0 : index
    %swap3A_10 = vector.load %arg4[%swap3A] : memref<10240xf32, #tpu.memory_space<vmem>>, vector<10240xf32>
    tpu.vector_store %arg4[%swap3A], %rsqrt3A {strides = array<i32>} : memref<10240xf32, #tpu.memory_space<vmem>>, vector<10240xf32>,
    %get3A_11 = arith.constant 0 : index
    %get3A_12 = arith.constant 0 : index
    %get3A_13 = vector.load %arg1[%get3A_11, %get3A_12] : memref<10240x128xf32, #tpu.memory_space<vmem>>, vector<10240x128xf32>
    %get3A_14 = arith.constant 0 : index
    %get3A_15 = arith.constant 0 : index
    %get3A_16 = vector.load %arg2[%get3A_14, %get3A_15] : memref<128x64xf32, #tpu.memory_space<vmem>>, vector<128x64xf32>
    %dot_general3A = arith.constant dense<0.000000e+00> : vector<10240x64xf32>
    %dot_general3A_17 = tpu.matmul %get3A_13, %get3A_16, %dot_general3A {dimension_numbers = #tpu.dot_dimension_numbers<[1], [0], [0], [1], [0, 0, 1, 1], [], []>, transpose_lhs_hint = false} : vector<10240x128xf32>, vector<128x64xf32>, vector<10240x64xf32> -> vector<10240x64xf32>
    %broadcast_in_dim3A = vector.shape_cast %rsqrt3A : vector<10240xf32> to vector<10240x1xf32>
    %mul3A = vector.broadcast %broadcast_in_dim3A : vector<10240x1xf32> to vector<10240x64xf32>
    %mul3A_18 = arith.mulf %dot_general3A_17, %mul3A : vector<10240x64xf32>
    %slice3A = vector.extract_strided_slice %mul3A_18 {offsets = [0, 0], sizes = [10240, 32], strides = [1, 1]} : vector<10240x64xf32> to vector<10240x32xf32>
    %swap3A_19 = arith.constant 0 : index
    %swap3A_20 = arith.constant 0 : index
    %swap3A_21 = arith.constant 0 : index
    %swap3A_22 = vector.load %arg3[%swap3A_19, %swap3A_20, %swap3A_21] : memref<2x10240x32xf32, #tpu.memory_space<vmem>>, vector<1x10240x32xf32>
    %swap3A_23 = vector.shape_cast %swap3A_22 : vector<1x10240x32xf32> to vector<10240x32xf32>
    %swap3A_24 = vector.shape_cast %slice3A : vector<10240x32xf32> to vector<1x10240x32xf32>
    tpu.vector_store %arg3[%swap3A_19, %swap3A_20, %swap3A_21], %swap3A_24 {strides = array<i32>} : memref<2x10240x32xf32, #tpu.memory_space<vmem>>, vector<1x10240x32xf32>,
    %slice3A_25 = vector.extract_strided_slice %mul3A_18 {offsets = [0, 32], sizes = [10240, 32], strides = [1, 1]} : vector<10240x64xf32> to vector<10240x32xf32>
    %swap3A_26 = arith.constant 1 : index
    %swap3A_27 = arith.constant 0 : index
    %swap3A_28 = arith.constant 0 : index
    %swap3A_29 = vector.load %arg3[%swap3A_26, %swap3A_27, %swap3A_28] : memref<2x10240x32xf32, #tpu.memory_space<vmem>>, vector<1x10240x32xf32>
    %swap3A_30 = vector.shape_cast %swap3A_29 : vector<1x10240x32xf32> to vector<10240x32xf32>
    %swap3A_31 = vector.shape_cast %slice3A_25 : vector<10240x32xf32> to vector<1x10240x32xf32>
    tpu.vector_store %arg3[%swap3A_26, %swap3A_27, %swap3A_28], %swap3A_31 {strides = array<i32>} : memref<2x10240x32xf32, #tpu.memory_space<vmem>>, vector<1x10240x32xf32>,
    return
  }
}

module attributes {stable_mosaic.version = 14 : i64} {
  func.func @_mm2_body(%arg0: memref<2x10240x32xf32, #tpu.memory_space<vmem>>, %arg1: memref<2x10240x32xf32, #tpu.memory_space<vmem>>, %arg2: memref<10240xf32, #tpu.memory_space<vmem>>, %arg3: memref<64xf32, #tpu.memory_space<vmem>>, %arg4: memref<64x16xf32, #tpu.memory_space<vmem>>, %arg5: memref<10240x16xf32, #tpu.memory_space<vmem>>) attributes {dimension_semantics = [], scalar_prefetch = 0 : i64, scratch_operands = 0 : i64, tpu.core_type = #tpu.core_type<tc>} {
    %get3A = arith.constant 0 : index
    %get3A_0 = arith.constant 0 : index
    %get3A_1 = arith.constant 0 : index
    %get3A_2 = vector.load %arg0[%get3A, %get3A_0, %get3A_1] : memref<2x10240x32xf32, #tpu.memory_space<vmem>>, vector<1x10240x32xf32>
    %get3A_3 = vector.shape_cast %get3A_2 : vector<1x10240x32xf32> to vector<10240x32xf32>
    %get3A_4 = arith.constant 1 : index
    %get3A_5 = arith.constant 0 : index
    %get3A_6 = arith.constant 0 : index
    %get3A_7 = vector.load %arg0[%get3A_4, %get3A_5, %get3A_6] : memref<2x10240x32xf32, #tpu.memory_space<vmem>>, vector<1x10240x32xf32>
    %get3A_8 = vector.shape_cast %get3A_7 : vector<1x10240x32xf32> to vector<10240x32xf32>
    %concatenate3A = tpu.concatenate %get3A_3, %get3A_8 in 1 : vector<10240x32xf32>, vector<10240x32xf32> -> vector<10240x64xf32>
    %get3A_9 = arith.constant 0 : index
    %get3A_10 = arith.constant 0 : index
    %get3A_11 = arith.constant 0 : index
    %get3A_12 = vector.load %arg1[%get3A_9, %get3A_10, %get3A_11] : memref<2x10240x32xf32, #tpu.memory_space<vmem>>, vector<1x10240x32xf32>
    %get3A_13 = vector.shape_cast %get3A_12 : vector<1x10240x32xf32> to vector<10240x32xf32>
    %get3A_14 = arith.constant 1 : index
    %get3A_15 = arith.constant 0 : index
    %get3A_16 = arith.constant 0 : index
    %get3A_17 = vector.load %arg1[%get3A_14, %get3A_15, %get3A_16] : memref<2x10240x32xf32, #tpu.memory_space<vmem>>, vector<1x10240x32xf32>
    %get3A_18 = vector.shape_cast %get3A_17 : vector<1x10240x32xf32> to vector<10240x32xf32>
    %concatenate3A_19 = tpu.concatenate %get3A_13, %get3A_18 in 1 : vector<10240x32xf32>, vector<10240x32xf32> -> vector<10240x64xf32>
    %get3A_20 = arith.constant 0 : index
    %get3A_21 = vector.load %arg2[%get3A_20] : memref<10240xf32, #tpu.memory_space<vmem>>, vector<10240xf32>
    %broadcast_in_dim3A = vector.shape_cast %get3A_21 : vector<10240xf32> to vector<10240x1xf32>
    %add3A = arith.addf %concatenate3A, %concatenate3A_19 : vector<10240x64xf32>
    %mul3A = vector.broadcast %broadcast_in_dim3A : vector<10240x1xf32> to vector<10240x64xf32>
    %mul3A_22 = arith.mulf %mul3A, %add3A : vector<10240x64xf32>
    %get3A_23 = arith.constant 0 : index
    %get3A_24 = vector.load %arg3[%get3A_23] : memref<64xf32, #tpu.memory_space<vmem>>, vector<64xf32>
    %broadcast_in_dim3A_25 = vector.shape_cast %get3A_24 : vector<64xf32> to vector<1x64xf32>
    %add3A_26 = vector.broadcast %broadcast_in_dim3A_25 : vector<1x64xf32> to vector<10240x64xf32>
    %add3A_27 = arith.addf %mul3A_22, %add3A_26 : vector<10240x64xf32>
    %max3A = arith.constant 0.000000e+00 : f32
    %max3A_28 = vector.broadcast %max3A : f32 to vector<10240x64xf32>
    %max3A_29 = arith.maximumf %add3A_27, %max3A_28 : vector<10240x64xf32>
    %broadcast_in_dim3A_30 = vector.shape_cast %get3A_21 : vector<10240xf32> to vector<10240x1xf32>
    %get3A_31 = arith.constant 0 : index
    %get3A_32 = arith.constant 0 : index
    %get3A_33 = vector.load %arg4[%get3A_31, %get3A_32] : memref<64x16xf32, #tpu.memory_space<vmem>>, vector<64x16xf32>
    %dot_general3A = arith.constant dense<0.000000e+00> : vector<10240x16xf32>
    %dot_general3A_34 = tpu.matmul %max3A_29, %get3A_33, %dot_general3A {dimension_numbers = #tpu.dot_dimension_numbers<[1], [0], [0], [1], [0, 0, 1, 1], [], []>, transpose_lhs_hint = false} : vector<10240x64xf32>, vector<64x16xf32>, vector<10240x16xf32> -> vector<10240x16xf32>
    %mul3A_35 = vector.broadcast %broadcast_in_dim3A_30 : vector<10240x1xf32> to vector<10240x16xf32>
    %mul3A_36 = arith.mulf %mul3A_35, %dot_general3A_34 : vector<10240x16xf32>
    %iota3A = tpu.iota {dimensions = array<i32: 0>} : vector<10240x16xi32>
    %lt3A = arith.constant 10000 : i32
    %lt3A_37 = vector.broadcast %lt3A : i32 to vector<10240x16xi32>
    %lt3A_38 = arith.cmpi slt, %iota3A, %lt3A_37 : vector<10240x16xi32>
    %jit3A = arith.constant 0.000000e+00 : f32
    %broadcast_in_dim3A_39 = vector.broadcast %jit3A : f32 to vector<10240x16xf32>
    %select_n3A = arith.select %lt3A_38, %mul3A_36, %broadcast_in_dim3A_39 : vector<10240x16xi1>, vector<10240x16xf32>
    %swap3A = arith.constant 0 : index
    %swap3A_40 = arith.constant 0 : index
    %swap3A_41 = vector.load %arg5[%swap3A, %swap3A_40] : memref<10240x16xf32, #tpu.memory_space<vmem>>, vector<10240x16xf32>
    tpu.vector_store %arg5[%swap3A, %swap3A_40], %select_n3A {strides = array<i32>} : memref<10240x16xf32, #tpu.memory_space<vmem>>, vector<10240x16xf32>,
    return
  }
}

module attributes {stable_mosaic.version = 14 : i64} {
  func.func @_fin_body(%arg0: memref<2x10240x16xf32, #tpu.memory_space<vmem>>, %arg1: memref<10240x16xf32, #tpu.memory_space<vmem>>, %arg2: memref<10240xf32, #tpu.memory_space<vmem>>, %arg3: memref<2xf32, #tpu.memory_space<vmem>>, %arg4: memref<10240x2xf32, #tpu.memory_space<vmem>>) attributes {dimension_semantics = [], scalar_prefetch = 0 : i64, scratch_operands = 0 : i64, tpu.core_type = #tpu.core_type<tc>} {
    %get3A = arith.constant 0 : index
    %get3A_0 = arith.constant 0 : index
    %get3A_1 = arith.constant 0 : index
    %get3A_2 = vector.load %arg0[%get3A, %get3A_0, %get3A_1] : memref<2x10240x16xf32, #tpu.memory_space<vmem>>, vector<1x10240x16xf32>
    %get3A_3 = vector.shape_cast %get3A_2 : vector<1x10240x16xf32> to vector<10240x16xf32>
    %get3A_4 = arith.constant 1 : index
    %get3A_5 = arith.constant 0 : index
    %get3A_6 = arith.constant 0 : index
    %get3A_7 = vector.load %arg0[%get3A_4, %get3A_5, %get3A_6] : memref<2x10240x16xf32, #tpu.memory_space<vmem>>, vector<1x10240x16xf32>
    %get3A_8 = vector.shape_cast %get3A_7 : vector<1x10240x16xf32> to vector<10240x16xf32>
    %add3A = arith.addf %get3A_3, %get3A_8 : vector<10240x16xf32>
    %get3A_9 = arith.constant 0 : index
    %get3A_10 = arith.constant 0 : index
    %get3A_11 = vector.load %arg1[%get3A_9, %get3A_10] : memref<10240x16xf32, #tpu.memory_space<vmem>>, vector<10240x16xf32>
    %add3A_12 = arith.addf %add3A, %get3A_11 : vector<10240x16xf32>
    %get3A_13 = arith.constant 0 : index
    %get3A_14 = vector.load %arg2[%get3A_13] : memref<10240xf32, #tpu.memory_space<vmem>>, vector<10240xf32>
    %broadcast_in_dim3A = vector.shape_cast %get3A_14 : vector<10240xf32> to vector<10240x1xf32>
    %slice3A = vector.extract_strided_slice %add3A_12 {offsets = [0, 0], sizes = [10240, 2], strides = [1, 1]} : vector<10240x16xf32> to vector<10240x2xf32>
    %mul3A = vector.broadcast %broadcast_in_dim3A : vector<10240x1xf32> to vector<10240x2xf32>
    %mul3A_15 = arith.mulf %mul3A, %slice3A : vector<10240x2xf32>
    %get3A_16 = arith.constant 0 : index
    %get3A_17 = vector.load %arg3[%get3A_16] : memref<2xf32, #tpu.memory_space<vmem>>, vector<2xf32>
    %broadcast_in_dim3A_18 = vector.shape_cast %get3A_17 : vector<2xf32> to vector<1x2xf32>
    %add3A_19 = vector.broadcast %broadcast_in_dim3A_18 : vector<1x2xf32> to vector<10240x2xf32>
    %add3A_20 = arith.addf %mul3A_15, %add3A_19 : vector<10240x2xf32>
    %swap3A = arith.constant 0 : index
    %swap3A_21 = arith.constant 0 : index
    %swap3A_22 = vector.load %arg4[%swap3A, %swap3A_21] : memref<10240x2xf32, #tpu.memory_space<vmem>>, vector<10240x2xf32>
    tpu.vector_store %arg4[%swap3A, %swap3A_21], %add3A_20 {strides = array<i32>} : memref<10240x2xf32, #tpu.memory_space<vmem>>, vector<10240x2xf32>,
    return
  }
}

</mosaic_0001>

<sc_bundles>
// kernel: kernel.11.cloned.1.call-start
scs
__scs_entry_jumppad:
0x0: {  	(pc) =	sbr.rel $0x88, $3  }
0x1: {  	(tag) =	ssettag $0x0;
	lr =	simm.s32 $0x1  }
0x2: {  	[smem:$0x3F9B] =	sst lr;
	_ =	strace $0xD0000000  }
0x3: {  	_ = 	snop  }
0x4: {  	_ = 	snop  }
0x5: {  	_ = 	snop  }
0x6: {  	_ = 	snop  }
0x7: {  	_ = 	snop  }
__scs_overlays_trampoline_lowered:
0x8: {  	[smem:$0x3FAA] =	sst s0  }
0x9: {  	[smem:$0x3FAB] =	sst s1  }
0xa: {  	[smem:$0x3FAC] =	sst s2  }
0xb: {  	[smem:$0x3FAD] =	sst s3  }
0xc: {  	[smem:$0x3FAE] =	sst s4  }
0xd: {  	[smem:$0x3FAF] =	sst s5  }
0xe: {  	[smem:$0x3FB0] =	sst s6  }
0xf: {  	[smem:$0x3FB1] =	sst s7  }
0x10: {  	[smem:$0x3FB2] =	sst s8  }
0x11: {  	[smem:$0x3FB3] =	sst s9;
	s0 =	simm.s32 @!p0 $0x0  }
0x12: {  	s1 =	sld [smem:$0x3F99];
	s0 =	simm.s32 @p0 $0x1  }
0x13: {  	[smem:$0x3FB4] =	sst s0;
	s0 =	simm.s32 @!p1 $0x0  }
0x14: {  	s2 =	sld [smem:$0x3F98];
	s0 =	simm.s32 @p1 $0x1  }
0x15: {  	[smem:$0x3FB5] =	sst s0;
	s0 =	simm.s32 @!p2 $0x0  }
0x16: {  	s3 =	sld [smem:$0x3FDB];
	s0 =	simm.s32 @p2 $0x1  }
0x17: {  	s4 =	simm.s32 $0x1BF5;
	[smem:$0x3FB7] =	sst s0  }
0x18: {  	s0 =	sld [smem:$0x3F9A];
	_ =	swait.ge [sflag:s4], $0x0  }
0x19: {  	s7 =	sld [smem:$0x3F9B]  }
0x1a: {  	s8 =	sadd.s32 $0xFFFFE003, lr  }
0x1b: {  	s9 =	sadd.s32 $0xFFFFFEF7, lr;
	s5 =	simm.s32 $0xFFFFFFFF;
	p2 =	slt.u32 s8, $0xFFFFF086  }
0x1c: {  	p1 =	slt.u32 s9, $0xF7A;
	s5 =	simm.s32 @!p2 $0x0  }
0x1d: {  	s5 =	simm.s32 @p1 $0x1;
	p0 =	seq.s32 s7, s2  }
0x1e: {  	s7 =	smul.u32 @!p0 $0xF7A, s2;
	p2 =	seq.s32 @!p0 s5, $0x0  }
0x1f: {  	s9 =	smul.u32 $0xF7A, s1;
	s8 =	simm.s32 @!p0 $0x1BF5;
	p2 =	por !p2, p0  }
0x20: {  	[sflag:s8] =	ssyncset.s32 @!p0 $0xFFFFF086;
	s6 =	sadd.s32 @!p0 s3, s7;
	s7 =	simm.s32 @!p0 $0x108  }
0x21: {  	s3 =	sadd.s32 s3, s9;
	s6 =	sadd.s32 @!p0 $0x88, s6;
	s7 =	simm.s32 @p2 $0x1082  }
0x22: {  	[simem:s7], [sflag:s8] =	dma.local @!p0 [hbm:s6], $0xF7A  }
0x23: {  	s9 =	sor.u32 $0xD0000000, s2;
	s6 =	simm.s32 $0x108;
	_ =	swait.ge @!p0 [sflag:s8], $0x0  }
0x24: {  	s3 =	sadd.s32 $0x88, s3;
	s6 =	simm.s32 @!p1 $0x1082;
	[sflag:s4] =	ssyncset.s32 $0xFFFFF086  }
0x25: {  	[simem:s6], [sflag:s4] =	dma.local [hbm:s3], $0xF7A  }
0x26: {  	[smem:$0x3F9B] =	sst s1;
	(tag) =	ssettag s2;
	_ =	strace s9  }
0x27: {  	s1 =	sld [smem:$0x3FAB]  }
0x28: {  	s2 =	sld [smem:$0x3FAC]  }
0x29: {  	s4 =	sld [smem:$0x3FAE]  }
0x2a: {  	p0 =	seq.s32 s5, $0x0;
	s5 =	sld [smem:$0x3FAF]  }
0x2b: {  	s6 =	sld [smem:$0x3FB0]  }
0x2c: {  	s7 =	sld [smem:$0x3FB1]  }
0x2d: {  	s3 =	simm.s32 $0x108;
	s8 =	sld [smem:$0x3FB2]  }
0x2e: {  	s3 =	simm.s32 @!p0 $0x1082;
	s9 =	sld [smem:$0x3FB3]  }
0x2f: {  	lr =	sadd.s32 s0, s3;
	s0 =	sld [smem:$0x3FAA]  }
0x30: {  	s3 =	sld [smem:$0x3FAD]  }
0x31: {  	[smem:$0x3FB6] =	sst s10  }
0x32: {  	s10 =	sld [smem:$0x3FB4];
	_ =	sdelay $0x3  }
0x33: {  	p0 =	seq.s32 s10, $0x1;
	s10 =	sld [smem:$0x3FB6];
	_ =	sdelay $0x3  }
0x34: {  	[smem:$0x3FB6] =	sst s10  }
0x35: {  	s10 =	sld [smem:$0x3FB5];
	_ =	sdelay $0x3  }
0x36: {  	p1 =	seq.s32 s10, $0x1;
	s10 =	sld [smem:$0x3FB6];
	_ =	sdelay $0x3  }
0x37: {  	[smem:$0x3FB6] =	sst s10  }
0x38: {  	s10 =	sld [smem:$0x3FB7]  }
0x39: {  	_ = 	snop;
	(pc) =	sbr.ind lr, $3  }
0x3a: {  	_ = 	snop  }
0x3b: {  	_ = 	snop  }
0x3c: {  	p2 =	seq.s32 s10, $0x1;
	s10 =	sld [smem:$0x3FB6]  }
0x3d: {  	_ =	shalt  }
0x3e: {  	_ =	shalt  }
0x3f: {  	_ =	shalt  }
0x40: {  	_ =	shalt  }
0x41: {  	_ =	shalt  }
0x42: {  	_ =	shalt  }
0x43: {  	_ =	shalt  }
0x44: {  	_ =	shalt  }
0x45: {  	_ =	shalt  }
0x46: {  	_ =	shalt  }
0x47: {  	_ =	shalt  }
0x48: {  	_ =	shalt  }
0x49: {  	_ =	shalt  }
0x4a: {  	_ =	shalt  }
0x4b: {  	_ =	shalt  }
0x4c: {  	_ =	shalt  }
0x4d: {  	_ =	shalt  }
0x4e: {  	_ =	shalt  }
0x4f: {  	_ =	shalt  }
0x50: {  	_ =	shalt  }
0x51: {  	_ =	shalt  }
0x52: {  	_ =	shalt  }
0x53: {  	_ =	shalt  }
0x54: {  	_ =	shalt  }
0x55: {  	_ =	shalt  }
0x56: {  	_ =	shalt  }
0x57: {  	_ =	shalt  }
0x58: {  	_ =	shalt  }
0x59: {  	_ =	shalt  }
0x5a: {  	_ =	shalt  }
0x5b: {  	_ =	shalt  }
0x5c: {  	_ =	shalt  }
0x5d: {  	_ =	shalt  }
0x5e: {  	_ =	shalt  }
0x5f: {  	_ =	shalt  }
0x60: {  	_ =	shalt  }
0x61: {  	_ =	shalt  }
0x62: {  	_ =	shalt  }
0x63: {  	_ =	shalt  }
0x64: {  	_ =	shalt  }
0x65: {  	_ =	shalt  }
0x66: {  	_ =	shalt  }
0x67: {  	_ =	shalt  }
0x68: {  	_ =	shalt  }
0x69: {  	_ =	shalt  }
0x6a: {  	_ =	shalt  }
0x6b: {  	_ =	shalt  }
0x6c: {  	_ =	shalt  }
0x6d: {  	_ =	shalt  }
0x6e: {  	_ =	shalt  }
0x6f: {  	_ =	shalt  }
0x70: {  	_ =	shalt  }
0x71: {  	_ =	shalt  }
0x72: {  	_ =	shalt  }
0x73: {  	_ =	shalt  }
0x74: {  	_ =	shalt  }
0x75: {  	_ =	shalt  }
0x76: {  	_ =	shalt  }
0x77: {  	_ =	shalt  }
0x78: {  	_ =	shalt  }
0x79: {  	_ =	shalt  }
0x7a: {  	_ =	shalt  }
0x7b: {  	_ =	shalt  }
0x7c: {  	_ =	shalt  }
0x7d: {  	_ =	shalt  }
0x7e: {  	_ =	shalt  }
0x7f: {  	_ =	shalt  }
0x80: {  	_ =	shalt  }
0x81: {  	_ =	shalt  }
0x82: {  	_ =	shalt  }
0x83: {  	_ =	shalt  }
0x84: {  	_ =	shalt  }
0x85: {  	_ =	shalt  }
0x86: {  	_ =	shalt  }
0x87: {  	_ =	shalt  }
.Lfunc_end0:
.L_simem_size_0:
called_computation.1_lowered:
.L_overlay_start_0:
0x88: {  	s2 =	sld [smem:$0x3FD9]  }
0x89: {  	s3 =	sld [smem:$0x3FFE];
	_ =	sdelay $0x1  }
0x8a: {  	s1 =	srdreg.scid  }
0x8b: {  	s0 =	sand.u32 $0x1, s1  }
0x8c: {  	s17 =	sshll.u32 s0, $0xA;
	s2 =	sadd.s32 s3, s2  }
0x8d: {  	s2 =	sadd.s32 s2, s17  }
0x8e: {  	[smem:$0x3FC2] =	sst s2  }
0x8f: {  	_ = 	snop  }
0x90: {  	s2 =	sld [smem:$0x3FD0];
	(tm) =	ssettm $0x1  }
0x91: {  	s18 =	sld [smem:$0x3FFB];
	_ =	sdelay $0x3  }
0x92: {  	_ =	strace s18  }
0x93: {  	s3 =	sld [smem:$0x3FFC];
	_ =	sdelay $0x3  }
0x94: {  	_ =	strace s3  }
0x95: {  	s3 =	sld [smem:$0x3FFD];
	_ =	sdelay $0x3  }
0x96: {  	_ =	strace s3  }
0x97: {  	_ =	strace $0x8FFFFFFF  }
0x98: {  	s19 =	sld [smem:$0x3FDB];
	_ =	sdelay $0x1  }
0x99: {  	s4 =	simm.s32 $_scs_section_size  }
0x9a: {  	s5 =	simm.s32 $_size__tile_overlayer_lowered;
	s6 =	simm.s32 $_tile_overlayer_lowered  }
0x9b: {  	s22 =	simm.s32 $0x1BFF;
	s21 =	sshll.u32 s6, $0x1;
	s3 =	sadd.s32 s4, s19  }
0x9c: {  	s7 =	simm.s32 $0x0;
	s20 =	sshll.u32 s5, $0x1;
	s5 =	sadd.s32 s21, s3  }
0x9d: {  	[timem:s7], [sflag:s22] =	dma.local [hbm:s5], s20  }
0x9e: {  	_ =	swait.ge [sflag:s22], s20  }
0x9f: {  	s4 =	ssub.s32 $0x0, s20;
	[sflag:s22] =	ssyncset.done $0x0  }
0xa0: {  	[sflag:s22] =	ssyncadd.s32 s4;
	_ =	sdelay $0x1  }
0xa1: {  	s23 =	simm.s32 $0x1B8B  }
0xa2: {  	_ =	swait.ge [sflag:s23], $0x1  }
0xa3: {  	[sflag:s23] =	ssyncset.done $0x0  }
0xa4: {  	s25 =	simm.s32 $0x1B8E;
	s24 =	sld [smem:$0x3FFE];
	[sflag:s23] =	ssyncadd.s32 $0xFFFFFFFF  }
0xa5: {  	s26 =	simm.s32 $execute0_lowered;
	[smem:$0x3FD2] =	sst s25  }
0xa6: {  	s5 =	sshll.u32 s26, $0x1;
	_ =	strace $0x80000049;
	[dreg:$0x1] =	wrdreg $0xFFFFFFFF  }
0xa7: {  	s28 =	simm.s32 $_size_execute0_lowered;
	s3 =	sadd.s32 s3, s5;
	[dreg:$0x0] =	wrdreg $0x0  }
0xa8: {  	s5 =	sshll.u32 s28, $0x1;
	[dreg:$0x2] =	wrdreg s3  }
0xa9: {  	[dreg:$0x3] =	wrdreg s5  }
0xaa: {  	[dreg:$0x4] =	wrdreg $0xC0  }
0xab: {  	_ =	task [dreg:s7], $0x5FFFF  }
0xac: {  	[dreg:$0x1] =	wrdreg $0xFFFFFFFF  }
0xad: {  	[dreg:$0x0] =	wrdreg $0x60  }
0xae: {  	[dreg:$0x2] =	wrdreg s24  }
0xaf: {  	[dreg:$0x3] =	wrdreg s2  }
0xb0: {  	[dreg:$0x4] =	wrdreg $0x190000  }
0xb1: {  	[dreg:$0x5] =	wrdreg $0x140000  }
0xb2: {  	[dreg:$0x6] =	wrdreg $0x9  }
0xb3: {  	_ =	task.clear_ibuf [dreg:s7], $0x7FFFF;
	_ =	strace $0x90000049  }
0xb4: {  	s29 =	simm.s32 $0x9;
	_ =	strace $0x8000004B  }
0xb5: {  	_ =	swait.ge [sflag:s29], $0x1  }
0xb6: {  	[sflag:s29] =	ssyncadd.s32 $0xFFFFFFFF  }
0xb7: {  	_ =	strace $0x9000004B  }
0xb8: {  	_ =	sfence  }
0xb9: {  	s30 =	sld [smem:$0x0];
	_ =	sdelay $0x2  }
0xba: {  	s31 =	sshll.u32 s1, $0xD;
	s1 =	sshrl.u32 s1, $0x2  }
0xbb: {  	s3 =	sand.u32 $0x4000, s31;
	s1 =	sadd.s32 s1, s30  }
0xbc: {  	s0 =	sor.u32 s3, s0;
	s1 =	sshll.u32 s1, $0x11  }
0xbd: {  	s0 =	sor.u32 s1, s0  }
0xbe: {  	s0 =	sadd.s32 $0x8F2B, s0  }
0xbf: {  	[sflag:s0] =	ssyncadd.remote.s32 $0x1  }
0xc0: {  	_ =	sfence.sel $0xFFFF  }
0xc1: {  	[dreg:$0x0] =	wrdreg $0xFFFFFFFF;
	(pc) =	sbr.abs _section_cstart, $3  }
0xc2: {  	[dreg:$0x1] =	wrdreg $0xFFFFFFFF  }
0xc3: {  	_ =	task.clear_ibuf [dreg:s7], $0x2FFFF;
	_ =	strace $0x9FFFFFFF  }
0xc4: {  	(tm) =	ssettm $0x7FFFFFFF  }
0xc5: {  	_ =	shalt  }
tec
execute0_lowered:
.L_overlay_start_1:
0x0: {  	(tag) =	ssettag $0x1  }
0x1: {  	s0 =	rddreg [dreg:$0x0]  }
0x2: {  	s2 =	rddreg [dreg:$0x2]  }
0x3: {  	s4 =	rddreg [dreg:$0x3];
	s5 =	simm.s32 $0x0;
	s1 =	srdreg.scid  }
0x4: {  	s18 =	stileid.u32;
	s30 =	simm.s32 $0x13000;
	s31 =	simm.s32 $0x9  }
0x5: {  	[smem:$0x7FF] =	sst s5;
	s1 =	sand.u32 $0x1, s1;
	s3 =	smul.u32 $0x5000, s18  }
0x6: {  	s7 =	sadd.s32 $0x5B800, s0;
	s8 =	sadd.s32 $0x1800, s0;
	s0 =	sadd.s32 $0x6F800, s0  }
0x7: {  	s18 =	smul.u32 $0xA00, s18;
	_ =	strace $0x8000004A;
	s6 =	ssub.s32 $0x2, s1  }
0x8: {  	s1 =	smul.u32 $0x50000, s1;
	s9 =	sshrl.u32 s6, $0x1;
	s11 =	sadd.s32 $0x1000, s3  }
0x9: {  	s13 =	sadd.s32 $0x2000, s3;
	s14 =	sadd.s32 s3, s4;
	s26 =	sadd.s32 $0x3000, s3  }
0xa: {  	s17 =	sadd.s32 $0x4000, s3;
	s18 =	sadd.s32 s8, s18;
	s9 =	ssub.s32 s6, s9  }
0xb: {  	s10 =	sadd.s32 s3, s1;
	s6 =	sadd.s32 s3, s2;
	s24 =	sadd.s32 s1, s11  }
0xc: {  	[dreg:$0x6] =	wrdreg s14;
	s25 =	sadd.s32 s1, s13;
	s16 =	sadd.s32 s1, s26  }
0xd: {  	s1 =	sadd.s32 s1, s17;
	[dreg:$0x9] =	wrdreg s18;
	s3 =	sshrl.u32 s3, $0x3  }
0xe: {  	s10 =	sshrl.u32 s10, $0x3;
	s14 =	sshrl.u32 s25, $0x3;
	s16 =	sshrl.u32 s16, $0x3  }
0xf: {  	s1 =	sshrl.u32 s1, $0x3;
	s3 =	sadd.s32 s8, s3;
	s25 =	sadd.s32 s13, s4  }
0x10: {  	s29 =	smax.u32 s9, $0x1;
	s8 =	simm.s32 $0x11000;
	s9 =	simm.s32 $0x2  }
0x11: {  	s12 =	sadd.s32 s7, s10;
	s19 =	sadd.s32 s7, s14;
	[dreg:$0x12] =	wrdreg s25  }
0x12: {  	s20 =	sadd.s32 s0, s10;
	s22 =	sadd.s32 s0, s14;
	[dreg:$0x5] =	wrdreg s12  }
0x13: {  	s23 =	sadd.s32 s0, s16;
	s25 =	sadd.s32 s17, s2;
	[dreg:$0x8] =	wrdreg s19  }
0x14: {  	s28 =	sadd.s32 $0x500, s3;
	s3 =	simm.s32 $0x80;
	[dreg:$0xc] =	wrdreg s20  }
0x15: {  	s10 =	simm.s32 $0x12000;
	s14 =	simm.s32 $0x6;
	[dreg:$0xe] =	wrdreg s22  }
0x16: {  	s12 =	sshrl.u32 s24, $0x3;
	s19 =	sadd.s32 s7, s16;
	[dreg:$0xf] =	wrdreg s23  }
0x17: {  	s24 =	sadd.s32 s11, s4;
	s23 =	sadd.s32 s26, s2;
	s26 =	sadd.s32 s26, s4  }
0x18: {  	s16 =	simm.s32 $0x8;
	s15 =	sadd.s32 s7, s12;
	[dreg:$0xa] =	wrdreg s19  }
0x19: {  	s7 =	sadd.s32 s7, s1;
	s21 =	sadd.s32 s0, s12;
	[dreg:$0x11] =	wrdreg s24  }
0x1a: {  	s0 =	sadd.s32 s0, s1;
	s19 =	sadd.s32 s11, s2;
	[dreg:$0x13] =	wrdreg s26  }
.Ltmp0:
0x1b: {  	s26 =	sadd.s32 s17, s4;
	[dreg:$0x7] =	wrdreg s15;
	(pc) =	sbr.rel .LBB2_1-.Ltmp0, $4  }
0x1c: {  	s1 =	simm.s32 $0x10000;
	s11 =	simm.s32 $0x3;
	[dreg:$0xb] =	wrdreg s7  }
0x1d: {  	s12 =	simm.s32 $0x5;
	s17 =	simm.s32 $0x0;
	[dreg:$0xd] =	wrdreg s21  }
0x1e: {  	[dreg:$0x10] =	wrdreg s0;
	s21 =	sadd.s32 s13, s2;
	s0 =	simm.s32 $0xF000  }
0x1f: {  	s7 =	simm.s32 $0x1;
	s13 =	simm.s32 $0x4;
	s15 =	simm.s32 $0x7  }
.LBB2_6:
0x20: {  	_ =	swait.ge [sflag:s13], $0x1000  }
0x21: {  	[sflag:s13] =	ssyncset.done $0x0  }
0x22: {  	[sflag:s13] =	ssyncadd.s32 $0xFFFFF000  }
0x23: {  	[spmem:s2] =	stream.indirect.scatter.add.f32 [tilespmem:s10], [sflag:$0x8], $0x20, s22, s3, $0xb8;
	[tilespmem:$0x1E000] =	vst v63  }
0x24: {  	_ =	swait.ge [sflag:s14], $0x1000  }
0x25: {  	[sflag:s14] =	ssyncset.done $0x0  }
0x26: {  	[sflag:s14] =	ssyncadd.s32 $0xFFFFF000  }
0x27: {  	_ =	swait.ge [sflag:s15], $0x1000  }
0x28: {  	[sflag:s15] =	ssyncset.done $0x0  }
0x29: {  	[sflag:s15] =	ssyncadd.s32 $0xFFFFF000  }
0x2a: {  	_ =	swait.ge [sflag:s16], $0x1000  }
0x2b: {  	[sflag:s16] =	ssyncset.done $0x0  }
0x2c: {  	s18 =	stileid.u32;
	[sflag:s16] =	ssyncadd.s32 $0xFFFFF000  }
0x2d: {  	s18 =	sshll.u32 s18, $0x6;
	[bflag:$0x0] =	sbarrier.arrive $0xFFFF  }
0x2e: {  	s20 =	sshrl.u32 s6, $0x3;
	s18 =	sor.u32 $0x1C09, s18;
	s24 =	rddreg [dreg:$0xc]  }
0x2f: {  	[hbm:s24], [sflag:s18] =	dma.local [spmem:s20], $0x200  }
0x30: {  	_ =	swait.ge [sflag:s31], $0x200  }
0x31: {  	[sflag:s31] =	ssyncset.done $0x0  }
0x32: {  	s22 =	sshrl.u32 s19, $0x3;
	s24 =	rddreg [dreg:$0xd];
	[sflag:s31] =	ssyncadd.s32 $0xFFFFFE00  }
0x33: {  	[hbm:s24], [sflag:s18] =	dma.local [spmem:s22], $0x200  }
0x34: {  	_ =	swait.ge [sflag:s31], $0x200  }
0x35: {  	[sflag:s31] =	ssyncset.done $0x0  }
0x36: {  	s22 =	sshrl.u32 s21, $0x3;
	s24 =	rddreg [dreg:$0xe];
	[sflag:s31] =	ssyncadd.s32 $0xFFFFFE00  }
0x37: {  	[hbm:s24], [sflag:s18] =	dma.local [spmem:s22], $0x200  }
0x38: {  	_ =	swait.ge [sflag:s31], $0x200  }
0x39: {  	[sflag:s31] =	ssyncset.done $0x0  }
0x3a: {  	s22 =	sshrl.u32 s23, $0x3;
	s24 =	rddreg [dreg:$0xf];
	[sflag:s31] =	ssyncadd.s32 $0xFFFFFE00  }
0x3b: {  	[hbm:s24], [sflag:s18] =	dma.local [spmem:s22], $0x200  }
0x3c: {  	s17 =	sadd.s32 $0x1, s17;
	_ =	swait.ge [sflag:s31], $0x200  }
0x3d: {  	p0 =	sne.s32 s17, s29;
	s22 =	sshrl.u32 s25, $0x3;
	[sflag:s31] =	ssyncset.done $0x0  }
.Ltmp1:
0x3e: {  	s24 =	rddreg [dreg:$0x10];
	[sflag:s31] =	ssyncadd.s32 $0xFFFFFE00;
	(pc) =	sbr.rel @!p0 .LBB2_7-.Ltmp1, $4  }
0x3f: {  	[hbm:s24], [sflag:s18] =	dma.local [spmem:s22], $0x200  }
0x40: {  	_ =	swait.ge [sflag:s31], $0x200  }
0x41: {  	[sflag:s31] =	ssyncset.done $0x0  }
0x42: {  	[sflag:s31] =	ssyncadd.s32 $0xFFFFFE00  }
.LBB2_1:
0x43: {  	s18 =	rddreg [dreg:$0x1]  }
0x44: {  	[tilespmem:s30], [sflag:$0x9] =	stream.linear.gather [hbm4b:s18+s5], $0x1000, $0x38;
	[tilespmem:$0x1E000] =	vst v63  }
0x45: {  	_ =	swait.ge [sflag:s31], $0x1000  }
0x46: {  	[sflag:s31] =	ssyncset.done $0x0  }
0x47: {  	[sflag:s31] =	ssyncadd.s32 $0xFFFFF000  }
0x48: {  	[spmem:s6] =	stream.linear.scatter [tilespmem:s30], [sflag:$0x9], $0x1000, $0x38;
	[tilespmem:$0x1E000] =	vst v63  }
0x49: {  	_ =	swait.ge [sflag:s31], $0x1000  }
0x4a: {  	[sflag:s31] =	ssyncset.done $0x0  }
0x4b: {  	s22 =	rddreg [dreg:$0x5];
	[sflag:s31] =	ssyncadd.s32 $0xFFFFF000  }
0x4c: {  	[tilespmem:s0], [sflag:$0x9] =	stream.linear.gather [hbm4b:s22+s5], $0x1000, $0x38;
	[tilespmem:$0x1E000] =	vst v63  }
0x4d: {  	_ =	swait.ge [sflag:s31], $0x1000  }
0x4e: {  	[sflag:s31] =	ssyncset.done $0x0  }
0x4f: {  	s24 =	rddreg [dreg:$0x6];
	[sflag:s31] =	ssyncadd.s32 $0xFFFFF000  }
0x50: {  	[spmem:s24] =	stream.linear.scatter [tilespmem:s0], [sflag:$0x9], $0x1000, $0x38;
	[tilespmem:$0x1E000] =	vst v63  }
0x51: {  	_ =	swait.ge [sflag:s31], $0x1000  }
0x52: {  	[sflag:s31] =	ssyncset.done $0x0  }
0x53: {  	[sflag:s31] =	ssyncadd.s32 $0xFFFFF000  }
0x54: {  	[spmem:s19] =	stream.linear.scatter [tilespmem:s30], [sflag:$0x9], $0x1000, $0x38;
	[tilespmem:$0x1E000] =	vst v63  }
0x55: {  	_ =	swait.ge [sflag:s31], $0x1000  }
0x56: {  	[sflag:s31] =	ssyncset.done $0x0  }
0x57: {  	s20 =	rddreg [dreg:$0x7];
	[sflag:s31] =	ssyncadd.s32 $0xFFFFF000  }
0x58: {  	[tilespmem:s0], [sflag:$0x9] =	stream.linear.gather [hbm4b:s20+s5], $0x1000, $0x38;
	[tilespmem:$0x1E000] =	vst v63  }
0x59: {  	_ =	swait.ge [sflag:s31], $0x1000  }
0x5a: {  	[sflag:s31] =	ssyncset.done $0x0  }
0x5b: {  	s22 =	rddreg [dreg:$0x11];
	[sflag:s31] =	ssyncadd.s32 $0xFFFFF000  }
0x5c: {  	[spmem:s22] =	stream.linear.scatter [tilespmem:s0], [sflag:$0x9], $0x1000, $0x38;
	[tilespmem:$0x1E000] =	vst v63  }
0x5d: {  	_ =	swait.ge [sflag:s31], $0x1000  }
0x5e: {  	[sflag:s31] =	ssyncset.done $0x0  }
0x5f: {  	[sflag:s31] =	ssyncadd.s32 $0xFFFFF000  }
0x60: {  	[spmem:s21] =	stream.linear.scatter [tilespmem:s30], [sflag:$0x9], $0x1000, $0x38;
	[tilespmem:$0x1E000] =	vst v63  }
0x61: {  	_ =	swait.ge [sflag:s31], $0x1000  }
0x62: {  	[sflag:s31] =	ssyncset.done $0x0  }
0x63: {  	s24 =	rddreg [dreg:$0x8];
	[sflag:s31] =	ssyncadd.s32 $0xFFFFF000  }
0x64: {  	[tilespmem:s0], [sflag:$0x9] =	stream.linear.gather [hbm4b:s24+s5], $0x1000, $0x38;
	[tilespmem:$0x1E000] =	vst v63  }
0x65: {  	_ =	swait.ge [sflag:s31], $0x1000  }
0x66: {  	[sflag:s31] =	ssyncset.done $0x0  }
0x67: {  	s20 =	rddreg [dreg:$0x12];
	[sflag:s31] =	ssyncadd.s32 $0xFFFFF000  }
0x68: {  	[spmem:s20] =	stream.linear.scatter [tilespmem:s0], [sflag:$0x9], $0x1000, $0x38;
	[tilespmem:$0x1E000] =	vst v63  }
0x69: {  	_ =	swait.ge [sflag:s31], $0x1000  }
0x6a: {  	[sflag:s31] =	ssyncset.done $0x0  }
0x6b: {  	[sflag:s31] =	ssyncadd.s32 $0xFFFFF000  }
0x6c: {  	[spmem:s23] =	stream.linear.scatter [tilespmem:s30], [sflag:$0x9], $0x1000, $0x38;
	[tilespmem:$0x1E000] =	vst v63  }
0x6d: {  	_ =	swait.ge [sflag:s31], $0x1000  }
0x6e: {  	[sflag:s31] =	ssyncset.done $0x0  }
0x6f: {  	s22 =	rddreg [dreg:$0xa];
	[sflag:s31] =	ssyncadd.s32 $0xFFFFF000  }
0x70: {  	[tilespmem:s0], [sflag:$0x9] =	stream.linear.gather [hbm4b:s22+s5], $0x1000, $0x38;
	[tilespmem:$0x1E000] =	vst v63  }
0x71: {  	_ =	swait.ge [sflag:s31], $0x1000  }
0x72: {  	[sflag:s31] =	ssyncset.done $0x0  }
0x73: {  	s24 =	rddreg [dreg:$0x13];
	[sflag:s31] =	ssyncadd.s32 $0xFFFFF000  }
0x74: {  	[spmem:s24] =	stream.linear.scatter [tilespmem:s0], [sflag:$0x9], $0x1000, $0x38;
	[tilespmem:$0x1E000] =	vst v63  }
0x75: {  	_ =	swait.ge [sflag:s31], $0x1000  }
0x76: {  	[sflag:s31] =	ssyncset.done $0x0  }
0x77: {  	[sflag:s31] =	ssyncadd.s32 $0xFFFFF000  }
0x78: {  	[spmem:s25] =	stream.linear.scatter [tilespmem:s30], [sflag:$0x9], $0x1000, $0x38;
	[tilespmem:$0x1E000] =	vst v63  }
0x79: {  	_ =	swait.ge [sflag:s31], $0x1000  }
0x7a: {  	[sflag:s31] =	ssyncset.done $0x0  }
0x7b: {  	s20 =	rddreg [dreg:$0xb];
	[sflag:s31] =	ssyncadd.s32 $0xFFFFF000  }
0x7c: {  	[tilespmem:s0], [sflag:$0x9] =	stream.linear.gather [hbm4b:s20+s5], $0x1000, $0x38;
	[tilespmem:$0x1E000] =	vst v63  }
0x7d: {  	_ =	swait.ge [sflag:s31], $0x1000  }
0x7e: {  	[sflag:s31] =	ssyncset.done $0x0  }
0x7f: {  	[sflag:s31] =	ssyncadd.s32 $0xFFFFF000  }
0x80: {  	[spmem:s26] =	stream.linear.scatter [tilespmem:s0], [sflag:$0x9], $0x1000, $0x38;
	[tilespmem:$0x1E000] =	vst v63  }
0x81: {  	_ =	swait.ge [sflag:s31], $0x1000  }
0x82: {  	[sflag:s31] =	ssyncset.done $0x0  }
0x83: {  	s22 =	rddreg [dreg:$0x9];
	[sflag:s31] =	ssyncadd.s32 $0xFFFFF000  }
0x84: {  	[tilespmem:s5], [sflag:$0x9] =	stream.linear.gather [hbm4b:s22+s5], $0x2800, $0x38;
	[tilespmem:$0x1E000] =	vst v63  }
0x85: {  	_ =	swait.ge [sflag:s31], $0x2800  }
0x86: {  	[sflag:s31] =	ssyncset.done $0x0  }
0x87: {  	s24 =	simm.s32 $0x2800;
	[sflag:s31] =	ssyncadd.s32 $0xFFFFD800  }
0x88: {  	[tilespmem:s24], [sflag:$0x9] =	stream.linear.gather [hbm4b:s28+s5], $0x2800, $0x38;
	[tilespmem:$0x1E000] =	vst v63  }
0x89: {  	_ =	swait.ge [sflag:s31], $0x2800  }
0x8a: {  	[sflag:s31] =	ssyncset.done $0x0  }
0x8b: {  	s18 =	simm.s32 $0x0;
	[sflag:s31] =	ssyncadd.s32 $0xFFFFD800  }
0x8c: {  	v0 =	vld [tilespmem:s18+$0x70]  }
0x8d: {  	v1 =	vld [tilespmem:s18+$0x0];
	_ =	sdelay $0x1  }
0x8e: {  	v2 =	vld [tilespmem:s18+$0x10]  }
0x8f: {  	v5 =	vld [tilespmem:s18+$0x40]  }
0x90: {  	v6 =	vshrl.u32 v0, $0xE  }
0x91: {  	v3 =	vld [tilespmem:s18+$0x20];
	v8 =	vand.u32 $0x3FFF, v1;
	[tilespmem:s18+$0xA070] =	vst v6  }
0x92: {  	v1 =	vshrl.u32 v1, $0xE;
	[tilespmem:s18+$0x5000] =	vst v8  }
0x93: {  	v4 =	vld [tilespmem:s18+$0x30];
	v62 =	vand.u32 $0x3FFF, v2;
	[tilespmem:s18+$0xA000] =	vst v1  }
0x94: {  	v7 =	vld [tilespmem:s18+$0x50];
	v63 =	vand.u32 $0x3FFF, v5;
	[tilespmem:s18+$0x5010] =	vst v62  }
0x95: {  	v6 =	vld [tilespmem:s18+$0x60];
	v1 =	vshrl.u32 v2, $0xE;
	[tilespmem:s18+$0x5040] =	vst v63  }
0x96: {  	v2 =	vand.u32 $0x3FFF, v3;
	[tilespmem:s18+$0xA010] =	vst v1  }
0x97: {  	v1 =	vshrl.u32 v3, $0xE;
	[tilespmem:s18+$0x5020] =	vst v2  }
0x98: {  	v0 =	vand.u32 $0x3FFF, v0;
	v2 =	vand.u32 $0x3FFF, v4;
	[tilespmem:s18+$0xA020] =	vst v1  }
0x99: {  	v5 =	vshrl.u32 v5, $0xE;
	v3 =	vshrl.u32 v7, $0xE;
	v1 =	vshrl.u32 v4, $0xE;
	[tilespmem:s18+$0x5030] =	vst v2  }
0x9a: {  	s20 =	simm.s32 $0x80;
	s22 =	simm.s32 $0x400;
	v4 =	vand.u32 $0x3FFF, v7;
	[tilespmem:s18+$0xA030] =	vst v1;
	v2 =	vand.u32 $0x3FFF, v6;
	v1 =	vshrl.u32 v6, $0xE  }
.LBB2_2:
0x9b: {  	p0 =	sne.s32 s22, $0x13E00;
	v6 =	vld [tilespmem:s20+$0x70];
	[tilespmem:s18+$0xA040] =	vst v5  }
0x9c: {  	v5 =	vld [tilespmem:s20+$0x0];
	[tilespmem:s18+$0x5050] =	vst v4  }
0x9d: {  	v4 =	vld [tilespmem:s20+$0x10];
	[tilespmem:s18+$0xA050] =	vst v3  }
0x9e: {  	v3 =	vld [tilespmem:s20+$0x20];
	[tilespmem:s18+$0x5060] =	vst v2  }
0x9f: {  	v2 =	vld [tilespmem:s20+$0x30];
	[tilespmem:s18+$0xA060] =	vst v1  }
0xa0: {  	v1 =	vld [tilespmem:s20+$0x40];
	v7 =	vshrl.u32 v6, $0xE;
	[tilespmem:s18+$0x5070] =	vst v0;
	v0 =	vand.u32 $0x3FFF, v6;
	s18 =	smov.u32 s20  }
0xa1: {  	v6 =	vand.u32 $0x3FFF, v5;
	v5 =	vshrl.u32 v5, $0xE;
	v8 =	vld [tilespmem:s18+$0x50];
	[tilespmem:s18+$0xA070] =	vst v7  }
0xa2: {  	[tilespmem:s18+$0x5000] =	vst v6;
	v6 =	vand.u32 $0x3FFF, v4;
	v4 =	vshrl.u32 v4, $0xE;
	v7 =	vld [tilespmem:s18+$0x60]  }
0xa3: {  	[tilespmem:s18+$0xA000] =	vst v5;
	v9 =	vand.u32 $0x3FFF, v3;
	v10 =	vshrl.u32 v3, $0xE  }
0xa4: {  	[tilespmem:s18+$0x5010] =	vst v6;
	v6 =	vand.u32 $0x3FFF, v2;
	v11 =	vshrl.u32 v2, $0xE  }
0xa5: {  	[tilespmem:s18+$0xA010] =	vst v4;
	v12 =	vand.u32 $0x3FFF, v1;
	v5 =	vshrl.u32 v1, $0xE  }
.Ltmp2:
0xa6: {  	[tilespmem:s18+$0x5020] =	vst v9;
	v4 =	vand.u32 $0x3FFF, v8;
	v3 =	vshrl.u32 v8, $0xE;
	(pc) =	sbr.rel @p0 .LBB2_2-.Ltmp2, $4  }
0xa7: {  	[tilespmem:s18+$0xA020] =	vst v10;
	v2 =	vand.u32 $0x3FFF, v7;
	v1 =	vshrl.u32 v7, $0xE  }
0xa8: {  	[tilespmem:s18+$0x5030] =	vst v6  }
0xa9: {  	[tilespmem:s18+$0xA030] =	vst v11  }
0xaa: {  	s20 =	sshra.s32 s22, $0x2;
	s22 =	sadd.s32 $0x200, s22;
	[tilespmem:s18+$0x5040] =	vst v12  }
0xab: {  	v6 =	vld [tilespmem:s20+$0x70];
	[tilespmem:s18+$0xA040] =	vst v5  }
0xac: {  	v5 =	vld [tilespmem:s20+$0x0];
	[tilespmem:s18+$0x5050] =	vst v4  }
0xad: {  	v4 =	vld [tilespmem:s20+$0x10];
	[tilespmem:s18+$0xA050] =	vst v3  }
0xae: {  	v3 =	vld [tilespmem:s20+$0x20];
	[tilespmem:s18+$0x5060] =	vst v2  }
0xaf: {  	v2 =	vld [tilespmem:s20+$0x30];
	[tilespmem:s18+$0xA060] =	vst v1  }
0xb0: {  	v1 =	vld [tilespmem:s20+$0x40];
	[tilespmem:s18+$0x5070] =	vst v0;
	v48 =	vshrl.u32 v6, $0xE  }
0xb1: {  	v63 =	vand.u32 $0x3FFF, v6;
	[tilespmem:s20+$0xA070] =	vst v48  }
0xb2: {  	v8 =	vand.u32 $0x3FFF, v5;
	[tilespmem:s20+$0x5070] =	vst v63  }
0xb3: {  	v49 =	vshrl.u32 v5, $0xE;
	[tilespmem:s20+$0x5000] =	vst v8  }
0xb4: {  	v51 =	vand.u32 $0x3FFF, v4;
	[tilespmem:s20+$0xA000] =	vst v49  }
0xb5: {  	v52 =	vshrl.u32 v4, $0xE;
	[tilespmem:s20+$0x5010] =	vst v51  }
0xb6: {  	v53 =	vand.u32 $0x3FFF, v3;
	[tilespmem:s20+$0xA010] =	vst v52  }
0xb7: {  	v7 =	vld [tilespmem:s20+$0x50];
	v54 =	vshrl.u32 v3, $0xE;
	[tilespmem:s20+$0x5020] =	vst v53  }
0xb8: {  	v55 =	vand.u32 $0x3FFF, v2;
	[tilespmem:s20+$0xA020] =	vst v54  }
0xb9: {  	v50 =	vld [tilespmem:s20+$0x60];
	v56 =	vshrl.u32 v2, $0xE;
	[tilespmem:s20+$0x5030] =	vst v55  }
0xba: {  	v57 =	vand.u32 $0x3FFF, v1;
	[tilespmem:s20+$0xA030] =	vst v56  }
0xbb: {  	v58 =	vshrl.u32 v1, $0xE;
	[tilespmem:s20+$0x5040] =	vst v57  }
0xbc: {  	v59 =	vand.u32 $0x3FFF, v7;
	[tilespmem:s20+$0xA040] =	vst v58  }
0xbd: {  	v60 =	vshrl.u32 v7, $0xE;
	[tilespmem:s20+$0x5050] =	vst v59  }
0xbe: {  	v61 =	vand.u32 $0x3FFF, v50;
	[tilespmem:s20+$0xA050] =	vst v60  }
0xbf: {  	v62 =	vshrl.u32 v50, $0xE;
	[tilespmem:s20+$0x5060] =	vst v61  }
0xc0: {  	[tilespmem:s20+$0xA060] =	vst v62  }
0xc1: {  	s24 =	simm.s32 $0x5000;
	[bflag:$0x0] =	sbarrier.arrive $0xFFFF  }
0xc2: {  	[tilespmem:s0], [sflag:$0x1] =	stream.indirect.gather [spmem:s4], $0x20, s24, s3, $0xb8;
	[tilespmem:$0x1E000] =	vst v63  }
0xc3: {  	s20 =	simm.s32 $0x5080  }
0xc4: {  	[tilespmem:s1], [sflag:$0x2] =	stream.indirect.gather [spmem:s4], $0x20, s20, s3, $0xb8;
	[tilespmem:$0x1E000] =	vst v63  }
0xc5: {  	_ =	swait.ge [sflag:s7], $0x1000  }
0xc6: {  	[sflag:s7] =	ssyncset.done $0x0  }
0xc7: {  	s22 =	simm.s32 $0xA000;
	[sflag:s7] =	ssyncadd.s32 $0xFFFFF000  }
0xc8: {  	[spmem:s2] =	stream.indirect.scatter.add.f32 [tilespmem:s0], [sflag:$0x5], $0x20, s22, s3, $0xb8;
	[tilespmem:$0x1E000] =	vst v63  }
0xc9: {  	s24 =	simm.s32 $0x5100  }
0xca: {  	[tilespmem:s8], [sflag:$0x3] =	stream.indirect.gather [spmem:s4], $0x20, s24, s3, $0xb8;
	[tilespmem:$0x1E000] =	vst v63  }
0xcb: {  	_ =	swait.ge [sflag:s9], $0x1000  }
0xcc: {  	[sflag:s9] =	ssyncset.done $0x0  }
0xcd: {  	s20 =	simm.s32 $0xA080;
	[sflag:s9] =	ssyncadd.s32 $0xFFFFF000  }
0xce: {  	[spmem:s2] =	stream.indirect.scatter.add.f32 [tilespmem:s1], [sflag:$0x6], $0x20, s20, s3, $0xb8;
	[tilespmem:$0x1E000] =	vst v63  }
0xcf: {  	s22 =	simm.s32 $0x5180  }
0xd0: {  	[tilespmem:s10], [sflag:$0x4] =	stream.indirect.gather [spmem:s4], $0x20, s22, s3, $0xb8;
	[tilespmem:$0x1E000] =	vst v63  }
0xd1: {  	_ =	swait.ge [sflag:s11], $0x1000  }
0xd2: {  	[sflag:s11] =	ssyncset.done $0x0  }
0xd3: {  	s24 =	simm.s32 $0xA100;
	[sflag:s11] =	ssyncadd.s32 $0xFFFFF000  }
0xd4: {  	[spmem:s2] =	stream.indirect.scatter.add.f32 [tilespmem:s8], [sflag:$0x7], $0x20, s24, s3, $0xb8;
	[tilespmem:$0x1E000] =	vst v63  }
0xd5: {  	_ =	swait.ge [sflag:s12], $0x1000  }
0xd6: {  	[sflag:s12] =	ssyncset.done $0x0  }
0xd7: {  	s20 =	simm.s32 $0x5200;
	[sflag:s12] =	ssyncadd.s32 $0xFFFFF000  }
0xd8: {  	[tilespmem:s0], [sflag:$0x1] =	stream.indirect.gather [spmem:s4], $0x20, s20, s3, $0xb8;
	[tilespmem:$0x1E000] =	vst v63  }
0xd9: {  	_ =	swait.ge [sflag:s13], $0x1000  }
0xda: {  	[sflag:s13] =	ssyncset.done $0x0  }
0xdb: {  	s22 =	simm.s32 $0xA180;
	[sflag:s13] =	ssyncadd.s32 $0xFFFFF000  }
0xdc: {  	[spmem:s2] =	stream.indirect.scatter.add.f32 [tilespmem:s10], [sflag:$0x8], $0x20, s22, s3, $0xb8;
	[tilespmem:$0x1E000] =	vst v63  }
0xdd: {  	_ =	swait.ge [sflag:s14], $0x1000  }
0xde: {  	[sflag:s14] =	ssyncset.done $0x0  }
0xdf: {  	s18 =	simm.s32 $0x0;
	s24 =	simm.s32 $0x5280;
	[sflag:s14] =	ssyncadd.s32 $0xFFFFF000  }
0xe0: {  	[tilespmem:s1], [sflag:$0x2] =	stream.indirect.gather [spmem:s4], $0x20, s24, s3, $0xb8;
	[tilespmem:$0x1E000] =	vst v63  }
.LBB2_4:
0xe1: {  	_ =	swait.ge [sflag:s7], $0x1000  }
0xe2: {  	s20 =	sshra.s32 s18, $0x2;
	[sflag:s7] =	ssyncset.done $0x0  }
0xe3: {  	s22 =	sadd.s32 $0xA200, s20;
	[sflag:s7] =	ssyncadd.s32 $0xFFFFF000  }
0xe4: {  	[spmem:s2] =	stream.indirect.scatter.add.f32 [tilespmem:s0], [sflag:$0x5], $0x20, s22, s3, $0xb8;
	[tilespmem:$0x1E000] =	vst v63  }
0xe5: {  	_ =	swait.ge [sflag:s15], $0x1000  }
0xe6: {  	[sflag:s15] =	ssyncset.done $0x0  }
0xe7: {  	s24 =	sadd.s32 $0x5300, s20;
	[sflag:s15] =	ssyncadd.s32 $0xFFFFF000  }
0xe8: {  	[tilespmem:s8], [sflag:$0x3] =	stream.indirect.gather [spmem:s4], $0x20, s24, s3, $0xb8;
	[tilespmem:$0x1E000] =	vst v63  }
0xe9: {  	_ =	swait.ge [sflag:s9], $0x1000  }
0xea: {  	[sflag:s9] =	ssyncset.done $0x0  }
0xeb: {  	s24 =	sadd.s32 $0xA280, s20;
	[sflag:s9] =	ssyncadd.s32 $0xFFFFF000  }
0xec: {  	[spmem:s2] =	stream.indirect.scatter.add.f32 [tilespmem:s1], [sflag:$0x6], $0x20, s24, s3, $0xb8;
	[tilespmem:$0x1E000] =	vst v63  }
0xed: {  	_ =	swait.ge [sflag:s16], $0x1000  }
0xee: {  	[sflag:s16] =	ssyncset.done $0x0  }
0xef: {  	s24 =	sadd.s32 $0x5380, s20;
	[sflag:s16] =	ssyncadd.s32 $0xFFFFF000  }
0xf0: {  	[tilespmem:s10], [sflag:$0x4] =	stream.indirect.gather [spmem:s4], $0x20, s24, s3, $0xb8;
	[tilespmem:$0x1E000] =	vst v63  }
0xf1: {  	_ =	swait.ge [sflag:s11], $0x1000  }
0xf2: {  	p0 =	seq.s32 s18, $0x13000;
	[sflag:s11] =	ssyncset.done $0x0  }
.Ltmp3:
0xf3: {  	s24 =	sadd.s32 $0xA300, s20;
	[sflag:s11] =	ssyncadd.s32 $0xFFFFF000;
	(pc) =	sbr.rel @p0 .LBB2_6-.Ltmp3, $4  }
0xf4: {  	[spmem:s2] =	stream.indirect.scatter.add.f32 [tilespmem:s8], [sflag:$0x7], $0x20, s24, s3, $0xb8;
	[tilespmem:$0x1E000] =	vst v63  }
0xf5: {  	_ =	swait.ge [sflag:s12], $0x1000  }
0xf6: {  	[sflag:s12] =	ssyncset.done $0x0  }
0xf7: {  	s22 =	sadd.s32 $0xA380, s20;
	[sflag:s12] =	ssyncadd.s32 $0xFFFFF000  }
0xf8: {  	s24 =	sadd.s32 $0x5400, s20  }
0xf9: {  	[tilespmem:s0], [sflag:$0x1] =	stream.indirect.gather [spmem:s4], $0x20, s24, s3, $0xb8;
	[tilespmem:$0x1E000] =	vst v63  }
0xfa: {  	_ =	swait.ge [sflag:s13], $0x1000  }
0xfb: {  	[sflag:s13] =	ssyncset.done $0x0  }
0xfc: {  	[sflag:s13] =	ssyncadd.s32 $0xFFFFF000  }
0xfd: {  	[spmem:s2] =	stream.indirect.scatter.add.f32 [tilespmem:s10], [sflag:$0x8], $0x20, s22, s3, $0xb8;
	[tilespmem:$0x1E000] =	vst v63  }
.Ltmp4:
0xfe: {  	_ = 	snop;
	(pc) =	sbr.rel .LBB2_4-.Ltmp4, $4  }
0xff: {  	_ =	swait.ge [sflag:s14], $0x1000  }
0x100: {  	[sflag:s14] =	ssyncset.done $0x0  }
0x101: {  	s18 =	sadd.s32 $0x800, s18;
	s24 =	sadd.s32 $0x5480, s20;
	[sflag:s14] =	ssyncadd.s32 $0xFFFFF000  }
0x102: {  	[tilespmem:s1], [sflag:$0x2] =	stream.indirect.gather [spmem:s4], $0x20, s24, s3, $0xb8;
	[tilespmem:$0x1E000] =	vst v63  }
.LBB2_7:
0x103: {  	_ =	sfence.sel $0x180000  }
0x104: {  	[bflag:$0x0] =	sbarrier.arrive $0xFFFF  }
0x105: {  	_ =	strace $0x9000004A  }
0x106: {  	s0 =	stileid.u32;
	[bflag:$0x2] =	sbarrier.arrive $0xFFFF  }
0x107: {  	p0 =	sne.s32 s0, $0x0;
	s0 =	rddreg [dreg:$0x4]  }
0x108: {  	s0 =	sadd.s32 @!p0 $0x100000, s0  }
0x109: {  	[sflag:s0] =	ssyncadd.tile.s32 @!p0 $0x1;
	_ =	shalt  }
.Lfunc_end2:
_tile_overlayer_lowered:
.L_overlay_start_2:
0x10a: {  	(tag) =	ssettag $0x2  }
0x10b: {  	s0 =	rddreg [dreg:$0x0];
	s2 =	stileid.u32  }
0x10c: {  	s1 =	rddreg [dreg:$0x1];
	p0 =	sne.s32 s2, $0x0  }
0x10d: {  	s3 =	rddreg [dreg:$0x2];
	[bflag:$0x3] =	sbarrier.arrive $0xFFFF;
	s2 =	simm.s32 @!p0 $0x1C09  }
0x10e: {  	[timem:s3], [sflag:s2] =	dma.local @!p0 [hbm:s0], s1  }
0x10f: {  	s0 =	simm.s32 @!p0 $0x9  }
0x110: {  	_ =	swait.ge @!p0 [sflag:s0], s1  }
0x111: {  	s1 =	ssub.s32 @!p0 $0x0, s1;
	[sflag:s0] =	ssyncset.done @!p0 $0x0  }
0x112: {  	[sflag:s0] =	ssyncadd.s32 @!p0 s1  }
0x113: {  	[bflag:$0x3] =	sbarrier.arrive $0xFFFF  }
0x114: {  	_ =	shalt  }

// kernel: kernel.14.cloned.1.call-start
scs
__scs_entry_jumppad:
0x0: {  	(pc) =	sbr.rel $0x88, $3  }
0x1: {  	(tag) =	ssettag $0x0;
	lr =	simm.s32 $0x1  }
0x2: {  	[smem:$0x3F9B] =	sst lr;
	_ =	strace $0xD0000000  }
0x3: {  	_ = 	snop  }
0x4: {  	_ = 	snop  }
0x5: {  	_ = 	snop  }
0x6: {  	_ = 	snop  }
0x7: {  	_ = 	snop  }
__scs_overlays_trampoline_lowered:
0x8: {  	[smem:$0x3FAA] =	sst s0  }
0x9: {  	[smem:$0x3FAB] =	sst s1  }
0xa: {  	[smem:$0x3FAC] =	sst s2  }
0xb: {  	[smem:$0x3FAD] =	sst s3  }
0xc: {  	[smem:$0x3FAE] =	sst s4  }
0xd: {  	[smem:$0x3FAF] =	sst s5  }
0xe: {  	[smem:$0x3FB0] =	sst s6  }
0xf: {  	[smem:$0x3FB1] =	sst s7  }
0x10: {  	[smem:$0x3FB2] =	sst s8  }
0x11: {  	[smem:$0x3FB3] =	sst s9;
	s0 =	simm.s32 @!p0 $0x0  }
0x12: {  	s1 =	sld [smem:$0x3F99];
	s0 =	simm.s32 @p0 $0x1  }
0x13: {  	[smem:$0x3FB4] =	sst s0;
	s0 =	simm.s32 @!p1 $0x0  }
0x14: {  	s2 =	sld [smem:$0x3F98];
	s0 =	simm.s32 @p1 $0x1  }
0x15: {  	[smem:$0x3FB5] =	sst s0;
	s0 =	simm.s32 @!p2 $0x0  }
0x16: {  	s3 =	sld [smem:$0x3FDB];
	s0 =	simm.s32 @p2 $0x1  }
0x17: {  	s4 =	simm.s32 $0x1BF5;
	[smem:$0x3FB7] =	sst s0  }
0x18: {  	s0 =	sld [smem:$0x3F9A];
	_ =	swait.ge [sflag:s4], $0x0  }
0x19: {  	s7 =	sld [smem:$0x3F9B]  }
0x1a: {  	s8 =	sadd.s32 $0xFFFFE003, lr  }
0x1b: {  	s9 =	sadd.s32 $0xFFFFFEF7, lr;
	s5 =	simm.s32 $0xFFFFFFFF;
	p2 =	slt.u32 s8, $0xFFFFF086  }
0x1c: {  	p1 =	slt.u32 s9, $0xF7A;
	s5 =	simm.s32 @!p2 $0x0  }
0x1d: {  	s5 =	simm.s32 @p1 $0x1;
	p0 =	seq.s32 s7, s2  }
0x1e: {  	s7 =	smul.u32 @!p0 $0xF7A, s2;
	p2 =	seq.s32 @!p0 s5, $0x0  }
0x1f: {  	s9 =	smul.u32 $0xF7A, s1;
	s8 =	simm.s32 @!p0 $0x1BF5;
	p2 =	por !p2, p0  }
0x20: {  	[sflag:s8] =	ssyncset.s32 @!p0 $0xFFFFF086;
	s6 =	sadd.s32 @!p0 s3, s7;
	s7 =	simm.s32 @!p0 $0x108  }
0x21: {  	s3 =	sadd.s32 s3, s9;
	s6 =	sadd.s32 @!p0 $0x88, s6;
	s7 =	simm.s32 @p2 $0x1082  }
0x22: {  	[simem:s7], [sflag:s8] =	dma.local @!p0 [hbm:s6], $0xF7A  }
0x23: {  	s9 =	sor.u32 $0xD0000000, s2;
	s6 =	simm.s32 $0x108;
	_ =	swait.ge @!p0 [sflag:s8], $0x0  }
0x24: {  	s3 =	sadd.s32 $0x88, s3;
	s6 =	simm.s32 @!p1 $0x1082;
	[sflag:s4] =	ssyncset.s32 $0xFFFFF086  }
0x25: {  	[simem:s6], [sflag:s4] =	dma.local [hbm:s3], $0xF7A  }
0x26: {  	[smem:$0x3F9B] =	sst s1;
	(tag) =	ssettag s2;
	_ =	strace s9  }
0x27: {  	s1 =	sld [smem:$0x3FAB]  }
0x28: {  	s2 =	sld [smem:$0x3FAC]  }
0x29: {  	s4 =	sld [smem:$0x3FAE]  }
0x2a: {  	p0 =	seq.s32 s5, $0x0;
	s5 =	sld [smem:$0x3FAF]  }
0x2b: {  	s6 =	sld [smem:$0x3FB0]  }
0x2c: {  	s7 =	sld [smem:$0x3FB1]  }
0x2d: {  	s3 =	simm.s32 $0x108;
	s8 =	sld [smem:$0x3FB2]  }
0x2e: {  	s3 =	simm.s32 @!p0 $0x1082;
	s9 =	sld [smem:$0x3FB3]  }
0x2f: {  	lr =	sadd.s32 s0, s3;
	s0 =	sld [smem:$0x3FAA]  }
0x30: {  	s3 =	sld [smem:$0x3FAD]  }
0x31: {  	[smem:$0x3FB6] =	sst s10  }
0x32: {  	s10 =	sld [smem:$0x3FB4];
	_ =	sdelay $0x3  }
0x33: {  	p0 =	seq.s32 s10, $0x1;
	s10 =	sld [smem:$0x3FB6];
	_ =	sdelay $0x3  }
0x34: {  	[smem:$0x3FB6] =	sst s10  }
0x35: {  	s10 =	sld [smem:$0x3FB5];
	_ =	sdelay $0x3  }
0x36: {  	p1 =	seq.s32 s10, $0x1;
	s10 =	sld [smem:$0x3FB6];
	_ =	sdelay $0x3  }
0x37: {  	[smem:$0x3FB6] =	sst s10  }
0x38: {  	s10 =	sld [smem:$0x3FB7]  }
0x39: {  	_ = 	snop;
	(pc) =	sbr.ind lr, $3  }
0x3a: {  	_ = 	snop  }
0x3b: {  	_ = 	snop  }
0x3c: {  	p2 =	seq.s32 s10, $0x1;
	s10 =	sld [smem:$0x3FB6]  }
0x3d: {  	_ =	shalt  }
0x3e: {  	_ =	shalt  }
0x3f: {  	_ =	shalt  }
0x40: {  	_ =	shalt  }
0x41: {  	_ =	shalt  }
0x42: {  	_ =	shalt  }
0x43: {  	_ =	shalt  }
0x44: {  	_ =	shalt  }
0x45: {  	_ =	shalt  }
0x46: {  	_ =	shalt  }
0x47: {  	_ =	shalt  }
0x48: {  	_ =	shalt  }
0x49: {  	_ =	shalt  }
0x4a: {  	_ =	shalt  }
0x4b: {  	_ =	shalt  }
0x4c: {  	_ =	shalt  }
0x4d: {  	_ =	shalt  }
0x4e: {  	_ =	shalt  }
0x4f: {  	_ =	shalt  }
0x50: {  	_ =	shalt  }
0x51: {  	_ =	shalt  }
0x52: {  	_ =	shalt  }
0x53: {  	_ =	shalt  }
0x54: {  	_ =	shalt  }
0x55: {  	_ =	shalt  }
0x56: {  	_ =	shalt  }
0x57: {  	_ =	shalt  }
0x58: {  	_ =	shalt  }
0x59: {  	_ =	shalt  }
0x5a: {  	_ =	shalt  }
0x5b: {  	_ =	shalt  }
0x5c: {  	_ =	shalt  }
0x5d: {  	_ =	shalt  }
0x5e: {  	_ =	shalt  }
0x5f: {  	_ =	shalt  }
0x60: {  	_ =	shalt  }
0x61: {  	_ =	shalt  }
0x62: {  	_ =	shalt  }
0x63: {  	_ =	shalt  }
0x64: {  	_ =	shalt  }
0x65: {  	_ =	shalt  }
0x66: {  	_ =	shalt  }
0x67: {  	_ =	shalt  }
0x68: {  	_ =	shalt  }
0x69: {  	_ =	shalt  }
0x6a: {  	_ =	shalt  }
0x6b: {  	_ =	shalt  }
0x6c: {  	_ =	shalt  }
0x6d: {  	_ =	shalt  }
0x6e: {  	_ =	shalt  }
0x6f: {  	_ =	shalt  }
0x70: {  	_ =	shalt  }
0x71: {  	_ =	shalt  }
0x72: {  	_ =	shalt  }
0x73: {  	_ =	shalt  }
0x74: {  	_ =	shalt  }
0x75: {  	_ =	shalt  }
0x76: {  	_ =	shalt  }
0x77: {  	_ =	shalt  }
0x78: {  	_ =	shalt  }
0x79: {  	_ =	shalt  }
0x7a: {  	_ =	shalt  }
0x7b: {  	_ =	shalt  }
0x7c: {  	_ =	shalt  }
0x7d: {  	_ =	shalt  }
0x7e: {  	_ =	shalt  }
0x7f: {  	_ =	shalt  }
0x80: {  	_ =	shalt  }
0x81: {  	_ =	shalt  }
0x82: {  	_ =	shalt  }
0x83: {  	_ =	shalt  }
0x84: {  	_ =	shalt  }
0x85: {  	_ =	shalt  }
0x86: {  	_ =	shalt  }
0x87: {  	_ =	shalt  }
.Lfunc_end0:
.L_simem_size_0:
called_computation.2_lowered:
.L_overlay_start_0:
0x88: {  	s2 =	sld [smem:$0x3FD9]  }
0x89: {  	s3 =	sld [smem:$0x3FFE];
	_ =	sdelay $0x1  }
0x8a: {  	s1 =	srdreg.scid  }
0x8b: {  	s0 =	sand.u32 $0x1, s1  }
0x8c: {  	s17 =	sshll.u32 s0, $0xA;
	s2 =	sadd.s32 s3, s2  }
0x8d: {  	s2 =	sadd.s32 s2, s17  }
0x8e: {  	[smem:$0x3FC2] =	sst s2  }
0x8f: {  	_ = 	snop  }
0x90: {  	s2 =	sld [smem:$0x3FD0];
	(tm) =	ssettm $0x1  }
0x91: {  	s18 =	sld [smem:$0x3FFB];
	_ =	sdelay $0x3  }
0x92: {  	_ =	strace s18  }
0x93: {  	s3 =	sld [smem:$0x3FFC];
	_ =	sdelay $0x3  }
0x94: {  	_ =	strace s3  }
0x95: {  	s3 =	sld [smem:$0x3FFD];
	_ =	sdelay $0x3  }
0x96: {  	_ =	strace s3  }
0x97: {  	_ =	strace $0x8FFFFFFF  }
0x98: {  	s19 =	sld [smem:$0x3FDB];
	_ =	sdelay $0x1  }
0x99: {  	s4 =	simm.s32 $_scs_section_size  }
0x9a: {  	s5 =	simm.s32 $_size__tile_overlayer_lowered;
	s6 =	simm.s32 $_tile_overlayer_lowered  }
0x9b: {  	s22 =	simm.s32 $0x1BFF;
	s21 =	sshll.u32 s6, $0x1;
	s3 =	sadd.s32 s4, s19  }
0x9c: {  	s7 =	simm.s32 $0x0;
	s20 =	sshll.u32 s5, $0x1;
	s5 =	sadd.s32 s21, s3  }
0x9d: {  	[timem:s7], [sflag:s22] =	dma.local [hbm:s5], s20  }
0x9e: {  	_ =	swait.ge [sflag:s22], s20  }
0x9f: {  	s4 =	ssub.s32 $0x0, s20;
	[sflag:s22] =	ssyncset.done $0x0  }
0xa0: {  	[sflag:s22] =	ssyncadd.s32 s4;
	_ =	sdelay $0x1  }
0xa1: {  	s23 =	simm.s32 $0x1B8B  }
0xa2: {  	_ =	swait.ge [sflag:s23], $0x1  }
0xa3: {  	[sflag:s23] =	ssyncset.done $0x0  }
0xa4: {  	s25 =	simm.s32 $0x1B8E;
	s24 =	sld [smem:$0x3FFE];
	[sflag:s23] =	ssyncadd.s32 $0xFFFFFFFF  }
0xa5: {  	s26 =	simm.s32 $execute0_lowered;
	[smem:$0x3FD2] =	sst s25  }
0xa6: {  	s5 =	sshll.u32 s26, $0x1;
	_ =	strace $0x8000004C;
	[dreg:$0x1] =	wrdreg $0xFFFFFFFF  }
0xa7: {  	s28 =	simm.s32 $_size_execute0_lowered;
	s3 =	sadd.s32 s3, s5;
	[dreg:$0x0] =	wrdreg $0x0  }
0xa8: {  	s5 =	sshll.u32 s28, $0x1;
	[dreg:$0x2] =	wrdreg s3  }
0xa9: {  	[dreg:$0x3] =	wrdreg s5  }
0xaa: {  	[dreg:$0x4] =	wrdreg $0xC0  }
0xab: {  	_ =	task [dreg:s7], $0x5FFFF  }
0xac: {  	[dreg:$0x1] =	wrdreg $0xFFFFFFFF  }
0xad: {  	[dreg:$0x0] =	wrdreg $0x60  }
0xae: {  	[dreg:$0x2] =	wrdreg s24  }
0xaf: {  	[dreg:$0x3] =	wrdreg s2  }
0xb0: {  	[dreg:$0x4] =	wrdreg $0xC8000  }
0xb1: {  	[dreg:$0x5] =	wrdreg $0xA0000  }
0xb2: {  	[dreg:$0x6] =	wrdreg $0x9  }
0xb3: {  	_ =	task.clear_ibuf [dreg:s7], $0x7FFFF;
	_ =	strace $0x9000004C  }
0xb4: {  	s29 =	simm.s32 $0x9;
	_ =	strace $0x8000004E  }
0xb5: {  	_ =	swait.ge [sflag:s29], $0x1  }
0xb6: {  	[sflag:s29] =	ssyncadd.s32 $0xFFFFFFFF  }
0xb7: {  	_ =	strace $0x9000004E  }
0xb8: {  	_ =	sfence  }
0xb9: {  	s30 =	sld [smem:$0x0];
	_ =	sdelay $0x2  }
0xba: {  	s31 =	sshll.u32 s1, $0xD;
	s1 =	sshrl.u32 s1, $0x2  }
0xbb: {  	s3 =	sand.u32 $0x4000, s31;
	s1 =	sadd.s32 s1, s30  }
0xbc: {  	s0 =	sor.u32 s3, s0;
	s1 =	sshll.u32 s1, $0x11  }
0xbd: {  	s0 =	sor.u32 s1, s0  }
0xbe: {  	s0 =	sadd.s32 $0x8F2B, s0  }
0xbf: {  	[sflag:s0] =	ssyncadd.remote.s32 $0x1  }
0xc0: {  	_ =	sfence.sel $0xFFFF  }
0xc1: {  	[dreg:$0x0] =	wrdreg $0xFFFFFFFF;
	(pc) =	sbr.abs _section_cstart, $3  }
0xc2: {  	[dreg:$0x1] =	wrdreg $0xFFFFFFFF  }
0xc3: {  	_ =	task.clear_ibuf [dreg:s7], $0x2FFFF;
	_ =	strace $0x9FFFFFFF  }
0xc4: {  	(tm) =	ssettm $0x7FFFFFFF  }
0xc5: {  	_ =	shalt  }
tec
execute0_lowered:
.L_overlay_start_1:
0x0: {  	(tag) =	ssettag $0x1  }
0x1: {  	s0 =	rddreg [dreg:$0x0]  }
0x2: {  	s2 =	rddreg [dreg:$0x2]  }
0x3: {  	s3 =	rddreg [dreg:$0x3];
	s1 =	srdreg.scid;
	s5 =	simm.s32 $0x0  }
0x4: {  	s8 =	stileid.u32;
	s29 =	simm.s32 $0x9800;
	s30 =	simm.s32 $0x9  }
0x5: {  	s31 =	simm.s32 $0x7800;
	s1 =	sand.u32 $0x1, s1;
	[smem:$0x7FF] =	sst s5  }
0x6: {  	s4 =	sshll.u32 s1, $0x4;
	s6 =	ssub.s32 $0x2, s1;
	s1 =	smul.u32 $0x28000, s1  }
0x7: {  	s7 =	sadd.s32 $0xB800, s0;
	s4 =	sor.u32 s8, s4;
	s8 =	smul.u32 $0x2800, s8  }
0x8: {  	_ =	strace $0x8000004D;
	s9 =	sshrl.u32 s6, $0x1;
	s4 =	smul.u32 $0x500, s4  }
0x9: {  	s10 =	ssub.s32 s6, s9;
	s23 =	sshrl.u32 s8, $0x3;
	s11 =	sadd.s32 $0x800, s8  }
0xa: {  	s6 =	sadd.s32 s8, s2;
	s24 =	sadd.s32 s8, s3;
	s26 =	sadd.s32 $0x1000, s8  }
0xb: {  	s13 =	sadd.s32 $0x1800, s8;
	s17 =	sadd.s32 $0x2000, s8;
	s8 =	sadd.s32 s8, s1  }
0xc: {  	s28 =	smax.u32 s10, $0x1;
	s10 =	simm.s32 $0x9000;
	s4 =	sadd.s32 s4, s0  }
0xd: {  	s0 =	sadd.s32 $0x10800, s0;
	s9 =	sadd.s32 s7, s23;
	s12 =	sshrl.u32 s11, $0x3  }
0xe: {  	[dreg:$0x6] =	wrdreg s24;
	s25 =	sadd.s32 s11, s3;
	s14 =	sshrl.u32 s26, $0x3  }
0xf: {  	s15 =	sshrl.u32 s13, $0x3;
	s18 =	sshrl.u32 s17, $0x3;
	s19 =	sshrl.u32 s8, $0x3  }
0x10: {  	s22 =	sadd.s32 s1, s26;
	s23 =	sadd.s32 s1, s13;
	s8 =	simm.s32 $0x2  }
0x11: {  	[dreg:$0x5] =	wrdreg s9;
	s9 =	sadd.s32 s11, s2;
	s12 =	sadd.s32 s7, s12  }
0x12: {  	[dreg:$0x8] =	wrdreg s25;
	s14 =	sadd.s32 s7, s14;
	s16 =	sadd.s32 s7, s15  }
0x13: {  	s11 =	sadd.s32 s1, s11;
	s7 =	sadd.s32 s7, s18;
	[dreg:$0x7] =	wrdreg s12  }
0x14: {  	s1 =	sadd.s32 s1, s17;
	s24 =	sshrl.u32 s23, $0x3;
	[dreg:$0x9] =	wrdreg s14  }
0x15: {  	s25 =	sadd.s32 s26, s3;
	s15 =	simm.s32 $0x7;
	[dreg:$0xa] =	wrdreg s16  }
0x16: {  	[dreg:$0xb] =	wrdreg s7;
	s20 =	sshrl.u32 s11, $0x3;
	s7 =	sadd.s32 s0, s19  }
0x17: {  	s1 =	sshrl.u32 s1, $0x3;
	[dreg:$0x11] =	wrdreg s25;
	s25 =	sadd.s32 s17, s3  }
0x18: {  	s11 =	simm.s32 $0x3;
	s12 =	simm.s32 $0x5;
	s14 =	simm.s32 $0x6  }
0x19: {  	s16 =	simm.s32 $0x8;
	[dreg:$0xc] =	wrdreg s7;
	s21 =	sadd.s32 s0, s20  }
0x1a: {  	s7 =	sshrl.u32 s22, $0x3;
	s20 =	sadd.s32 s26, s2;
	s22 =	sadd.s32 s13, s2  }
0x1b: {  	s26 =	sadd.s32 s13, s3;
	s13 =	simm.s32 $0x4;
	[dreg:$0xd] =	wrdreg s21  }
.Ltmp0:
0x1c: {  	s7 =	sadd.s32 s0, s7;
	[dreg:$0x12] =	wrdreg s26;
	(pc) =	sbr.rel .LBB2_1-.Ltmp0, $4  }
0x1d: {  	s26 =	sadd.s32 $0x1800, s4;
	s4 =	simm.s32 $0x1;
	[dreg:$0xe] =	wrdreg s7  }
0x1e: {  	s7 =	sadd.s32 s0, s24;
	s0 =	sadd.s32 s0, s1;
	s24 =	sadd.s32 s17, s2  }
0x1f: {  	s1 =	simm.s32 $0x8000;
	s17 =	simm.s32 $0x0;
	[dreg:$0xf] =	wrdreg s7  }
0x20: {  	[dreg:$0x10] =	wrdreg s0;
	s0 =	simm.s32 $0x80;
	s7 =	simm.s32 $0x8800  }
.LBB2_6:
0x21: {  	_ =	swait.ge [sflag:s13], $0x800  }
0x22: {  	[sflag:s13] =	ssyncset.done $0x0  }
0x23: {  	[sflag:s13] =	ssyncadd.s32 $0xFFFFF800  }
0x24: {  	[spmem:s2] =	stream.indirect.scatter.add.f32 [tilespmem:s10], [sflag:$0x8], $0x10, s21, s0, $0xb8;
	[tilespmem:$0xF000] =	vst v63  }
0x25: {  	_ =	swait.ge [sflag:s14], $0x800  }
0x26: {  	[sflag:s14] =	ssyncset.done $0x0  }
0x27: {  	[sflag:s14] =	ssyncadd.s32 $0xFFFFF800  }
0x28: {  	_ =	swait.ge [sflag:s15], $0x800  }
0x29: {  	[sflag:s15] =	ssyncset.done $0x0  }
0x2a: {  	[sflag:s15] =	ssyncadd.s32 $0xFFFFF800  }
0x2b: {  	_ =	swait.ge [sflag:s16], $0x800  }
0x2c: {  	[sflag:s16] =	ssyncset.done $0x0  }
0x2d: {  	s18 =	stileid.u32;
	[sflag:s16] =	ssyncadd.s32 $0xFFFFF800  }
0x2e: {  	s18 =	sshll.u32 s18, $0x6;
	[bflag:$0x0] =	sbarrier.arrive $0xFFFF  }
0x2f: {  	s19 =	sshrl.u32 s6, $0x3;
	s18 =	sor.u32 $0x1C09, s18;
	s23 =	rddreg [dreg:$0xc]  }
0x30: {  	[hbm:s23], [sflag:s18] =	dma.local [spmem:s19], $0x100  }
0x31: {  	_ =	swait.ge [sflag:s30], $0x100  }
0x32: {  	[sflag:s30] =	ssyncset.done $0x0  }
0x33: {  	s21 =	sshrl.u32 s9, $0x3;
	s23 =	rddreg [dreg:$0xd];
	[sflag:s30] =	ssyncadd.s32 $0xFFFFFF00  }
0x34: {  	[hbm:s23], [sflag:s18] =	dma.local [spmem:s21], $0x100  }
0x35: {  	_ =	swait.ge [sflag:s30], $0x100  }
0x36: {  	[sflag:s30] =	ssyncset.done $0x0  }
0x37: {  	s21 =	sshrl.u32 s20, $0x3;
	s23 =	rddreg [dreg:$0xe];
	[sflag:s30] =	ssyncadd.s32 $0xFFFFFF00  }
0x38: {  	[hbm:s23], [sflag:s18] =	dma.local [spmem:s21], $0x100  }
0x39: {  	_ =	swait.ge [sflag:s30], $0x100  }
0x3a: {  	[sflag:s30] =	ssyncset.done $0x0  }
0x3b: {  	s21 =	sshrl.u32 s22, $0x3;
	s23 =	rddreg [dreg:$0xf];
	[sflag:s30] =	ssyncadd.s32 $0xFFFFFF00  }
0x3c: {  	[hbm:s23], [sflag:s18] =	dma.local [spmem:s21], $0x100  }
0x3d: {  	s17 =	sadd.s32 $0x1, s17;
	_ =	swait.ge [sflag:s30], $0x100  }
0x3e: {  	p0 =	sne.s32 s17, s28;
	s21 =	sshrl.u32 s24, $0x3;
	[sflag:s30] =	ssyncset.done $0x0  }
.Ltmp1:
0x3f: {  	s23 =	rddreg [dreg:$0x10];
	[sflag:s30] =	ssyncadd.s32 $0xFFFFFF00;
	(pc) =	sbr.rel @!p0 .LBB2_7-.Ltmp1, $4  }
0x40: {  	[hbm:s23], [sflag:s18] =	dma.local [spmem:s21], $0x100  }
0x41: {  	_ =	swait.ge [sflag:s30], $0x100  }
0x42: {  	[sflag:s30] =	ssyncset.done $0x0  }
0x43: {  	[sflag:s30] =	ssyncadd.s32 $0xFFFFFF00  }
.LBB2_1:
0x44: {  	s18 =	rddreg [dreg:$0x1]  }
0x45: {  	[tilespmem:s29], [sflag:$0x9] =	stream.linear.gather [hbm4b:s18+s5], $0x800, $0x38;
	[tilespmem:$0xF000] =	vst v63  }
0x46: {  	_ =	swait.ge [sflag:s30], $0x800  }
0x47: {  	[sflag:s30] =	ssyncset.done $0x0  }
0x48: {  	[sflag:s30] =	ssyncadd.s32 $0xFFFFF800  }
0x49: {  	[spmem:s6] =	stream.linear.scatter [tilespmem:s29], [sflag:$0x9], $0x800, $0x38;
	[tilespmem:$0xF000] =	vst v63  }
0x4a: {  	_ =	swait.ge [sflag:s30], $0x800  }
0x4b: {  	[sflag:s30] =	ssyncset.done $0x0  }
0x4c: {  	s19 =	rddreg [dreg:$0x5];
	[sflag:s30] =	ssyncadd.s32 $0xFFFFF800  }
0x4d: {  	[tilespmem:s31], [sflag:$0x9] =	stream.linear.gather [hbm4b:s19+s5], $0x800, $0x38;
	[tilespmem:$0xF000] =	vst v63  }
0x4e: {  	_ =	swait.ge [sflag:s30], $0x800  }
0x4f: {  	[sflag:s30] =	ssyncset.done $0x0  }
0x50: {  	s21 =	rddreg [dreg:$0x6];
	[sflag:s30] =	ssyncadd.s32 $0xFFFFF800  }
0x51: {  	[spmem:s21] =	stream.linear.scatter [tilespmem:s31], [sflag:$0x9], $0x800, $0x38;
	[tilespmem:$0xF000] =	vst v63  }
0x52: {  	_ =	swait.ge [sflag:s30], $0x800  }
0x53: {  	[sflag:s30] =	ssyncset.done $0x0  }
0x54: {  	[sflag:s30] =	ssyncadd.s32 $0xFFFFF800  }
0x55: {  	[spmem:s9] =	stream.linear.scatter [tilespmem:s29], [sflag:$0x9], $0x800, $0x38;
	[tilespmem:$0xF000] =	vst v63  }
0x56: {  	_ =	swait.ge [sflag:s30], $0x800  }
0x57: {  	[sflag:s30] =	ssyncset.done $0x0  }
0x58: {  	s23 =	rddreg [dreg:$0x7];
	[sflag:s30] =	ssyncadd.s32 $0xFFFFF800  }
0x59: {  	[tilespmem:s31], [sflag:$0x9] =	stream.linear.gather [hbm4b:s23+s5], $0x800, $0x38;
	[tilespmem:$0xF000] =	vst v63  }
0x5a: {  	_ =	swait.ge [sflag:s30], $0x800  }
0x5b: {  	[sflag:s30] =	ssyncset.done $0x0  }
0x5c: {  	s19 =	rddreg [dreg:$0x8];
	[sflag:s30] =	ssyncadd.s32 $0xFFFFF800  }
0x5d: {  	[spmem:s19] =	stream.linear.scatter [tilespmem:s31], [sflag:$0x9], $0x800, $0x38;
	[tilespmem:$0xF000] =	vst v63  }
0x5e: {  	_ =	swait.ge [sflag:s30], $0x800  }
0x5f: {  	[sflag:s30] =	ssyncset.done $0x0  }
0x60: {  	[sflag:s30] =	ssyncadd.s32 $0xFFFFF800  }
0x61: {  	[spmem:s20] =	stream.linear.scatter [tilespmem:s29], [sflag:$0x9], $0x800, $0x38;
	[tilespmem:$0xF000] =	vst v63  }
0x62: {  	_ =	swait.ge [sflag:s30], $0x800  }
0x63: {  	[sflag:s30] =	ssyncset.done $0x0  }
0x64: {  	s21 =	rddreg [dreg:$0x9];
	[sflag:s30] =	ssyncadd.s32 $0xFFFFF800  }
0x65: {  	[tilespmem:s31], [sflag:$0x9] =	stream.linear.gather [hbm4b:s21+s5], $0x800, $0x38;
	[tilespmem:$0xF000] =	vst v63  }
0x66: {  	_ =	swait.ge [sflag:s30], $0x800  }
0x67: {  	[sflag:s30] =	ssyncset.done $0x0  }
0x68: {  	s23 =	rddreg [dreg:$0x11];
	[sflag:s30] =	ssyncadd.s32 $0xFFFFF800  }
0x69: {  	[spmem:s23] =	stream.linear.scatter [tilespmem:s31], [sflag:$0x9], $0x800, $0x38;
	[tilespmem:$0xF000] =	vst v63  }
0x6a: {  	_ =	swait.ge [sflag:s30], $0x800  }
0x6b: {  	[sflag:s30] =	ssyncset.done $0x0  }
0x6c: {  	[sflag:s30] =	ssyncadd.s32 $0xFFFFF800  }
0x6d: {  	[spmem:s22] =	stream.linear.scatter [tilespmem:s29], [sflag:$0x9], $0x800, $0x38;
	[tilespmem:$0xF000] =	vst v63  }
0x6e: {  	_ =	swait.ge [sflag:s30], $0x800  }
0x6f: {  	[sflag:s30] =	ssyncset.done $0x0  }
0x70: {  	s19 =	rddreg [dreg:$0xa];
	[sflag:s30] =	ssyncadd.s32 $0xFFFFF800  }
0x71: {  	[tilespmem:s31], [sflag:$0x9] =	stream.linear.gather [hbm4b:s19+s5], $0x800, $0x38;
	[tilespmem:$0xF000] =	vst v63  }
0x72: {  	_ =	swait.ge [sflag:s30], $0x800  }
0x73: {  	[sflag:s30] =	ssyncset.done $0x0  }
0x74: {  	s21 =	rddreg [dreg:$0x12];
	[sflag:s30] =	ssyncadd.s32 $0xFFFFF800  }
0x75: {  	[spmem:s21] =	stream.linear.scatter [tilespmem:s31], [sflag:$0x9], $0x800, $0x38;
	[tilespmem:$0xF000] =	vst v63  }
0x76: {  	_ =	swait.ge [sflag:s30], $0x800  }
0x77: {  	[sflag:s30] =	ssyncset.done $0x0  }
0x78: {  	[sflag:s30] =	ssyncadd.s32 $0xFFFFF800  }
0x79: {  	[spmem:s24] =	stream.linear.scatter [tilespmem:s29], [sflag:$0x9], $0x800, $0x38;
	[tilespmem:$0xF000] =	vst v63  }
0x7a: {  	_ =	swait.ge [sflag:s30], $0x800  }
0x7b: {  	[sflag:s30] =	ssyncset.done $0x0  }
0x7c: {  	s23 =	rddreg [dreg:$0xb];
	[sflag:s30] =	ssyncadd.s32 $0xFFFFF800  }
0x7d: {  	[tilespmem:s31], [sflag:$0x9] =	stream.linear.gather [hbm4b:s23+s5], $0x800, $0x38;
	[tilespmem:$0xF000] =	vst v63  }
0x7e: {  	_ =	swait.ge [sflag:s30], $0x800  }
0x7f: {  	[sflag:s30] =	ssyncset.done $0x0  }
0x80: {  	[sflag:s30] =	ssyncadd.s32 $0xFFFFF800  }
0x81: {  	[spmem:s25] =	stream.linear.scatter [tilespmem:s31], [sflag:$0x9], $0x800, $0x38;
	[tilespmem:$0xF000] =	vst v63  }
0x82: {  	_ =	swait.ge [sflag:s30], $0x800  }
0x83: {  	[sflag:s30] =	ssyncset.done $0x0  }
0x84: {  	[sflag:s30] =	ssyncadd.s32 $0xFFFFF800  }
0x85: {  	[tilespmem:s5], [sflag:$0x9] =	stream.linear.gather [hbm4b:s26+s5], $0x2800, $0x38;
	[tilespmem:$0xF000] =	vst v63  }
0x86: {  	_ =	swait.ge [sflag:s30], $0x2800  }
0x87: {  	[sflag:s30] =	ssyncset.done $0x0  }
0x88: {  	s18 =	simm.s32 $0x0;
	[sflag:s30] =	ssyncadd.s32 $0xFFFFD800  }
0x89: {  	v0 =	vld [tilespmem:s18+$0x70]  }
0x8a: {  	v1 =	vld [tilespmem:s18+$0x0];
	_ =	sdelay $0x1  }
0x8b: {  	v2 =	vld [tilespmem:s18+$0x10]  }
0x8c: {  	v5 =	vld [tilespmem:s18+$0x40]  }
0x8d: {  	v6 =	vshrl.u32 v0, $0xE  }
0x8e: {  	v3 =	vld [tilespmem:s18+$0x20];
	v8 =	vand.u32 $0x3FFF, v1;
	[tilespmem:s18+$0x5070] =	vst v6  }
0x8f: {  	v1 =	vshrl.u32 v1, $0xE;
	[tilespmem:s18+$0x2800] =	vst v8  }
0x90: {  	v4 =	vld [tilespmem:s18+$0x30];
	v62 =	vand.u32 $0x3FFF, v2;
	[tilespmem:s18+$0x5000] =	vst v1  }
0x91: {  	v7 =	vld [tilespmem:s18+$0x50];
	v63 =	vand.u32 $0x3FFF, v5;
	[tilespmem:s18+$0x2810] =	vst v62  }
0x92: {  	v6 =	vld [tilespmem:s18+$0x60];
	v1 =	vshrl.u32 v2, $0xE;
	[tilespmem:s18+$0x2840] =	vst v63  }
0x93: {  	v2 =	vand.u32 $0x3FFF, v3;
	[tilespmem:s18+$0x5010] =	vst v1  }
0x94: {  	v1 =	vshrl.u32 v3, $0xE;
	[tilespmem:s18+$0x2820] =	vst v2  }
0x95: {  	v0 =	vand.u32 $0x3FFF, v0;
	v2 =	vand.u32 $0x3FFF, v4;
	[tilespmem:s18+$0x5020] =	vst v1  }
0x96: {  	v5 =	vshrl.u32 v5, $0xE;
	v3 =	vshrl.u32 v7, $0xE;
	v1 =	vshrl.u32 v4, $0xE;
	[tilespmem:s18+$0x2830] =	vst v2  }
0x97: {  	s19 =	simm.s32 $0x80;
	s21 =	simm.s32 $0x400;
	v4 =	vand.u32 $0x3FFF, v7;
	[tilespmem:s18+$0x5030] =	vst v1;
	v2 =	vand.u32 $0x3FFF, v6;
	v1 =	vshrl.u32 v6, $0xE  }
.LBB2_2:
0x98: {  	p0 =	sne.s32 s21, $0x9E00;
	v6 =	vld [tilespmem:s19+$0x70];
	[tilespmem:s18+$0x5040] =	vst v5  }
0x99: {  	v5 =	vld [tilespmem:s19+$0x0];
	[tilespmem:s18+$0x2850] =	vst v4  }
0x9a: {  	v4 =	vld [tilespmem:s19+$0x10];
	[tilespmem:s18+$0x5050] =	vst v3  }
0x9b: {  	v3 =	vld [tilespmem:s19+$0x20];
	[tilespmem:s18+$0x2860] =	vst v2  }
0x9c: {  	v2 =	vld [tilespmem:s19+$0x30];
	[tilespmem:s18+$0x5060] =	vst v1  }
0x9d: {  	v1 =	vld [tilespmem:s19+$0x40];
	v7 =	vshrl.u32 v6, $0xE;
	[tilespmem:s18+$0x2870] =	vst v0;
	v0 =	vand.u32 $0x3FFF, v6;
	s18 =	smov.u32 s19  }
0x9e: {  	v6 =	vand.u32 $0x3FFF, v5;
	v5 =	vshrl.u32 v5, $0xE;
	v8 =	vld [tilespmem:s18+$0x50];
	[tilespmem:s18+$0x5070] =	vst v7  }
0x9f: {  	[tilespmem:s18+$0x2800] =	vst v6;
	v6 =	vand.u32 $0x3FFF, v4;
	v4 =	vshrl.u32 v4, $0xE;
	v7 =	vld [tilespmem:s18+$0x60]  }
0xa0: {  	[tilespmem:s18+$0x5000] =	vst v5;
	v9 =	vand.u32 $0x3FFF, v3;
	v10 =	vshrl.u32 v3, $0xE  }
0xa1: {  	[tilespmem:s18+$0x2810] =	vst v6;
	v6 =	vand.u32 $0x3FFF, v2;
	v11 =	vshrl.u32 v2, $0xE  }
0xa2: {  	[tilespmem:s18+$0x5010] =	vst v4;
	v12 =	vand.u32 $0x3FFF, v1;
	v5 =	vshrl.u32 v1, $0xE  }
.Ltmp2:
0xa3: {  	[tilespmem:s18+$0x2820] =	vst v9;
	v4 =	vand.u32 $0x3FFF, v8;
	v3 =	vshrl.u32 v8, $0xE;
	(pc) =	sbr.rel @p0 .LBB2_2-.Ltmp2, $4  }
0xa4: {  	[tilespmem:s18+$0x5020] =	vst v10;
	v2 =	vand.u32 $0x3FFF, v7;
	v1 =	vshrl.u32 v7, $0xE  }
0xa5: {  	[tilespmem:s18+$0x2830] =	vst v6  }
0xa6: {  	[tilespmem:s18+$0x5030] =	vst v11  }
0xa7: {  	s19 =	sshra.s32 s21, $0x2;
	s21 =	sadd.s32 $0x200, s21;
	[tilespmem:s18+$0x2840] =	vst v12  }
0xa8: {  	v6 =	vld [tilespmem:s19+$0x70];
	[tilespmem:s18+$0x5040] =	vst v5  }
0xa9: {  	v5 =	vld [tilespmem:s19+$0x0];
	[tilespmem:s18+$0x2850] =	vst v4  }
0xaa: {  	v4 =	vld [tilespmem:s19+$0x10];
	[tilespmem:s18+$0x5050] =	vst v3  }
0xab: {  	v3 =	vld [tilespmem:s19+$0x20];
	[tilespmem:s18+$0x2860] =	vst v2  }
0xac: {  	v2 =	vld [tilespmem:s19+$0x30];
	[tilespmem:s18+$0x5060] =	vst v1  }
0xad: {  	v1 =	vld [tilespmem:s19+$0x40];
	[tilespmem:s18+$0x2870] =	vst v0;
	v48 =	vshrl.u32 v6, $0xE  }
0xae: {  	v63 =	vand.u32 $0x3FFF, v6;
	[tilespmem:s19+$0x5070] =	vst v48  }
0xaf: {  	v8 =	vand.u32 $0x3FFF, v5;
	[tilespmem:s19+$0x2870] =	vst v63  }
0xb0: {  	v49 =	vshrl.u32 v5, $0xE;
	[tilespmem:s19+$0x2800] =	vst v8  }
0xb1: {  	v51 =	vand.u32 $0x3FFF, v4;
	[tilespmem:s19+$0x5000] =	vst v49  }
0xb2: {  	v52 =	vshrl.u32 v4, $0xE;
	[tilespmem:s19+$0x2810] =	vst v51  }
0xb3: {  	v53 =	vand.u32 $0x3FFF, v3;
	[tilespmem:s19+$0x5010] =	vst v52  }
0xb4: {  	v7 =	vld [tilespmem:s19+$0x50];
	v54 =	vshrl.u32 v3, $0xE;
	[tilespmem:s19+$0x2820] =	vst v53  }
0xb5: {  	v55 =	vand.u32 $0x3FFF, v2;
	[tilespmem:s19+$0x5020] =	vst v54  }
0xb6: {  	v50 =	vld [tilespmem:s19+$0x60];
	v56 =	vshrl.u32 v2, $0xE;
	[tilespmem:s19+$0x2830] =	vst v55  }
0xb7: {  	v57 =	vand.u32 $0x3FFF, v1;
	[tilespmem:s19+$0x5030] =	vst v56  }
0xb8: {  	v58 =	vshrl.u32 v1, $0xE;
	[tilespmem:s19+$0x2840] =	vst v57  }
0xb9: {  	v59 =	vand.u32 $0x3FFF, v7;
	[tilespmem:s19+$0x5040] =	vst v58  }
0xba: {  	v60 =	vshrl.u32 v7, $0xE;
	[tilespmem:s19+$0x2850] =	vst v59  }
0xbb: {  	v61 =	vand.u32 $0x3FFF, v50;
	[tilespmem:s19+$0x5050] =	vst v60  }
0xbc: {  	v62 =	vshrl.u32 v50, $0xE;
	[tilespmem:s19+$0x2860] =	vst v61  }
0xbd: {  	[tilespmem:s19+$0x5060] =	vst v62  }
0xbe: {  	s23 =	simm.s32 $0x2800;
	[bflag:$0x0] =	sbarrier.arrive $0xFFFF  }
0xbf: {  	[tilespmem:s31], [sflag:$0x1] =	stream.indirect.gather [spmem:s3], $0x10, s23, s0, $0xb8;
	[tilespmem:$0xF000] =	vst v63  }
0xc0: {  	s19 =	simm.s32 $0x2880  }
0xc1: {  	[tilespmem:s1], [sflag:$0x2] =	stream.indirect.gather [spmem:s3], $0x10, s19, s0, $0xb8;
	[tilespmem:$0xF000] =	vst v63  }
0xc2: {  	_ =	swait.ge [sflag:s4], $0x800  }
0xc3: {  	[sflag:s4] =	ssyncset.done $0x0  }
0xc4: {  	s21 =	simm.s32 $0x5000;
	[sflag:s4] =	ssyncadd.s32 $0xFFFFF800  }
0xc5: {  	[spmem:s2] =	stream.indirect.scatter.add.f32 [tilespmem:s31], [sflag:$0x5], $0x10, s21, s0, $0xb8;
	[tilespmem:$0xF000] =	vst v63  }
0xc6: {  	s23 =	simm.s32 $0x2900  }
0xc7: {  	[tilespmem:s7], [sflag:$0x3] =	stream.indirect.gather [spmem:s3], $0x10, s23, s0, $0xb8;
	[tilespmem:$0xF000] =	vst v63  }
0xc8: {  	_ =	swait.ge [sflag:s8], $0x800  }
0xc9: {  	[sflag:s8] =	ssyncset.done $0x0  }
0xca: {  	s19 =	simm.s32 $0x5080;
	[sflag:s8] =	ssyncadd.s32 $0xFFFFF800  }
0xcb: {  	[spmem:s2] =	stream.indirect.scatter.add.f32 [tilespmem:s1], [sflag:$0x6], $0x10, s19, s0, $0xb8;
	[tilespmem:$0xF000] =	vst v63  }
0xcc: {  	s21 =	simm.s32 $0x2980  }
0xcd: {  	[tilespmem:s10], [sflag:$0x4] =	stream.indirect.gather [spmem:s3], $0x10, s21, s0, $0xb8;
	[tilespmem:$0xF000] =	vst v63  }
0xce: {  	_ =	swait.ge [sflag:s11], $0x800  }
0xcf: {  	[sflag:s11] =	ssyncset.done $0x0  }
0xd0: {  	s23 =	simm.s32 $0x5100;
	[sflag:s11] =	ssyncadd.s32 $0xFFFFF800  }
0xd1: {  	[spmem:s2] =	stream.indirect.scatter.add.f32 [tilespmem:s7], [sflag:$0x7], $0x10, s23, s0, $0xb8;
	[tilespmem:$0xF000] =	vst v63  }
0xd2: {  	_ =	swait.ge [sflag:s12], $0x800  }
0xd3: {  	[sflag:s12] =	ssyncset.done $0x0  }
0xd4: {  	s19 =	simm.s32 $0x2A00;
	[sflag:s12] =	ssyncadd.s32 $0xFFFFF800  }
0xd5: {  	[tilespmem:s31], [sflag:$0x1] =	stream.indirect.gather [spmem:s3], $0x10, s19, s0, $0xb8;
	[tilespmem:$0xF000] =	vst v63  }
0xd6: {  	_ =	swait.ge [sflag:s13], $0x800  }
0xd7: {  	[sflag:s13] =	ssyncset.done $0x0  }
0xd8: {  	s21 =	simm.s32 $0x5180;
	[sflag:s13] =	ssyncadd.s32 $0xFFFFF800  }
0xd9: {  	[spmem:s2] =	stream.indirect.scatter.add.f32 [tilespmem:s10], [sflag:$0x8], $0x10, s21, s0, $0xb8;
	[tilespmem:$0xF000] =	vst v63  }
0xda: {  	_ =	swait.ge [sflag:s14], $0x800  }
0xdb: {  	[sflag:s14] =	ssyncset.done $0x0  }
0xdc: {  	s18 =	simm.s32 $0x0;
	s23 =	simm.s32 $0x2A80;
	[sflag:s14] =	ssyncadd.s32 $0xFFFFF800  }
0xdd: {  	[tilespmem:s1], [sflag:$0x2] =	stream.indirect.gather [spmem:s3], $0x10, s23, s0, $0xb8;
	[tilespmem:$0xF000] =	vst v63  }
.LBB2_4:
0xde: {  	_ =	swait.ge [sflag:s4], $0x800  }
0xdf: {  	s19 =	sshra.s32 s18, $0x2;
	[sflag:s4] =	ssyncset.done $0x0  }
0xe0: {  	s21 =	sadd.s32 $0x5200, s19;
	[sflag:s4] =	ssyncadd.s32 $0xFFFFF800  }
0xe1: {  	[spmem:s2] =	stream.indirect.scatter.add.f32 [tilespmem:s31], [sflag:$0x5], $0x10, s21, s0, $0xb8;
	[tilespmem:$0xF000] =	vst v63  }
0xe2: {  	_ =	swait.ge [sflag:s15], $0x800  }
0xe3: {  	[sflag:s15] =	ssyncset.done $0x0  }
0xe4: {  	s23 =	sadd.s32 $0x2B00, s19;
	[sflag:s15] =	ssyncadd.s32 $0xFFFFF800  }
0xe5: {  	[tilespmem:s7], [sflag:$0x3] =	stream.indirect.gather [spmem:s3], $0x10, s23, s0, $0xb8;
	[tilespmem:$0xF000] =	vst v63  }
0xe6: {  	_ =	swait.ge [sflag:s8], $0x800  }
0xe7: {  	[sflag:s8] =	ssyncset.done $0x0  }
0xe8: {  	s23 =	sadd.s32 $0x5280, s19;
	[sflag:s8] =	ssyncadd.s32 $0xFFFFF800  }
0xe9: {  	[spmem:s2] =	stream.indirect.scatter.add.f32 [tilespmem:s1], [sflag:$0x6], $0x10, s23, s0, $0xb8;
	[tilespmem:$0xF000] =	vst v63  }
0xea: {  	_ =	swait.ge [sflag:s16], $0x800  }
0xeb: {  	[sflag:s16] =	ssyncset.done $0x0  }
0xec: {  	s23 =	sadd.s32 $0x2B80, s19;
	[sflag:s16] =	ssyncadd.s32 $0xFFFFF800  }
0xed: {  	[tilespmem:s10], [sflag:$0x4] =	stream.indirect.gather [spmem:s3], $0x10, s23, s0, $0xb8;
	[tilespmem:$0xF000] =	vst v63  }
0xee: {  	_ =	swait.ge [sflag:s11], $0x800  }
0xef: {  	p0 =	seq.s32 s18, $0x9000;
	[sflag:s11] =	ssyncset.done $0x0  }
.Ltmp3:
0xf0: {  	s23 =	sadd.s32 $0x5300, s19;
	[sflag:s11] =	ssyncadd.s32 $0xFFFFF800;
	(pc) =	sbr.rel @p0 .LBB2_6-.Ltmp3, $4  }
0xf1: {  	[spmem:s2] =	stream.indirect.scatter.add.f32 [tilespmem:s7], [sflag:$0x7], $0x10, s23, s0, $0xb8;
	[tilespmem:$0xF000] =	vst v63  }
0xf2: {  	_ =	swait.ge [sflag:s12], $0x800  }
0xf3: {  	[sflag:s12] =	ssyncset.done $0x0  }
0xf4: {  	s21 =	sadd.s32 $0x5380, s19;
	[sflag:s12] =	ssyncadd.s32 $0xFFFFF800  }
0xf5: {  	s23 =	sadd.s32 $0x2C00, s19  }
0xf6: {  	[tilespmem:s31], [sflag:$0x1] =	stream.indirect.gather [spmem:s3], $0x10, s23, s0, $0xb8;
	[tilespmem:$0xF000] =	vst v63  }
0xf7: {  	_ =	swait.ge [sflag:s13], $0x800  }
0xf8: {  	[sflag:s13] =	ssyncset.done $0x0  }
0xf9: {  	[sflag:s13] =	ssyncadd.s32 $0xFFFFF800  }
0xfa: {  	[spmem:s2] =	stream.indirect.scatter.add.f32 [tilespmem:s10], [sflag:$0x8], $0x10, s21, s0, $0xb8;
	[tilespmem:$0xF000] =	vst v63  }
.Ltmp4:
0xfb: {  	_ = 	snop;
	(pc) =	sbr.rel .LBB2_4-.Ltmp4, $4  }
0xfc: {  	_ =	swait.ge [sflag:s14], $0x800  }
0xfd: {  	[sflag:s14] =	ssyncset.done $0x0  }
0xfe: {  	s18 =	sadd.s32 $0x800, s18;
	s23 =	sadd.s32 $0x2C80, s19;
	[sflag:s14] =	ssyncadd.s32 $0xFFFFF800  }
0xff: {  	[tilespmem:s1], [sflag:$0x2] =	stream.indirect.gather [spmem:s3], $0x10, s23, s0, $0xb8;
	[tilespmem:$0xF000] =	vst v63  }
.LBB2_7:
0x100: {  	_ =	sfence.sel $0x180000  }
0x101: {  	[bflag:$0x0] =	sbarrier.arrive $0xFFFF  }
0x102: {  	_ =	strace $0x9000004D  }
0x103: {  	s0 =	stileid.u32;
	[bflag:$0x2] =	sbarrier.arrive $0xFFFF  }
0x104: {  	p0 =	sne.s32 s0, $0x0;
	s0 =	rddreg [dreg:$0x4]  }
0x105: {  	s0 =	sadd.s32 @!p0 $0x100000, s0  }
0x106: {  	[sflag:s0] =	ssyncadd.tile.s32 @!p0 $0x1;
	_ =	shalt  }
.Lfunc_end2:
_tile_overlayer_lowered:
.L_overlay_start_2:
0x107: {  	(tag) =	ssettag $0x2  }
0x108: {  	s0 =	rddreg [dreg:$0x0];
	s2 =	stileid.u32  }
0x109: {  	s1 =	rddreg [dreg:$0x1];
	p0 =	sne.s32 s2, $0x0  }
0x10a: {  	s3 =	rddreg [dreg:$0x2];
	[bflag:$0x3] =	sbarrier.arrive $0xFFFF;
	s2 =	simm.s32 @!p0 $0x1C09  }
0x10b: {  	[timem:s3], [sflag:s2] =	dma.local @!p0 [hbm:s0], s1  }
0x10c: {  	s0 =	simm.s32 @!p0 $0x9  }
0x10d: {  	_ =	swait.ge @!p0 [sflag:s0], s1  }
0x10e: {  	s1 =	ssub.s32 @!p0 $0x0, s1;
	[sflag:s0] =	ssyncset.done @!p0 $0x0  }
0x10f: {  	[sflag:s0] =	ssyncadd.s32 @!p0 s1  }
0x110: {  	[bflag:$0x3] =	sbarrier.arrive $0xFFFF  }
0x111: {  	_ =	shalt  }

// kernel: kernel.8.cloned.1.call-start
scs
__scs_entry_jumppad:
0x0: {  	(pc) =	sbr.rel $0x88, $3  }
0x1: {  	(tag) =	ssettag $0x0;
	lr =	simm.s32 $0x1  }
0x2: {  	[smem:$0x3F9B] =	sst lr;
	_ =	strace $0xD0000000  }
0x3: {  	_ = 	snop  }
0x4: {  	_ = 	snop  }
0x5: {  	_ = 	snop  }
0x6: {  	_ = 	snop  }
0x7: {  	_ = 	snop  }
__scs_overlays_trampoline_lowered:
0x8: {  	[smem:$0x3FAA] =	sst s0  }
0x9: {  	[smem:$0x3FAB] =	sst s1  }
0xa: {  	[smem:$0x3FAC] =	sst s2  }
0xb: {  	[smem:$0x3FAD] =	sst s3  }
0xc: {  	[smem:$0x3FAE] =	sst s4  }
0xd: {  	[smem:$0x3FAF] =	sst s5  }
0xe: {  	[smem:$0x3FB0] =	sst s6  }
0xf: {  	[smem:$0x3FB1] =	sst s7  }
0x10: {  	[smem:$0x3FB2] =	sst s8  }
0x11: {  	[smem:$0x3FB3] =	sst s9;
	s0 =	simm.s32 @!p0 $0x0  }
0x12: {  	s1 =	sld [smem:$0x3F99];
	s0 =	simm.s32 @p0 $0x1  }
0x13: {  	[smem:$0x3FB4] =	sst s0;
	s0 =	simm.s32 @!p1 $0x0  }
0x14: {  	s2 =	sld [smem:$0x3F98];
	s0 =	simm.s32 @p1 $0x1  }
0x15: {  	[smem:$0x3FB5] =	sst s0;
	s0 =	simm.s32 @!p2 $0x0  }
0x16: {  	s3 =	sld [smem:$0x3FDB];
	s0 =	simm.s32 @p2 $0x1  }
0x17: {  	s4 =	simm.s32 $0x1BF5;
	[smem:$0x3FB7] =	sst s0  }
0x18: {  	s0 =	sld [smem:$0x3F9A];
	_ =	swait.ge [sflag:s4], $0x0  }
0x19: {  	s7 =	sld [smem:$0x3F9B]  }
0x1a: {  	s8 =	sadd.s32 $0xFFFFE003, lr  }
0x1b: {  	s9 =	sadd.s32 $0xFFFFFEF7, lr;
	s5 =	simm.s32 $0xFFFFFFFF;
	p2 =	slt.u32 s8, $0xFFFFF086  }
0x1c: {  	p1 =	slt.u32 s9, $0xF7A;
	s5 =	simm.s32 @!p2 $0x0  }
0x1d: {  	s5 =	simm.s32 @p1 $0x1;
	p0 =	seq.s32 s7, s2  }
0x1e: {  	s7 =	smul.u32 @!p0 $0xF7A, s2;
	p2 =	seq.s32 @!p0 s5, $0x0  }
0x1f: {  	s9 =	smul.u32 $0xF7A, s1;
	s8 =	simm.s32 @!p0 $0x1BF5;
	p2 =	por !p2, p0  }
0x20: {  	[sflag:s8] =	ssyncset.s32 @!p0 $0xFFFFF086;
	s6 =	sadd.s32 @!p0 s3, s7;
	s7 =	simm.s32 @!p0 $0x108  }
0x21: {  	s3 =	sadd.s32 s3, s9;
	s6 =	sadd.s32 @!p0 $0x88, s6;
	s7 =	simm.s32 @p2 $0x1082  }
0x22: {  	[simem:s7], [sflag:s8] =	dma.local @!p0 [hbm:s6], $0xF7A  }
0x23: {  	s9 =	sor.u32 $0xD0000000, s2;
	s6 =	simm.s32 $0x108;
	_ =	swait.ge @!p0 [sflag:s8], $0x0  }
0x24: {  	s3 =	sadd.s32 $0x88, s3;
	s6 =	simm.s32 @!p1 $0x1082;
	[sflag:s4] =	ssyncset.s32 $0xFFFFF086  }
0x25: {  	[simem:s6], [sflag:s4] =	dma.local [hbm:s3], $0xF7A  }
0x26: {  	[smem:$0x3F9B] =	sst s1;
	(tag) =	ssettag s2;
	_ =	strace s9  }
0x27: {  	s1 =	sld [smem:$0x3FAB]  }
0x28: {  	s2 =	sld [smem:$0x3FAC]  }
0x29: {  	s4 =	sld [smem:$0x3FAE]  }
0x2a: {  	p0 =	seq.s32 s5, $0x0;
	s5 =	sld [smem:$0x3FAF]  }
0x2b: {  	s6 =	sld [smem:$0x3FB0]  }
0x2c: {  	s7 =	sld [smem:$0x3FB1]  }
0x2d: {  	s3 =	simm.s32 $0x108;
	s8 =	sld [smem:$0x3FB2]  }
0x2e: {  	s3 =	simm.s32 @!p0 $0x1082;
	s9 =	sld [smem:$0x3FB3]  }
0x2f: {  	lr =	sadd.s32 s0, s3;
	s0 =	sld [smem:$0x3FAA]  }
0x30: {  	s3 =	sld [smem:$0x3FAD]  }
0x31: {  	[smem:$0x3FB6] =	sst s10  }
0x32: {  	s10 =	sld [smem:$0x3FB4];
	_ =	sdelay $0x3  }
0x33: {  	p0 =	seq.s32 s10, $0x1;
	s10 =	sld [smem:$0x3FB6];
	_ =	sdelay $0x3  }
0x34: {  	[smem:$0x3FB6] =	sst s10  }
0x35: {  	s10 =	sld [smem:$0x3FB5];
	_ =	sdelay $0x3  }
0x36: {  	p1 =	seq.s32 s10, $0x1;
	s10 =	sld [smem:$0x3FB6];
	_ =	sdelay $0x3  }
0x37: {  	[smem:$0x3FB6] =	sst s10  }
0x38: {  	s10 =	sld [smem:$0x3FB7]  }
0x39: {  	_ = 	snop;
	(pc) =	sbr.ind lr, $3  }
0x3a: {  	_ = 	snop  }
0x3b: {  	_ = 	snop  }
0x3c: {  	p2 =	seq.s32 s10, $0x1;
	s10 =	sld [smem:$0x3FB6]  }
0x3d: {  	_ =	shalt  }
0x3e: {  	_ =	shalt  }
0x3f: {  	_ =	shalt  }
0x40: {  	_ =	shalt  }
0x41: {  	_ =	shalt  }
0x42: {  	_ =	shalt  }
0x43: {  	_ =	shalt  }
0x44: {  	_ =	shalt  }
0x45: {  	_ =	shalt  }
0x46: {  	_ =	shalt  }
0x47: {  	_ =	shalt  }
0x48: {  	_ =	shalt  }
0x49: {  	_ =	shalt  }
0x4a: {  	_ =	shalt  }
0x4b: {  	_ =	shalt  }
0x4c: {  	_ =	shalt  }
0x4d: {  	_ =	shalt  }
0x4e: {  	_ =	shalt  }
0x4f: {  	_ =	shalt  }
0x50: {  	_ =	shalt  }
0x51: {  	_ =	shalt  }
0x52: {  	_ =	shalt  }
0x53: {  	_ =	shalt  }
0x54: {  	_ =	shalt  }
0x55: {  	_ =	shalt  }
0x56: {  	_ =	shalt  }
0x57: {  	_ =	shalt  }
0x58: {  	_ =	shalt  }
0x59: {  	_ =	shalt  }
0x5a: {  	_ =	shalt  }
0x5b: {  	_ =	shalt  }
0x5c: {  	_ =	shalt  }
0x5d: {  	_ =	shalt  }
0x5e: {  	_ =	shalt  }
0x5f: {  	_ =	shalt  }
0x60: {  	_ =	shalt  }
0x61: {  	_ =	shalt  }
0x62: {  	_ =	shalt  }
0x63: {  	_ =	shalt  }
0x64: {  	_ =	shalt  }
0x65: {  	_ =	shalt  }
0x66: {  	_ =	shalt  }
0x67: {  	_ =	shalt  }
0x68: {  	_ =	shalt  }
0x69: {  	_ =	shalt  }
0x6a: {  	_ =	shalt  }
0x6b: {  	_ =	shalt  }
0x6c: {  	_ =	shalt  }
0x6d: {  	_ =	shalt  }
0x6e: {  	_ =	shalt  }
0x6f: {  	_ =	shalt  }
0x70: {  	_ =	shalt  }
0x71: {  	_ =	shalt  }
0x72: {  	_ =	shalt  }
0x73: {  	_ =	shalt  }
0x74: {  	_ =	shalt  }
0x75: {  	_ =	shalt  }
0x76: {  	_ =	shalt  }
0x77: {  	_ =	shalt  }
0x78: {  	_ =	shalt  }
0x79: {  	_ =	shalt  }
0x7a: {  	_ =	shalt  }
0x7b: {  	_ =	shalt  }
0x7c: {  	_ =	shalt  }
0x7d: {  	_ =	shalt  }
0x7e: {  	_ =	shalt  }
0x7f: {  	_ =	shalt  }
0x80: {  	_ =	shalt  }
0x81: {  	_ =	shalt  }
0x82: {  	_ =	shalt  }
0x83: {  	_ =	shalt  }
0x84: {  	_ =	shalt  }
0x85: {  	_ =	shalt  }
0x86: {  	_ =	shalt  }
0x87: {  	_ =	shalt  }
.Lfunc_end0:
.L_simem_size_0:
called_computation_lowered:
.L_overlay_start_0:
0x88: {  	s2 =	sld [smem:$0x3FD9]  }
0x89: {  	s3 =	sld [smem:$0x3FFE];
	_ =	sdelay $0x1  }
0x8a: {  	s1 =	srdreg.scid  }
0x8b: {  	s0 =	sand.u32 $0x1, s1  }
0x8c: {  	s17 =	sshll.u32 s0, $0xA;
	s2 =	sadd.s32 s3, s2  }
0x8d: {  	s2 =	sadd.s32 s2, s17  }
0x8e: {  	[smem:$0x3FC2] =	sst s2  }
0x8f: {  	_ = 	snop  }
0x90: {  	s2 =	sld [smem:$0x3FD0];
	(tm) =	ssettm $0x1  }
0x91: {  	s18 =	sld [smem:$0x3FFB];
	_ =	sdelay $0x3  }
0x92: {  	_ =	strace s18  }
0x93: {  	s3 =	sld [smem:$0x3FFC];
	_ =	sdelay $0x3  }
0x94: {  	_ =	strace s3  }
0x95: {  	s3 =	sld [smem:$0x3FFD];
	_ =	sdelay $0x3  }
0x96: {  	_ =	strace s3  }
0x97: {  	_ =	strace $0x8FFFFFFF  }
0x98: {  	s19 =	sld [smem:$0x3FDB];
	_ =	sdelay $0x1  }
0x99: {  	s4 =	simm.s32 $_scs_section_size  }
0x9a: {  	s5 =	simm.s32 $_size__tile_overlayer_lowered;
	s6 =	simm.s32 $_tile_overlayer_lowered  }
0x9b: {  	s22 =	simm.s32 $0x1BFF;
	s21 =	sshll.u32 s6, $0x1;
	s3 =	sadd.s32 s4, s19  }
0x9c: {  	s7 =	simm.s32 $0x0;
	s20 =	sshll.u32 s5, $0x1;
	s5 =	sadd.s32 s21, s3  }
0x9d: {  	[timem:s7], [sflag:s22] =	dma.local [hbm:s5], s20  }
0x9e: {  	_ =	swait.ge [sflag:s22], s20  }
0x9f: {  	s4 =	ssub.s32 $0x0, s20;
	[sflag:s22] =	ssyncset.done $0x0  }
0xa0: {  	[sflag:s22] =	ssyncadd.s32 s4;
	_ =	sdelay $0x1  }
0xa1: {  	s23 =	simm.s32 $0x1B8B  }
0xa2: {  	_ =	swait.ge [sflag:s23], $0x1  }
0xa3: {  	[sflag:s23] =	ssyncset.done $0x0  }
0xa4: {  	s25 =	simm.s32 $0x1B8E;
	s24 =	sld [smem:$0x3FFE];
	[sflag:s23] =	ssyncadd.s32 $0xFFFFFFFF  }
0xa5: {  	s26 =	simm.s32 $execute0_lowered;
	[smem:$0x3FD2] =	sst s25  }
0xa6: {  	s5 =	sshll.u32 s26, $0x1;
	_ =	strace $0x80000046;
	[dreg:$0x1] =	wrdreg $0xFFFFFFFF  }
0xa7: {  	s28 =	simm.s32 $_size_execute0_lowered;
	s3 =	sadd.s32 s3, s5;
	[dreg:$0x0] =	wrdreg $0x0  }
0xa8: {  	s5 =	sshll.u32 s28, $0x1;
	[dreg:$0x2] =	wrdreg s3  }
0xa9: {  	[dreg:$0x3] =	wrdreg s5  }
0xaa: {  	[dreg:$0x4] =	wrdreg $0xC0  }
0xab: {  	_ =	task [dreg:s7], $0x5FFFF  }
0xac: {  	[dreg:$0x1] =	wrdreg $0xFFFFFFFF  }
0xad: {  	[dreg:$0x0] =	wrdreg $0x60  }
0xae: {  	[dreg:$0x2] =	wrdreg s24  }
0xaf: {  	[dreg:$0x3] =	wrdreg s2  }
0xb0: {  	[dreg:$0x4] =	wrdreg $0x53000  }
0xb1: {  	[dreg:$0x5] =	wrdreg $0x9  }
0xb2: {  	_ =	task.clear_ibuf [dreg:s7], $0x6FFFF;
	_ =	strace $0x90000046  }
0xb3: {  	s29 =	simm.s32 $0x9;
	_ =	strace $0x80000048  }
0xb4: {  	_ =	swait.ge [sflag:s29], $0x1  }
0xb5: {  	[sflag:s29] =	ssyncadd.s32 $0xFFFFFFFF  }
0xb6: {  	_ =	strace $0x90000048  }
0xb7: {  	_ =	sfence  }
0xb8: {  	s30 =	sld [smem:$0x0];
	_ =	sdelay $0x2  }
0xb9: {  	s31 =	sshll.u32 s1, $0xD;
	s1 =	sshrl.u32 s1, $0x2  }
0xba: {  	s3 =	sand.u32 $0x4000, s31;
	s1 =	sadd.s32 s1, s30  }
0xbb: {  	s0 =	sor.u32 s3, s0;
	s1 =	sshll.u32 s1, $0x11  }
0xbc: {  	s0 =	sor.u32 s1, s0  }
0xbd: {  	s0 =	sadd.s32 $0x8F2B, s0  }
0xbe: {  	[sflag:s0] =	ssyncadd.remote.s32 $0x1  }
0xbf: {  	_ =	sfence.sel $0xFFFF  }
0xc0: {  	[dreg:$0x0] =	wrdreg $0xFFFFFFFF;
	(pc) =	sbr.abs _section_cstart, $3  }
0xc1: {  	[dreg:$0x1] =	wrdreg $0xFFFFFFFF  }
0xc2: {  	_ =	task.clear_ibuf [dreg:s7], $0x2FFFF;
	_ =	strace $0x9FFFFFFF  }
0xc3: {  	(tm) =	ssettm $0x7FFFFFFF  }
tec
execute0_lowered:
.L_overlay_start_1:
0x0: {  	(tag) =	ssettag $0x1  }
0x1: {  	s6 =	rddreg [dreg:$0x0]  }
0x2: {  	s1 =	srdreg.scid;
	s2 =	rddreg [dreg:$0x1]  }
0x3: {  	s0 =	stileid.u32;
	s3 =	rddreg [dreg:$0x2];
	s4 =	simm.s32 $0x0  }
0x4: {  	s12 =	simm.s32 $0x5000;
	s13 =	simm.s32 $0x80;
	s16 =	simm.s32 $0x20  }
0x5: {  	s17 =	simm.s32 $0x10;
	s18 =	simm.s32 $0x0;
	s7 =	sand.u32 $0x1, s1  }
0x6: {  	s29 =	sshll.u32 s0, $0x1;
	s1 =	rddreg [dreg:$0x3];
	s8 =	smul.u32 $0x500, s0  }
0x7: {  	[smem:$0x7FF] =	sst s4;
	s30 =	smul.u32 $0xA00, s0;
	s14 =	sshll.u32 s0, $0x6  }
0x8: {  	s5 =	sor.u32 s7, s29;
	_ =	strace $0x80000047;
	s9 =	sshll.u32 s7, $0x7  }
0x9: {  	s7 =	ssub.s32 $0x2, s7;
	s14 =	sor.u32 $0x1C01, s14;
	s5 =	smul.u32 $0x500, s5  }
0xa: {  	s8 =	sor.u32 s9, s8;
	s31 =	sshrl.u32 s7, $0x1;
	s9 =	sshrl.u32 s30, $0x2  }
0xb: {  	s8 =	sshrl.u32 s8, $0x3;
	s11 =	ssub.s32 s7, s31;
	s10 =	sadd.s32 s5, s6  }
0xc: {  	s5 =	sadd.s32 $0xB800, s6;
	s8 =	sadd.s32 s8, s6;
	s6 =	sadd.s32 s9, s3  }
0xd: {  	s9 =	smax.u32 s11, $0x1;
	s11 =	simm.s32 $0x1;
	s7 =	sadd.s32 $0x1800, s10  }
0xe: {  	s8 =	sadd.s32 $0xBA00, s8;
	s10 =	simm.s32 $0x5080;
	s15 =	sshrl.u32 s6, $0x3  }
.LBB2_1:
0xf: {  	[tilespmem:s10], [sflag:$0x1] =	stream.linear.gather [hbm4b:s2+s4], $0x280, $0x38;
	[tilespmem:$0x5580] =	vst v63  }
0x10: {  	_ =	swait.ge [sflag:s11], $0x280  }
0x11: {  	[sflag:s11] =	ssyncset.done $0x0  }
0x12: {  	[sflag:s11] =	ssyncadd.s32 $0xFFFFFD80  }
0x13: {  	[spmem:s6] =	stream.linear.scatter [tilespmem:s10], [sflag:$0x1], $0x280, $0x38;
	[tilespmem:$0x5580] =	vst v63  }
0x14: {  	_ =	swait.ge [sflag:s11], $0x280  }
0x15: {  	[sflag:s11] =	ssyncset.done $0x0  }
0x16: {  	[sflag:s11] =	ssyncadd.s32 $0xFFFFFD80  }
0x17: {  	[tilespmem:s12], [sflag:$0x1] =	stream.linear.gather [hbm4b:s5+s4], $0x80, $0x38;
	[tilespmem:$0x5580] =	vst v63  }
0x18: {  	_ =	swait.ge [sflag:s11], $0x80  }
0x19: {  	[sflag:s11] =	ssyncset.done $0x0  }
0x1a: {  	[sflag:s11] =	ssyncadd.s32 $0xFFFFFF80  }
0x1b: {  	[tilespmem:s4], [sflag:$0x1] =	stream.linear.gather [hbm4b:s7+s4], $0x2800, $0x38;
	[tilespmem:$0x5580] =	vst v63  }
0x1c: {  	_ =	swait.ge [sflag:s11], $0x2800  }
0x1d: {  	[sflag:s11] =	ssyncset.done $0x0  }
0x1e: {  	s20 =	simm.s32 $0x0;
	[sflag:s11] =	ssyncadd.s32 $0xFFFFD800  }
0x1f: {  	v1 =	vld [tilespmem:s20+$0x70]  }
0x20: {  	v4 =	vld [tilespmem:s20+$0x0]  }
0x21: {  	v5 =	vld [tilespmem:s20+$0x10]  }
0x22: {  	v3 =	vld [tilespmem:s20+$0x20]  }
0x23: {  	v2 =	vld [tilespmem:s20+$0x30]  }
0x24: {  	v0 =	vld [tilespmem:s20+$0x40];
	v6 =	vshrl.u32 v1, $0xE  }
0x25: {  	v1 =	vld [tilespmem:s20+$0x50];
	v4 =	vshrl.u32 v4, $0xE;
	[tilespmem:s20+$0x2870] =	vst v6  }
0x26: {  	s19 =	simm.s32 $0x80;
	s21 =	simm.s32 $0x400;
	v5 =	vshrl.u32 v5, $0xE;
	[tilespmem:s20+$0x2800] =	vst v4;
	v4 =	vld [tilespmem:s20+$0x60]  }
.LBB2_2:
0x27: {  	p0 =	sne.s32 s21, $0x9E00;
	v6 =	vld [tilespmem:s19+$0x70];
	[tilespmem:s20+$0x2810] =	vst v5;
	v3 =	vshrl.u32 v3, $0xE  }
0x28: {  	v5 =	vld [tilespmem:s19+$0x0];
	[tilespmem:s20+$0x2820] =	vst v3;
	v2 =	vshrl.u32 v2, $0xE  }
0x29: {  	v7 =	vld [tilespmem:s19+$0x10];
	[tilespmem:s20+$0x2830] =	vst v2;
	v0 =	vshrl.u32 v0, $0xE  }
.Ltmp0:
0x2a: {  	v3 =	vld [tilespmem:s19+$0x20];
	[tilespmem:s20+$0x2840] =	vst v0;
	v0 =	vshrl.u32 v1, $0xE;
	(pc) =	sbr.rel @p0 .LBB2_2-.Ltmp0, $4  }
0x2b: {  	v2 =	vld [tilespmem:s19+$0x30];
	[tilespmem:s20+$0x2850] =	vst v0;
	v1 =	vshrl.u32 v4, $0xE  }
0x2c: {  	v0 =	vld [tilespmem:s19+$0x40];
	v4 =	vshrl.u32 v6, $0xE;
	[tilespmem:s20+$0x2860] =	vst v1;
	s20 =	smov.u32 s19  }
0x2d: {  	v5 =	vshrl.u32 v5, $0xE;
	v1 =	vld [tilespmem:s20+$0x50];
	[tilespmem:s20+$0x2870] =	vst v4  }
0x2e: {  	s19 =	sshra.s32 s21, $0x2;
	s21 =	sadd.s32 $0x200, s21;
	[tilespmem:s20+$0x2800] =	vst v5;
	v5 =	vshrl.u32 v7, $0xE;
	v4 =	vld [tilespmem:s20+$0x60]  }
0x2f: {  	v6 =	vld [tilespmem:s19+$0x70];
	[tilespmem:s20+$0x2810] =	vst v5;
	v3 =	vshrl.u32 v3, $0xE  }
0x30: {  	v5 =	vld [tilespmem:s19+$0x0];
	[tilespmem:s20+$0x2820] =	vst v3;
	v2 =	vshrl.u32 v2, $0xE  }
0x31: {  	v3 =	vld [tilespmem:s19+$0x10];
	[tilespmem:s20+$0x2830] =	vst v2;
	v0 =	vshrl.u32 v0, $0xE  }
0x32: {  	v2 =	vld [tilespmem:s19+$0x20];
	[tilespmem:s20+$0x2840] =	vst v0;
	v51 =	vshrl.u32 v1, $0xE  }
0x33: {  	v52 =	vld [tilespmem:s19+$0x30];
	[tilespmem:s20+$0x2850] =	vst v51;
	v53 =	vshrl.u32 v4, $0xE  }
0x34: {  	v54 =	vld [tilespmem:s19+$0x40];
	[tilespmem:s20+$0x2860] =	vst v53;
	v55 =	vshrl.u32 v6, $0xE  }
0x35: {  	v56 =	vld [tilespmem:s19+$0x50];
	v5 =	vshrl.u32 v5, $0xE;
	[tilespmem:s19+$0x2870] =	vst v55  }
0x36: {  	v58 =	vld [tilespmem:s19+$0x60];
	[tilespmem:s19+$0x2800] =	vst v5;
	v57 =	vshrl.u32 v3, $0xE  }
0x37: {  	[tilespmem:s19+$0x2810] =	vst v57;
	v59 =	vshrl.u32 v2, $0xE  }
0x38: {  	[tilespmem:s19+$0x2820] =	vst v59;
	v60 =	vshrl.u32 v52, $0xE  }
0x39: {  	[tilespmem:s19+$0x2830] =	vst v60;
	v61 =	vshrl.u32 v54, $0xE  }
0x3a: {  	[tilespmem:s19+$0x2840] =	vst v61;
	v62 =	vshrl.u32 v56, $0xE  }
0x3b: {  	v63 =	vshrl.u32 v58, $0xE;
	[tilespmem:s19+$0x2850] =	vst v62  }
0x3c: {  	[tilespmem:s19+$0x2860] =	vst v63  }
0x3d: {  	s28 =	simm.s32 $0x2800;
	[bflag:$0x0] =	sbarrier.arrive $0xFFFF  }
0x3e: {  	[spmem:s3] =	stream.indirect.scatter.add.f32 [tilespmem:s12], [sflag:$0x1], $0x1, s28, s13, $0xb8;
	[tilespmem:$0x5580] =	vst v63  }
0x3f: {  	_ =	swait.ge [sflag:s11], $0x80  }
0x40: {  	[sflag:s11] =	ssyncset.done $0x0  }
0x41: {  	s29 =	simm.s32 $0x2880;
	[sflag:s11] =	ssyncadd.s32 $0xFFFFFF80  }
0x42: {  	[spmem:s3] =	stream.indirect.scatter.add.f32 [tilespmem:s12], [sflag:$0x1], $0x1, s29, s13, $0xb8;
	[tilespmem:$0x5580] =	vst v63  }
0x43: {  	_ =	swait.ge [sflag:s11], $0x80  }
0x44: {  	[sflag:s11] =	ssyncset.done $0x0  }
0x45: {  	s30 =	simm.s32 $0x2900;
	[sflag:s11] =	ssyncadd.s32 $0xFFFFFF80  }
0x46: {  	[spmem:s3] =	stream.indirect.scatter.add.f32 [tilespmem:s12], [sflag:$0x1], $0x1, s30, s13, $0xb8;
	[tilespmem:$0x5580] =	vst v63  }
0x47: {  	_ =	swait.ge [sflag:s11], $0x80  }
0x48: {  	[sflag:s11] =	ssyncset.done $0x0  }
0x49: {  	s31 =	simm.s32 $0x2980;
	[sflag:s11] =	ssyncadd.s32 $0xFFFFFF80  }
0x4a: {  	[spmem:s3] =	stream.indirect.scatter.add.f32 [tilespmem:s12], [sflag:$0x1], $0x1, s31, s13, $0xb8;
	[tilespmem:$0x5580] =	vst v63  }
0x4b: {  	_ =	swait.ge [sflag:s11], $0x80  }
0x4c: {  	s20 =	simm.s32 $0x4;
	s19 =	simm.s32 $0x2B80;
	[sflag:s11] =	ssyncset.done $0x0  }
.LBB2_4:
0x4d: {  	s20 =	sadd.s32 $0x4, s20;
	s21 =	sadd.s32 $0xFFFFFE80, s19;
	[sflag:s11] =	ssyncadd.s32 $0xFFFFFF80  }
0x4e: {  	[spmem:s3] =	stream.indirect.scatter.add.f32 [tilespmem:s12], [sflag:$0x1], $0x1, s21, s13, $0xb8;
	[tilespmem:$0x5580] =	vst v63  }
0x4f: {  	p0 =	slt.u32 s20, $0x4C;
	_ =	swait.ge [sflag:s11], $0x80  }
0x50: {  	[sflag:s11] =	ssyncset.done $0x0  }
0x51: {  	s21 =	sadd.s32 $0xFFFFFF00, s19;
	[sflag:s11] =	ssyncadd.s32 $0xFFFFFF80  }
0x52: {  	[spmem:s3] =	stream.indirect.scatter.add.f32 [tilespmem:s12], [sflag:$0x1], $0x1, s21, s13, $0xb8;
	[tilespmem:$0x5580] =	vst v63  }
0x53: {  	_ =	swait.ge [sflag:s11], $0x80  }
0x54: {  	[sflag:s11] =	ssyncset.done $0x0  }
0x55: {  	s21 =	sadd.s32 $0xFFFFFF80, s19;
	[sflag:s11] =	ssyncadd.s32 $0xFFFFFF80  }
0x56: {  	[spmem:s3] =	stream.indirect.scatter.add.f32 [tilespmem:s12], [sflag:$0x1], $0x1, s21, s13, $0xb8;
	[tilespmem:$0x5580] =	vst v63  }
0x57: {  	_ =	swait.ge [sflag:s11], $0x80  }
.Ltmp1:
0x58: {  	[sflag:s11] =	ssyncset.done $0x0;
	(pc) =	sbr.rel @p0 .LBB2_4-.Ltmp1, $4  }
0x59: {  	[sflag:s11] =	ssyncadd.s32 $0xFFFFFF80  }
0x5a: {  	[spmem:s3] =	stream.indirect.scatter.add.f32 [tilespmem:s12], [sflag:$0x1], $0x1, s19, s13, $0xb8;
	[tilespmem:$0x5580] =	vst v63  }
0x5b: {  	_ =	swait.ge [sflag:s11], $0x80  }
0x5c: {  	s19 =	sadd.s32 $0x200, s19;
	[sflag:s11] =	ssyncset.done $0x0  }
0x5d: {  	s20 =	sadd.s32 $0xFFFFFE80, s19;
	[sflag:s11] =	ssyncadd.s32 $0xFFFFFF80  }
0x5e: {  	[spmem:s3] =	stream.indirect.scatter.add.f32 [tilespmem:s12], [sflag:$0x1], $0x1, s20, s13, $0xb8;
	[tilespmem:$0x5580] =	vst v63  }
0x5f: {  	_ =	swait.ge [sflag:s11], $0x80  }
0x60: {  	[sflag:s11] =	ssyncset.done $0x0  }
0x61: {  	s30 =	sadd.s32 $0xFFFFFF00, s19;
	[sflag:s11] =	ssyncadd.s32 $0xFFFFFF80  }
0x62: {  	[spmem:s3] =	stream.indirect.scatter.add.f32 [tilespmem:s12], [sflag:$0x1], $0x1, s30, s13, $0xb8;
	[tilespmem:$0x5580] =	vst v63  }
0x63: {  	_ =	swait.ge [sflag:s11], $0x80  }
0x64: {  	[sflag:s11] =	ssyncset.done $0x0  }
0x65: {  	s31 =	sadd.s32 $0xFFFFFF80, s19;
	[sflag:s11] =	ssyncadd.s32 $0xFFFFFF80  }
0x66: {  	[spmem:s3] =	stream.indirect.scatter.add.f32 [tilespmem:s12], [sflag:$0x1], $0x1, s31, s13, $0xb8;
	[tilespmem:$0x5580] =	vst v63  }
0x67: {  	_ =	swait.ge [sflag:s11], $0x80  }
0x68: {  	[sflag:s11] =	ssyncset.done $0x0  }
0x69: {  	[sflag:s11] =	ssyncadd.s32 $0xFFFFFF80  }
0x6a: {  	[spmem:s3] =	stream.indirect.scatter.add.f32 [tilespmem:s12], [sflag:$0x1], $0x1, s19, s13, $0xb8;
	[tilespmem:$0x5580] =	vst v63  }
0x6b: {  	_ =	swait.ge [sflag:s11], $0x80  }
0x6c: {  	s18 =	sadd.s32 $0x1, s18;
	[sflag:s11] =	ssyncset.done $0x0  }
0x6d: {  	p0 =	sne.s32 s18, s9;
	[sflag:s11] =	ssyncadd.s32 $0xFFFFFF80  }
.Ltmp2:
0x6e: {  	[bflag:$0x0] =	sbarrier.arrive $0xFFFF;
	(pc) =	sbr.rel @p0 .LBB2_1-.Ltmp2, $4  }
0x6f: {  	[hbm:s8@s16], [sflag:s14] =	dma.strided [spmem:s15@s17], $0x50, s11, $0x10   }
0x70: {  	_ =	swait.ge [sflag:s11], $0x50  }
0x71: {  	[sflag:s11] =	ssyncset.done $0x0  }
0x72: {  	[sflag:s11] =	ssyncadd.s32 $0xFFFFFFB0  }
0x73: {  	_ =	sfence.sel $0x180000  }
0x74: {  	[bflag:$0x0] =	sbarrier.arrive $0xFFFF  }
0x75: {  	p0 =	sne.s32 s0, $0x0;
	_ =	strace $0x90000047  }
0x76: {  	s0 =	sadd.s32 @!p0 $0x100000, s1;
	[bflag:$0x2] =	sbarrier.arrive $0xFFFF  }
0x77: {  	[sflag:s0] =	ssyncadd.tile.s32 @!p0 $0x1;
	_ =	shalt  }
.Lfunc_end2:
_tile_overlayer_lowered:
.L_overlay_start_2:
0x78: {  	(tag) =	ssettag $0x2  }
0x79: {  	s0 =	rddreg [dreg:$0x0];
	s2 =	stileid.u32  }
0x7a: {  	s1 =	rddreg [dreg:$0x1];
	p0 =	sne.s32 s2, $0x0  }
0x7b: {  	s3 =	rddreg [dreg:$0x2];
	[bflag:$0x3] =	sbarrier.arrive $0xFFFF;
	s2 =	simm.s32 @!p0 $0x1C01  }
0x7c: {  	[timem:s3], [sflag:s2] =	dma.local @!p0 [hbm:s0], s1  }
0x7d: {  	s0 =	simm.s32 @!p0 $0x1  }
0x7e: {  	_ =	swait.ge @!p0 [sflag:s0], s1  }
0x7f: {  	s1 =	ssub.s32 @!p0 $0x0, s1;
	[sflag:s0] =	ssyncset.done @!p0 $0x0  }
0x80: {  	[sflag:s0] =	ssyncadd.s32 @!p0 s1  }
0x81: {  	[bflag:$0x3] =	sbarrier.arrive $0xFFFF  }
0x82: {  	_ =	shalt  }

</sc_bundles>
